<compile_context>
chip_gen: v7x
topology: tpu7x:2x2x1
jax: 0.10.2.dev20260603
libtpu: 0.0.44.dev20260713+nightly
codegen_flags: <defaults>
</compile_context>

<pallas_src>
import functools

import jax
import jax.numpy as jnp
from jax import lax
from jax.experimental import pallas as pl
from jax.experimental.pallas import tpu as pltpu
from jax.experimental.pallas import tpu_sc as plsc

_NC = 2
_NS = 16
_NW = _NC * _NS
_CHUNK = 128
_NBUF = 4
_X0_FRAC = 0.90


def _pad_to(n, m):
    return (n + m - 1) // m * m




def _sc_agg_body(x0, y1, npad, feat, src_hbm, dst_hbm, g_hbm, zeros_hbm,
                 out_hbm, sidx_v, didx_v, rows_v, acc_sh, *sems):
    cid = lax.axis_index("c")
    sid = lax.axis_index("s")
    rows_per_tile = npad // _NS

    pltpu.sync_copy(zeros_hbm, acc_sh.at[pl.ds(sid * rows_per_tile, rows_per_tile), :])
    plsc.subcore_barrier()

    def run(nch, base):
        pltpu.sync_copy(src_hbm.at[pl.ds(base, nch), :], sidx_v.at[pl.ds(0, nch), :])
        pltpu.sync_copy(dst_hbm.at[pl.ds(base, nch), :], didx_v.at[pl.ds(0, nch), :])

        def group(gi, carry):
            descs = []
            for b in range(_NBUF):
                j = gi * _NBUF + b
                descs.append(pltpu.async_copy(g_hbm.at[sidx_v.at[j]], rows_v.at[b], sems[b]))
            for b in range(_NBUF):
                j = gi * _NBUF + b
                descs[b].wait()
                pltpu.sync_copy(rows_v.at[b], acc_sh.at[didx_v.at[j]], add=True)
            return carry

        lax.fori_loop(0, nch // _NBUF, group, 0)

    pl.when(cid == 0)(lambda: run(x0, sid * x0))
    if y1 > 0:
        pl.when(cid == 1)(lambda: run(y1, _NS * x0 + sid * y1))
    plsc.subcore_barrier()

    pltpu.sync_copy(
        acc_sh.at[pl.ds(sid * rows_per_tile, rows_per_tile), :],
        out_hbm.at[cid, pl.ds(sid * rows_per_tile, rows_per_tile), :])


def _make_sc_agg(epad, npad, feat):
    per_pair = epad // (_NS * _CHUNK)
    x0 = round(per_pair * _X0_FRAC / 8) * 8
    y1 = per_pair - x0
    mesh = plsc.VectorSubcoreMesh(core_axis_name="c", subcore_axis_name="s")
    body = functools.partial(_sc_agg_body, x0, y1, npad, feat)
    mx = max(x0, y1)
    return pl.kernel(
        body,
        out_type=jax.ShapeDtypeStruct((_NC, npad, feat), jnp.float32),
        mesh=mesh,
        compiler_params=pltpu.CompilerParams(use_tc_tiling_on_sc=False),
        scratch_types=[
            pltpu.VMEM((mx, _CHUNK), jnp.int32),
            pltpu.VMEM((mx, _CHUNK), jnp.int32),
            pltpu.VMEM((_NBUF, _CHUNK, feat), jnp.float32),
            pltpu.VMEM_SHARED((npad, feat), jnp.float32),
        ] + [pltpu.SemaphoreType.DMA] * _NBUF,
    )


def _sc_deg_body(nchunks, npad, dst_hbm, ones_hbm, zeros_hbm, out_hbm,
                 didx_v, ones_v, acc_sh, sem):
    cid = lax.axis_index("c")
    sid = lax.axis_index("s")
    wid = sid * _NC + cid
    rows_per_tile = npad // _NS

    pltpu.sync_copy(dst_hbm.at[pl.ds(wid * nchunks, nchunks), :], didx_v)
    pltpu.sync_copy(ones_hbm, ones_v)
    pltpu.sync_copy(zeros_hbm, acc_sh.at[pl.ds(sid * rows_per_tile, rows_per_tile), :])
    plsc.subcore_barrier()

    def body(j, carry):
        pltpu.sync_copy(ones_v, acc_sh.at[didx_v.at[j]], add=True)
        return carry

    lax.fori_loop(0, nchunks, body, 0)
    plsc.subcore_barrier()

    pltpu.sync_copy(
        acc_sh.at[pl.ds(sid * rows_per_tile, rows_per_tile), :],
        out_hbm.at[cid, pl.ds(sid * rows_per_tile, rows_per_tile), :])


def _make_sc_deg(epad, npad):
    nchunks = epad // (_NW * _CHUNK)
    mesh = plsc.VectorSubcoreMesh(core_axis_name="c", subcore_axis_name="s")
    body = functools.partial(_sc_deg_body, nchunks, npad)
    return pl.kernel(
        body,
        out_type=jax.ShapeDtypeStruct((_NC, npad, 1), jnp.float32),
        mesh=mesh,
        compiler_params=pltpu.CompilerParams(use_tc_tiling_on_sc=False),
        scratch_types=[
            pltpu.VMEM((nchunks, _CHUNK), jnp.int32),
            pltpu.VMEM((_CHUNK, 1), jnp.float32),
            pltpu.VMEM_SHARED((npad, 1), jnp.float32),
            pltpu.SemaphoreType.DMA,
        ],
    )




def _tc_first_body(n_real, degp, x, w1, s_out, g1_out):
    deg = degp[0] + degp[1] + 1.0
    s = lax.rsqrt(deg)
    row = lax.broadcasted_iota(jnp.int32, s.shape, 0)
    s = jnp.where(row < n_real, s, 0.0)
    s_out[...] = s
    g1_out[...] = s * jnp.dot(x[...], w1[...], preferred_element_type=jnp.float32)


def _tc_mid_body(aggp, g, s, b, w, gn_out):
    sv = s[...]
    h = jnp.maximum(sv * (aggp[0] + aggp[1] + g[...]) + b[...], 0.0)
    gn_out[...] = sv * jnp.dot(h, w[...], preferred_element_type=jnp.float32)


def _tc_last_body(num_graphs, aggp, g, s, b, batch, wlin, blin, out):
    h = jnp.maximum(s[...] * (aggp[0] + aggp[1] + g[...]) + b[...], 0.0)
    cls = lax.broadcasted_iota(jnp.int32, (h.shape[0], num_graphs), 1)
    p = (batch[...] == cls).astype(jnp.float32)
    pooled = lax.dot_general(p, h, (((0,), (0,)), ((), ())),
                             preferred_element_type=jnp.float32)
    out[...] = jnp.dot(pooled, wlin[...], preferred_element_type=jnp.float32) + blin[...]




def kernel(x, edge_index, batch, W1, b1, W2, b2, W3, b3, Wlin, blin):
    n, d_in = x.shape
    e = edge_index.shape[1]
    num_graphs = 64
    out_dim = Wlin.shape[1]

    npad = _pad_to(n, _NS * 8)
    epad = _pad_to(e, _NW * _CHUNK * 8)

    pad_e = jnp.full((epad - e,), n, dtype=jnp.int32)
    src2d = jnp.concatenate([edge_index[0], pad_e]).reshape(epad // _CHUNK, _CHUNK)
    dst2d = jnp.concatenate([edge_index[1], pad_e]).reshape(epad // _CHUNK, _CHUNK)

    x_p = jnp.pad(x, ((0, npad - n), (0, 0)))
    batch_p = jnp.pad(batch, (0, npad - n), constant_values=num_graphs)[:, None]

    ones_col = jnp.ones((_CHUNK, 1), jnp.float32)
    zeros_deg = jnp.zeros((npad // _NS, 1), jnp.float32)
    zeros16 = jnp.zeros((npad // _NS, 16), jnp.float32)
    zeros32 = jnp.zeros((npad // _NS, 32), jnp.float32)

    degp = _make_sc_deg(epad, npad)(dst2d, ones_col, zeros_deg)

    s, g1 = pl.pallas_call(
        functools.partial(_tc_first_body, n),
        out_shape=[jax.ShapeDtypeStruct((npad, 1), jnp.float32),
                   jax.ShapeDtypeStruct((npad, 16), jnp.float32)],
    )(degp, x_p, W1)

    agg1 = _make_sc_agg(epad, npad, 16)(src2d, dst2d, g1, zeros16)

    g2 = pl.pallas_call(
        _tc_mid_body,
        out_shape=jax.ShapeDtypeStruct((npad, 32), jnp.float32),
    )(agg1, g1, s, b1[None, :], W2)

    agg2 = _make_sc_agg(epad, npad, 32)(src2d, dst2d, g2, zeros32)

    g3 = pl.pallas_call(
        _tc_mid_body,
        out_shape=jax.ShapeDtypeStruct((npad, 32), jnp.float32),
    )(agg2, g2, s, b2[None, :], W3)

    agg3 = _make_sc_agg(epad, npad, 32)(src2d, dst2d, g3, zeros32)

    out = pl.pallas_call(
        functools.partial(_tc_last_body, num_graphs),
        out_shape=jax.ShapeDtypeStruct((num_graphs, out_dim), jnp.float32),
    )(agg3, g3, s, b3[None, :], batch_p, Wlin, blin[None, :])

    return out

# --- scband reference (transcript-rebuilt; emitter-appended) ---
"""Pipeline reference for scband-gcn-73581379715088 (READ-ONLY COPY).

The authoritative reference and input builder live on the scoring server;
editing this copy changes nothing except your own understanding.
"""

import jax, jax.numpy as jnp
import numpy as np

N = 10000
E = 320000
D_IN = 128
NUM_GRAPHS = 64
OUT = 10


def gcn_conv(x, edge_index, W, b, num_nodes):
    # PyG GCNConv: add self-loops, symmetric normalization, linear, scatter-add, bias
    src = edge_index[0]
    dst = edge_index[1]
    loop = jnp.arange(num_nodes, dtype=src.dtype)
    src = jnp.concatenate([src, loop])
    dst = jnp.concatenate([dst, loop])
    ones = jnp.ones(src.shape[0], dtype=x.dtype)
    deg = jax.ops.segment_sum(ones, dst, num_segments=num_nodes)
    dinv = jnp.where(deg > 0, deg ** -0.5, 0.0)
    norm = dinv[src] * dinv[dst]
    h = x @ W
    msg = norm[:, None] * jnp.take(h, src, axis=0)
    out = jax.ops.segment_sum(msg, dst, num_segments=num_nodes)
    return out + b


def setup_inputs(seed: int = 0):
    key = jax.random.key(seed)
    ks = jax.random.split(key, 12)
    x = jax.random.normal(ks[0], (N, D_IN), dtype=jnp.float32)
    edge_index = jax.random.randint(ks[1], (2, E), 0, N, dtype=jnp.int32)
    batch = jnp.sort(jax.random.randint(ks[2], (N,), 0, NUM_GRAPHS, dtype=jnp.int32))
    W1 = jax.random.normal(ks[3], (D_IN, 16), dtype=jnp.float32) * 0.1
    b1 = jnp.zeros((16,), dtype=jnp.float32)
    W2 = jax.random.normal(ks[4], (16, 32), dtype=jnp.float32) * 0.1
    b2 = jnp.zeros((32,), dtype=jnp.float32)
    W3 = jax.random.normal(ks[5], (32, 32), dtype=jnp.float32) * 0.1
    b3 = jnp.zeros((32,), dtype=jnp.float32)
    Wlin = jax.random.normal(ks[6], (32, OUT), dtype=jnp.float32) * 0.1
    blin = jnp.zeros((OUT,), dtype=jnp.float32)
    return {"x": x, "edge_index": edge_index, "batch": batch, "W1": W1, "b1": b1,
            "W2": W2, "b2": b2, "W3": W3, "b3": b3, "Wlin": Wlin, "blin": blin}


def reference(x, edge_index, batch, W1, b1, W2, b2, W3, b3, Wlin, blin):
    h = jax.nn.relu(gcn_conv(x, edge_index, W1, b1, N))
    h = jax.nn.relu(gcn_conv(h, edge_index, W2, b2, N))
    h = jax.nn.relu(gcn_conv(h, edge_index, W3, b3, N))
    pooled = jax.ops.segment_sum(h, batch, num_segments=NUM_GRAPHS)
    # dropout p=0.5 treated as identity (eval mode / deterministic reference)
    return pooled @ Wlin + blin

if __name__ == "__main__":
    import jax
    _d = setup_inputs()
    print(jax.jit(kernel)(*tuple(_d.values())))

</pallas_src>

<mosaic_0001>
#map = affine_map<(d0, d1) -> (0, 0)>
#map1 = affine_map<(d0, d1) -> (0, 0, 0)>
module attributes {stable_mosaic.version = 14 : i64} {
  func.func @_sc_deg_body(%arg0: i32, %arg1: i32, %arg2: memref<2560x128xi32, #tpu.memory_space<hbm>>, %arg3: memref<128x1xf32, #tpu.memory_space<hbm>>, %arg4: memref<632x1xf32, #tpu.memory_space<hbm>>, %arg5: memref<2x10112x1xf32, #tpu.memory_space<hbm>>, %arg6: memref<80x128xi32, #tpu.memory_space<vmem>>, %arg7: memref<128x1xf32, #tpu.memory_space<vmem>>, %arg8: memref<10112x1xf32, #tpu.memory_space<vmem_shared>>, %arg9: memref<!tpu.dma_semaphore, #tpu.memory_space<semaphore_mem>>) attributes {dimension_semantics = [#tpu.dimension_semantics<core_parallel>, #tpu.dimension_semantics<subcore_parallel>], iteration_bounds = array<i64: 2, 16>, scalar_prefetch = 0 : i64, scratch_operands = 4 : i64, tpu.core_type = #tpu.core_type<sc_vector_subcore>, window_params = [{transform_indices = #map}, {transform_indices = #map}, {transform_indices = #map}, {transform_indices = #map1}]} {
    %mul3A = arith.constant 2 : i32
    %mul3A_0 = arith.muli %arg1, %mul3A : i32
    %add3A = arith.addi %mul3A_0, %arg0 : i32
    %mul3A_1 = arith.constant 80 : i32
    %mul3A_2 = arith.muli %add3A, %mul3A_1 : i32
    "tpu.region"() ({
      %run_scoped3A = tpu.sem_alloc : memref<!tpu.dma_semaphore, #tpu.memory_space<semaphore_mem>>
      %dma_start3A = arith.constant 0 : i32
      %dma_start3A_15 = tpu.memref_slice %arg2[%mul3A_2, %dma_start3A] : memref<2560x128xi32, #tpu.memory_space<hbm>> -> memref<80x128xi32, #tpu.memory_space<hbm>>
      %dma_start3A_16 = arith.constant 0 : i32
      %dma_start3A_17 = tpu.memref_slice %arg2[%mul3A_2, %dma_start3A_16] : memref<2560x128xi32, #tpu.memory_space<hbm>> -> memref<80x128xi32, #tpu.memory_space<hbm>>
      tpu.enqueue_dma source(%dma_start3A_17 : memref<80x128xi32, #tpu.memory_space<hbm>>) target(%arg6 : memref<80x128xi32, #tpu.memory_space<vmem>>) target_semaphore(%run_scoped3A : memref<!tpu.dma_semaphore, #tpu.memory_space<semaphore_mem>>)
      %dma_wait3A = arith.constant 0 : i32
      %dma_wait3A_18 = tpu.memref_slice %arg2[%mul3A_2, %dma_wait3A] : memref<2560x128xi32, #tpu.memory_space<hbm>> -> memref<80x128xi32, #tpu.memory_space<hbm>>
      %dma_wait3A_19 = arith.constant 0 : i32
      %dma_wait3A_20 = tpu.memref_slice %arg2[%mul3A_2, %dma_wait3A_19] : memref<2560x128xi32, #tpu.memory_space<hbm>> -> memref<80x128xi32, #tpu.memory_space<hbm>>
      tpu.wait_dma2 semaphore(%run_scoped3A : memref<!tpu.dma_semaphore, #tpu.memory_space<semaphore_mem>>) src(%dma_wait3A_20 : memref<80x128xi32, #tpu.memory_space<hbm>>) dst(%arg6 : memref<80x128xi32, #tpu.memory_space<vmem>>)
      tpu.yield
    }) : () -> ()
    "tpu.region"() ({
      %run_scoped3A = tpu.sem_alloc : memref<!tpu.dma_semaphore, #tpu.memory_space<semaphore_mem>>
      tpu.enqueue_dma source(%arg3 : memref<128x1xf32, #tpu.memory_space<hbm>>) target(%arg7 : memref<128x1xf32, #tpu.memory_space<vmem>>) target_semaphore(%run_scoped3A : memref<!tpu.dma_semaphore, #tpu.memory_space<semaphore_mem>>)
      tpu.wait_dma2 semaphore(%run_scoped3A : memref<!tpu.dma_semaphore, #tpu.memory_space<semaphore_mem>>) src(%arg3 : memref<128x1xf32, #tpu.memory_space<hbm>>) dst(%arg7 : memref<128x1xf32, #tpu.memory_space<vmem>>)
      tpu.yield
    }) : () -> ()
    %mul3A_3 = arith.constant 632 : i32
    %mul3A_4 = arith.muli %arg1, %mul3A_3 : i32
    "tpu.region"() ({
      %run_scoped3A = tpu.sem_alloc : memref<!tpu.dma_semaphore, #tpu.memory_space<semaphore_mem>>
      %dma_start3A = arith.constant 0 : i32
      %dma_start3A_15 = tpu.memref_slice %arg8[%mul3A_4, %dma_start3A] : memref<10112x1xf32, #tpu.memory_space<vmem_shared>> -> memref<632x1xf32, #tpu.memory_space<vmem_shared>>
      tpu.enqueue_dma source(%arg4 : memref<632x1xf32, #tpu.memory_space<hbm>>) target(%dma_start3A_15 : memref<632x1xf32, #tpu.memory_space<vmem_shared>>) target_semaphore(%run_scoped3A : memref<!tpu.dma_semaphore, #tpu.memory_space<semaphore_mem>>)
      %dma_wait3A = arith.constant 0 : i32
      %dma_wait3A_16 = tpu.memref_slice %arg8[%mul3A_4, %dma_wait3A] : memref<10112x1xf32, #tpu.memory_space<vmem_shared>> -> memref<632x1xf32, #tpu.memory_space<vmem_shared>>
      tpu.wait_dma2 semaphore(%run_scoped3A : memref<!tpu.dma_semaphore, #tpu.memory_space<semaphore_mem>>) src(%arg4 : memref<632x1xf32, #tpu.memory_space<hbm>>) dst(%dma_wait3A_16 : memref<632x1xf32, #tpu.memory_space<vmem_shared>>)
      tpu.yield
    }) : () -> ()
    %barrier3A = arith.constant 0 : index
    tpu.barrier barrier_id(%barrier3A)
    %scan3A = arith.constant 0 : i32
    %scan3A_5 = arith.constant 0 : i32
    %scan3A_6 = arith.constant 80 : i32
    %scan3A_7 = arith.addi %scan3A_5, %scan3A_6 : i32
    %scan3A_8 = arith.constant 1 : i32
    scf.for %scan3A_15 = %scan3A_5 to %scan3A_7 step %scan3A_8  : i32 {
      "tpu.region"() ({
        %run_scoped3A = tpu.sem_alloc : memref<!tpu.dma_semaphore, #tpu.memory_space<semaphore_mem>>
        %dma_start3A = arith.constant 0 : i32
        %dma_start3A_16 = tpu.memref_slice %arg6[%scan3A_15, %dma_start3A] : memref<80x128xi32, #tpu.memory_space<vmem>> -> memref<1x128xi32, #tpu.memory_space<vmem>>
        %dma_start3A_17 = tpu.memref_squeeze %dma_start3A_16 : memref<1x128xi32, #tpu.memory_space<vmem>> -> memref<128xi32, #tpu.memory_space<vmem>>
        %dma_start3A_18 = arith.constant 0 : i32
        %dma_start3A_19 = arith.constant 0 : i32
        %dma_start3A_20 = tpu.memref_slice %arg8[%dma_start3A_18, %dma_start3A_19] : memref<10112x1xf32, #tpu.memory_space<vmem_shared>> -> memref<10112x1xf32, #tpu.memory_space<vmem_shared>>
        tpu.enqueue_indirect_dma source(%arg7 : memref<128x1xf32, #tpu.memory_space<vmem>>) target(%dma_start3A_20 : memref<10112x1xf32, #tpu.memory_space<vmem_shared>>) offsets(%dma_start3A_17 : memref<128xi32, #tpu.memory_space<vmem>>) semaphore(%run_scoped3A : memref<!tpu.dma_semaphore, #tpu.memory_space<semaphore_mem>>) {add = true}
        %dma_wait3A = arith.constant 0 : i32
        %dma_wait3A_21 = tpu.memref_slice %arg6[%scan3A_15, %dma_wait3A] : memref<80x128xi32, #tpu.memory_space<vmem>> -> memref<1x128xi32, #tpu.memory_space<vmem>>
        %dma_wait3A_22 = tpu.memref_squeeze %dma_wait3A_21 : memref<1x128xi32, #tpu.memory_space<vmem>> -> memref<128xi32, #tpu.memory_space<vmem>>
        %dma_wait3A_23 = arith.constant 0 : i32
        %dma_wait3A_24 = arith.constant 0 : i32
        %dma_wait3A_25 = tpu.memref_slice %arg8[%dma_wait3A_23, %dma_wait3A_24] : memref<10112x1xf32, #tpu.memory_space<vmem_shared>> -> memref<10112x1xf32, #tpu.memory_space<vmem_shared>>
        tpu.wait_indirect_dma semaphore(%run_scoped3A : memref<!tpu.dma_semaphore, #tpu.memory_space<semaphore_mem>>) src(%arg7 : memref<128x1xf32, #tpu.memory_space<vmem>>) dst(%dma_wait3A_25 : memref<10112x1xf32, #tpu.memory_space<vmem_shared>>)
        tpu.yield
      }) : () -> ()
    }
    %scan3A_9 = arith.constant 80 : i32
    %barrier3A_10 = arith.constant 0 : index
    tpu.barrier barrier_id(%barrier3A_10)
    %mul3A_11 = arith.constant 632 : i32
    %mul3A_12 = arith.muli %arg1, %mul3A_11 : i32
    %mul3A_13 = arith.constant 632 : i32
    %mul3A_14 = arith.muli %arg1, %mul3A_13 : i32
    "tpu.region"() ({
      %run_scoped3A = tpu.sem_alloc : memref<!tpu.dma_semaphore, #tpu.memory_space<semaphore_mem>>
      %dma_start3A = arith.constant 0 : i32
      %dma_start3A_15 = tpu.memref_slice %arg5[%arg0, %mul3A_14, %dma_start3A] : memref<2x10112x1xf32, #tpu.memory_space<hbm>> -> memref<1x632x1xf32, #tpu.memory_space<hbm>>
      %dma_start3A_16 = tpu.memref_squeeze %dma_start3A_15 : memref<1x632x1xf32, #tpu.memory_space<hbm>> -> memref<632x1xf32, #tpu.memory_space<hbm>>
      %dma_start3A_17 = arith.constant 0 : i32
      %dma_start3A_18 = tpu.memref_slice %arg8[%mul3A_12, %dma_start3A_17] : memref<10112x1xf32, #tpu.memory_space<vmem_shared>> -> memref<632x1xf32, #tpu.memory_space<vmem_shared>>
      tpu.enqueue_dma source(%dma_start3A_18 : memref<632x1xf32, #tpu.memory_space<vmem_shared>>) target(%dma_start3A_16 : memref<632x1xf32, #tpu.memory_space<hbm>>) target_semaphore(%run_scoped3A : memref<!tpu.dma_semaphore, #tpu.memory_space<semaphore_mem>>)
      %dma_wait3A = arith.constant 0 : i32
      %dma_wait3A_19 = tpu.memref_slice %arg5[%arg0, %mul3A_14, %dma_wait3A] : memref<2x10112x1xf32, #tpu.memory_space<hbm>> -> memref<1x632x1xf32, #tpu.memory_space<hbm>>
      %dma_wait3A_20 = tpu.memref_squeeze %dma_wait3A_19 : memref<1x632x1xf32, #tpu.memory_space<hbm>> -> memref<632x1xf32, #tpu.memory_space<hbm>>
      %dma_wait3A_21 = arith.constant 0 : i32
      %dma_wait3A_22 = tpu.memref_slice %arg8[%mul3A_12, %dma_wait3A_21] : memref<10112x1xf32, #tpu.memory_space<vmem_shared>> -> memref<632x1xf32, #tpu.memory_space<vmem_shared>>
      tpu.wait_dma2 semaphore(%run_scoped3A : memref<!tpu.dma_semaphore, #tpu.memory_space<semaphore_mem>>) src(%dma_wait3A_22 : memref<632x1xf32, #tpu.memory_space<vmem_shared>>) dst(%dma_wait3A_20 : memref<632x1xf32, #tpu.memory_space<hbm>>)
      tpu.yield
    }) : () -> ()
    return
  }
}

#map = affine_map<(d0, d1) -> (0, 0)>
#map1 = affine_map<(d0, d1) -> (0, 0, 0)>
module attributes {stable_mosaic.version = 14 : i64} {
  func.func @_sc_agg_body(%arg0: i32, %arg1: i32, %arg2: memref<2560x128xi32, #tpu.memory_space<hbm>>, %arg3: memref<2560x128xi32, #tpu.memory_space<hbm>>, %arg4: memref<10112x32xf32, #tpu.memory_space<hbm>>, %arg5: memref<632x32xf32, #tpu.memory_space<hbm>>, %arg6: memref<2x10112x32xf32, #tpu.memory_space<hbm>>, %arg7: memref<144x128xi32, #tpu.memory_space<vmem>>, %arg8: memref<144x128xi32, #tpu.memory_space<vmem>>, %arg9: memref<4x128x32xf32, #tpu.memory_space<vmem>>, %arg10: memref<10112x32xf32, #tpu.memory_space<vmem_shared>>, %arg11: memref<!tpu.dma_semaphore, #tpu.memory_space<semaphore_mem>>, %arg12: memref<!tpu.dma_semaphore, #tpu.memory_space<semaphore_mem>>, %arg13: memref<!tpu.dma_semaphore, #tpu.memory_space<semaphore_mem>>, %arg14: memref<!tpu.dma_semaphore, #tpu.memory_space<semaphore_mem>>) attributes {dimension_semantics = [#tpu.dimension_semantics<core_parallel>, #tpu.dimension_semantics<subcore_parallel>], iteration_bounds = array<i64: 2, 16>, scalar_prefetch = 0 : i64, scratch_operands = 8 : i64, tpu.core_type = #tpu.core_type<sc_vector_subcore>, window_params = [{transform_indices = #map}, {transform_indices = #map}, {transform_indices = #map}, {transform_indices = #map}, {transform_indices = #map1}]} {
    %mul3A = arith.constant 632 : i32
    %mul3A_0 = arith.muli %arg1, %mul3A : i32
    "tpu.region"() ({
      %run_scoped3A = tpu.sem_alloc : memref<!tpu.dma_semaphore, #tpu.memory_space<semaphore_mem>>
      %dma_start3A = arith.constant 0 : i32
      %dma_start3A_13 = tpu.memref_slice %arg10[%mul3A_0, %dma_start3A] : memref<10112x32xf32, #tpu.memory_space<vmem_shared>> -> memref<632x32xf32, #tpu.memory_space<vmem_shared>>
      tpu.enqueue_dma source(%arg5 : memref<632x32xf32, #tpu.memory_space<hbm>>) target(%dma_start3A_13 : memref<632x32xf32, #tpu.memory_space<vmem_shared>>) target_semaphore(%run_scoped3A : memref<!tpu.dma_semaphore, #tpu.memory_space<semaphore_mem>>)
      %dma_wait3A = arith.constant 0 : i32
      %dma_wait3A_14 = tpu.memref_slice %arg10[%mul3A_0, %dma_wait3A] : memref<10112x32xf32, #tpu.memory_space<vmem_shared>> -> memref<632x32xf32, #tpu.memory_space<vmem_shared>>
      tpu.wait_dma2 semaphore(%run_scoped3A : memref<!tpu.dma_semaphore, #tpu.memory_space<semaphore_mem>>) src(%arg5 : memref<632x32xf32, #tpu.memory_space<hbm>>) dst(%dma_wait3A_14 : memref<632x32xf32, #tpu.memory_space<vmem_shared>>)
      tpu.yield
    }) : () -> ()
    %barrier3A = arith.constant 0 : index
    tpu.barrier barrier_id(%barrier3A)
    %eq3A = arith.constant 0 : i32
    %eq3A_1 = arith.cmpi eq, %arg0, %eq3A : i32
    %convert_element_type3A = arith.extui %eq3A_1 : i1 to i32
    %cond3A = arith.constant 0 : i32
    %cond3A_2 = arith.cmpi ne, %convert_element_type3A, %cond3A : i32
    scf.if %cond3A_2 {
      %mul3A_13 = arith.constant 144 : i32
      %mul3A_14 = arith.muli %arg1, %mul3A_13 : i32
      "tpu.region"() ({
        %run_scoped3A = tpu.sem_alloc : memref<!tpu.dma_semaphore, #tpu.memory_space<semaphore_mem>>
        %dma_start3A = arith.constant 0 : i32
        %dma_start3A_20 = arith.constant 0 : i32
        %dma_start3A_21 = tpu.memref_slice %arg7[%dma_start3A, %dma_start3A_20] : memref<144x128xi32, #tpu.memory_space<vmem>> -> memref<144x128xi32, #tpu.memory_space<vmem>>
        %dma_start3A_22 = arith.constant 0 : i32
        %dma_start3A_23 = tpu.memref_slice %arg2[%mul3A_14, %dma_start3A_22] : memref<2560x128xi32, #tpu.memory_space<hbm>> -> memref<144x128xi32, #tpu.memory_space<hbm>>
        %dma_start3A_24 = arith.constant 0 : i32
        %dma_start3A_25 = arith.constant 0 : i32
        %dma_start3A_26 = tpu.memref_slice %arg7[%dma_start3A_24, %dma_start3A_25] : memref<144x128xi32, #tpu.memory_space<vmem>> -> memref<144x128xi32, #tpu.memory_space<vmem>>
        %dma_start3A_27 = arith.constant 0 : i32
        %dma_start3A_28 = tpu.memref_slice %arg2[%mul3A_14, %dma_start3A_27] : memref<2560x128xi32, #tpu.memory_space<hbm>> -> memref<144x128xi32, #tpu.memory_space<hbm>>
        tpu.enqueue_dma source(%dma_start3A_28 : memref<144x128xi32, #tpu.memory_space<hbm>>) target(%dma_start3A_26 : memref<144x128xi32, #tpu.memory_space<vmem>>) target_semaphore(%run_scoped3A : memref<!tpu.dma_semaphore, #tpu.memory_space<semaphore_mem>>)
        %dma_wait3A = arith.constant 0 : i32
        %dma_wait3A_29 = arith.constant 0 : i32
        %dma_wait3A_30 = tpu.memref_slice %arg7[%dma_wait3A, %dma_wait3A_29] : memref<144x128xi32, #tpu.memory_space<vmem>> -> memref<144x128xi32, #tpu.memory_space<vmem>>
        %dma_wait3A_31 = arith.constant 0 : i32
        %dma_wait3A_32 = tpu.memref_slice %arg2[%mul3A_14, %dma_wait3A_31] : memref<2560x128xi32, #tpu.memory_space<hbm>> -> memref<144x128xi32, #tpu.memory_space<hbm>>
        %dma_wait3A_33 = arith.constant 0 : i32
        %dma_wait3A_34 = arith.constant 0 : i32
        %dma_wait3A_35 = tpu.memref_slice %arg7[%dma_wait3A_33, %dma_wait3A_34] : memref<144x128xi32, #tpu.memory_space<vmem>> -> memref<144x128xi32, #tpu.memory_space<vmem>>
        %dma_wait3A_36 = arith.constant 0 : i32
        %dma_wait3A_37 = tpu.memref_slice %arg2[%mul3A_14, %dma_wait3A_36] : memref<2560x128xi32, #tpu.memory_space<hbm>> -> memref<144x128xi32, #tpu.memory_space<hbm>>
        tpu.wait_dma2 semaphore(%run_scoped3A : memref<!tpu.dma_semaphore, #tpu.memory_space<semaphore_mem>>) src(%dma_wait3A_37 : memref<144x128xi32, #tpu.memory_space<hbm>>) dst(%dma_wait3A_35 : memref<144x128xi32, #tpu.memory_space<vmem>>)
        tpu.yield
      }) : () -> ()
      "tpu.region"() ({
        %run_scoped3A = tpu.sem_alloc : memref<!tpu.dma_semaphore, #tpu.memory_space<semaphore_mem>>
        %dma_start3A = arith.constant 0 : i32
        %dma_start3A_20 = arith.constant 0 : i32
        %dma_start3A_21 = tpu.memref_slice %arg8[%dma_start3A, %dma_start3A_20] : memref<144x128xi32, #tpu.memory_space<vmem>> -> memref<144x128xi32, #tpu.memory_space<vmem>>
        %dma_start3A_22 = arith.constant 0 : i32
        %dma_start3A_23 = tpu.memref_slice %arg3[%mul3A_14, %dma_start3A_22] : memref<2560x128xi32, #tpu.memory_space<hbm>> -> memref<144x128xi32, #tpu.memory_space<hbm>>
        %dma_start3A_24 = arith.constant 0 : i32
        %dma_start3A_25 = arith.constant 0 : i32
        %dma_start3A_26 = tpu.memref_slice %arg8[%dma_start3A_24, %dma_start3A_25] : memref<144x128xi32, #tpu.memory_space<vmem>> -> memref<144x128xi32, #tpu.memory_space<vmem>>
        %dma_start3A_27 = arith.constant 0 : i32
        %dma_start3A_28 = tpu.memref_slice %arg3[%mul3A_14, %dma_start3A_27] : memref<2560x128xi32, #tpu.memory_space<hbm>> -> memref<144x128xi32, #tpu.memory_space<hbm>>
        tpu.enqueue_dma source(%dma_start3A_28 : memref<144x128xi32, #tpu.memory_space<hbm>>) target(%dma_start3A_26 : memref<144x128xi32, #tpu.memory_space<vmem>>) target_semaphore(%run_scoped3A : memref<!tpu.dma_semaphore, #tpu.memory_space<semaphore_mem>>)
        %dma_wait3A = arith.constant 0 : i32
        %dma_wait3A_29 = arith.constant 0 : i32
        %dma_wait3A_30 = tpu.memref_slice %arg8[%dma_wait3A, %dma_wait3A_29] : memref<144x128xi32, #tpu.memory_space<vmem>> -> memref<144x128xi32, #tpu.memory_space<vmem>>
        %dma_wait3A_31 = arith.constant 0 : i32
        %dma_wait3A_32 = tpu.memref_slice %arg3[%mul3A_14, %dma_wait3A_31] : memref<2560x128xi32, #tpu.memory_space<hbm>> -> memref<144x128xi32, #tpu.memory_space<hbm>>
        %dma_wait3A_33 = arith.constant 0 : i32
        %dma_wait3A_34 = arith.constant 0 : i32
        %dma_wait3A_35 = tpu.memref_slice %arg8[%dma_wait3A_33, %dma_wait3A_34] : memref<144x128xi32, #tpu.memory_space<vmem>> -> memref<144x128xi32, #tpu.memory_space<vmem>>
        %dma_wait3A_36 = arith.constant 0 : i32
        %dma_wait3A_37 = tpu.memref_slice %arg3[%mul3A_14, %dma_wait3A_36] : memref<2560x128xi32, #tpu.memory_space<hbm>> -> memref<144x128xi32, #tpu.memory_space<hbm>>
        tpu.wait_dma2 semaphore(%run_scoped3A : memref<!tpu.dma_semaphore, #tpu.memory_space<semaphore_mem>>) src(%dma_wait3A_37 : memref<144x128xi32, #tpu.memory_space<hbm>>) dst(%dma_wait3A_35 : memref<144x128xi32, #tpu.memory_space<vmem>>)
        tpu.yield
      }) : () -> ()
      %scan3A = arith.constant 0 : i32
      %scan3A_15 = arith.constant 0 : i32
      %scan3A_16 = arith.constant 36 : i32
      %scan3A_17 = arith.addi %scan3A_15, %scan3A_16 : i32
      %scan3A_18 = arith.constant 1 : i32
      scf.for %scan3A_20 = %scan3A_15 to %scan3A_17 step %scan3A_18  : i32 {
        %mul3A_21 = arith.constant 4 : i32
        %mul3A_22 = arith.muli %scan3A_20, %mul3A_21 : i32
        %add3A = arith.constant 0 : i32
        %add3A_23 = arith.addi %mul3A_22, %add3A : i32
        %dma_start3A = arith.constant 0 : i32
        %dma_start3A_24 = arith.constant 0 : i32
        %dma_start3A_25 = arith.constant 0 : i32
        %dma_start3A_26 = tpu.memref_slice %arg9[%dma_start3A, %dma_start3A_24, %dma_start3A_25] : memref<4x128x32xf32, #tpu.memory_space<vmem>> -> memref<1x128x32xf32, #tpu.memory_space<vmem>>
        %dma_start3A_27 = tpu.memref_squeeze %dma_start3A_26 : memref<1x128x32xf32, #tpu.memory_space<vmem>> -> memref<128x32xf32, #tpu.memory_space<vmem>>
        %dma_start3A_28 = arith.constant 0 : i32
        %dma_start3A_29 = tpu.memref_slice %arg7[%add3A_23, %dma_start3A_28] : memref<144x128xi32, #tpu.memory_space<vmem>> -> memref<1x128xi32, #tpu.memory_space<vmem>>
        %dma_start3A_30 = tpu.memref_squeeze %dma_start3A_29 : memref<1x128xi32, #tpu.memory_space<vmem>> -> memref<128xi32, #tpu.memory_space<vmem>>
        %dma_start3A_31 = arith.constant 0 : i32
        %dma_start3A_32 = arith.constant 0 : i32
        %dma_start3A_33 = tpu.memref_slice %arg4[%dma_start3A_31, %dma_start3A_32] : memref<10112x32xf32, #tpu.memory_space<hbm>> -> memref<10112x32xf32, #tpu.memory_space<hbm>>
        tpu.enqueue_indirect_dma source(%dma_start3A_33 : memref<10112x32xf32, #tpu.memory_space<hbm>>) target(%dma_start3A_27 : memref<128x32xf32, #tpu.memory_space<vmem>>) offsets(%dma_start3A_30 : memref<128xi32, #tpu.memory_space<vmem>>) semaphore(%arg11 : memref<!tpu.dma_semaphore, #tpu.memory_space<semaphore_mem>>)
        %mul3A_34 = arith.constant 4 : i32
        %mul3A_35 = arith.muli %scan3A_20, %mul3A_34 : i32
        %add3A_36 = arith.constant 1 : i32
        %add3A_37 = arith.addi %mul3A_35, %add3A_36 : i32
        %dma_start3A_38 = arith.constant 1 : i32
        %dma_start3A_39 = arith.constant 0 : i32
        %dma_start3A_40 = arith.constant 0 : i32
        %dma_start3A_41 = tpu.memref_slice %arg9[%dma_start3A_38, %dma_start3A_39, %dma_start3A_40] : memref<4x128x32xf32, #tpu.memory_space<vmem>> -> memref<1x128x32xf32, #tpu.memory_space<vmem>>
        %dma_start3A_42 = tpu.memref_squeeze %dma_start3A_41 : memref<1x128x32xf32, #tpu.memory_space<vmem>> -> memref<128x32xf32, #tpu.memory_space<vmem>>
        %dma_start3A_43 = arith.constant 0 : i32
        %dma_start3A_44 = tpu.memref_slice %arg7[%add3A_37, %dma_start3A_43] : memref<144x128xi32, #tpu.memory_space<vmem>> -> memref<1x128xi32, #tpu.memory_space<vmem>>
        %dma_start3A_45 = tpu.memref_squeeze %dma_start3A_44 : memref<1x128xi32, #tpu.memory_space<vmem>> -> memref<128xi32, #tpu.memory_space<vmem>>
        %dma_start3A_46 = arith.constant 0 : i32
        %dma_start3A_47 = arith.constant 0 : i32
        %dma_start3A_48 = tpu.memref_slice %arg4[%dma_start3A_46, %dma_start3A_47] : memref<10112x32xf32, #tpu.memory_space<hbm>> -> memref<10112x32xf32, #tpu.memory_space<hbm>>
        tpu.enqueue_indirect_dma source(%dma_start3A_48 : memref<10112x32xf32, #tpu.memory_space<hbm>>) target(%dma_start3A_42 : memref<128x32xf32, #tpu.memory_space<vmem>>) offsets(%dma_start3A_45 : memref<128xi32, #tpu.memory_space<vmem>>) semaphore(%arg12 : memref<!tpu.dma_semaphore, #tpu.memory_space<semaphore_mem>>)
        %mul3A_49 = arith.constant 4 : i32
        %mul3A_50 = arith.muli %scan3A_20, %mul3A_49 : i32
        %add3A_51 = arith.constant 2 : i32
        %add3A_52 = arith.addi %mul3A_50, %add3A_51 : i32
        %dma_start3A_53 = arith.constant 2 : i32
        %dma_start3A_54 = arith.constant 0 : i32
        %dma_start3A_55 = arith.constant 0 : i32
        %dma_start3A_56 = tpu.memref_slice %arg9[%dma_start3A_53, %dma_start3A_54, %dma_start3A_55] : memref<4x128x32xf32, #tpu.memory_space<vmem>> -> memref<1x128x32xf32, #tpu.memory_space<vmem>>
        %dma_start3A_57 = tpu.memref_squeeze %dma_start3A_56 : memref<1x128x32xf32, #tpu.memory_space<vmem>> -> memref<128x32xf32, #tpu.memory_space<vmem>>
        %dma_start3A_58 = arith.constant 0 : i32
        %dma_start3A_59 = tpu.memref_slice %arg7[%add3A_52, %dma_start3A_58] : memref<144x128xi32, #tpu.memory_space<vmem>> -> memref<1x128xi32, #tpu.memory_space<vmem>>
        %dma_start3A_60 = tpu.memref_squeeze %dma_start3A_59 : memref<1x128xi32, #tpu.memory_space<vmem>> -> memref<128xi32, #tpu.memory_space<vmem>>
        %dma_start3A_61 = arith.constant 0 : i32
        %dma_start3A_62 = arith.constant 0 : i32
        %dma_start3A_63 = tpu.memref_slice %arg4[%dma_start3A_61, %dma_start3A_62] : memref<10112x32xf32, #tpu.memory_space<hbm>> -> memref<10112x32xf32, #tpu.memory_space<hbm>>
        tpu.enqueue_indirect_dma source(%dma_start3A_63 : memref<10112x32xf32, #tpu.memory_space<hbm>>) target(%dma_start3A_57 : memref<128x32xf32, #tpu.memory_space<vmem>>) offsets(%dma_start3A_60 : memref<128xi32, #tpu.memory_space<vmem>>) semaphore(%arg13 : memref<!tpu.dma_semaphore, #tpu.memory_space<semaphore_mem>>)
        %mul3A_64 = arith.constant 4 : i32
        %mul3A_65 = arith.muli %scan3A_20, %mul3A_64 : i32
        %add3A_66 = arith.constant 3 : i32
        %add3A_67 = arith.addi %mul3A_65, %add3A_66 : i32
        %dma_start3A_68 = arith.constant 3 : i32
        %dma_start3A_69 = arith.constant 0 : i32
        %dma_start3A_70 = arith.constant 0 : i32
        %dma_start3A_71 = tpu.memref_slice %arg9[%dma_start3A_68, %dma_start3A_69, %dma_start3A_70] : memref<4x128x32xf32, #tpu.memory_space<vmem>> -> memref<1x128x32xf32, #tpu.memory_space<vmem>>
        %dma_start3A_72 = tpu.memref_squeeze %dma_start3A_71 : memref<1x128x32xf32, #tpu.memory_space<vmem>> -> memref<128x32xf32, #tpu.memory_space<vmem>>
        %dma_start3A_73 = arith.constant 0 : i32
        %dma_start3A_74 = tpu.memref_slice %arg7[%add3A_67, %dma_start3A_73] : memref<144x128xi32, #tpu.memory_space<vmem>> -> memref<1x128xi32, #tpu.memory_space<vmem>>
        %dma_start3A_75 = tpu.memref_squeeze %dma_start3A_74 : memref<1x128xi32, #tpu.memory_space<vmem>> -> memref<128xi32, #tpu.memory_space<vmem>>
        %dma_start3A_76 = arith.constant 0 : i32
        %dma_start3A_77 = arith.constant 0 : i32
        %dma_start3A_78 = tpu.memref_slice %arg4[%dma_start3A_76, %dma_start3A_77] : memref<10112x32xf32, #tpu.memory_space<hbm>> -> memref<10112x32xf32, #tpu.memory_space<hbm>>
        tpu.enqueue_indirect_dma source(%dma_start3A_78 : memref<10112x32xf32, #tpu.memory_space<hbm>>) target(%dma_start3A_72 : memref<128x32xf32, #tpu.memory_space<vmem>>) offsets(%dma_start3A_75 : memref<128xi32, #tpu.memory_space<vmem>>) semaphore(%arg14 : memref<!tpu.dma_semaphore, #tpu.memory_space<semaphore_mem>>)
        %mul3A_79 = arith.constant 4 : i32
        %mul3A_80 = arith.muli %scan3A_20, %mul3A_79 : i32
        %add3A_81 = arith.constant 0 : i32
        %add3A_82 = arith.addi %mul3A_80, %add3A_81 : i32
        %dma_wait3A = arith.constant 0 : i32
        %dma_wait3A_83 = arith.constant 0 : i32
        %dma_wait3A_84 = arith.constant 0 : i32
        %dma_wait3A_85 = tpu.memref_slice %arg9[%dma_wait3A, %dma_wait3A_83, %dma_wait3A_84] : memref<4x128x32xf32, #tpu.memory_space<vmem>> -> memref<1x128x32xf32, #tpu.memory_space<vmem>>
        %dma_wait3A_86 = tpu.memref_squeeze %dma_wait3A_85 : memref<1x128x32xf32, #tpu.memory_space<vmem>> -> memref<128x32xf32, #tpu.memory_space<vmem>>
        %dma_wait3A_87 = arith.constant 0 : i32
        %dma_wait3A_88 = tpu.memref_slice %arg7[%add3A_23, %dma_wait3A_87] : memref<144x128xi32, #tpu.memory_space<vmem>> -> memref<1x128xi32, #tpu.memory_space<vmem>>
        %dma_wait3A_89 = tpu.memref_squeeze %dma_wait3A_88 : memref<1x128xi32, #tpu.memory_space<vmem>> -> memref<128xi32, #tpu.memory_space<vmem>>
        %dma_wait3A_90 = arith.constant 0 : i32
        %dma_wait3A_91 = arith.constant 0 : i32
        %dma_wait3A_92 = tpu.memref_slice %arg4[%dma_wait3A_90, %dma_wait3A_91] : memref<10112x32xf32, #tpu.memory_space<hbm>> -> memref<10112x32xf32, #tpu.memory_space<hbm>>
        tpu.wait_indirect_dma semaphore(%arg11 : memref<!tpu.dma_semaphore, #tpu.memory_space<semaphore_mem>>) src(%dma_wait3A_92 : memref<10112x32xf32, #tpu.memory_space<hbm>>) dst(%dma_wait3A_86 : memref<128x32xf32, #tpu.memory_space<vmem>>)
        %run_scoped3A = arith.constant 0 : i32
        "tpu.region"() ({
          %run_scoped3A_141 = tpu.sem_alloc : memref<!tpu.dma_semaphore, #tpu.memory_space<semaphore_mem>>
          %dma_start3A_142 = arith.constant 0 : i32
          %dma_start3A_143 = arith.constant 0 : i32
          %dma_start3A_144 = tpu.memref_slice %arg9[%run_scoped3A, %dma_start3A_142, %dma_start3A_143] : memref<4x128x32xf32, #tpu.memory_space<vmem>> -> memref<1x128x32xf32, #tpu.memory_space<vmem>>
          %dma_start3A_145 = tpu.memref_squeeze %dma_start3A_144 : memref<1x128x32xf32, #tpu.memory_space<vmem>> -> memref<128x32xf32, #tpu.memory_space<vmem>>
          %dma_start3A_146 = arith.constant 0 : i32
          %dma_start3A_147 = tpu.memref_slice %arg8[%add3A_82, %dma_start3A_146] : memref<144x128xi32, #tpu.memory_space<vmem>> -> memref<1x128xi32, #tpu.memory_space<vmem>>
          %dma_start3A_148 = tpu.memref_squeeze %dma_start3A_147 : memref<1x128xi32, #tpu.memory_space<vmem>> -> memref<128xi32, #tpu.memory_space<vmem>>
          %dma_start3A_149 = arith.constant 0 : i32
          %dma_start3A_150 = arith.constant 0 : i32
          %dma_start3A_151 = tpu.memref_slice %arg10[%dma_start3A_149, %dma_start3A_150] : memref<10112x32xf32, #tpu.memory_space<vmem_shared>> -> memref<10112x32xf32, #tpu.memory_space<vmem_shared>>
          tpu.enqueue_indirect_dma source(%dma_start3A_145 : memref<128x32xf32, #tpu.memory_space<vmem>>) target(%dma_start3A_151 : memref<10112x32xf32, #tpu.memory_space<vmem_shared>>) offsets(%dma_start3A_148 : memref<128xi32, #tpu.memory_space<vmem>>) semaphore(%run_scoped3A_141 : memref<!tpu.dma_semaphore, #tpu.memory_space<semaphore_mem>>) {add = true}
          %dma_wait3A_152 = arith.constant 0 : i32
          %dma_wait3A_153 = arith.constant 0 : i32
          %dma_wait3A_154 = tpu.memref_slice %arg9[%run_scoped3A, %dma_wait3A_152, %dma_wait3A_153] : memref<4x128x32xf32, #tpu.memory_space<vmem>> -> memref<1x128x32xf32, #tpu.memory_space<vmem>>
          %dma_wait3A_155 = tpu.memref_squeeze %dma_wait3A_154 : memref<1x128x32xf32, #tpu.memory_space<vmem>> -> memref<128x32xf32, #tpu.memory_space<vmem>>
          %dma_wait3A_156 = arith.constant 0 : i32
          %dma_wait3A_157 = tpu.memref_slice %arg8[%add3A_82, %dma_wait3A_156] : memref<144x128xi32, #tpu.memory_space<vmem>> -> memref<1x128xi32, #tpu.memory_space<vmem>>
          %dma_wait3A_158 = tpu.memref_squeeze %dma_wait3A_157 : memref<1x128xi32, #tpu.memory_space<vmem>> -> memref<128xi32, #tpu.memory_space<vmem>>
          %dma_wait3A_159 = arith.constant 0 : i32
          %dma_wait3A_160 = arith.constant 0 : i32
          %dma_wait3A_161 = tpu.memref_slice %arg10[%dma_wait3A_159, %dma_wait3A_160] : memref<10112x32xf32, #tpu.memory_space<vmem_shared>> -> memref<10112x32xf32, #tpu.memory_space<vmem_shared>>
          tpu.wait_indirect_dma semaphore(%run_scoped3A_141 : memref<!tpu.dma_semaphore, #tpu.memory_space<semaphore_mem>>) src(%dma_wait3A_155 : memref<128x32xf32, #tpu.memory_space<vmem>>) dst(%dma_wait3A_161 : memref<10112x32xf32, #tpu.memory_space<vmem_shared>>)
          tpu.yield
        }) : () -> ()
        %mul3A_93 = arith.constant 4 : i32
        %mul3A_94 = arith.muli %scan3A_20, %mul3A_93 : i32
        %add3A_95 = arith.constant 1 : i32
        %add3A_96 = arith.addi %mul3A_94, %add3A_95 : i32
        %dma_wait3A_97 = arith.constant 1 : i32
        %dma_wait3A_98 = arith.constant 0 : i32
        %dma_wait3A_99 = arith.constant 0 : i32
        %dma_wait3A_100 = tpu.memref_slice %arg9[%dma_wait3A_97, %dma_wait3A_98, %dma_wait3A_99] : memref<4x128x32xf32, #tpu.memory_space<vmem>> -> memref<1x128x32xf32, #tpu.memory_space<vmem>>
        %dma_wait3A_101 = tpu.memref_squeeze %dma_wait3A_100 : memref<1x128x32xf32, #tpu.memory_space<vmem>> -> memref<128x32xf32, #tpu.memory_space<vmem>>
        %dma_wait3A_102 = arith.constant 0 : i32
        %dma_wait3A_103 = tpu.memref_slice %arg7[%add3A_37, %dma_wait3A_102] : memref<144x128xi32, #tpu.memory_space<vmem>> -> memref<1x128xi32, #tpu.memory_space<vmem>>
        %dma_wait3A_104 = tpu.memref_squeeze %dma_wait3A_103 : memref<1x128xi32, #tpu.memory_space<vmem>> -> memref<128xi32, #tpu.memory_space<vmem>>
        %dma_wait3A_105 = arith.constant 0 : i32
        %dma_wait3A_106 = arith.constant 0 : i32
        %dma_wait3A_107 = tpu.memref_slice %arg4[%dma_wait3A_105, %dma_wait3A_106] : memref<10112x32xf32, #tpu.memory_space<hbm>> -> memref<10112x32xf32, #tpu.memory_space<hbm>>
        tpu.wait_indirect_dma semaphore(%arg12 : memref<!tpu.dma_semaphore, #tpu.memory_space<semaphore_mem>>) src(%dma_wait3A_107 : memref<10112x32xf32, #tpu.memory_space<hbm>>) dst(%dma_wait3A_101 : memref<128x32xf32, #tpu.memory_space<vmem>>)
        %run_scoped3A_108 = arith.constant 1 : i32
        "tpu.region"() ({
          %run_scoped3A_141 = tpu.sem_alloc : memref<!tpu.dma_semaphore, #tpu.memory_space<semaphore_mem>>
          %dma_start3A_142 = arith.constant 0 : i32
          %dma_start3A_143 = arith.constant 0 : i32
          %dma_start3A_144 = tpu.memref_slice %arg9[%run_scoped3A_108, %dma_start3A_142, %dma_start3A_143] : memref<4x128x32xf32, #tpu.memory_space<vmem>> -> memref<1x128x32xf32, #tpu.memory_space<vmem>>
          %dma_start3A_145 = tpu.memref_squeeze %dma_start3A_144 : memref<1x128x32xf32, #tpu.memory_space<vmem>> -> memref<128x32xf32, #tpu.memory_space<vmem>>
          %dma_start3A_146 = arith.constant 0 : i32
          %dma_start3A_147 = tpu.memref_slice %arg8[%add3A_96, %dma_start3A_146] : memref<144x128xi32, #tpu.memory_space<vmem>> -> memref<1x128xi32, #tpu.memory_space<vmem>>
          %dma_start3A_148 = tpu.memref_squeeze %dma_start3A_147 : memref<1x128xi32, #tpu.memory_space<vmem>> -> memref<128xi32, #tpu.memory_space<vmem>>
          %dma_start3A_149 = arith.constant 0 : i32
          %dma_start3A_150 = arith.constant 0 : i32
          %dma_start3A_151 = tpu.memref_slice %arg10[%dma_start3A_149, %dma_start3A_150] : memref<10112x32xf32, #tpu.memory_space<vmem_shared>> -> memref<10112x32xf32, #tpu.memory_space<vmem_shared>>
          tpu.enqueue_indirect_dma source(%dma_start3A_145 : memref<128x32xf32, #tpu.memory_space<vmem>>) target(%dma_start3A_151 : memref<10112x32xf32, #tpu.memory_space<vmem_shared>>) offsets(%dma_start3A_148 : memref<128xi32, #tpu.memory_space<vmem>>) semaphore(%run_scoped3A_141 : memref<!tpu.dma_semaphore, #tpu.memory_space<semaphore_mem>>) {add = true}
          %dma_wait3A_152 = arith.constant 0 : i32
          %dma_wait3A_153 = arith.constant 0 : i32
          %dma_wait3A_154 = tpu.memref_slice %arg9[%run_scoped3A_108, %dma_wait3A_152, %dma_wait3A_153] : memref<4x128x32xf32, #tpu.memory_space<vmem>> -> memref<1x128x32xf32, #tpu.memory_space<vmem>>
          %dma_wait3A_155 = tpu.memref_squeeze %dma_wait3A_154 : memref<1x128x32xf32, #tpu.memory_space<vmem>> -> memref<128x32xf32, #tpu.memory_space<vmem>>
          %dma_wait3A_156 = arith.constant 0 : i32
          %dma_wait3A_157 = tpu.memref_slice %arg8[%add3A_96, %dma_wait3A_156] : memref<144x128xi32, #tpu.memory_space<vmem>> -> memref<1x128xi32, #tpu.memory_space<vmem>>
          %dma_wait3A_158 = tpu.memref_squeeze %dma_wait3A_157 : memref<1x128xi32, #tpu.memory_space<vmem>> -> memref<128xi32, #tpu.memory_space<vmem>>
          %dma_wait3A_159 = arith.constant 0 : i32
          %dma_wait3A_160 = arith.constant 0 : i32
          %dma_wait3A_161 = tpu.memref_slice %arg10[%dma_wait3A_159, %dma_wait3A_160] : memref<10112x32xf32, #tpu.memory_space<vmem_shared>> -> memref<10112x32xf32, #tpu.memory_space<vmem_shared>>
          tpu.wait_indirect_dma semaphore(%run_scoped3A_141 : memref<!tpu.dma_semaphore, #tpu.memory_space<semaphore_mem>>) src(%dma_wait3A_155 : memref<128x32xf32, #tpu.memory_space<vmem>>) dst(%dma_wait3A_161 : memref<10112x32xf32, #tpu.memory_space<vmem_shared>>)
          tpu.yield
        }) : () -> ()
        %mul3A_109 = arith.constant 4 : i32
        %mul3A_110 = arith.muli %scan3A_20, %mul3A_109 : i32
        %add3A_111 = arith.constant 2 : i32
        %add3A_112 = arith.addi %mul3A_110, %add3A_111 : i32
        %dma_wait3A_113 = arith.constant 2 : i32
        %dma_wait3A_114 = arith.constant 0 : i32
        %dma_wait3A_115 = arith.constant 0 : i32
        %dma_wait3A_116 = tpu.memref_slice %arg9[%dma_wait3A_113, %dma_wait3A_114, %dma_wait3A_115] : memref<4x128x32xf32, #tpu.memory_space<vmem>> -> memref<1x128x32xf32, #tpu.memory_space<vmem>>
        %dma_wait3A_117 = tpu.memref_squeeze %dma_wait3A_116 : memref<1x128x32xf32, #tpu.memory_space<vmem>> -> memref<128x32xf32, #tpu.memory_space<vmem>>
        %dma_wait3A_118 = arith.constant 0 : i32
        %dma_wait3A_119 = tpu.memref_slice %arg7[%add3A_52, %dma_wait3A_118] : memref<144x128xi32, #tpu.memory_space<vmem>> -> memref<1x128xi32, #tpu.memory_space<vmem>>
        %dma_wait3A_120 = tpu.memref_squeeze %dma_wait3A_119 : memref<1x128xi32, #tpu.memory_space<vmem>> -> memref<128xi32, #tpu.memory_space<vmem>>
        %dma_wait3A_121 = arith.constant 0 : i32
        %dma_wait3A_122 = arith.constant 0 : i32
        %dma_wait3A_123 = tpu.memref_slice %arg4[%dma_wait3A_121, %dma_wait3A_122] : memref<10112x32xf32, #tpu.memory_space<hbm>> -> memref<10112x32xf32, #tpu.memory_space<hbm>>
        tpu.wait_indirect_dma semaphore(%arg13 : memref<!tpu.dma_semaphore, #tpu.memory_space<semaphore_mem>>) src(%dma_wait3A_123 : memref<10112x32xf32, #tpu.memory_space<hbm>>) dst(%dma_wait3A_117 : memref<128x32xf32, #tpu.memory_space<vmem>>)
        %run_scoped3A_124 = arith.constant 2 : i32
        "tpu.region"() ({
          %run_scoped3A_141 = tpu.sem_alloc : memref<!tpu.dma_semaphore, #tpu.memory_space<semaphore_mem>>
          %dma_start3A_142 = arith.constant 0 : i32
          %dma_start3A_143 = arith.constant 0 : i32
          %dma_start3A_144 = tpu.memref_slice %arg9[%run_scoped3A_124, %dma_start3A_142, %dma_start3A_143] : memref<4x128x32xf32, #tpu.memory_space<vmem>> -> memref<1x128x32xf32, #tpu.memory_space<vmem>>
          %dma_start3A_145 = tpu.memref_squeeze %dma_start3A_144 : memref<1x128x32xf32, #tpu.memory_space<vmem>> -> memref<128x32xf32, #tpu.memory_space<vmem>>
          %dma_start3A_146 = arith.constant 0 : i32
          %dma_start3A_147 = tpu.memref_slice %arg8[%add3A_112, %dma_start3A_146] : memref<144x128xi32, #tpu.memory_space<vmem>> -> memref<1x128xi32, #tpu.memory_space<vmem>>
          %dma_start3A_148 = tpu.memref_squeeze %dma_start3A_147 : memref<1x128xi32, #tpu.memory_space<vmem>> -> memref<128xi32, #tpu.memory_space<vmem>>
          %dma_start3A_149 = arith.constant 0 : i32
          %dma_start3A_150 = arith.constant 0 : i32
          %dma_start3A_151 = tpu.memref_slice %arg10[%dma_start3A_149, %dma_start3A_150] : memref<10112x32xf32, #tpu.memory_space<vmem_shared>> -> memref<10112x32xf32, #tpu.memory_space<vmem_shared>>
          tpu.enqueue_indirect_dma source(%dma_start3A_145 : memref<128x32xf32, #tpu.memory_space<vmem>>) target(%dma_start3A_151 : memref<10112x32xf32, #tpu.memory_space<vmem_shared>>) offsets(%dma_start3A_148 : memref<128xi32, #tpu.memory_space<vmem>>) semaphore(%run_scoped3A_141 : memref<!tpu.dma_semaphore, #tpu.memory_space<semaphore_mem>>) {add = true}
          %dma_wait3A_152 = arith.constant 0 : i32
          %dma_wait3A_153 = arith.constant 0 : i32
          %dma_wait3A_154 = tpu.memref_slice %arg9[%run_scoped3A_124, %dma_wait3A_152, %dma_wait3A_153] : memref<4x128x32xf32, #tpu.memory_space<vmem>> -> memref<1x128x32xf32, #tpu.memory_space<vmem>>
          %dma_wait3A_155 = tpu.memref_squeeze %dma_wait3A_154 : memref<1x128x32xf32, #tpu.memory_space<vmem>> -> memref<128x32xf32, #tpu.memory_space<vmem>>
          %dma_wait3A_156 = arith.constant 0 : i32
          %dma_wait3A_157 = tpu.memref_slice %arg8[%add3A_112, %dma_wait3A_156] : memref<144x128xi32, #tpu.memory_space<vmem>> -> memref<1x128xi32, #tpu.memory_space<vmem>>
          %dma_wait3A_158 = tpu.memref_squeeze %dma_wait3A_157 : memref<1x128xi32, #tpu.memory_space<vmem>> -> memref<128xi32, #tpu.memory_space<vmem>>
          %dma_wait3A_159 = arith.constant 0 : i32
          %dma_wait3A_160 = arith.constant 0 : i32
          %dma_wait3A_161 = tpu.memref_slice %arg10[%dma_wait3A_159, %dma_wait3A_160] : memref<10112x32xf32, #tpu.memory_space<vmem_shared>> -> memref<10112x32xf32, #tpu.memory_space<vmem_shared>>
          tpu.wait_indirect_dma semaphore(%run_scoped3A_141 : memref<!tpu.dma_semaphore, #tpu.memory_space<semaphore_mem>>) src(%dma_wait3A_155 : memref<128x32xf32, #tpu.memory_space<vmem>>) dst(%dma_wait3A_161 : memref<10112x32xf32, #tpu.memory_space<vmem_shared>>)
          tpu.yield
        }) : () -> ()
        %mul3A_125 = arith.constant 4 : i32
        %mul3A_126 = arith.muli %scan3A_20, %mul3A_125 : i32
        %add3A_127 = arith.constant 3 : i32
        %add3A_128 = arith.addi %mul3A_126, %add3A_127 : i32
        %dma_wait3A_129 = arith.constant 3 : i32
        %dma_wait3A_130 = arith.constant 0 : i32
        %dma_wait3A_131 = arith.constant 0 : i32
        %dma_wait3A_132 = tpu.memref_slice %arg9[%dma_wait3A_129, %dma_wait3A_130, %dma_wait3A_131] : memref<4x128x32xf32, #tpu.memory_space<vmem>> -> memref<1x128x32xf32, #tpu.memory_space<vmem>>
        %dma_wait3A_133 = tpu.memref_squeeze %dma_wait3A_132 : memref<1x128x32xf32, #tpu.memory_space<vmem>> -> memref<128x32xf32, #tpu.memory_space<vmem>>
        %dma_wait3A_134 = arith.constant 0 : i32
        %dma_wait3A_135 = tpu.memref_slice %arg7[%add3A_67, %dma_wait3A_134] : memref<144x128xi32, #tpu.memory_space<vmem>> -> memref<1x128xi32, #tpu.memory_space<vmem>>
        %dma_wait3A_136 = tpu.memref_squeeze %dma_wait3A_135 : memref<1x128xi32, #tpu.memory_space<vmem>> -> memref<128xi32, #tpu.memory_space<vmem>>
        %dma_wait3A_137 = arith.constant 0 : i32
        %dma_wait3A_138 = arith.constant 0 : i32
        %dma_wait3A_139 = tpu.memref_slice %arg4[%dma_wait3A_137, %dma_wait3A_138] : memref<10112x32xf32, #tpu.memory_space<hbm>> -> memref<10112x32xf32, #tpu.memory_space<hbm>>
        tpu.wait_indirect_dma semaphore(%arg14 : memref<!tpu.dma_semaphore, #tpu.memory_space<semaphore_mem>>) src(%dma_wait3A_139 : memref<10112x32xf32, #tpu.memory_space<hbm>>) dst(%dma_wait3A_133 : memref<128x32xf32, #tpu.memory_space<vmem>>)
        %run_scoped3A_140 = arith.constant 3 : i32
        "tpu.region"() ({
          %run_scoped3A_141 = tpu.sem_alloc : memref<!tpu.dma_semaphore, #tpu.memory_space<semaphore_mem>>
          %dma_start3A_142 = arith.constant 0 : i32
          %dma_start3A_143 = arith.constant 0 : i32
          %dma_start3A_144 = tpu.memref_slice %arg9[%run_scoped3A_140, %dma_start3A_142, %dma_start3A_143] : memref<4x128x32xf32, #tpu.memory_space<vmem>> -> memref<1x128x32xf32, #tpu.memory_space<vmem>>
          %dma_start3A_145 = tpu.memref_squeeze %dma_start3A_144 : memref<1x128x32xf32, #tpu.memory_space<vmem>> -> memref<128x32xf32, #tpu.memory_space<vmem>>
          %dma_start3A_146 = arith.constant 0 : i32
          %dma_start3A_147 = tpu.memref_slice %arg8[%add3A_128, %dma_start3A_146] : memref<144x128xi32, #tpu.memory_space<vmem>> -> memref<1x128xi32, #tpu.memory_space<vmem>>
          %dma_start3A_148 = tpu.memref_squeeze %dma_start3A_147 : memref<1x128xi32, #tpu.memory_space<vmem>> -> memref<128xi32, #tpu.memory_space<vmem>>
          %dma_start3A_149 = arith.constant 0 : i32
          %dma_start3A_150 = arith.constant 0 : i32
          %dma_start3A_151 = tpu.memref_slice %arg10[%dma_start3A_149, %dma_start3A_150] : memref<10112x32xf32, #tpu.memory_space<vmem_shared>> -> memref<10112x32xf32, #tpu.memory_space<vmem_shared>>
          tpu.enqueue_indirect_dma source(%dma_start3A_145 : memref<128x32xf32, #tpu.memory_space<vmem>>) target(%dma_start3A_151 : memref<10112x32xf32, #tpu.memory_space<vmem_shared>>) offsets(%dma_start3A_148 : memref<128xi32, #tpu.memory_space<vmem>>) semaphore(%run_scoped3A_141 : memref<!tpu.dma_semaphore, #tpu.memory_space<semaphore_mem>>) {add = true}
          %dma_wait3A_152 = arith.constant 0 : i32
          %dma_wait3A_153 = arith.constant 0 : i32
          %dma_wait3A_154 = tpu.memref_slice %arg9[%run_scoped3A_140, %dma_wait3A_152, %dma_wait3A_153] : memref<4x128x32xf32, #tpu.memory_space<vmem>> -> memref<1x128x32xf32, #tpu.memory_space<vmem>>
          %dma_wait3A_155 = tpu.memref_squeeze %dma_wait3A_154 : memref<1x128x32xf32, #tpu.memory_space<vmem>> -> memref<128x32xf32, #tpu.memory_space<vmem>>
          %dma_wait3A_156 = arith.constant 0 : i32
          %dma_wait3A_157 = tpu.memref_slice %arg8[%add3A_128, %dma_wait3A_156] : memref<144x128xi32, #tpu.memory_space<vmem>> -> memref<1x128xi32, #tpu.memory_space<vmem>>
          %dma_wait3A_158 = tpu.memref_squeeze %dma_wait3A_157 : memref<1x128xi32, #tpu.memory_space<vmem>> -> memref<128xi32, #tpu.memory_space<vmem>>
          %dma_wait3A_159 = arith.constant 0 : i32
          %dma_wait3A_160 = arith.constant 0 : i32
          %dma_wait3A_161 = tpu.memref_slice %arg10[%dma_wait3A_159, %dma_wait3A_160] : memref<10112x32xf32, #tpu.memory_space<vmem_shared>> -> memref<10112x32xf32, #tpu.memory_space<vmem_shared>>
          tpu.wait_indirect_dma semaphore(%run_scoped3A_141 : memref<!tpu.dma_semaphore, #tpu.memory_space<semaphore_mem>>) src(%dma_wait3A_155 : memref<128x32xf32, #tpu.memory_space<vmem>>) dst(%dma_wait3A_161 : memref<10112x32xf32, #tpu.memory_space<vmem_shared>>)
          tpu.yield
        }) : () -> ()
      }
      %scan3A_19 = arith.constant 36 : i32
    } else {
    }
    %eq3A_3 = arith.constant 1 : i32
    %eq3A_4 = arith.cmpi eq, %arg0, %eq3A_3 : i32
    %convert_element_type3A_5 = arith.extui %eq3A_4 : i1 to i32
    %cond3A_6 = arith.constant 0 : i32
    %cond3A_7 = arith.cmpi ne, %convert_element_type3A_5, %cond3A_6 : i32
    scf.if %cond3A_7 {
      %mul3A_13 = arith.constant 16 : i32
      %mul3A_14 = arith.muli %arg1, %mul3A_13 : i32
      %add3A = arith.constant 2304 : i32
      %add3A_15 = arith.addi %add3A, %mul3A_14 : i32
      "tpu.region"() ({
        %run_scoped3A = tpu.sem_alloc : memref<!tpu.dma_semaphore, #tpu.memory_space<semaphore_mem>>
        %dma_start3A = arith.constant 0 : i32
        %dma_start3A_21 = arith.constant 0 : i32
        %dma_start3A_22 = tpu.memref_slice %arg7[%dma_start3A, %dma_start3A_21] : memref<144x128xi32, #tpu.memory_space<vmem>> -> memref<16x128xi32, #tpu.memory_space<vmem>>
        %dma_start3A_23 = arith.constant 0 : i32
        %dma_start3A_24 = tpu.memref_slice %arg2[%add3A_15, %dma_start3A_23] : memref<2560x128xi32, #tpu.memory_space<hbm>> -> memref<16x128xi32, #tpu.memory_space<hbm>>
        %dma_start3A_25 = arith.constant 0 : i32
        %dma_start3A_26 = arith.constant 0 : i32
        %dma_start3A_27 = tpu.memref_slice %arg7[%dma_start3A_25, %dma_start3A_26] : memref<144x128xi32, #tpu.memory_space<vmem>> -> memref<16x128xi32, #tpu.memory_space<vmem>>
        %dma_start3A_28 = arith.constant 0 : i32
        %dma_start3A_29 = tpu.memref_slice %arg2[%add3A_15, %dma_start3A_28] : memref<2560x128xi32, #tpu.memory_space<hbm>> -> memref<16x128xi32, #tpu.memory_space<hbm>>
        tpu.enqueue_dma source(%dma_start3A_29 : memref<16x128xi32, #tpu.memory_space<hbm>>) target(%dma_start3A_27 : memref<16x128xi32, #tpu.memory_space<vmem>>) target_semaphore(%run_scoped3A : memref<!tpu.dma_semaphore, #tpu.memory_space<semaphore_mem>>)
        %dma_wait3A = arith.constant 0 : i32
        %dma_wait3A_30 = arith.constant 0 : i32
        %dma_wait3A_31 = tpu.memref_slice %arg7[%dma_wait3A, %dma_wait3A_30] : memref<144x128xi32, #tpu.memory_space<vmem>> -> memref<16x128xi32, #tpu.memory_space<vmem>>
        %dma_wait3A_32 = arith.constant 0 : i32
        %dma_wait3A_33 = tpu.memref_slice %arg2[%add3A_15, %dma_wait3A_32] : memref<2560x128xi32, #tpu.memory_space<hbm>> -> memref<16x128xi32, #tpu.memory_space<hbm>>
        %dma_wait3A_34 = arith.constant 0 : i32
        %dma_wait3A_35 = arith.constant 0 : i32
        %dma_wait3A_36 = tpu.memref_slice %arg7[%dma_wait3A_34, %dma_wait3A_35] : memref<144x128xi32, #tpu.memory_space<vmem>> -> memref<16x128xi32, #tpu.memory_space<vmem>>
        %dma_wait3A_37 = arith.constant 0 : i32
        %dma_wait3A_38 = tpu.memref_slice %arg2[%add3A_15, %dma_wait3A_37] : memref<2560x128xi32, #tpu.memory_space<hbm>> -> memref<16x128xi32, #tpu.memory_space<hbm>>
        tpu.wait_dma2 semaphore(%run_scoped3A : memref<!tpu.dma_semaphore, #tpu.memory_space<semaphore_mem>>) src(%dma_wait3A_38 : memref<16x128xi32, #tpu.memory_space<hbm>>) dst(%dma_wait3A_36 : memref<16x128xi32, #tpu.memory_space<vmem>>)
        tpu.yield
      }) : () -> ()
      "tpu.region"() ({
        %run_scoped3A = tpu.sem_alloc : memref<!tpu.dma_semaphore, #tpu.memory_space<semaphore_mem>>
        %dma_start3A = arith.constant 0 : i32
        %dma_start3A_21 = arith.constant 0 : i32
        %dma_start3A_22 = tpu.memref_slice %arg8[%dma_start3A, %dma_start3A_21] : memref<144x128xi32, #tpu.memory_space<vmem>> -> memref<16x128xi32, #tpu.memory_space<vmem>>
        %dma_start3A_23 = arith.constant 0 : i32
        %dma_start3A_24 = tpu.memref_slice %arg3[%add3A_15, %dma_start3A_23] : memref<2560x128xi32, #tpu.memory_space<hbm>> -> memref<16x128xi32, #tpu.memory_space<hbm>>
        %dma_start3A_25 = arith.constant 0 : i32
        %dma_start3A_26 = arith.constant 0 : i32
        %dma_start3A_27 = tpu.memref_slice %arg8[%dma_start3A_25, %dma_start3A_26] : memref<144x128xi32, #tpu.memory_space<vmem>> -> memref<16x128xi32, #tpu.memory_space<vmem>>
        %dma_start3A_28 = arith.constant 0 : i32
        %dma_start3A_29 = tpu.memref_slice %arg3[%add3A_15, %dma_start3A_28] : memref<2560x128xi32, #tpu.memory_space<hbm>> -> memref<16x128xi32, #tpu.memory_space<hbm>>
        tpu.enqueue_dma source(%dma_start3A_29 : memref<16x128xi32, #tpu.memory_space<hbm>>) target(%dma_start3A_27 : memref<16x128xi32, #tpu.memory_space<vmem>>) target_semaphore(%run_scoped3A : memref<!tpu.dma_semaphore, #tpu.memory_space<semaphore_mem>>)
        %dma_wait3A = arith.constant 0 : i32
        %dma_wait3A_30 = arith.constant 0 : i32
        %dma_wait3A_31 = tpu.memref_slice %arg8[%dma_wait3A, %dma_wait3A_30] : memref<144x128xi32, #tpu.memory_space<vmem>> -> memref<16x128xi32, #tpu.memory_space<vmem>>
        %dma_wait3A_32 = arith.constant 0 : i32
        %dma_wait3A_33 = tpu.memref_slice %arg3[%add3A_15, %dma_wait3A_32] : memref<2560x128xi32, #tpu.memory_space<hbm>> -> memref<16x128xi32, #tpu.memory_space<hbm>>
        %dma_wait3A_34 = arith.constant 0 : i32
        %dma_wait3A_35 = arith.constant 0 : i32
        %dma_wait3A_36 = tpu.memref_slice %arg8[%dma_wait3A_34, %dma_wait3A_35] : memref<144x128xi32, #tpu.memory_space<vmem>> -> memref<16x128xi32, #tpu.memory_space<vmem>>
        %dma_wait3A_37 = arith.constant 0 : i32
        %dma_wait3A_38 = tpu.memref_slice %arg3[%add3A_15, %dma_wait3A_37] : memref<2560x128xi32, #tpu.memory_space<hbm>> -> memref<16x128xi32, #tpu.memory_space<hbm>>
        tpu.wait_dma2 semaphore(%run_scoped3A : memref<!tpu.dma_semaphore, #tpu.memory_space<semaphore_mem>>) src(%dma_wait3A_38 : memref<16x128xi32, #tpu.memory_space<hbm>>) dst(%dma_wait3A_36 : memref<16x128xi32, #tpu.memory_space<vmem>>)
        tpu.yield
      }) : () -> ()
      %scan3A = arith.constant 0 : i32
      %scan3A_16 = arith.constant 0 : i32
      %scan3A_17 = arith.constant 4 : i32
      %scan3A_18 = arith.addi %scan3A_16, %scan3A_17 : i32
      %scan3A_19 = arith.constant 1 : i32
      scf.for %scan3A_21 = %scan3A_16 to %scan3A_18 step %scan3A_19  : i32 {
        %mul3A_22 = arith.constant 4 : i32
        %mul3A_23 = arith.muli %scan3A_21, %mul3A_22 : i32
        %add3A_24 = arith.constant 0 : i32
        %add3A_25 = arith.addi %mul3A_23, %add3A_24 : i32
        %dma_start3A = arith.constant 0 : i32
        %dma_start3A_26 = arith.constant 0 : i32
        %dma_start3A_27 = arith.constant 0 : i32
        %dma_start3A_28 = tpu.memref_slice %arg9[%dma_start3A, %dma_start3A_26, %dma_start3A_27] : memref<4x128x32xf32, #tpu.memory_space<vmem>> -> memref<1x128x32xf32, #tpu.memory_space<vmem>>
        %dma_start3A_29 = tpu.memref_squeeze %dma_start3A_28 : memref<1x128x32xf32, #tpu.memory_space<vmem>> -> memref<128x32xf32, #tpu.memory_space<vmem>>
        %dma_start3A_30 = arith.constant 0 : i32
        %dma_start3A_31 = tpu.memref_slice %arg7[%add3A_25, %dma_start3A_30] : memref<144x128xi32, #tpu.memory_space<vmem>> -> memref<1x128xi32, #tpu.memory_space<vmem>>
        %dma_start3A_32 = tpu.memref_squeeze %dma_start3A_31 : memref<1x128xi32, #tpu.memory_space<vmem>> -> memref<128xi32, #tpu.memory_space<vmem>>
        %dma_start3A_33 = arith.constant 0 : i32
        %dma_start3A_34 = arith.constant 0 : i32
        %dma_start3A_35 = tpu.memref_slice %arg4[%dma_start3A_33, %dma_start3A_34] : memref<10112x32xf32, #tpu.memory_space<hbm>> -> memref<10112x32xf32, #tpu.memory_space<hbm>>
        tpu.enqueue_indirect_dma source(%dma_start3A_35 : memref<10112x32xf32, #tpu.memory_space<hbm>>) target(%dma_start3A_29 : memref<128x32xf32, #tpu.memory_space<vmem>>) offsets(%dma_start3A_32 : memref<128xi32, #tpu.memory_space<vmem>>) semaphore(%arg11 : memref<!tpu.dma_semaphore, #tpu.memory_space<semaphore_mem>>)
        %mul3A_36 = arith.constant 4 : i32
        %mul3A_37 = arith.muli %scan3A_21, %mul3A_36 : i32
        %add3A_38 = arith.constant 1 : i32
        %add3A_39 = arith.addi %mul3A_37, %add3A_38 : i32
        %dma_start3A_40 = arith.constant 1 : i32
        %dma_start3A_41 = arith.constant 0 : i32
        %dma_start3A_42 = arith.constant 0 : i32
        %dma_start3A_43 = tpu.memref_slice %arg9[%dma_start3A_40, %dma_start3A_41, %dma_start3A_42] : memref<4x128x32xf32, #tpu.memory_space<vmem>> -> memref<1x128x32xf32, #tpu.memory_space<vmem>>
        %dma_start3A_44 = tpu.memref_squeeze %dma_start3A_43 : memref<1x128x32xf32, #tpu.memory_space<vmem>> -> memref<128x32xf32, #tpu.memory_space<vmem>>
        %dma_start3A_45 = arith.constant 0 : i32
        %dma_start3A_46 = tpu.memref_slice %arg7[%add3A_39, %dma_start3A_45] : memref<144x128xi32, #tpu.memory_space<vmem>> -> memref<1x128xi32, #tpu.memory_space<vmem>>
        %dma_start3A_47 = tpu.memref_squeeze %dma_start3A_46 : memref<1x128xi32, #tpu.memory_space<vmem>> -> memref<128xi32, #tpu.memory_space<vmem>>
        %dma_start3A_48 = arith.constant 0 : i32
        %dma_start3A_49 = arith.constant 0 : i32
        %dma_start3A_50 = tpu.memref_slice %arg4[%dma_start3A_48, %dma_start3A_49] : memref<10112x32xf32, #tpu.memory_space<hbm>> -> memref<10112x32xf32, #tpu.memory_space<hbm>>
        tpu.enqueue_indirect_dma source(%dma_start3A_50 : memref<10112x32xf32, #tpu.memory_space<hbm>>) target(%dma_start3A_44 : memref<128x32xf32, #tpu.memory_space<vmem>>) offsets(%dma_start3A_47 : memref<128xi32, #tpu.memory_space<vmem>>) semaphore(%arg12 : memref<!tpu.dma_semaphore, #tpu.memory_space<semaphore_mem>>)
        %mul3A_51 = arith.constant 4 : i32
        %mul3A_52 = arith.muli %scan3A_21, %mul3A_51 : i32
        %add3A_53 = arith.constant 2 : i32
        %add3A_54 = arith.addi %mul3A_52, %add3A_53 : i32
        %dma_start3A_55 = arith.constant 2 : i32
        %dma_start3A_56 = arith.constant 0 : i32
        %dma_start3A_57 = arith.constant 0 : i32
        %dma_start3A_58 = tpu.memref_slice %arg9[%dma_start3A_55, %dma_start3A_56, %dma_start3A_57] : memref<4x128x32xf32, #tpu.memory_space<vmem>> -> memref<1x128x32xf32, #tpu.memory_space<vmem>>
        %dma_start3A_59 = tpu.memref_squeeze %dma_start3A_58 : memref<1x128x32xf32, #tpu.memory_space<vmem>> -> memref<128x32xf32, #tpu.memory_space<vmem>>
        %dma_start3A_60 = arith.constant 0 : i32
        %dma_start3A_61 = tpu.memref_slice %arg7[%add3A_54, %dma_start3A_60] : memref<144x128xi32, #tpu.memory_space<vmem>> -> memref<1x128xi32, #tpu.memory_space<vmem>>
        %dma_start3A_62 = tpu.memref_squeeze %dma_start3A_61 : memref<1x128xi32, #tpu.memory_space<vmem>> -> memref<128xi32, #tpu.memory_space<vmem>>
        %dma_start3A_63 = arith.constant 0 : i32
        %dma_start3A_64 = arith.constant 0 : i32
        %dma_start3A_65 = tpu.memref_slice %arg4[%dma_start3A_63, %dma_start3A_64] : memref<10112x32xf32, #tpu.memory_space<hbm>> -> memref<10112x32xf32, #tpu.memory_space<hbm>>
        tpu.enqueue_indirect_dma source(%dma_start3A_65 : memref<10112x32xf32, #tpu.memory_space<hbm>>) target(%dma_start3A_59 : memref<128x32xf32, #tpu.memory_space<vmem>>) offsets(%dma_start3A_62 : memref<128xi32, #tpu.memory_space<vmem>>) semaphore(%arg13 : memref<!tpu.dma_semaphore, #tpu.memory_space<semaphore_mem>>)
        %mul3A_66 = arith.constant 4 : i32
        %mul3A_67 = arith.muli %scan3A_21, %mul3A_66 : i32
        %add3A_68 = arith.constant 3 : i32
        %add3A_69 = arith.addi %mul3A_67, %add3A_68 : i32
        %dma_start3A_70 = arith.constant 3 : i32
        %dma_start3A_71 = arith.constant 0 : i32
        %dma_start3A_72 = arith.constant 0 : i32
        %dma_start3A_73 = tpu.memref_slice %arg9[%dma_start3A_70, %dma_start3A_71, %dma_start3A_72] : memref<4x128x32xf32, #tpu.memory_space<vmem>> -> memref<1x128x32xf32, #tpu.memory_space<vmem>>
        %dma_start3A_74 = tpu.memref_squeeze %dma_start3A_73 : memref<1x128x32xf32, #tpu.memory_space<vmem>> -> memref<128x32xf32, #tpu.memory_space<vmem>>
        %dma_start3A_75 = arith.constant 0 : i32
        %dma_start3A_76 = tpu.memref_slice %arg7[%add3A_69, %dma_start3A_75] : memref<144x128xi32, #tpu.memory_space<vmem>> -> memref<1x128xi32, #tpu.memory_space<vmem>>
        %dma_start3A_77 = tpu.memref_squeeze %dma_start3A_76 : memref<1x128xi32, #tpu.memory_space<vmem>> -> memref<128xi32, #tpu.memory_space<vmem>>
        %dma_start3A_78 = arith.constant 0 : i32
        %dma_start3A_79 = arith.constant 0 : i32
        %dma_start3A_80 = tpu.memref_slice %arg4[%dma_start3A_78, %dma_start3A_79] : memref<10112x32xf32, #tpu.memory_space<hbm>> -> memref<10112x32xf32, #tpu.memory_space<hbm>>
        tpu.enqueue_indirect_dma source(%dma_start3A_80 : memref<10112x32xf32, #tpu.memory_space<hbm>>) target(%dma_start3A_74 : memref<128x32xf32, #tpu.memory_space<vmem>>) offsets(%dma_start3A_77 : memref<128xi32, #tpu.memory_space<vmem>>) semaphore(%arg14 : memref<!tpu.dma_semaphore, #tpu.memory_space<semaphore_mem>>)
        %mul3A_81 = arith.constant 4 : i32
        %mul3A_82 = arith.muli %scan3A_21, %mul3A_81 : i32
        %add3A_83 = arith.constant 0 : i32
        %add3A_84 = arith.addi %mul3A_82, %add3A_83 : i32
        %dma_wait3A = arith.constant 0 : i32
        %dma_wait3A_85 = arith.constant 0 : i32
        %dma_wait3A_86 = arith.constant 0 : i32
        %dma_wait3A_87 = tpu.memref_slice %arg9[%dma_wait3A, %dma_wait3A_85, %dma_wait3A_86] : memref<4x128x32xf32, #tpu.memory_space<vmem>> -> memref<1x128x32xf32, #tpu.memory_space<vmem>>
        %dma_wait3A_88 = tpu.memref_squeeze %dma_wait3A_87 : memref<1x128x32xf32, #tpu.memory_space<vmem>> -> memref<128x32xf32, #tpu.memory_space<vmem>>
        %dma_wait3A_89 = arith.constant 0 : i32
        %dma_wait3A_90 = tpu.memref_slice %arg7[%add3A_25, %dma_wait3A_89] : memref<144x128xi32, #tpu.memory_space<vmem>> -> memref<1x128xi32, #tpu.memory_space<vmem>>
        %dma_wait3A_91 = tpu.memref_squeeze %dma_wait3A_90 : memref<1x128xi32, #tpu.memory_space<vmem>> -> memref<128xi32, #tpu.memory_space<vmem>>
        %dma_wait3A_92 = arith.constant 0 : i32
        %dma_wait3A_93 = arith.constant 0 : i32
        %dma_wait3A_94 = tpu.memref_slice %arg4[%dma_wait3A_92, %dma_wait3A_93] : memref<10112x32xf32, #tpu.memory_space<hbm>> -> memref<10112x32xf32, #tpu.memory_space<hbm>>
        tpu.wait_indirect_dma semaphore(%arg11 : memref<!tpu.dma_semaphore, #tpu.memory_space<semaphore_mem>>) src(%dma_wait3A_94 : memref<10112x32xf32, #tpu.memory_space<hbm>>) dst(%dma_wait3A_88 : memref<128x32xf32, #tpu.memory_space<vmem>>)
        %run_scoped3A = arith.constant 0 : i32
        "tpu.region"() ({
          %run_scoped3A_143 = tpu.sem_alloc : memref<!tpu.dma_semaphore, #tpu.memory_space<semaphore_mem>>
          %dma_start3A_144 = arith.constant 0 : i32
          %dma_start3A_145 = arith.constant 0 : i32
          %dma_start3A_146 = tpu.memref_slice %arg9[%run_scoped3A, %dma_start3A_144, %dma_start3A_145] : memref<4x128x32xf32, #tpu.memory_space<vmem>> -> memref<1x128x32xf32, #tpu.memory_space<vmem>>
          %dma_start3A_147 = tpu.memref_squeeze %dma_start3A_146 : memref<1x128x32xf32, #tpu.memory_space<vmem>> -> memref<128x32xf32, #tpu.memory_space<vmem>>
          %dma_start3A_148 = arith.constant 0 : i32
          %dma_start3A_149 = tpu.memref_slice %arg8[%add3A_84, %dma_start3A_148] : memref<144x128xi32, #tpu.memory_space<vmem>> -> memref<1x128xi32, #tpu.memory_space<vmem>>
          %dma_start3A_150 = tpu.memref_squeeze %dma_start3A_149 : memref<1x128xi32, #tpu.memory_space<vmem>> -> memref<128xi32, #tpu.memory_space<vmem>>
          %dma_start3A_151 = arith.constant 0 : i32
          %dma_start3A_152 = arith.constant 0 : i32
          %dma_start3A_153 = tpu.memref_slice %arg10[%dma_start3A_151, %dma_start3A_152] : memref<10112x32xf32, #tpu.memory_space<vmem_shared>> -> memref<10112x32xf32, #tpu.memory_space<vmem_shared>>
          tpu.enqueue_indirect_dma source(%dma_start3A_147 : memref<128x32xf32, #tpu.memory_space<vmem>>) target(%dma_start3A_153 : memref<10112x32xf32, #tpu.memory_space<vmem_shared>>) offsets(%dma_start3A_150 : memref<128xi32, #tpu.memory_space<vmem>>) semaphore(%run_scoped3A_143 : memref<!tpu.dma_semaphore, #tpu.memory_space<semaphore_mem>>) {add = true}
          %dma_wait3A_154 = arith.constant 0 : i32
          %dma_wait3A_155 = arith.constant 0 : i32
          %dma_wait3A_156 = tpu.memref_slice %arg9[%run_scoped3A, %dma_wait3A_154, %dma_wait3A_155] : memref<4x128x32xf32, #tpu.memory_space<vmem>> -> memref<1x128x32xf32, #tpu.memory_space<vmem>>
          %dma_wait3A_157 = tpu.memref_squeeze %dma_wait3A_156 : memref<1x128x32xf32, #tpu.memory_space<vmem>> -> memref<128x32xf32, #tpu.memory_space<vmem>>
          %dma_wait3A_158 = arith.constant 0 : i32
          %dma_wait3A_159 = tpu.memref_slice %arg8[%add3A_84, %dma_wait3A_158] : memref<144x128xi32, #tpu.memory_space<vmem>> -> memref<1x128xi32, #tpu.memory_space<vmem>>
          %dma_wait3A_160 = tpu.memref_squeeze %dma_wait3A_159 : memref<1x128xi32, #tpu.memory_space<vmem>> -> memref<128xi32, #tpu.memory_space<vmem>>
          %dma_wait3A_161 = arith.constant 0 : i32
          %dma_wait3A_162 = arith.constant 0 : i32
          %dma_wait3A_163 = tpu.memref_slice %arg10[%dma_wait3A_161, %dma_wait3A_162] : memref<10112x32xf32, #tpu.memory_space<vmem_shared>> -> memref<10112x32xf32, #tpu.memory_space<vmem_shared>>
          tpu.wait_indirect_dma semaphore(%run_scoped3A_143 : memref<!tpu.dma_semaphore, #tpu.memory_space<semaphore_mem>>) src(%dma_wait3A_157 : memref<128x32xf32, #tpu.memory_space<vmem>>) dst(%dma_wait3A_163 : memref<10112x32xf32, #tpu.memory_space<vmem_shared>>)
          tpu.yield
        }) : () -> ()
        %mul3A_95 = arith.constant 4 : i32
        %mul3A_96 = arith.muli %scan3A_21, %mul3A_95 : i32
        %add3A_97 = arith.constant 1 : i32
        %add3A_98 = arith.addi %mul3A_96, %add3A_97 : i32
        %dma_wait3A_99 = arith.constant 1 : i32
        %dma_wait3A_100 = arith.constant 0 : i32
        %dma_wait3A_101 = arith.constant 0 : i32
        %dma_wait3A_102 = tpu.memref_slice %arg9[%dma_wait3A_99, %dma_wait3A_100, %dma_wait3A_101] : memref<4x128x32xf32, #tpu.memory_space<vmem>> -> memref<1x128x32xf32, #tpu.memory_space<vmem>>
        %dma_wait3A_103 = tpu.memref_squeeze %dma_wait3A_102 : memref<1x128x32xf32, #tpu.memory_space<vmem>> -> memref<128x32xf32, #tpu.memory_space<vmem>>
        %dma_wait3A_104 = arith.constant 0 : i32
        %dma_wait3A_105 = tpu.memref_slice %arg7[%add3A_39, %dma_wait3A_104] : memref<144x128xi32, #tpu.memory_space<vmem>> -> memref<1x128xi32, #tpu.memory_space<vmem>>
        %dma_wait3A_106 = tpu.memref_squeeze %dma_wait3A_105 : memref<1x128xi32, #tpu.memory_space<vmem>> -> memref<128xi32, #tpu.memory_space<vmem>>
        %dma_wait3A_107 = arith.constant 0 : i32
        %dma_wait3A_108 = arith.constant 0 : i32
        %dma_wait3A_109 = tpu.memref_slice %arg4[%dma_wait3A_107, %dma_wait3A_108] : memref<10112x32xf32, #tpu.memory_space<hbm>> -> memref<10112x32xf32, #tpu.memory_space<hbm>>
        tpu.wait_indirect_dma semaphore(%arg12 : memref<!tpu.dma_semaphore, #tpu.memory_space<semaphore_mem>>) src(%dma_wait3A_109 : memref<10112x32xf32, #tpu.memory_space<hbm>>) dst(%dma_wait3A_103 : memref<128x32xf32, #tpu.memory_space<vmem>>)
        %run_scoped3A_110 = arith.constant 1 : i32
        "tpu.region"() ({
          %run_scoped3A_143 = tpu.sem_alloc : memref<!tpu.dma_semaphore, #tpu.memory_space<semaphore_mem>>
          %dma_start3A_144 = arith.constant 0 : i32
          %dma_start3A_145 = arith.constant 0 : i32
          %dma_start3A_146 = tpu.memref_slice %arg9[%run_scoped3A_110, %dma_start3A_144, %dma_start3A_145] : memref<4x128x32xf32, #tpu.memory_space<vmem>> -> memref<1x128x32xf32, #tpu.memory_space<vmem>>
          %dma_start3A_147 = tpu.memref_squeeze %dma_start3A_146 : memref<1x128x32xf32, #tpu.memory_space<vmem>> -> memref<128x32xf32, #tpu.memory_space<vmem>>
          %dma_start3A_148 = arith.constant 0 : i32
          %dma_start3A_149 = tpu.memref_slice %arg8[%add3A_98, %dma_start3A_148] : memref<144x128xi32, #tpu.memory_space<vmem>> -> memref<1x128xi32, #tpu.memory_space<vmem>>
          %dma_start3A_150 = tpu.memref_squeeze %dma_start3A_149 : memref<1x128xi32, #tpu.memory_space<vmem>> -> memref<128xi32, #tpu.memory_space<vmem>>
          %dma_start3A_151 = arith.constant 0 : i32
          %dma_start3A_152 = arith.constant 0 : i32
          %dma_start3A_153 = tpu.memref_slice %arg10[%dma_start3A_151, %dma_start3A_152] : memref<10112x32xf32, #tpu.memory_space<vmem_shared>> -> memref<10112x32xf32, #tpu.memory_space<vmem_shared>>
          tpu.enqueue_indirect_dma source(%dma_start3A_147 : memref<128x32xf32, #tpu.memory_space<vmem>>) target(%dma_start3A_153 : memref<10112x32xf32, #tpu.memory_space<vmem_shared>>) offsets(%dma_start3A_150 : memref<128xi32, #tpu.memory_space<vmem>>) semaphore(%run_scoped3A_143 : memref<!tpu.dma_semaphore, #tpu.memory_space<semaphore_mem>>) {add = true}
          %dma_wait3A_154 = arith.constant 0 : i32
          %dma_wait3A_155 = arith.constant 0 : i32
          %dma_wait3A_156 = tpu.memref_slice %arg9[%run_scoped3A_110, %dma_wait3A_154, %dma_wait3A_155] : memref<4x128x32xf32, #tpu.memory_space<vmem>> -> memref<1x128x32xf32, #tpu.memory_space<vmem>>
          %dma_wait3A_157 = tpu.memref_squeeze %dma_wait3A_156 : memref<1x128x32xf32, #tpu.memory_space<vmem>> -> memref<128x32xf32, #tpu.memory_space<vmem>>
          %dma_wait3A_158 = arith.constant 0 : i32
          %dma_wait3A_159 = tpu.memref_slice %arg8[%add3A_98, %dma_wait3A_158] : memref<144x128xi32, #tpu.memory_space<vmem>> -> memref<1x128xi32, #tpu.memory_space<vmem>>
          %dma_wait3A_160 = tpu.memref_squeeze %dma_wait3A_159 : memref<1x128xi32, #tpu.memory_space<vmem>> -> memref<128xi32, #tpu.memory_space<vmem>>
          %dma_wait3A_161 = arith.constant 0 : i32
          %dma_wait3A_162 = arith.constant 0 : i32
          %dma_wait3A_163 = tpu.memref_slice %arg10[%dma_wait3A_161, %dma_wait3A_162] : memref<10112x32xf32, #tpu.memory_space<vmem_shared>> -> memref<10112x32xf32, #tpu.memory_space<vmem_shared>>
          tpu.wait_indirect_dma semaphore(%run_scoped3A_143 : memref<!tpu.dma_semaphore, #tpu.memory_space<semaphore_mem>>) src(%dma_wait3A_157 : memref<128x32xf32, #tpu.memory_space<vmem>>) dst(%dma_wait3A_163 : memref<10112x32xf32, #tpu.memory_space<vmem_shared>>)
          tpu.yield
        }) : () -> ()
        %mul3A_111 = arith.constant 4 : i32
        %mul3A_112 = arith.muli %scan3A_21, %mul3A_111 : i32
        %add3A_113 = arith.constant 2 : i32
        %add3A_114 = arith.addi %mul3A_112, %add3A_113 : i32
        %dma_wait3A_115 = arith.constant 2 : i32
        %dma_wait3A_116 = arith.constant 0 : i32
        %dma_wait3A_117 = arith.constant 0 : i32
        %dma_wait3A_118 = tpu.memref_slice %arg9[%dma_wait3A_115, %dma_wait3A_116, %dma_wait3A_117] : memref<4x128x32xf32, #tpu.memory_space<vmem>> -> memref<1x128x32xf32, #tpu.memory_space<vmem>>
        %dma_wait3A_119 = tpu.memref_squeeze %dma_wait3A_118 : memref<1x128x32xf32, #tpu.memory_space<vmem>> -> memref<128x32xf32, #tpu.memory_space<vmem>>
        %dma_wait3A_120 = arith.constant 0 : i32
        %dma_wait3A_121 = tpu.memref_slice %arg7[%add3A_54, %dma_wait3A_120] : memref<144x128xi32, #tpu.memory_space<vmem>> -> memref<1x128xi32, #tpu.memory_space<vmem>>
        %dma_wait3A_122 = tpu.memref_squeeze %dma_wait3A_121 : memref<1x128xi32, #tpu.memory_space<vmem>> -> memref<128xi32, #tpu.memory_space<vmem>>
        %dma_wait3A_123 = arith.constant 0 : i32
        %dma_wait3A_124 = arith.constant 0 : i32
        %dma_wait3A_125 = tpu.memref_slice %arg4[%dma_wait3A_123, %dma_wait3A_124] : memref<10112x32xf32, #tpu.memory_space<hbm>> -> memref<10112x32xf32, #tpu.memory_space<hbm>>
        tpu.wait_indirect_dma semaphore(%arg13 : memref<!tpu.dma_semaphore, #tpu.memory_space<semaphore_mem>>) src(%dma_wait3A_125 : memref<10112x32xf32, #tpu.memory_space<hbm>>) dst(%dma_wait3A_119 : memref<128x32xf32, #tpu.memory_space<vmem>>)
        %run_scoped3A_126 = arith.constant 2 : i32
        "tpu.region"() ({
          %run_scoped3A_143 = tpu.sem_alloc : memref<!tpu.dma_semaphore, #tpu.memory_space<semaphore_mem>>
          %dma_start3A_144 = arith.constant 0 : i32
          %dma_start3A_145 = arith.constant 0 : i32
          %dma_start3A_146 = tpu.memref_slice %arg9[%run_scoped3A_126, %dma_start3A_144, %dma_start3A_145] : memref<4x128x32xf32, #tpu.memory_space<vmem>> -> memref<1x128x32xf32, #tpu.memory_space<vmem>>
          %dma_start3A_147 = tpu.memref_squeeze %dma_start3A_146 : memref<1x128x32xf32, #tpu.memory_space<vmem>> -> memref<128x32xf32, #tpu.memory_space<vmem>>
          %dma_start3A_148 = arith.constant 0 : i32
          %dma_start3A_149 = tpu.memref_slice %arg8[%add3A_114, %dma_start3A_148] : memref<144x128xi32, #tpu.memory_space<vmem>> -> memref<1x128xi32, #tpu.memory_space<vmem>>
          %dma_start3A_150 = tpu.memref_squeeze %dma_start3A_149 : memref<1x128xi32, #tpu.memory_space<vmem>> -> memref<128xi32, #tpu.memory_space<vmem>>
          %dma_start3A_151 = arith.constant 0 : i32
          %dma_start3A_152 = arith.constant 0 : i32
          %dma_start3A_153 = tpu.memref_slice %arg10[%dma_start3A_151, %dma_start3A_152] : memref<10112x32xf32, #tpu.memory_space<vmem_shared>> -> memref<10112x32xf32, #tpu.memory_space<vmem_shared>>
          tpu.enqueue_indirect_dma source(%dma_start3A_147 : memref<128x32xf32, #tpu.memory_space<vmem>>) target(%dma_start3A_153 : memref<10112x32xf32, #tpu.memory_space<vmem_shared>>) offsets(%dma_start3A_150 : memref<128xi32, #tpu.memory_space<vmem>>) semaphore(%run_scoped3A_143 : memref<!tpu.dma_semaphore, #tpu.memory_space<semaphore_mem>>) {add = true}
          %dma_wait3A_154 = arith.constant 0 : i32
          %dma_wait3A_155 = arith.constant 0 : i32
          %dma_wait3A_156 = tpu.memref_slice %arg9[%run_scoped3A_126, %dma_wait3A_154, %dma_wait3A_155] : memref<4x128x32xf32, #tpu.memory_space<vmem>> -> memref<1x128x32xf32, #tpu.memory_space<vmem>>
          %dma_wait3A_157 = tpu.memref_squeeze %dma_wait3A_156 : memref<1x128x32xf32, #tpu.memory_space<vmem>> -> memref<128x32xf32, #tpu.memory_space<vmem>>
          %dma_wait3A_158 = arith.constant 0 : i32
          %dma_wait3A_159 = tpu.memref_slice %arg8[%add3A_114, %dma_wait3A_158] : memref<144x128xi32, #tpu.memory_space<vmem>> -> memref<1x128xi32, #tpu.memory_space<vmem>>
          %dma_wait3A_160 = tpu.memref_squeeze %dma_wait3A_159 : memref<1x128xi32, #tpu.memory_space<vmem>> -> memref<128xi32, #tpu.memory_space<vmem>>
          %dma_wait3A_161 = arith.constant 0 : i32
          %dma_wait3A_162 = arith.constant 0 : i32
          %dma_wait3A_163 = tpu.memref_slice %arg10[%dma_wait3A_161, %dma_wait3A_162] : memref<10112x32xf32, #tpu.memory_space<vmem_shared>> -> memref<10112x32xf32, #tpu.memory_space<vmem_shared>>
          tpu.wait_indirect_dma semaphore(%run_scoped3A_143 : memref<!tpu.dma_semaphore, #tpu.memory_space<semaphore_mem>>) src(%dma_wait3A_157 : memref<128x32xf32, #tpu.memory_space<vmem>>) dst(%dma_wait3A_163 : memref<10112x32xf32, #tpu.memory_space<vmem_shared>>)
          tpu.yield
        }) : () -> ()
        %mul3A_127 = arith.constant 4 : i32
        %mul3A_128 = arith.muli %scan3A_21, %mul3A_127 : i32
        %add3A_129 = arith.constant 3 : i32
        %add3A_130 = arith.addi %mul3A_128, %add3A_129 : i32
        %dma_wait3A_131 = arith.constant 3 : i32
        %dma_wait3A_132 = arith.constant 0 : i32
        %dma_wait3A_133 = arith.constant 0 : i32
        %dma_wait3A_134 = tpu.memref_slice %arg9[%dma_wait3A_131, %dma_wait3A_132, %dma_wait3A_133] : memref<4x128x32xf32, #tpu.memory_space<vmem>> -> memref<1x128x32xf32, #tpu.memory_space<vmem>>
        %dma_wait3A_135 = tpu.memref_squeeze %dma_wait3A_134 : memref<1x128x32xf32, #tpu.memory_space<vmem>> -> memref<128x32xf32, #tpu.memory_space<vmem>>
        %dma_wait3A_136 = arith.constant 0 : i32
        %dma_wait3A_137 = tpu.memref_slice %arg7[%add3A_69, %dma_wait3A_136] : memref<144x128xi32, #tpu.memory_space<vmem>> -> memref<1x128xi32, #tpu.memory_space<vmem>>
        %dma_wait3A_138 = tpu.memref_squeeze %dma_wait3A_137 : memref<1x128xi32, #tpu.memory_space<vmem>> -> memref<128xi32, #tpu.memory_space<vmem>>
        %dma_wait3A_139 = arith.constant 0 : i32
        %dma_wait3A_140 = arith.constant 0 : i32
        %dma_wait3A_141 = tpu.memref_slice %arg4[%dma_wait3A_139, %dma_wait3A_140] : memref<10112x32xf32, #tpu.memory_space<hbm>> -> memref<10112x32xf32, #tpu.memory_space<hbm>>
        tpu.wait_indirect_dma semaphore(%arg14 : memref<!tpu.dma_semaphore, #tpu.memory_space<semaphore_mem>>) src(%dma_wait3A_141 : memref<10112x32xf32, #tpu.memory_space<hbm>>) dst(%dma_wait3A_135 : memref<128x32xf32, #tpu.memory_space<vmem>>)
        %run_scoped3A_142 = arith.constant 3 : i32
        "tpu.region"() ({
          %run_scoped3A_143 = tpu.sem_alloc : memref<!tpu.dma_semaphore, #tpu.memory_space<semaphore_mem>>
          %dma_start3A_144 = arith.constant 0 : i32
          %dma_start3A_145 = arith.constant 0 : i32
          %dma_start3A_146 = tpu.memref_slice %arg9[%run_scoped3A_142, %dma_start3A_144, %dma_start3A_145] : memref<4x128x32xf32, #tpu.memory_space<vmem>> -> memref<1x128x32xf32, #tpu.memory_space<vmem>>
          %dma_start3A_147 = tpu.memref_squeeze %dma_start3A_146 : memref<1x128x32xf32, #tpu.memory_space<vmem>> -> memref<128x32xf32, #tpu.memory_space<vmem>>
          %dma_start3A_148 = arith.constant 0 : i32
          %dma_start3A_149 = tpu.memref_slice %arg8[%add3A_130, %dma_start3A_148] : memref<144x128xi32, #tpu.memory_space<vmem>> -> memref<1x128xi32, #tpu.memory_space<vmem>>
          %dma_start3A_150 = tpu.memref_squeeze %dma_start3A_149 : memref<1x128xi32, #tpu.memory_space<vmem>> -> memref<128xi32, #tpu.memory_space<vmem>>
          %dma_start3A_151 = arith.constant 0 : i32
          %dma_start3A_152 = arith.constant 0 : i32
          %dma_start3A_153 = tpu.memref_slice %arg10[%dma_start3A_151, %dma_start3A_152] : memref<10112x32xf32, #tpu.memory_space<vmem_shared>> -> memref<10112x32xf32, #tpu.memory_space<vmem_shared>>
          tpu.enqueue_indirect_dma source(%dma_start3A_147 : memref<128x32xf32, #tpu.memory_space<vmem>>) target(%dma_start3A_153 : memref<10112x32xf32, #tpu.memory_space<vmem_shared>>) offsets(%dma_start3A_150 : memref<128xi32, #tpu.memory_space<vmem>>) semaphore(%run_scoped3A_143 : memref<!tpu.dma_semaphore, #tpu.memory_space<semaphore_mem>>) {add = true}
          %dma_wait3A_154 = arith.constant 0 : i32
          %dma_wait3A_155 = arith.constant 0 : i32
          %dma_wait3A_156 = tpu.memref_slice %arg9[%run_scoped3A_142, %dma_wait3A_154, %dma_wait3A_155] : memref<4x128x32xf32, #tpu.memory_space<vmem>> -> memref<1x128x32xf32, #tpu.memory_space<vmem>>
          %dma_wait3A_157 = tpu.memref_squeeze %dma_wait3A_156 : memref<1x128x32xf32, #tpu.memory_space<vmem>> -> memref<128x32xf32, #tpu.memory_space<vmem>>
          %dma_wait3A_158 = arith.constant 0 : i32
          %dma_wait3A_159 = tpu.memref_slice %arg8[%add3A_130, %dma_wait3A_158] : memref<144x128xi32, #tpu.memory_space<vmem>> -> memref<1x128xi32, #tpu.memory_space<vmem>>
          %dma_wait3A_160 = tpu.memref_squeeze %dma_wait3A_159 : memref<1x128xi32, #tpu.memory_space<vmem>> -> memref<128xi32, #tpu.memory_space<vmem>>
          %dma_wait3A_161 = arith.constant 0 : i32
          %dma_wait3A_162 = arith.constant 0 : i32
          %dma_wait3A_163 = tpu.memref_slice %arg10[%dma_wait3A_161, %dma_wait3A_162] : memref<10112x32xf32, #tpu.memory_space<vmem_shared>> -> memref<10112x32xf32, #tpu.memory_space<vmem_shared>>
          tpu.wait_indirect_dma semaphore(%run_scoped3A_143 : memref<!tpu.dma_semaphore, #tpu.memory_space<semaphore_mem>>) src(%dma_wait3A_157 : memref<128x32xf32, #tpu.memory_space<vmem>>) dst(%dma_wait3A_163 : memref<10112x32xf32, #tpu.memory_space<vmem_shared>>)
          tpu.yield
        }) : () -> ()
      }
      %scan3A_20 = arith.constant 4 : i32
    } else {
    }
    %barrier3A_8 = arith.constant 0 : index
    tpu.barrier barrier_id(%barrier3A_8)
    %mul3A_9 = arith.constant 632 : i32
    %mul3A_10 = arith.muli %arg1, %mul3A_9 : i32
    %mul3A_11 = arith.constant 632 : i32
    %mul3A_12 = arith.muli %arg1, %mul3A_11 : i32
    "tpu.region"() ({
      %run_scoped3A = tpu.sem_alloc : memref<!tpu.dma_semaphore, #tpu.memory_space<semaphore_mem>>
      %dma_start3A = arith.constant 0 : i32
      %dma_start3A_13 = tpu.memref_slice %arg6[%arg0, %mul3A_12, %dma_start3A] : memref<2x10112x32xf32, #tpu.memory_space<hbm>> -> memref<1x632x32xf32, #tpu.memory_space<hbm>>
      %dma_start3A_14 = tpu.memref_squeeze %dma_start3A_13 : memref<1x632x32xf32, #tpu.memory_space<hbm>> -> memref<632x32xf32, #tpu.memory_space<hbm>>
      %dma_start3A_15 = arith.constant 0 : i32
      %dma_start3A_16 = tpu.memref_slice %arg10[%mul3A_10, %dma_start3A_15] : memref<10112x32xf32, #tpu.memory_space<vmem_shared>> -> memref<632x32xf32, #tpu.memory_space<vmem_shared>>
      tpu.enqueue_dma source(%dma_start3A_16 : memref<632x32xf32, #tpu.memory_space<vmem_shared>>) target(%dma_start3A_14 : memref<632x32xf32, #tpu.memory_space<hbm>>) target_semaphore(%run_scoped3A : memref<!tpu.dma_semaphore, #tpu.memory_space<semaphore_mem>>)
      %dma_wait3A = arith.constant 0 : i32
      %dma_wait3A_17 = tpu.memref_slice %arg6[%arg0, %mul3A_12, %dma_wait3A] : memref<2x10112x32xf32, #tpu.memory_space<hbm>> -> memref<1x632x32xf32, #tpu.memory_space<hbm>>
      %dma_wait3A_18 = tpu.memref_squeeze %dma_wait3A_17 : memref<1x632x32xf32, #tpu.memory_space<hbm>> -> memref<632x32xf32, #tpu.memory_space<hbm>>
      %dma_wait3A_19 = arith.constant 0 : i32
      %dma_wait3A_20 = tpu.memref_slice %arg10[%mul3A_10, %dma_wait3A_19] : memref<10112x32xf32, #tpu.memory_space<vmem_shared>> -> memref<632x32xf32, #tpu.memory_space<vmem_shared>>
      tpu.wait_dma2 semaphore(%run_scoped3A : memref<!tpu.dma_semaphore, #tpu.memory_space<semaphore_mem>>) src(%dma_wait3A_20 : memref<632x32xf32, #tpu.memory_space<vmem_shared>>) dst(%dma_wait3A_18 : memref<632x32xf32, #tpu.memory_space<hbm>>)
      tpu.yield
    }) : () -> ()
    return
  }
}

#map = affine_map<(d0, d1) -> (0, 0)>
#map1 = affine_map<(d0, d1) -> (0, 0, 0)>
module attributes {stable_mosaic.version = 14 : i64} {
  func.func @_sc_agg_body(%arg0: i32, %arg1: i32, %arg2: memref<2560x128xi32, #tpu.memory_space<hbm>>, %arg3: memref<2560x128xi32, #tpu.memory_space<hbm>>, %arg4: memref<10112x16xf32, #tpu.memory_space<hbm>>, %arg5: memref<632x16xf32, #tpu.memory_space<hbm>>, %arg6: memref<2x10112x16xf32, #tpu.memory_space<hbm>>, %arg7: memref<144x128xi32, #tpu.memory_space<vmem>>, %arg8: memref<144x128xi32, #tpu.memory_space<vmem>>, %arg9: memref<4x128x16xf32, #tpu.memory_space<vmem>>, %arg10: memref<10112x16xf32, #tpu.memory_space<vmem_shared>>, %arg11: memref<!tpu.dma_semaphore, #tpu.memory_space<semaphore_mem>>, %arg12: memref<!tpu.dma_semaphore, #tpu.memory_space<semaphore_mem>>, %arg13: memref<!tpu.dma_semaphore, #tpu.memory_space<semaphore_mem>>, %arg14: memref<!tpu.dma_semaphore, #tpu.memory_space<semaphore_mem>>) attributes {dimension_semantics = [#tpu.dimension_semantics<core_parallel>, #tpu.dimension_semantics<subcore_parallel>], iteration_bounds = array<i64: 2, 16>, scalar_prefetch = 0 : i64, scratch_operands = 8 : i64, tpu.core_type = #tpu.core_type<sc_vector_subcore>, window_params = [{transform_indices = #map}, {transform_indices = #map}, {transform_indices = #map}, {transform_indices = #map}, {transform_indices = #map1}]} {
    %mul3A = arith.constant 632 : i32
    %mul3A_0 = arith.muli %arg1, %mul3A : i32
    "tpu.region"() ({
      %run_scoped3A = tpu.sem_alloc : memref<!tpu.dma_semaphore, #tpu.memory_space<semaphore_mem>>
      %dma_start3A = arith.constant 0 : i32
      %dma_start3A_13 = tpu.memref_slice %arg10[%mul3A_0, %dma_start3A] : memref<10112x16xf32, #tpu.memory_space<vmem_shared>> -> memref<632x16xf32, #tpu.memory_space<vmem_shared>>
      tpu.enqueue_dma source(%arg5 : memref<632x16xf32, #tpu.memory_space<hbm>>) target(%dma_start3A_13 : memref<632x16xf32, #tpu.memory_space<vmem_shared>>) target_semaphore(%run_scoped3A : memref<!tpu.dma_semaphore, #tpu.memory_space<semaphore_mem>>)
      %dma_wait3A = arith.constant 0 : i32
      %dma_wait3A_14 = tpu.memref_slice %arg10[%mul3A_0, %dma_wait3A] : memref<10112x16xf32, #tpu.memory_space<vmem_shared>> -> memref<632x16xf32, #tpu.memory_space<vmem_shared>>
      tpu.wait_dma2 semaphore(%run_scoped3A : memref<!tpu.dma_semaphore, #tpu.memory_space<semaphore_mem>>) src(%arg5 : memref<632x16xf32, #tpu.memory_space<hbm>>) dst(%dma_wait3A_14 : memref<632x16xf32, #tpu.memory_space<vmem_shared>>)
      tpu.yield
    }) : () -> ()
    %barrier3A = arith.constant 0 : index
    tpu.barrier barrier_id(%barrier3A)
    %eq3A = arith.constant 0 : i32
    %eq3A_1 = arith.cmpi eq, %arg0, %eq3A : i32
    %convert_element_type3A = arith.extui %eq3A_1 : i1 to i32
    %cond3A = arith.constant 0 : i32
    %cond3A_2 = arith.cmpi ne, %convert_element_type3A, %cond3A : i32
    scf.if %cond3A_2 {
      %mul3A_13 = arith.constant 144 : i32
      %mul3A_14 = arith.muli %arg1, %mul3A_13 : i32
      "tpu.region"() ({
        %run_scoped3A = tpu.sem_alloc : memref<!tpu.dma_semaphore, #tpu.memory_space<semaphore_mem>>
        %dma_start3A = arith.constant 0 : i32
        %dma_start3A_20 = arith.constant 0 : i32
        %dma_start3A_21 = tpu.memref_slice %arg7[%dma_start3A, %dma_start3A_20] : memref<144x128xi32, #tpu.memory_space<vmem>> -> memref<144x128xi32, #tpu.memory_space<vmem>>
        %dma_start3A_22 = arith.constant 0 : i32
        %dma_start3A_23 = tpu.memref_slice %arg2[%mul3A_14, %dma_start3A_22] : memref<2560x128xi32, #tpu.memory_space<hbm>> -> memref<144x128xi32, #tpu.memory_space<hbm>>
        %dma_start3A_24 = arith.constant 0 : i32
        %dma_start3A_25 = arith.constant 0 : i32
        %dma_start3A_26 = tpu.memref_slice %arg7[%dma_start3A_24, %dma_start3A_25] : memref<144x128xi32, #tpu.memory_space<vmem>> -> memref<144x128xi32, #tpu.memory_space<vmem>>
        %dma_start3A_27 = arith.constant 0 : i32
        %dma_start3A_28 = tpu.memref_slice %arg2[%mul3A_14, %dma_start3A_27] : memref<2560x128xi32, #tpu.memory_space<hbm>> -> memref<144x128xi32, #tpu.memory_space<hbm>>
        tpu.enqueue_dma source(%dma_start3A_28 : memref<144x128xi32, #tpu.memory_space<hbm>>) target(%dma_start3A_26 : memref<144x128xi32, #tpu.memory_space<vmem>>) target_semaphore(%run_scoped3A : memref<!tpu.dma_semaphore, #tpu.memory_space<semaphore_mem>>)
        %dma_wait3A = arith.constant 0 : i32
        %dma_wait3A_29 = arith.constant 0 : i32
        %dma_wait3A_30 = tpu.memref_slice %arg7[%dma_wait3A, %dma_wait3A_29] : memref<144x128xi32, #tpu.memory_space<vmem>> -> memref<144x128xi32, #tpu.memory_space<vmem>>
        %dma_wait3A_31 = arith.constant 0 : i32
        %dma_wait3A_32 = tpu.memref_slice %arg2[%mul3A_14, %dma_wait3A_31] : memref<2560x128xi32, #tpu.memory_space<hbm>> -> memref<144x128xi32, #tpu.memory_space<hbm>>
        %dma_wait3A_33 = arith.constant 0 : i32
        %dma_wait3A_34 = arith.constant 0 : i32
        %dma_wait3A_35 = tpu.memref_slice %arg7[%dma_wait3A_33, %dma_wait3A_34] : memref<144x128xi32, #tpu.memory_space<vmem>> -> memref<144x128xi32, #tpu.memory_space<vmem>>
        %dma_wait3A_36 = arith.constant 0 : i32
        %dma_wait3A_37 = tpu.memref_slice %arg2[%mul3A_14, %dma_wait3A_36] : memref<2560x128xi32, #tpu.memory_space<hbm>> -> memref<144x128xi32, #tpu.memory_space<hbm>>
        tpu.wait_dma2 semaphore(%run_scoped3A : memref<!tpu.dma_semaphore, #tpu.memory_space<semaphore_mem>>) src(%dma_wait3A_37 : memref<144x128xi32, #tpu.memory_space<hbm>>) dst(%dma_wait3A_35 : memref<144x128xi32, #tpu.memory_space<vmem>>)
        tpu.yield
      }) : () -> ()
      "tpu.region"() ({
        %run_scoped3A = tpu.sem_alloc : memref<!tpu.dma_semaphore, #tpu.memory_space<semaphore_mem>>
        %dma_start3A = arith.constant 0 : i32
        %dma_start3A_20 = arith.constant 0 : i32
        %dma_start3A_21 = tpu.memref_slice %arg8[%dma_start3A, %dma_start3A_20] : memref<144x128xi32, #tpu.memory_space<vmem>> -> memref<144x128xi32, #tpu.memory_space<vmem>>
        %dma_start3A_22 = arith.constant 0 : i32
        %dma_start3A_23 = tpu.memref_slice %arg3[%mul3A_14, %dma_start3A_22] : memref<2560x128xi32, #tpu.memory_space<hbm>> -> memref<144x128xi32, #tpu.memory_space<hbm>>
        %dma_start3A_24 = arith.constant 0 : i32
        %dma_start3A_25 = arith.constant 0 : i32
        %dma_start3A_26 = tpu.memref_slice %arg8[%dma_start3A_24, %dma_start3A_25] : memref<144x128xi32, #tpu.memory_space<vmem>> -> memref<144x128xi32, #tpu.memory_space<vmem>>
        %dma_start3A_27 = arith.constant 0 : i32
        %dma_start3A_28 = tpu.memref_slice %arg3[%mul3A_14, %dma_start3A_27] : memref<2560x128xi32, #tpu.memory_space<hbm>> -> memref<144x128xi32, #tpu.memory_space<hbm>>
        tpu.enqueue_dma source(%dma_start3A_28 : memref<144x128xi32, #tpu.memory_space<hbm>>) target(%dma_start3A_26 : memref<144x128xi32, #tpu.memory_space<vmem>>) target_semaphore(%run_scoped3A : memref<!tpu.dma_semaphore, #tpu.memory_space<semaphore_mem>>)
        %dma_wait3A = arith.constant 0 : i32
        %dma_wait3A_29 = arith.constant 0 : i32
        %dma_wait3A_30 = tpu.memref_slice %arg8[%dma_wait3A, %dma_wait3A_29] : memref<144x128xi32, #tpu.memory_space<vmem>> -> memref<144x128xi32, #tpu.memory_space<vmem>>
        %dma_wait3A_31 = arith.constant 0 : i32
        %dma_wait3A_32 = tpu.memref_slice %arg3[%mul3A_14, %dma_wait3A_31] : memref<2560x128xi32, #tpu.memory_space<hbm>> -> memref<144x128xi32, #tpu.memory_space<hbm>>
        %dma_wait3A_33 = arith.constant 0 : i32
        %dma_wait3A_34 = arith.constant 0 : i32
        %dma_wait3A_35 = tpu.memref_slice %arg8[%dma_wait3A_33, %dma_wait3A_34] : memref<144x128xi32, #tpu.memory_space<vmem>> -> memref<144x128xi32, #tpu.memory_space<vmem>>
        %dma_wait3A_36 = arith.constant 0 : i32
        %dma_wait3A_37 = tpu.memref_slice %arg3[%mul3A_14, %dma_wait3A_36] : memref<2560x128xi32, #tpu.memory_space<hbm>> -> memref<144x128xi32, #tpu.memory_space<hbm>>
        tpu.wait_dma2 semaphore(%run_scoped3A : memref<!tpu.dma_semaphore, #tpu.memory_space<semaphore_mem>>) src(%dma_wait3A_37 : memref<144x128xi32, #tpu.memory_space<hbm>>) dst(%dma_wait3A_35 : memref<144x128xi32, #tpu.memory_space<vmem>>)
        tpu.yield
      }) : () -> ()
      %scan3A = arith.constant 0 : i32
      %scan3A_15 = arith.constant 0 : i32
      %scan3A_16 = arith.constant 36 : i32
      %scan3A_17 = arith.addi %scan3A_15, %scan3A_16 : i32
      %scan3A_18 = arith.constant 1 : i32
      scf.for %scan3A_20 = %scan3A_15 to %scan3A_17 step %scan3A_18  : i32 {
        %mul3A_21 = arith.constant 4 : i32
        %mul3A_22 = arith.muli %scan3A_20, %mul3A_21 : i32
        %add3A = arith.constant 0 : i32
        %add3A_23 = arith.addi %mul3A_22, %add3A : i32
        %dma_start3A = arith.constant 0 : i32
        %dma_start3A_24 = arith.constant 0 : i32
        %dma_start3A_25 = arith.constant 0 : i32
        %dma_start3A_26 = tpu.memref_slice %arg9[%dma_start3A, %dma_start3A_24, %dma_start3A_25] : memref<4x128x16xf32, #tpu.memory_space<vmem>> -> memref<1x128x16xf32, #tpu.memory_space<vmem>>
        %dma_start3A_27 = tpu.memref_squeeze %dma_start3A_26 : memref<1x128x16xf32, #tpu.memory_space<vmem>> -> memref<128x16xf32, #tpu.memory_space<vmem>>
        %dma_start3A_28 = arith.constant 0 : i32
        %dma_start3A_29 = tpu.memref_slice %arg7[%add3A_23, %dma_start3A_28] : memref<144x128xi32, #tpu.memory_space<vmem>> -> memref<1x128xi32, #tpu.memory_space<vmem>>
        %dma_start3A_30 = tpu.memref_squeeze %dma_start3A_29 : memref<1x128xi32, #tpu.memory_space<vmem>> -> memref<128xi32, #tpu.memory_space<vmem>>
        %dma_start3A_31 = arith.constant 0 : i32
        %dma_start3A_32 = arith.constant 0 : i32
        %dma_start3A_33 = tpu.memref_slice %arg4[%dma_start3A_31, %dma_start3A_32] : memref<10112x16xf32, #tpu.memory_space<hbm>> -> memref<10112x16xf32, #tpu.memory_space<hbm>>
        tpu.enqueue_indirect_dma source(%dma_start3A_33 : memref<10112x16xf32, #tpu.memory_space<hbm>>) target(%dma_start3A_27 : memref<128x16xf32, #tpu.memory_space<vmem>>) offsets(%dma_start3A_30 : memref<128xi32, #tpu.memory_space<vmem>>) semaphore(%arg11 : memref<!tpu.dma_semaphore, #tpu.memory_space<semaphore_mem>>)
        %mul3A_34 = arith.constant 4 : i32
        %mul3A_35 = arith.muli %scan3A_20, %mul3A_34 : i32
        %add3A_36 = arith.constant 1 : i32
        %add3A_37 = arith.addi %mul3A_35, %add3A_36 : i32
        %dma_start3A_38 = arith.constant 1 : i32
        %dma_start3A_39 = arith.constant 0 : i32
        %dma_start3A_40 = arith.constant 0 : i32
        %dma_start3A_41 = tpu.memref_slice %arg9[%dma_start3A_38, %dma_start3A_39, %dma_start3A_40] : memref<4x128x16xf32, #tpu.memory_space<vmem>> -> memref<1x128x16xf32, #tpu.memory_space<vmem>>
        %dma_start3A_42 = tpu.memref_squeeze %dma_start3A_41 : memref<1x128x16xf32, #tpu.memory_space<vmem>> -> memref<128x16xf32, #tpu.memory_space<vmem>>
        %dma_start3A_43 = arith.constant 0 : i32
        %dma_start3A_44 = tpu.memref_slice %arg7[%add3A_37, %dma_start3A_43] : memref<144x128xi32, #tpu.memory_space<vmem>> -> memref<1x128xi32, #tpu.memory_space<vmem>>
        %dma_start3A_45 = tpu.memref_squeeze %dma_start3A_44 : memref<1x128xi32, #tpu.memory_space<vmem>> -> memref<128xi32, #tpu.memory_space<vmem>>
        %dma_start3A_46 = arith.constant 0 : i32
        %dma_start3A_47 = arith.constant 0 : i32
        %dma_start3A_48 = tpu.memref_slice %arg4[%dma_start3A_46, %dma_start3A_47] : memref<10112x16xf32, #tpu.memory_space<hbm>> -> memref<10112x16xf32, #tpu.memory_space<hbm>>
        tpu.enqueue_indirect_dma source(%dma_start3A_48 : memref<10112x16xf32, #tpu.memory_space<hbm>>) target(%dma_start3A_42 : memref<128x16xf32, #tpu.memory_space<vmem>>) offsets(%dma_start3A_45 : memref<128xi32, #tpu.memory_space<vmem>>) semaphore(%arg12 : memref<!tpu.dma_semaphore, #tpu.memory_space<semaphore_mem>>)
        %mul3A_49 = arith.constant 4 : i32
        %mul3A_50 = arith.muli %scan3A_20, %mul3A_49 : i32
        %add3A_51 = arith.constant 2 : i32
        %add3A_52 = arith.addi %mul3A_50, %add3A_51 : i32
        %dma_start3A_53 = arith.constant 2 : i32
        %dma_start3A_54 = arith.constant 0 : i32
        %dma_start3A_55 = arith.constant 0 : i32
        %dma_start3A_56 = tpu.memref_slice %arg9[%dma_start3A_53, %dma_start3A_54, %dma_start3A_55] : memref<4x128x16xf32, #tpu.memory_space<vmem>> -> memref<1x128x16xf32, #tpu.memory_space<vmem>>
        %dma_start3A_57 = tpu.memref_squeeze %dma_start3A_56 : memref<1x128x16xf32, #tpu.memory_space<vmem>> -> memref<128x16xf32, #tpu.memory_space<vmem>>
        %dma_start3A_58 = arith.constant 0 : i32
        %dma_start3A_59 = tpu.memref_slice %arg7[%add3A_52, %dma_start3A_58] : memref<144x128xi32, #tpu.memory_space<vmem>> -> memref<1x128xi32, #tpu.memory_space<vmem>>
        %dma_start3A_60 = tpu.memref_squeeze %dma_start3A_59 : memref<1x128xi32, #tpu.memory_space<vmem>> -> memref<128xi32, #tpu.memory_space<vmem>>
        %dma_start3A_61 = arith.constant 0 : i32
        %dma_start3A_62 = arith.constant 0 : i32
        %dma_start3A_63 = tpu.memref_slice %arg4[%dma_start3A_61, %dma_start3A_62] : memref<10112x16xf32, #tpu.memory_space<hbm>> -> memref<10112x16xf32, #tpu.memory_space<hbm>>
        tpu.enqueue_indirect_dma source(%dma_start3A_63 : memref<10112x16xf32, #tpu.memory_space<hbm>>) target(%dma_start3A_57 : memref<128x16xf32, #tpu.memory_space<vmem>>) offsets(%dma_start3A_60 : memref<128xi32, #tpu.memory_space<vmem>>) semaphore(%arg13 : memref<!tpu.dma_semaphore, #tpu.memory_space<semaphore_mem>>)
        %mul3A_64 = arith.constant 4 : i32
        %mul3A_65 = arith.muli %scan3A_20, %mul3A_64 : i32
        %add3A_66 = arith.constant 3 : i32
        %add3A_67 = arith.addi %mul3A_65, %add3A_66 : i32
        %dma_start3A_68 = arith.constant 3 : i32
        %dma_start3A_69 = arith.constant 0 : i32
        %dma_start3A_70 = arith.constant 0 : i32
        %dma_start3A_71 = tpu.memref_slice %arg9[%dma_start3A_68, %dma_start3A_69, %dma_start3A_70] : memref<4x128x16xf32, #tpu.memory_space<vmem>> -> memref<1x128x16xf32, #tpu.memory_space<vmem>>
        %dma_start3A_72 = tpu.memref_squeeze %dma_start3A_71 : memref<1x128x16xf32, #tpu.memory_space<vmem>> -> memref<128x16xf32, #tpu.memory_space<vmem>>
        %dma_start3A_73 = arith.constant 0 : i32
        %dma_start3A_74 = tpu.memref_slice %arg7[%add3A_67, %dma_start3A_73] : memref<144x128xi32, #tpu.memory_space<vmem>> -> memref<1x128xi32, #tpu.memory_space<vmem>>
        %dma_start3A_75 = tpu.memref_squeeze %dma_start3A_74 : memref<1x128xi32, #tpu.memory_space<vmem>> -> memref<128xi32, #tpu.memory_space<vmem>>
        %dma_start3A_76 = arith.constant 0 : i32
        %dma_start3A_77 = arith.constant 0 : i32
        %dma_start3A_78 = tpu.memref_slice %arg4[%dma_start3A_76, %dma_start3A_77] : memref<10112x16xf32, #tpu.memory_space<hbm>> -> memref<10112x16xf32, #tpu.memory_space<hbm>>
        tpu.enqueue_indirect_dma source(%dma_start3A_78 : memref<10112x16xf32, #tpu.memory_space<hbm>>) target(%dma_start3A_72 : memref<128x16xf32, #tpu.memory_space<vmem>>) offsets(%dma_start3A_75 : memref<128xi32, #tpu.memory_space<vmem>>) semaphore(%arg14 : memref<!tpu.dma_semaphore, #tpu.memory_space<semaphore_mem>>)
        %mul3A_79 = arith.constant 4 : i32
        %mul3A_80 = arith.muli %scan3A_20, %mul3A_79 : i32
        %add3A_81 = arith.constant 0 : i32
        %add3A_82 = arith.addi %mul3A_80, %add3A_81 : i32
        %dma_wait3A = arith.constant 0 : i32
        %dma_wait3A_83 = arith.constant 0 : i32
        %dma_wait3A_84 = arith.constant 0 : i32
        %dma_wait3A_85 = tpu.memref_slice %arg9[%dma_wait3A, %dma_wait3A_83, %dma_wait3A_84] : memref<4x128x16xf32, #tpu.memory_space<vmem>> -> memref<1x128x16xf32, #tpu.memory_space<vmem>>
        %dma_wait3A_86 = tpu.memref_squeeze %dma_wait3A_85 : memref<1x128x16xf32, #tpu.memory_space<vmem>> -> memref<128x16xf32, #tpu.memory_space<vmem>>
        %dma_wait3A_87 = arith.constant 0 : i32
        %dma_wait3A_88 = tpu.memref_slice %arg7[%add3A_23, %dma_wait3A_87] : memref<144x128xi32, #tpu.memory_space<vmem>> -> memref<1x128xi32, #tpu.memory_space<vmem>>
        %dma_wait3A_89 = tpu.memref_squeeze %dma_wait3A_88 : memref<1x128xi32, #tpu.memory_space<vmem>> -> memref<128xi32, #tpu.memory_space<vmem>>
        %dma_wait3A_90 = arith.constant 0 : i32
        %dma_wait3A_91 = arith.constant 0 : i32
        %dma_wait3A_92 = tpu.memref_slice %arg4[%dma_wait3A_90, %dma_wait3A_91] : memref<10112x16xf32, #tpu.memory_space<hbm>> -> memref<10112x16xf32, #tpu.memory_space<hbm>>
        tpu.wait_indirect_dma semaphore(%arg11 : memref<!tpu.dma_semaphore, #tpu.memory_space<semaphore_mem>>) src(%dma_wait3A_92 : memref<10112x16xf32, #tpu.memory_space<hbm>>) dst(%dma_wait3A_86 : memref<128x16xf32, #tpu.memory_space<vmem>>)
        %run_scoped3A = arith.constant 0 : i32
        "tpu.region"() ({
          %run_scoped3A_141 = tpu.sem_alloc : memref<!tpu.dma_semaphore, #tpu.memory_space<semaphore_mem>>
          %dma_start3A_142 = arith.constant 0 : i32
          %dma_start3A_143 = arith.constant 0 : i32
          %dma_start3A_144 = tpu.memref_slice %arg9[%run_scoped3A, %dma_start3A_142, %dma_start3A_143] : memref<4x128x16xf32, #tpu.memory_space<vmem>> -> memref<1x128x16xf32, #tpu.memory_space<vmem>>
          %dma_start3A_145 = tpu.memref_squeeze %dma_start3A_144 : memref<1x128x16xf32, #tpu.memory_space<vmem>> -> memref<128x16xf32, #tpu.memory_space<vmem>>
          %dma_start3A_146 = arith.constant 0 : i32
          %dma_start3A_147 = tpu.memref_slice %arg8[%add3A_82, %dma_start3A_146] : memref<144x128xi32, #tpu.memory_space<vmem>> -> memref<1x128xi32, #tpu.memory_space<vmem>>
          %dma_start3A_148 = tpu.memref_squeeze %dma_start3A_147 : memref<1x128xi32, #tpu.memory_space<vmem>> -> memref<128xi32, #tpu.memory_space<vmem>>
          %dma_start3A_149 = arith.constant 0 : i32
          %dma_start3A_150 = arith.constant 0 : i32
          %dma_start3A_151 = tpu.memref_slice %arg10[%dma_start3A_149, %dma_start3A_150] : memref<10112x16xf32, #tpu.memory_space<vmem_shared>> -> memref<10112x16xf32, #tpu.memory_space<vmem_shared>>
          tpu.enqueue_indirect_dma source(%dma_start3A_145 : memref<128x16xf32, #tpu.memory_space<vmem>>) target(%dma_start3A_151 : memref<10112x16xf32, #tpu.memory_space<vmem_shared>>) offsets(%dma_start3A_148 : memref<128xi32, #tpu.memory_space<vmem>>) semaphore(%run_scoped3A_141 : memref<!tpu.dma_semaphore, #tpu.memory_space<semaphore_mem>>) {add = true}
          %dma_wait3A_152 = arith.constant 0 : i32
          %dma_wait3A_153 = arith.constant 0 : i32
          %dma_wait3A_154 = tpu.memref_slice %arg9[%run_scoped3A, %dma_wait3A_152, %dma_wait3A_153] : memref<4x128x16xf32, #tpu.memory_space<vmem>> -> memref<1x128x16xf32, #tpu.memory_space<vmem>>
          %dma_wait3A_155 = tpu.memref_squeeze %dma_wait3A_154 : memref<1x128x16xf32, #tpu.memory_space<vmem>> -> memref<128x16xf32, #tpu.memory_space<vmem>>
          %dma_wait3A_156 = arith.constant 0 : i32
          %dma_wait3A_157 = tpu.memref_slice %arg8[%add3A_82, %dma_wait3A_156] : memref<144x128xi32, #tpu.memory_space<vmem>> -> memref<1x128xi32, #tpu.memory_space<vmem>>
          %dma_wait3A_158 = tpu.memref_squeeze %dma_wait3A_157 : memref<1x128xi32, #tpu.memory_space<vmem>> -> memref<128xi32, #tpu.memory_space<vmem>>
          %dma_wait3A_159 = arith.constant 0 : i32
          %dma_wait3A_160 = arith.constant 0 : i32
          %dma_wait3A_161 = tpu.memref_slice %arg10[%dma_wait3A_159, %dma_wait3A_160] : memref<10112x16xf32, #tpu.memory_space<vmem_shared>> -> memref<10112x16xf32, #tpu.memory_space<vmem_shared>>
          tpu.wait_indirect_dma semaphore(%run_scoped3A_141 : memref<!tpu.dma_semaphore, #tpu.memory_space<semaphore_mem>>) src(%dma_wait3A_155 : memref<128x16xf32, #tpu.memory_space<vmem>>) dst(%dma_wait3A_161 : memref<10112x16xf32, #tpu.memory_space<vmem_shared>>)
          tpu.yield
        }) : () -> ()
        %mul3A_93 = arith.constant 4 : i32
        %mul3A_94 = arith.muli %scan3A_20, %mul3A_93 : i32
        %add3A_95 = arith.constant 1 : i32
        %add3A_96 = arith.addi %mul3A_94, %add3A_95 : i32
        %dma_wait3A_97 = arith.constant 1 : i32
        %dma_wait3A_98 = arith.constant 0 : i32
        %dma_wait3A_99 = arith.constant 0 : i32
        %dma_wait3A_100 = tpu.memref_slice %arg9[%dma_wait3A_97, %dma_wait3A_98, %dma_wait3A_99] : memref<4x128x16xf32, #tpu.memory_space<vmem>> -> memref<1x128x16xf32, #tpu.memory_space<vmem>>
        %dma_wait3A_101 = tpu.memref_squeeze %dma_wait3A_100 : memref<1x128x16xf32, #tpu.memory_space<vmem>> -> memref<128x16xf32, #tpu.memory_space<vmem>>
        %dma_wait3A_102 = arith.constant 0 : i32
        %dma_wait3A_103 = tpu.memref_slice %arg7[%add3A_37, %dma_wait3A_102] : memref<144x128xi32, #tpu.memory_space<vmem>> -> memref<1x128xi32, #tpu.memory_space<vmem>>
        %dma_wait3A_104 = tpu.memref_squeeze %dma_wait3A_103 : memref<1x128xi32, #tpu.memory_space<vmem>> -> memref<128xi32, #tpu.memory_space<vmem>>
        %dma_wait3A_105 = arith.constant 0 : i32
        %dma_wait3A_106 = arith.constant 0 : i32
        %dma_wait3A_107 = tpu.memref_slice %arg4[%dma_wait3A_105, %dma_wait3A_106] : memref<10112x16xf32, #tpu.memory_space<hbm>> -> memref<10112x16xf32, #tpu.memory_space<hbm>>
        tpu.wait_indirect_dma semaphore(%arg12 : memref<!tpu.dma_semaphore, #tpu.memory_space<semaphore_mem>>) src(%dma_wait3A_107 : memref<10112x16xf32, #tpu.memory_space<hbm>>) dst(%dma_wait3A_101 : memref<128x16xf32, #tpu.memory_space<vmem>>)
        %run_scoped3A_108 = arith.constant 1 : i32
        "tpu.region"() ({
          %run_scoped3A_141 = tpu.sem_alloc : memref<!tpu.dma_semaphore, #tpu.memory_space<semaphore_mem>>
          %dma_start3A_142 = arith.constant 0 : i32
          %dma_start3A_143 = arith.constant 0 : i32
          %dma_start3A_144 = tpu.memref_slice %arg9[%run_scoped3A_108, %dma_start3A_142, %dma_start3A_143] : memref<4x128x16xf32, #tpu.memory_space<vmem>> -> memref<1x128x16xf32, #tpu.memory_space<vmem>>
          %dma_start3A_145 = tpu.memref_squeeze %dma_start3A_144 : memref<1x128x16xf32, #tpu.memory_space<vmem>> -> memref<128x16xf32, #tpu.memory_space<vmem>>
          %dma_start3A_146 = arith.constant 0 : i32
          %dma_start3A_147 = tpu.memref_slice %arg8[%add3A_96, %dma_start3A_146] : memref<144x128xi32, #tpu.memory_space<vmem>> -> memref<1x128xi32, #tpu.memory_space<vmem>>
          %dma_start3A_148 = tpu.memref_squeeze %dma_start3A_147 : memref<1x128xi32, #tpu.memory_space<vmem>> -> memref<128xi32, #tpu.memory_space<vmem>>
          %dma_start3A_149 = arith.constant 0 : i32
          %dma_start3A_150 = arith.constant 0 : i32
          %dma_start3A_151 = tpu.memref_slice %arg10[%dma_start3A_149, %dma_start3A_150] : memref<10112x16xf32, #tpu.memory_space<vmem_shared>> -> memref<10112x16xf32, #tpu.memory_space<vmem_shared>>
          tpu.enqueue_indirect_dma source(%dma_start3A_145 : memref<128x16xf32, #tpu.memory_space<vmem>>) target(%dma_start3A_151 : memref<10112x16xf32, #tpu.memory_space<vmem_shared>>) offsets(%dma_start3A_148 : memref<128xi32, #tpu.memory_space<vmem>>) semaphore(%run_scoped3A_141 : memref<!tpu.dma_semaphore, #tpu.memory_space<semaphore_mem>>) {add = true}
          %dma_wait3A_152 = arith.constant 0 : i32
          %dma_wait3A_153 = arith.constant 0 : i32
          %dma_wait3A_154 = tpu.memref_slice %arg9[%run_scoped3A_108, %dma_wait3A_152, %dma_wait3A_153] : memref<4x128x16xf32, #tpu.memory_space<vmem>> -> memref<1x128x16xf32, #tpu.memory_space<vmem>>
          %dma_wait3A_155 = tpu.memref_squeeze %dma_wait3A_154 : memref<1x128x16xf32, #tpu.memory_space<vmem>> -> memref<128x16xf32, #tpu.memory_space<vmem>>
          %dma_wait3A_156 = arith.constant 0 : i32
          %dma_wait3A_157 = tpu.memref_slice %arg8[%add3A_96, %dma_wait3A_156] : memref<144x128xi32, #tpu.memory_space<vmem>> -> memref<1x128xi32, #tpu.memory_space<vmem>>
          %dma_wait3A_158 = tpu.memref_squeeze %dma_wait3A_157 : memref<1x128xi32, #tpu.memory_space<vmem>> -> memref<128xi32, #tpu.memory_space<vmem>>
          %dma_wait3A_159 = arith.constant 0 : i32
          %dma_wait3A_160 = arith.constant 0 : i32
          %dma_wait3A_161 = tpu.memref_slice %arg10[%dma_wait3A_159, %dma_wait3A_160] : memref<10112x16xf32, #tpu.memory_space<vmem_shared>> -> memref<10112x16xf32, #tpu.memory_space<vmem_shared>>
          tpu.wait_indirect_dma semaphore(%run_scoped3A_141 : memref<!tpu.dma_semaphore, #tpu.memory_space<semaphore_mem>>) src(%dma_wait3A_155 : memref<128x16xf32, #tpu.memory_space<vmem>>) dst(%dma_wait3A_161 : memref<10112x16xf32, #tpu.memory_space<vmem_shared>>)
          tpu.yield
        }) : () -> ()
        %mul3A_109 = arith.constant 4 : i32
        %mul3A_110 = arith.muli %scan3A_20, %mul3A_109 : i32
        %add3A_111 = arith.constant 2 : i32
        %add3A_112 = arith.addi %mul3A_110, %add3A_111 : i32
        %dma_wait3A_113 = arith.constant 2 : i32
        %dma_wait3A_114 = arith.constant 0 : i32
        %dma_wait3A_115 = arith.constant 0 : i32
        %dma_wait3A_116 = tpu.memref_slice %arg9[%dma_wait3A_113, %dma_wait3A_114, %dma_wait3A_115] : memref<4x128x16xf32, #tpu.memory_space<vmem>> -> memref<1x128x16xf32, #tpu.memory_space<vmem>>
        %dma_wait3A_117 = tpu.memref_squeeze %dma_wait3A_116 : memref<1x128x16xf32, #tpu.memory_space<vmem>> -> memref<128x16xf32, #tpu.memory_space<vmem>>
        %dma_wait3A_118 = arith.constant 0 : i32
        %dma_wait3A_119 = tpu.memref_slice %arg7[%add3A_52, %dma_wait3A_118] : memref<144x128xi32, #tpu.memory_space<vmem>> -> memref<1x128xi32, #tpu.memory_space<vmem>>
        %dma_wait3A_120 = tpu.memref_squeeze %dma_wait3A_119 : memref<1x128xi32, #tpu.memory_space<vmem>> -> memref<128xi32, #tpu.memory_space<vmem>>
        %dma_wait3A_121 = arith.constant 0 : i32
        %dma_wait3A_122 = arith.constant 0 : i32
        %dma_wait3A_123 = tpu.memref_slice %arg4[%dma_wait3A_121, %dma_wait3A_122] : memref<10112x16xf32, #tpu.memory_space<hbm>> -> memref<10112x16xf32, #tpu.memory_space<hbm>>
        tpu.wait_indirect_dma semaphore(%arg13 : memref<!tpu.dma_semaphore, #tpu.memory_space<semaphore_mem>>) src(%dma_wait3A_123 : memref<10112x16xf32, #tpu.memory_space<hbm>>) dst(%dma_wait3A_117 : memref<128x16xf32, #tpu.memory_space<vmem>>)
        %run_scoped3A_124 = arith.constant 2 : i32
        "tpu.region"() ({
          %run_scoped3A_141 = tpu.sem_alloc : memref<!tpu.dma_semaphore, #tpu.memory_space<semaphore_mem>>
          %dma_start3A_142 = arith.constant 0 : i32
          %dma_start3A_143 = arith.constant 0 : i32
          %dma_start3A_144 = tpu.memref_slice %arg9[%run_scoped3A_124, %dma_start3A_142, %dma_start3A_143] : memref<4x128x16xf32, #tpu.memory_space<vmem>> -> memref<1x128x16xf32, #tpu.memory_space<vmem>>
          %dma_start3A_145 = tpu.memref_squeeze %dma_start3A_144 : memref<1x128x16xf32, #tpu.memory_space<vmem>> -> memref<128x16xf32, #tpu.memory_space<vmem>>
          %dma_start3A_146 = arith.constant 0 : i32
          %dma_start3A_147 = tpu.memref_slice %arg8[%add3A_112, %dma_start3A_146] : memref<144x128xi32, #tpu.memory_space<vmem>> -> memref<1x128xi32, #tpu.memory_space<vmem>>
          %dma_start3A_148 = tpu.memref_squeeze %dma_start3A_147 : memref<1x128xi32, #tpu.memory_space<vmem>> -> memref<128xi32, #tpu.memory_space<vmem>>
          %dma_start3A_149 = arith.constant 0 : i32
          %dma_start3A_150 = arith.constant 0 : i32
          %dma_start3A_151 = tpu.memref_slice %arg10[%dma_start3A_149, %dma_start3A_150] : memref<10112x16xf32, #tpu.memory_space<vmem_shared>> -> memref<10112x16xf32, #tpu.memory_space<vmem_shared>>
          tpu.enqueue_indirect_dma source(%dma_start3A_145 : memref<128x16xf32, #tpu.memory_space<vmem>>) target(%dma_start3A_151 : memref<10112x16xf32, #tpu.memory_space<vmem_shared>>) offsets(%dma_start3A_148 : memref<128xi32, #tpu.memory_space<vmem>>) semaphore(%run_scoped3A_141 : memref<!tpu.dma_semaphore, #tpu.memory_space<semaphore_mem>>) {add = true}
          %dma_wait3A_152 = arith.constant 0 : i32
          %dma_wait3A_153 = arith.constant 0 : i32
          %dma_wait3A_154 = tpu.memref_slice %arg9[%run_scoped3A_124, %dma_wait3A_152, %dma_wait3A_153] : memref<4x128x16xf32, #tpu.memory_space<vmem>> -> memref<1x128x16xf32, #tpu.memory_space<vmem>>
          %dma_wait3A_155 = tpu.memref_squeeze %dma_wait3A_154 : memref<1x128x16xf32, #tpu.memory_space<vmem>> -> memref<128x16xf32, #tpu.memory_space<vmem>>
          %dma_wait3A_156 = arith.constant 0 : i32
          %dma_wait3A_157 = tpu.memref_slice %arg8[%add3A_112, %dma_wait3A_156] : memref<144x128xi32, #tpu.memory_space<vmem>> -> memref<1x128xi32, #tpu.memory_space<vmem>>
          %dma_wait3A_158 = tpu.memref_squeeze %dma_wait3A_157 : memref<1x128xi32, #tpu.memory_space<vmem>> -> memref<128xi32, #tpu.memory_space<vmem>>
          %dma_wait3A_159 = arith.constant 0 : i32
          %dma_wait3A_160 = arith.constant 0 : i32
          %dma_wait3A_161 = tpu.memref_slice %arg10[%dma_wait3A_159, %dma_wait3A_160] : memref<10112x16xf32, #tpu.memory_space<vmem_shared>> -> memref<10112x16xf32, #tpu.memory_space<vmem_shared>>
          tpu.wait_indirect_dma semaphore(%run_scoped3A_141 : memref<!tpu.dma_semaphore, #tpu.memory_space<semaphore_mem>>) src(%dma_wait3A_155 : memref<128x16xf32, #tpu.memory_space<vmem>>) dst(%dma_wait3A_161 : memref<10112x16xf32, #tpu.memory_space<vmem_shared>>)
          tpu.yield
        }) : () -> ()
        %mul3A_125 = arith.constant 4 : i32
        %mul3A_126 = arith.muli %scan3A_20, %mul3A_125 : i32
        %add3A_127 = arith.constant 3 : i32
        %add3A_128 = arith.addi %mul3A_126, %add3A_127 : i32
        %dma_wait3A_129 = arith.constant 3 : i32
        %dma_wait3A_130 = arith.constant 0 : i32
        %dma_wait3A_131 = arith.constant 0 : i32
        %dma_wait3A_132 = tpu.memref_slice %arg9[%dma_wait3A_129, %dma_wait3A_130, %dma_wait3A_131] : memref<4x128x16xf32, #tpu.memory_space<vmem>> -> memref<1x128x16xf32, #tpu.memory_space<vmem>>
        %dma_wait3A_133 = tpu.memref_squeeze %dma_wait3A_132 : memref<1x128x16xf32, #tpu.memory_space<vmem>> -> memref<128x16xf32, #tpu.memory_space<vmem>>
        %dma_wait3A_134 = arith.constant 0 : i32
        %dma_wait3A_135 = tpu.memref_slice %arg7[%add3A_67, %dma_wait3A_134] : memref<144x128xi32, #tpu.memory_space<vmem>> -> memref<1x128xi32, #tpu.memory_space<vmem>>
        %dma_wait3A_136 = tpu.memref_squeeze %dma_wait3A_135 : memref<1x128xi32, #tpu.memory_space<vmem>> -> memref<128xi32, #tpu.memory_space<vmem>>
        %dma_wait3A_137 = arith.constant 0 : i32
        %dma_wait3A_138 = arith.constant 0 : i32
        %dma_wait3A_139 = tpu.memref_slice %arg4[%dma_wait3A_137, %dma_wait3A_138] : memref<10112x16xf32, #tpu.memory_space<hbm>> -> memref<10112x16xf32, #tpu.memory_space<hbm>>
        tpu.wait_indirect_dma semaphore(%arg14 : memref<!tpu.dma_semaphore, #tpu.memory_space<semaphore_mem>>) src(%dma_wait3A_139 : memref<10112x16xf32, #tpu.memory_space<hbm>>) dst(%dma_wait3A_133 : memref<128x16xf32, #tpu.memory_space<vmem>>)
        %run_scoped3A_140 = arith.constant 3 : i32
        "tpu.region"() ({
          %run_scoped3A_141 = tpu.sem_alloc : memref<!tpu.dma_semaphore, #tpu.memory_space<semaphore_mem>>
          %dma_start3A_142 = arith.constant 0 : i32
          %dma_start3A_143 = arith.constant 0 : i32
          %dma_start3A_144 = tpu.memref_slice %arg9[%run_scoped3A_140, %dma_start3A_142, %dma_start3A_143] : memref<4x128x16xf32, #tpu.memory_space<vmem>> -> memref<1x128x16xf32, #tpu.memory_space<vmem>>
          %dma_start3A_145 = tpu.memref_squeeze %dma_start3A_144 : memref<1x128x16xf32, #tpu.memory_space<vmem>> -> memref<128x16xf32, #tpu.memory_space<vmem>>
          %dma_start3A_146 = arith.constant 0 : i32
          %dma_start3A_147 = tpu.memref_slice %arg8[%add3A_128, %dma_start3A_146] : memref<144x128xi32, #tpu.memory_space<vmem>> -> memref<1x128xi32, #tpu.memory_space<vmem>>
          %dma_start3A_148 = tpu.memref_squeeze %dma_start3A_147 : memref<1x128xi32, #tpu.memory_space<vmem>> -> memref<128xi32, #tpu.memory_space<vmem>>
          %dma_start3A_149 = arith.constant 0 : i32
          %dma_start3A_150 = arith.constant 0 : i32
          %dma_start3A_151 = tpu.memref_slice %arg10[%dma_start3A_149, %dma_start3A_150] : memref<10112x16xf32, #tpu.memory_space<vmem_shared>> -> memref<10112x16xf32, #tpu.memory_space<vmem_shared>>
          tpu.enqueue_indirect_dma source(%dma_start3A_145 : memref<128x16xf32, #tpu.memory_space<vmem>>) target(%dma_start3A_151 : memref<10112x16xf32, #tpu.memory_space<vmem_shared>>) offsets(%dma_start3A_148 : memref<128xi32, #tpu.memory_space<vmem>>) semaphore(%run_scoped3A_141 : memref<!tpu.dma_semaphore, #tpu.memory_space<semaphore_mem>>) {add = true}
          %dma_wait3A_152 = arith.constant 0 : i32
          %dma_wait3A_153 = arith.constant 0 : i32
          %dma_wait3A_154 = tpu.memref_slice %arg9[%run_scoped3A_140, %dma_wait3A_152, %dma_wait3A_153] : memref<4x128x16xf32, #tpu.memory_space<vmem>> -> memref<1x128x16xf32, #tpu.memory_space<vmem>>
          %dma_wait3A_155 = tpu.memref_squeeze %dma_wait3A_154 : memref<1x128x16xf32, #tpu.memory_space<vmem>> -> memref<128x16xf32, #tpu.memory_space<vmem>>
          %dma_wait3A_156 = arith.constant 0 : i32
          %dma_wait3A_157 = tpu.memref_slice %arg8[%add3A_128, %dma_wait3A_156] : memref<144x128xi32, #tpu.memory_space<vmem>> -> memref<1x128xi32, #tpu.memory_space<vmem>>
          %dma_wait3A_158 = tpu.memref_squeeze %dma_wait3A_157 : memref<1x128xi32, #tpu.memory_space<vmem>> -> memref<128xi32, #tpu.memory_space<vmem>>
          %dma_wait3A_159 = arith.constant 0 : i32
          %dma_wait3A_160 = arith.constant 0 : i32
          %dma_wait3A_161 = tpu.memref_slice %arg10[%dma_wait3A_159, %dma_wait3A_160] : memref<10112x16xf32, #tpu.memory_space<vmem_shared>> -> memref<10112x16xf32, #tpu.memory_space<vmem_shared>>
          tpu.wait_indirect_dma semaphore(%run_scoped3A_141 : memref<!tpu.dma_semaphore, #tpu.memory_space<semaphore_mem>>) src(%dma_wait3A_155 : memref<128x16xf32, #tpu.memory_space<vmem>>) dst(%dma_wait3A_161 : memref<10112x16xf32, #tpu.memory_space<vmem_shared>>)
          tpu.yield
        }) : () -> ()
      }
      %scan3A_19 = arith.constant 36 : i32
    } else {
    }
    %eq3A_3 = arith.constant 1 : i32
    %eq3A_4 = arith.cmpi eq, %arg0, %eq3A_3 : i32
    %convert_element_type3A_5 = arith.extui %eq3A_4 : i1 to i32
    %cond3A_6 = arith.constant 0 : i32
    %cond3A_7 = arith.cmpi ne, %convert_element_type3A_5, %cond3A_6 : i32
    scf.if %cond3A_7 {
      %mul3A_13 = arith.constant 16 : i32
      %mul3A_14 = arith.muli %arg1, %mul3A_13 : i32
      %add3A = arith.constant 2304 : i32
      %add3A_15 = arith.addi %add3A, %mul3A_14 : i32
      "tpu.region"() ({
        %run_scoped3A = tpu.sem_alloc : memref<!tpu.dma_semaphore, #tpu.memory_space<semaphore_mem>>
        %dma_start3A = arith.constant 0 : i32
        %dma_start3A_21 = arith.constant 0 : i32
        %dma_start3A_22 = tpu.memref_slice %arg7[%dma_start3A, %dma_start3A_21] : memref<144x128xi32, #tpu.memory_space<vmem>> -> memref<16x128xi32, #tpu.memory_space<vmem>>
        %dma_start3A_23 = arith.constant 0 : i32
        %dma_start3A_24 = tpu.memref_slice %arg2[%add3A_15, %dma_start3A_23] : memref<2560x128xi32, #tpu.memory_space<hbm>> -> memref<16x128xi32, #tpu.memory_space<hbm>>
        %dma_start3A_25 = arith.constant 0 : i32
        %dma_start3A_26 = arith.constant 0 : i32
        %dma_start3A_27 = tpu.memref_slice %arg7[%dma_start3A_25, %dma_start3A_26] : memref<144x128xi32, #tpu.memory_space<vmem>> -> memref<16x128xi32, #tpu.memory_space<vmem>>
        %dma_start3A_28 = arith.constant 0 : i32
        %dma_start3A_29 = tpu.memref_slice %arg2[%add3A_15, %dma_start3A_28] : memref<2560x128xi32, #tpu.memory_space<hbm>> -> memref<16x128xi32, #tpu.memory_space<hbm>>
        tpu.enqueue_dma source(%dma_start3A_29 : memref<16x128xi32, #tpu.memory_space<hbm>>) target(%dma_start3A_27 : memref<16x128xi32, #tpu.memory_space<vmem>>) target_semaphore(%run_scoped3A : memref<!tpu.dma_semaphore, #tpu.memory_space<semaphore_mem>>)
        %dma_wait3A = arith.constant 0 : i32
        %dma_wait3A_30 = arith.constant 0 : i32
        %dma_wait3A_31 = tpu.memref_slice %arg7[%dma_wait3A, %dma_wait3A_30] : memref<144x128xi32, #tpu.memory_space<vmem>> -> memref<16x128xi32, #tpu.memory_space<vmem>>
        %dma_wait3A_32 = arith.constant 0 : i32
        %dma_wait3A_33 = tpu.memref_slice %arg2[%add3A_15, %dma_wait3A_32] : memref<2560x128xi32, #tpu.memory_space<hbm>> -> memref<16x128xi32, #tpu.memory_space<hbm>>
        %dma_wait3A_34 = arith.constant 0 : i32
        %dma_wait3A_35 = arith.constant 0 : i32
        %dma_wait3A_36 = tpu.memref_slice %arg7[%dma_wait3A_34, %dma_wait3A_35] : memref<144x128xi32, #tpu.memory_space<vmem>> -> memref<16x128xi32, #tpu.memory_space<vmem>>
        %dma_wait3A_37 = arith.constant 0 : i32
        %dma_wait3A_38 = tpu.memref_slice %arg2[%add3A_15, %dma_wait3A_37] : memref<2560x128xi32, #tpu.memory_space<hbm>> -> memref<16x128xi32, #tpu.memory_space<hbm>>
        tpu.wait_dma2 semaphore(%run_scoped3A : memref<!tpu.dma_semaphore, #tpu.memory_space<semaphore_mem>>) src(%dma_wait3A_38 : memref<16x128xi32, #tpu.memory_space<hbm>>) dst(%dma_wait3A_36 : memref<16x128xi32, #tpu.memory_space<vmem>>)
        tpu.yield
      }) : () -> ()
      "tpu.region"() ({
        %run_scoped3A = tpu.sem_alloc : memref<!tpu.dma_semaphore, #tpu.memory_space<semaphore_mem>>
        %dma_start3A = arith.constant 0 : i32
        %dma_start3A_21 = arith.constant 0 : i32
        %dma_start3A_22 = tpu.memref_slice %arg8[%dma_start3A, %dma_start3A_21] : memref<144x128xi32, #tpu.memory_space<vmem>> -> memref<16x128xi32, #tpu.memory_space<vmem>>
        %dma_start3A_23 = arith.constant 0 : i32
        %dma_start3A_24 = tpu.memref_slice %arg3[%add3A_15, %dma_start3A_23] : memref<2560x128xi32, #tpu.memory_space<hbm>> -> memref<16x128xi32, #tpu.memory_space<hbm>>
        %dma_start3A_25 = arith.constant 0 : i32
        %dma_start3A_26 = arith.constant 0 : i32
        %dma_start3A_27 = tpu.memref_slice %arg8[%dma_start3A_25, %dma_start3A_26] : memref<144x128xi32, #tpu.memory_space<vmem>> -> memref<16x128xi32, #tpu.memory_space<vmem>>
        %dma_start3A_28 = arith.constant 0 : i32
        %dma_start3A_29 = tpu.memref_slice %arg3[%add3A_15, %dma_start3A_28] : memref<2560x128xi32, #tpu.memory_space<hbm>> -> memref<16x128xi32, #tpu.memory_space<hbm>>
        tpu.enqueue_dma source(%dma_start3A_29 : memref<16x128xi32, #tpu.memory_space<hbm>>) target(%dma_start3A_27 : memref<16x128xi32, #tpu.memory_space<vmem>>) target_semaphore(%run_scoped3A : memref<!tpu.dma_semaphore, #tpu.memory_space<semaphore_mem>>)
        %dma_wait3A = arith.constant 0 : i32
        %dma_wait3A_30 = arith.constant 0 : i32
        %dma_wait3A_31 = tpu.memref_slice %arg8[%dma_wait3A, %dma_wait3A_30] : memref<144x128xi32, #tpu.memory_space<vmem>> -> memref<16x128xi32, #tpu.memory_space<vmem>>
        %dma_wait3A_32 = arith.constant 0 : i32
        %dma_wait3A_33 = tpu.memref_slice %arg3[%add3A_15, %dma_wait3A_32] : memref<2560x128xi32, #tpu.memory_space<hbm>> -> memref<16x128xi32, #tpu.memory_space<hbm>>
        %dma_wait3A_34 = arith.constant 0 : i32
        %dma_wait3A_35 = arith.constant 0 : i32
        %dma_wait3A_36 = tpu.memref_slice %arg8[%dma_wait3A_34, %dma_wait3A_35] : memref<144x128xi32, #tpu.memory_space<vmem>> -> memref<16x128xi32, #tpu.memory_space<vmem>>
        %dma_wait3A_37 = arith.constant 0 : i32
        %dma_wait3A_38 = tpu.memref_slice %arg3[%add3A_15, %dma_wait3A_37] : memref<2560x128xi32, #tpu.memory_space<hbm>> -> memref<16x128xi32, #tpu.memory_space<hbm>>
        tpu.wait_dma2 semaphore(%run_scoped3A : memref<!tpu.dma_semaphore, #tpu.memory_space<semaphore_mem>>) src(%dma_wait3A_38 : memref<16x128xi32, #tpu.memory_space<hbm>>) dst(%dma_wait3A_36 : memref<16x128xi32, #tpu.memory_space<vmem>>)
        tpu.yield
      }) : () -> ()
      %scan3A = arith.constant 0 : i32
      %scan3A_16 = arith.constant 0 : i32
      %scan3A_17 = arith.constant 4 : i32
      %scan3A_18 = arith.addi %scan3A_16, %scan3A_17 : i32
      %scan3A_19 = arith.constant 1 : i32
      scf.for %scan3A_21 = %scan3A_16 to %scan3A_18 step %scan3A_19  : i32 {
        %mul3A_22 = arith.constant 4 : i32
        %mul3A_23 = arith.muli %scan3A_21, %mul3A_22 : i32
        %add3A_24 = arith.constant 0 : i32
        %add3A_25 = arith.addi %mul3A_23, %add3A_24 : i32
        %dma_start3A = arith.constant 0 : i32
        %dma_start3A_26 = arith.constant 0 : i32
        %dma_start3A_27 = arith.constant 0 : i32
        %dma_start3A_28 = tpu.memref_slice %arg9[%dma_start3A, %dma_start3A_26, %dma_start3A_27] : memref<4x128x16xf32, #tpu.memory_space<vmem>> -> memref<1x128x16xf32, #tpu.memory_space<vmem>>
        %dma_start3A_29 = tpu.memref_squeeze %dma_start3A_28 : memref<1x128x16xf32, #tpu.memory_space<vmem>> -> memref<128x16xf32, #tpu.memory_space<vmem>>
        %dma_start3A_30 = arith.constant 0 : i32
        %dma_start3A_31 = tpu.memref_slice %arg7[%add3A_25, %dma_start3A_30] : memref<144x128xi32, #tpu.memory_space<vmem>> -> memref<1x128xi32, #tpu.memory_space<vmem>>
        %dma_start3A_32 = tpu.memref_squeeze %dma_start3A_31 : memref<1x128xi32, #tpu.memory_space<vmem>> -> memref<128xi32, #tpu.memory_space<vmem>>
        %dma_start3A_33 = arith.constant 0 : i32
        %dma_start3A_34 = arith.constant 0 : i32
        %dma_start3A_35 = tpu.memref_slice %arg4[%dma_start3A_33, %dma_start3A_34] : memref<10112x16xf32, #tpu.memory_space<hbm>> -> memref<10112x16xf32, #tpu.memory_space<hbm>>
        tpu.enqueue_indirect_dma source(%dma_start3A_35 : memref<10112x16xf32, #tpu.memory_space<hbm>>) target(%dma_start3A_29 : memref<128x16xf32, #tpu.memory_space<vmem>>) offsets(%dma_start3A_32 : memref<128xi32, #tpu.memory_space<vmem>>) semaphore(%arg11 : memref<!tpu.dma_semaphore, #tpu.memory_space<semaphore_mem>>)
        %mul3A_36 = arith.constant 4 : i32
        %mul3A_37 = arith.muli %scan3A_21, %mul3A_36 : i32
        %add3A_38 = arith.constant 1 : i32
        %add3A_39 = arith.addi %mul3A_37, %add3A_38 : i32
        %dma_start3A_40 = arith.constant 1 : i32
        %dma_start3A_41 = arith.constant 0 : i32
        %dma_start3A_42 = arith.constant 0 : i32
        %dma_start3A_43 = tpu.memref_slice %arg9[%dma_start3A_40, %dma_start3A_41, %dma_start3A_42] : memref<4x128x16xf32, #tpu.memory_space<vmem>> -> memref<1x128x16xf32, #tpu.memory_space<vmem>>
        %dma_start3A_44 = tpu.memref_squeeze %dma_start3A_43 : memref<1x128x16xf32, #tpu.memory_space<vmem>> -> memref<128x16xf32, #tpu.memory_space<vmem>>
        %dma_start3A_45 = arith.constant 0 : i32
        %dma_start3A_46 = tpu.memref_slice %arg7[%add3A_39, %dma_start3A_45] : memref<144x128xi32, #tpu.memory_space<vmem>> -> memref<1x128xi32, #tpu.memory_space<vmem>>
        %dma_start3A_47 = tpu.memref_squeeze %dma_start3A_46 : memref<1x128xi32, #tpu.memory_space<vmem>> -> memref<128xi32, #tpu.memory_space<vmem>>
        %dma_start3A_48 = arith.constant 0 : i32
        %dma_start3A_49 = arith.constant 0 : i32
        %dma_start3A_50 = tpu.memref_slice %arg4[%dma_start3A_48, %dma_start3A_49] : memref<10112x16xf32, #tpu.memory_space<hbm>> -> memref<10112x16xf32, #tpu.memory_space<hbm>>
        tpu.enqueue_indirect_dma source(%dma_start3A_50 : memref<10112x16xf32, #tpu.memory_space<hbm>>) target(%dma_start3A_44 : memref<128x16xf32, #tpu.memory_space<vmem>>) offsets(%dma_start3A_47 : memref<128xi32, #tpu.memory_space<vmem>>) semaphore(%arg12 : memref<!tpu.dma_semaphore, #tpu.memory_space<semaphore_mem>>)
        %mul3A_51 = arith.constant 4 : i32
        %mul3A_52 = arith.muli %scan3A_21, %mul3A_51 : i32
        %add3A_53 = arith.constant 2 : i32
        %add3A_54 = arith.addi %mul3A_52, %add3A_53 : i32
        %dma_start3A_55 = arith.constant 2 : i32
        %dma_start3A_56 = arith.constant 0 : i32
        %dma_start3A_57 = arith.constant 0 : i32
        %dma_start3A_58 = tpu.memref_slice %arg9[%dma_start3A_55, %dma_start3A_56, %dma_start3A_57] : memref<4x128x16xf32, #tpu.memory_space<vmem>> -> memref<1x128x16xf32, #tpu.memory_space<vmem>>
        %dma_start3A_59 = tpu.memref_squeeze %dma_start3A_58 : memref<1x128x16xf32, #tpu.memory_space<vmem>> -> memref<128x16xf32, #tpu.memory_space<vmem>>
        %dma_start3A_60 = arith.constant 0 : i32
        %dma_start3A_61 = tpu.memref_slice %arg7[%add3A_54, %dma_start3A_60] : memref<144x128xi32, #tpu.memory_space<vmem>> -> memref<1x128xi32, #tpu.memory_space<vmem>>
        %dma_start3A_62 = tpu.memref_squeeze %dma_start3A_61 : memref<1x128xi32, #tpu.memory_space<vmem>> -> memref<128xi32, #tpu.memory_space<vmem>>
        %dma_start3A_63 = arith.constant 0 : i32
        %dma_start3A_64 = arith.constant 0 : i32
        %dma_start3A_65 = tpu.memref_slice %arg4[%dma_start3A_63, %dma_start3A_64] : memref<10112x16xf32, #tpu.memory_space<hbm>> -> memref<10112x16xf32, #tpu.memory_space<hbm>>
        tpu.enqueue_indirect_dma source(%dma_start3A_65 : memref<10112x16xf32, #tpu.memory_space<hbm>>) target(%dma_start3A_59 : memref<128x16xf32, #tpu.memory_space<vmem>>) offsets(%dma_start3A_62 : memref<128xi32, #tpu.memory_space<vmem>>) semaphore(%arg13 : memref<!tpu.dma_semaphore, #tpu.memory_space<semaphore_mem>>)
        %mul3A_66 = arith.constant 4 : i32
        %mul3A_67 = arith.muli %scan3A_21, %mul3A_66 : i32
        %add3A_68 = arith.constant 3 : i32
        %add3A_69 = arith.addi %mul3A_67, %add3A_68 : i32
        %dma_start3A_70 = arith.constant 3 : i32
        %dma_start3A_71 = arith.constant 0 : i32
        %dma_start3A_72 = arith.constant 0 : i32
        %dma_start3A_73 = tpu.memref_slice %arg9[%dma_start3A_70, %dma_start3A_71, %dma_start3A_72] : memref<4x128x16xf32, #tpu.memory_space<vmem>> -> memref<1x128x16xf32, #tpu.memory_space<vmem>>
        %dma_start3A_74 = tpu.memref_squeeze %dma_start3A_73 : memref<1x128x16xf32, #tpu.memory_space<vmem>> -> memref<128x16xf32, #tpu.memory_space<vmem>>
        %dma_start3A_75 = arith.constant 0 : i32
        %dma_start3A_76 = tpu.memref_slice %arg7[%add3A_69, %dma_start3A_75] : memref<144x128xi32, #tpu.memory_space<vmem>> -> memref<1x128xi32, #tpu.memory_space<vmem>>
        %dma_start3A_77 = tpu.memref_squeeze %dma_start3A_76 : memref<1x128xi32, #tpu.memory_space<vmem>> -> memref<128xi32, #tpu.memory_space<vmem>>
        %dma_start3A_78 = arith.constant 0 : i32
        %dma_start3A_79 = arith.constant 0 : i32
        %dma_start3A_80 = tpu.memref_slice %arg4[%dma_start3A_78, %dma_start3A_79] : memref<10112x16xf32, #tpu.memory_space<hbm>> -> memref<10112x16xf32, #tpu.memory_space<hbm>>
        tpu.enqueue_indirect_dma source(%dma_start3A_80 : memref<10112x16xf32, #tpu.memory_space<hbm>>) target(%dma_start3A_74 : memref<128x16xf32, #tpu.memory_space<vmem>>) offsets(%dma_start3A_77 : memref<128xi32, #tpu.memory_space<vmem>>) semaphore(%arg14 : memref<!tpu.dma_semaphore, #tpu.memory_space<semaphore_mem>>)
        %mul3A_81 = arith.constant 4 : i32
        %mul3A_82 = arith.muli %scan3A_21, %mul3A_81 : i32
        %add3A_83 = arith.constant 0 : i32
        %add3A_84 = arith.addi %mul3A_82, %add3A_83 : i32
        %dma_wait3A = arith.constant 0 : i32
        %dma_wait3A_85 = arith.constant 0 : i32
        %dma_wait3A_86 = arith.constant 0 : i32
        %dma_wait3A_87 = tpu.memref_slice %arg9[%dma_wait3A, %dma_wait3A_85, %dma_wait3A_86] : memref<4x128x16xf32, #tpu.memory_space<vmem>> -> memref<1x128x16xf32, #tpu.memory_space<vmem>>
        %dma_wait3A_88 = tpu.memref_squeeze %dma_wait3A_87 : memref<1x128x16xf32, #tpu.memory_space<vmem>> -> memref<128x16xf32, #tpu.memory_space<vmem>>
        %dma_wait3A_89 = arith.constant 0 : i32
        %dma_wait3A_90 = tpu.memref_slice %arg7[%add3A_25, %dma_wait3A_89] : memref<144x128xi32, #tpu.memory_space<vmem>> -> memref<1x128xi32, #tpu.memory_space<vmem>>
        %dma_wait3A_91 = tpu.memref_squeeze %dma_wait3A_90 : memref<1x128xi32, #tpu.memory_space<vmem>> -> memref<128xi32, #tpu.memory_space<vmem>>
        %dma_wait3A_92 = arith.constant 0 : i32
        %dma_wait3A_93 = arith.constant 0 : i32
        %dma_wait3A_94 = tpu.memref_slice %arg4[%dma_wait3A_92, %dma_wait3A_93] : memref<10112x16xf32, #tpu.memory_space<hbm>> -> memref<10112x16xf32, #tpu.memory_space<hbm>>
        tpu.wait_indirect_dma semaphore(%arg11 : memref<!tpu.dma_semaphore, #tpu.memory_space<semaphore_mem>>) src(%dma_wait3A_94 : memref<10112x16xf32, #tpu.memory_space<hbm>>) dst(%dma_wait3A_88 : memref<128x16xf32, #tpu.memory_space<vmem>>)
        %run_scoped3A = arith.constant 0 : i32
        "tpu.region"() ({
          %run_scoped3A_143 = tpu.sem_alloc : memref<!tpu.dma_semaphore, #tpu.memory_space<semaphore_mem>>
          %dma_start3A_144 = arith.constant 0 : i32
          %dma_start3A_145 = arith.constant 0 : i32
          %dma_start3A_146 = tpu.memref_slice %arg9[%run_scoped3A, %dma_start3A_144, %dma_start3A_145] : memref<4x128x16xf32, #tpu.memory_space<vmem>> -> memref<1x128x16xf32, #tpu.memory_space<vmem>>
          %dma_start3A_147 = tpu.memref_squeeze %dma_start3A_146 : memref<1x128x16xf32, #tpu.memory_space<vmem>> -> memref<128x16xf32, #tpu.memory_space<vmem>>
          %dma_start3A_148 = arith.constant 0 : i32
          %dma_start3A_149 = tpu.memref_slice %arg8[%add3A_84, %dma_start3A_148] : memref<144x128xi32, #tpu.memory_space<vmem>> -> memref<1x128xi32, #tpu.memory_space<vmem>>
          %dma_start3A_150 = tpu.memref_squeeze %dma_start3A_149 : memref<1x128xi32, #tpu.memory_space<vmem>> -> memref<128xi32, #tpu.memory_space<vmem>>
          %dma_start3A_151 = arith.constant 0 : i32
          %dma_start3A_152 = arith.constant 0 : i32
          %dma_start3A_153 = tpu.memref_slice %arg10[%dma_start3A_151, %dma_start3A_152] : memref<10112x16xf32, #tpu.memory_space<vmem_shared>> -> memref<10112x16xf32, #tpu.memory_space<vmem_shared>>
          tpu.enqueue_indirect_dma source(%dma_start3A_147 : memref<128x16xf32, #tpu.memory_space<vmem>>) target(%dma_start3A_153 : memref<10112x16xf32, #tpu.memory_space<vmem_shared>>) offsets(%dma_start3A_150 : memref<128xi32, #tpu.memory_space<vmem>>) semaphore(%run_scoped3A_143 : memref<!tpu.dma_semaphore, #tpu.memory_space<semaphore_mem>>) {add = true}
          %dma_wait3A_154 = arith.constant 0 : i32
          %dma_wait3A_155 = arith.constant 0 : i32
          %dma_wait3A_156 = tpu.memref_slice %arg9[%run_scoped3A, %dma_wait3A_154, %dma_wait3A_155] : memref<4x128x16xf32, #tpu.memory_space<vmem>> -> memref<1x128x16xf32, #tpu.memory_space<vmem>>
          %dma_wait3A_157 = tpu.memref_squeeze %dma_wait3A_156 : memref<1x128x16xf32, #tpu.memory_space<vmem>> -> memref<128x16xf32, #tpu.memory_space<vmem>>
          %dma_wait3A_158 = arith.constant 0 : i32
          %dma_wait3A_159 = tpu.memref_slice %arg8[%add3A_84, %dma_wait3A_158] : memref<144x128xi32, #tpu.memory_space<vmem>> -> memref<1x128xi32, #tpu.memory_space<vmem>>
          %dma_wait3A_160 = tpu.memref_squeeze %dma_wait3A_159 : memref<1x128xi32, #tpu.memory_space<vmem>> -> memref<128xi32, #tpu.memory_space<vmem>>
          %dma_wait3A_161 = arith.constant 0 : i32
          %dma_wait3A_162 = arith.constant 0 : i32
          %dma_wait3A_163 = tpu.memref_slice %arg10[%dma_wait3A_161, %dma_wait3A_162] : memref<10112x16xf32, #tpu.memory_space<vmem_shared>> -> memref<10112x16xf32, #tpu.memory_space<vmem_shared>>
          tpu.wait_indirect_dma semaphore(%run_scoped3A_143 : memref<!tpu.dma_semaphore, #tpu.memory_space<semaphore_mem>>) src(%dma_wait3A_157 : memref<128x16xf32, #tpu.memory_space<vmem>>) dst(%dma_wait3A_163 : memref<10112x16xf32, #tpu.memory_space<vmem_shared>>)
          tpu.yield
        }) : () -> ()
        %mul3A_95 = arith.constant 4 : i32
        %mul3A_96 = arith.muli %scan3A_21, %mul3A_95 : i32
        %add3A_97 = arith.constant 1 : i32
        %add3A_98 = arith.addi %mul3A_96, %add3A_97 : i32
        %dma_wait3A_99 = arith.constant 1 : i32
        %dma_wait3A_100 = arith.constant 0 : i32
        %dma_wait3A_101 = arith.constant 0 : i32
        %dma_wait3A_102 = tpu.memref_slice %arg9[%dma_wait3A_99, %dma_wait3A_100, %dma_wait3A_101] : memref<4x128x16xf32, #tpu.memory_space<vmem>> -> memref<1x128x16xf32, #tpu.memory_space<vmem>>
        %dma_wait3A_103 = tpu.memref_squeeze %dma_wait3A_102 : memref<1x128x16xf32, #tpu.memory_space<vmem>> -> memref<128x16xf32, #tpu.memory_space<vmem>>
        %dma_wait3A_104 = arith.constant 0 : i32
        %dma_wait3A_105 = tpu.memref_slice %arg7[%add3A_39, %dma_wait3A_104] : memref<144x128xi32, #tpu.memory_space<vmem>> -> memref<1x128xi32, #tpu.memory_space<vmem>>
        %dma_wait3A_106 = tpu.memref_squeeze %dma_wait3A_105 : memref<1x128xi32, #tpu.memory_space<vmem>> -> memref<128xi32, #tpu.memory_space<vmem>>
        %dma_wait3A_107 = arith.constant 0 : i32
        %dma_wait3A_108 = arith.constant 0 : i32
        %dma_wait3A_109 = tpu.memref_slice %arg4[%dma_wait3A_107, %dma_wait3A_108] : memref<10112x16xf32, #tpu.memory_space<hbm>> -> memref<10112x16xf32, #tpu.memory_space<hbm>>
        tpu.wait_indirect_dma semaphore(%arg12 : memref<!tpu.dma_semaphore, #tpu.memory_space<semaphore_mem>>) src(%dma_wait3A_109 : memref<10112x16xf32, #tpu.memory_space<hbm>>) dst(%dma_wait3A_103 : memref<128x16xf32, #tpu.memory_space<vmem>>)
        %run_scoped3A_110 = arith.constant 1 : i32
        "tpu.region"() ({
          %run_scoped3A_143 = tpu.sem_alloc : memref<!tpu.dma_semaphore, #tpu.memory_space<semaphore_mem>>
          %dma_start3A_144 = arith.constant 0 : i32
          %dma_start3A_145 = arith.constant 0 : i32
          %dma_start3A_146 = tpu.memref_slice %arg9[%run_scoped3A_110, %dma_start3A_144, %dma_start3A_145] : memref<4x128x16xf32, #tpu.memory_space<vmem>> -> memref<1x128x16xf32, #tpu.memory_space<vmem>>
          %dma_start3A_147 = tpu.memref_squeeze %dma_start3A_146 : memref<1x128x16xf32, #tpu.memory_space<vmem>> -> memref<128x16xf32, #tpu.memory_space<vmem>>
          %dma_start3A_148 = arith.constant 0 : i32
          %dma_start3A_149 = tpu.memref_slice %arg8[%add3A_98, %dma_start3A_148] : memref<144x128xi32, #tpu.memory_space<vmem>> -> memref<1x128xi32, #tpu.memory_space<vmem>>
          %dma_start3A_150 = tpu.memref_squeeze %dma_start3A_149 : memref<1x128xi32, #tpu.memory_space<vmem>> -> memref<128xi32, #tpu.memory_space<vmem>>
          %dma_start3A_151 = arith.constant 0 : i32
          %dma_start3A_152 = arith.constant 0 : i32
          %dma_start3A_153 = tpu.memref_slice %arg10[%dma_start3A_151, %dma_start3A_152] : memref<10112x16xf32, #tpu.memory_space<vmem_shared>> -> memref<10112x16xf32, #tpu.memory_space<vmem_shared>>
          tpu.enqueue_indirect_dma source(%dma_start3A_147 : memref<128x16xf32, #tpu.memory_space<vmem>>) target(%dma_start3A_153 : memref<10112x16xf32, #tpu.memory_space<vmem_shared>>) offsets(%dma_start3A_150 : memref<128xi32, #tpu.memory_space<vmem>>) semaphore(%run_scoped3A_143 : memref<!tpu.dma_semaphore, #tpu.memory_space<semaphore_mem>>) {add = true}
          %dma_wait3A_154 = arith.constant 0 : i32
          %dma_wait3A_155 = arith.constant 0 : i32
          %dma_wait3A_156 = tpu.memref_slice %arg9[%run_scoped3A_110, %dma_wait3A_154, %dma_wait3A_155] : memref<4x128x16xf32, #tpu.memory_space<vmem>> -> memref<1x128x16xf32, #tpu.memory_space<vmem>>
          %dma_wait3A_157 = tpu.memref_squeeze %dma_wait3A_156 : memref<1x128x16xf32, #tpu.memory_space<vmem>> -> memref<128x16xf32, #tpu.memory_space<vmem>>
          %dma_wait3A_158 = arith.constant 0 : i32
          %dma_wait3A_159 = tpu.memref_slice %arg8[%add3A_98, %dma_wait3A_158] : memref<144x128xi32, #tpu.memory_space<vmem>> -> memref<1x128xi32, #tpu.memory_space<vmem>>
          %dma_wait3A_160 = tpu.memref_squeeze %dma_wait3A_159 : memref<1x128xi32, #tpu.memory_space<vmem>> -> memref<128xi32, #tpu.memory_space<vmem>>
          %dma_wait3A_161 = arith.constant 0 : i32
          %dma_wait3A_162 = arith.constant 0 : i32
          %dma_wait3A_163 = tpu.memref_slice %arg10[%dma_wait3A_161, %dma_wait3A_162] : memref<10112x16xf32, #tpu.memory_space<vmem_shared>> -> memref<10112x16xf32, #tpu.memory_space<vmem_shared>>
          tpu.wait_indirect_dma semaphore(%run_scoped3A_143 : memref<!tpu.dma_semaphore, #tpu.memory_space<semaphore_mem>>) src(%dma_wait3A_157 : memref<128x16xf32, #tpu.memory_space<vmem>>) dst(%dma_wait3A_163 : memref<10112x16xf32, #tpu.memory_space<vmem_shared>>)
          tpu.yield
        }) : () -> ()
        %mul3A_111 = arith.constant 4 : i32
        %mul3A_112 = arith.muli %scan3A_21, %mul3A_111 : i32
        %add3A_113 = arith.constant 2 : i32
        %add3A_114 = arith.addi %mul3A_112, %add3A_113 : i32
        %dma_wait3A_115 = arith.constant 2 : i32
        %dma_wait3A_116 = arith.constant 0 : i32
        %dma_wait3A_117 = arith.constant 0 : i32
        %dma_wait3A_118 = tpu.memref_slice %arg9[%dma_wait3A_115, %dma_wait3A_116, %dma_wait3A_117] : memref<4x128x16xf32, #tpu.memory_space<vmem>> -> memref<1x128x16xf32, #tpu.memory_space<vmem>>
        %dma_wait3A_119 = tpu.memref_squeeze %dma_wait3A_118 : memref<1x128x16xf32, #tpu.memory_space<vmem>> -> memref<128x16xf32, #tpu.memory_space<vmem>>
        %dma_wait3A_120 = arith.constant 0 : i32
        %dma_wait3A_121 = tpu.memref_slice %arg7[%add3A_54, %dma_wait3A_120] : memref<144x128xi32, #tpu.memory_space<vmem>> -> memref<1x128xi32, #tpu.memory_space<vmem>>
        %dma_wait3A_122 = tpu.memref_squeeze %dma_wait3A_121 : memref<1x128xi32, #tpu.memory_space<vmem>> -> memref<128xi32, #tpu.memory_space<vmem>>
        %dma_wait3A_123 = arith.constant 0 : i32
        %dma_wait3A_124 = arith.constant 0 : i32
        %dma_wait3A_125 = tpu.memref_slice %arg4[%dma_wait3A_123, %dma_wait3A_124] : memref<10112x16xf32, #tpu.memory_space<hbm>> -> memref<10112x16xf32, #tpu.memory_space<hbm>>
        tpu.wait_indirect_dma semaphore(%arg13 : memref<!tpu.dma_semaphore, #tpu.memory_space<semaphore_mem>>) src(%dma_wait3A_125 : memref<10112x16xf32, #tpu.memory_space<hbm>>) dst(%dma_wait3A_119 : memref<128x16xf32, #tpu.memory_space<vmem>>)
        %run_scoped3A_126 = arith.constant 2 : i32
        "tpu.region"() ({
          %run_scoped3A_143 = tpu.sem_alloc : memref<!tpu.dma_semaphore, #tpu.memory_space<semaphore_mem>>
          %dma_start3A_144 = arith.constant 0 : i32
          %dma_start3A_145 = arith.constant 0 : i32
          %dma_start3A_146 = tpu.memref_slice %arg9[%run_scoped3A_126, %dma_start3A_144, %dma_start3A_145] : memref<4x128x16xf32, #tpu.memory_space<vmem>> -> memref<1x128x16xf32, #tpu.memory_space<vmem>>
          %dma_start3A_147 = tpu.memref_squeeze %dma_start3A_146 : memref<1x128x16xf32, #tpu.memory_space<vmem>> -> memref<128x16xf32, #tpu.memory_space<vmem>>
          %dma_start3A_148 = arith.constant 0 : i32
          %dma_start3A_149 = tpu.memref_slice %arg8[%add3A_114, %dma_start3A_148] : memref<144x128xi32, #tpu.memory_space<vmem>> -> memref<1x128xi32, #tpu.memory_space<vmem>>
          %dma_start3A_150 = tpu.memref_squeeze %dma_start3A_149 : memref<1x128xi32, #tpu.memory_space<vmem>> -> memref<128xi32, #tpu.memory_space<vmem>>
          %dma_start3A_151 = arith.constant 0 : i32
          %dma_start3A_152 = arith.constant 0 : i32
          %dma_start3A_153 = tpu.memref_slice %arg10[%dma_start3A_151, %dma_start3A_152] : memref<10112x16xf32, #tpu.memory_space<vmem_shared>> -> memref<10112x16xf32, #tpu.memory_space<vmem_shared>>
          tpu.enqueue_indirect_dma source(%dma_start3A_147 : memref<128x16xf32, #tpu.memory_space<vmem>>) target(%dma_start3A_153 : memref<10112x16xf32, #tpu.memory_space<vmem_shared>>) offsets(%dma_start3A_150 : memref<128xi32, #tpu.memory_space<vmem>>) semaphore(%run_scoped3A_143 : memref<!tpu.dma_semaphore, #tpu.memory_space<semaphore_mem>>) {add = true}
          %dma_wait3A_154 = arith.constant 0 : i32
          %dma_wait3A_155 = arith.constant 0 : i32
          %dma_wait3A_156 = tpu.memref_slice %arg9[%run_scoped3A_126, %dma_wait3A_154, %dma_wait3A_155] : memref<4x128x16xf32, #tpu.memory_space<vmem>> -> memref<1x128x16xf32, #tpu.memory_space<vmem>>
          %dma_wait3A_157 = tpu.memref_squeeze %dma_wait3A_156 : memref<1x128x16xf32, #tpu.memory_space<vmem>> -> memref<128x16xf32, #tpu.memory_space<vmem>>
          %dma_wait3A_158 = arith.constant 0 : i32
          %dma_wait3A_159 = tpu.memref_slice %arg8[%add3A_114, %dma_wait3A_158] : memref<144x128xi32, #tpu.memory_space<vmem>> -> memref<1x128xi32, #tpu.memory_space<vmem>>
          %dma_wait3A_160 = tpu.memref_squeeze %dma_wait3A_159 : memref<1x128xi32, #tpu.memory_space<vmem>> -> memref<128xi32, #tpu.memory_space<vmem>>
          %dma_wait3A_161 = arith.constant 0 : i32
          %dma_wait3A_162 = arith.constant 0 : i32
          %dma_wait3A_163 = tpu.memref_slice %arg10[%dma_wait3A_161, %dma_wait3A_162] : memref<10112x16xf32, #tpu.memory_space<vmem_shared>> -> memref<10112x16xf32, #tpu.memory_space<vmem_shared>>
          tpu.wait_indirect_dma semaphore(%run_scoped3A_143 : memref<!tpu.dma_semaphore, #tpu.memory_space<semaphore_mem>>) src(%dma_wait3A_157 : memref<128x16xf32, #tpu.memory_space<vmem>>) dst(%dma_wait3A_163 : memref<10112x16xf32, #tpu.memory_space<vmem_shared>>)
          tpu.yield
        }) : () -> ()
        %mul3A_127 = arith.constant 4 : i32
        %mul3A_128 = arith.muli %scan3A_21, %mul3A_127 : i32
        %add3A_129 = arith.constant 3 : i32
        %add3A_130 = arith.addi %mul3A_128, %add3A_129 : i32
        %dma_wait3A_131 = arith.constant 3 : i32
        %dma_wait3A_132 = arith.constant 0 : i32
        %dma_wait3A_133 = arith.constant 0 : i32
        %dma_wait3A_134 = tpu.memref_slice %arg9[%dma_wait3A_131, %dma_wait3A_132, %dma_wait3A_133] : memref<4x128x16xf32, #tpu.memory_space<vmem>> -> memref<1x128x16xf32, #tpu.memory_space<vmem>>
        %dma_wait3A_135 = tpu.memref_squeeze %dma_wait3A_134 : memref<1x128x16xf32, #tpu.memory_space<vmem>> -> memref<128x16xf32, #tpu.memory_space<vmem>>
        %dma_wait3A_136 = arith.constant 0 : i32
        %dma_wait3A_137 = tpu.memref_slice %arg7[%add3A_69, %dma_wait3A_136] : memref<144x128xi32, #tpu.memory_space<vmem>> -> memref<1x128xi32, #tpu.memory_space<vmem>>
        %dma_wait3A_138 = tpu.memref_squeeze %dma_wait3A_137 : memref<1x128xi32, #tpu.memory_space<vmem>> -> memref<128xi32, #tpu.memory_space<vmem>>
        %dma_wait3A_139 = arith.constant 0 : i32
        %dma_wait3A_140 = arith.constant 0 : i32
        %dma_wait3A_141 = tpu.memref_slice %arg4[%dma_wait3A_139, %dma_wait3A_140] : memref<10112x16xf32, #tpu.memory_space<hbm>> -> memref<10112x16xf32, #tpu.memory_space<hbm>>
        tpu.wait_indirect_dma semaphore(%arg14 : memref<!tpu.dma_semaphore, #tpu.memory_space<semaphore_mem>>) src(%dma_wait3A_141 : memref<10112x16xf32, #tpu.memory_space<hbm>>) dst(%dma_wait3A_135 : memref<128x16xf32, #tpu.memory_space<vmem>>)
        %run_scoped3A_142 = arith.constant 3 : i32
        "tpu.region"() ({
          %run_scoped3A_143 = tpu.sem_alloc : memref<!tpu.dma_semaphore, #tpu.memory_space<semaphore_mem>>
          %dma_start3A_144 = arith.constant 0 : i32
          %dma_start3A_145 = arith.constant 0 : i32
          %dma_start3A_146 = tpu.memref_slice %arg9[%run_scoped3A_142, %dma_start3A_144, %dma_start3A_145] : memref<4x128x16xf32, #tpu.memory_space<vmem>> -> memref<1x128x16xf32, #tpu.memory_space<vmem>>
          %dma_start3A_147 = tpu.memref_squeeze %dma_start3A_146 : memref<1x128x16xf32, #tpu.memory_space<vmem>> -> memref<128x16xf32, #tpu.memory_space<vmem>>
          %dma_start3A_148 = arith.constant 0 : i32
          %dma_start3A_149 = tpu.memref_slice %arg8[%add3A_130, %dma_start3A_148] : memref<144x128xi32, #tpu.memory_space<vmem>> -> memref<1x128xi32, #tpu.memory_space<vmem>>
          %dma_start3A_150 = tpu.memref_squeeze %dma_start3A_149 : memref<1x128xi32, #tpu.memory_space<vmem>> -> memref<128xi32, #tpu.memory_space<vmem>>
          %dma_start3A_151 = arith.constant 0 : i32
          %dma_start3A_152 = arith.constant 0 : i32
          %dma_start3A_153 = tpu.memref_slice %arg10[%dma_start3A_151, %dma_start3A_152] : memref<10112x16xf32, #tpu.memory_space<vmem_shared>> -> memref<10112x16xf32, #tpu.memory_space<vmem_shared>>
          tpu.enqueue_indirect_dma source(%dma_start3A_147 : memref<128x16xf32, #tpu.memory_space<vmem>>) target(%dma_start3A_153 : memref<10112x16xf32, #tpu.memory_space<vmem_shared>>) offsets(%dma_start3A_150 : memref<128xi32, #tpu.memory_space<vmem>>) semaphore(%run_scoped3A_143 : memref<!tpu.dma_semaphore, #tpu.memory_space<semaphore_mem>>) {add = true}
          %dma_wait3A_154 = arith.constant 0 : i32
          %dma_wait3A_155 = arith.constant 0 : i32
          %dma_wait3A_156 = tpu.memref_slice %arg9[%run_scoped3A_142, %dma_wait3A_154, %dma_wait3A_155] : memref<4x128x16xf32, #tpu.memory_space<vmem>> -> memref<1x128x16xf32, #tpu.memory_space<vmem>>
          %dma_wait3A_157 = tpu.memref_squeeze %dma_wait3A_156 : memref<1x128x16xf32, #tpu.memory_space<vmem>> -> memref<128x16xf32, #tpu.memory_space<vmem>>
          %dma_wait3A_158 = arith.constant 0 : i32
          %dma_wait3A_159 = tpu.memref_slice %arg8[%add3A_130, %dma_wait3A_158] : memref<144x128xi32, #tpu.memory_space<vmem>> -> memref<1x128xi32, #tpu.memory_space<vmem>>
          %dma_wait3A_160 = tpu.memref_squeeze %dma_wait3A_159 : memref<1x128xi32, #tpu.memory_space<vmem>> -> memref<128xi32, #tpu.memory_space<vmem>>
          %dma_wait3A_161 = arith.constant 0 : i32
          %dma_wait3A_162 = arith.constant 0 : i32
          %dma_wait3A_163 = tpu.memref_slice %arg10[%dma_wait3A_161, %dma_wait3A_162] : memref<10112x16xf32, #tpu.memory_space<vmem_shared>> -> memref<10112x16xf32, #tpu.memory_space<vmem_shared>>
          tpu.wait_indirect_dma semaphore(%run_scoped3A_143 : memref<!tpu.dma_semaphore, #tpu.memory_space<semaphore_mem>>) src(%dma_wait3A_157 : memref<128x16xf32, #tpu.memory_space<vmem>>) dst(%dma_wait3A_163 : memref<10112x16xf32, #tpu.memory_space<vmem_shared>>)
          tpu.yield
        }) : () -> ()
      }
      %scan3A_20 = arith.constant 4 : i32
    } else {
    }
    %barrier3A_8 = arith.constant 0 : index
    tpu.barrier barrier_id(%barrier3A_8)
    %mul3A_9 = arith.constant 632 : i32
    %mul3A_10 = arith.muli %arg1, %mul3A_9 : i32
    %mul3A_11 = arith.constant 632 : i32
    %mul3A_12 = arith.muli %arg1, %mul3A_11 : i32
    "tpu.region"() ({
      %run_scoped3A = tpu.sem_alloc : memref<!tpu.dma_semaphore, #tpu.memory_space<semaphore_mem>>
      %dma_start3A = arith.constant 0 : i32
      %dma_start3A_13 = tpu.memref_slice %arg6[%arg0, %mul3A_12, %dma_start3A] : memref<2x10112x16xf32, #tpu.memory_space<hbm>> -> memref<1x632x16xf32, #tpu.memory_space<hbm>>
      %dma_start3A_14 = tpu.memref_squeeze %dma_start3A_13 : memref<1x632x16xf32, #tpu.memory_space<hbm>> -> memref<632x16xf32, #tpu.memory_space<hbm>>
      %dma_start3A_15 = arith.constant 0 : i32
      %dma_start3A_16 = tpu.memref_slice %arg10[%mul3A_10, %dma_start3A_15] : memref<10112x16xf32, #tpu.memory_space<vmem_shared>> -> memref<632x16xf32, #tpu.memory_space<vmem_shared>>
      tpu.enqueue_dma source(%dma_start3A_16 : memref<632x16xf32, #tpu.memory_space<vmem_shared>>) target(%dma_start3A_14 : memref<632x16xf32, #tpu.memory_space<hbm>>) target_semaphore(%run_scoped3A : memref<!tpu.dma_semaphore, #tpu.memory_space<semaphore_mem>>)
      %dma_wait3A = arith.constant 0 : i32
      %dma_wait3A_17 = tpu.memref_slice %arg6[%arg0, %mul3A_12, %dma_wait3A] : memref<2x10112x16xf32, #tpu.memory_space<hbm>> -> memref<1x632x16xf32, #tpu.memory_space<hbm>>
      %dma_wait3A_18 = tpu.memref_squeeze %dma_wait3A_17 : memref<1x632x16xf32, #tpu.memory_space<hbm>> -> memref<632x16xf32, #tpu.memory_space<hbm>>
      %dma_wait3A_19 = arith.constant 0 : i32
      %dma_wait3A_20 = tpu.memref_slice %arg10[%mul3A_10, %dma_wait3A_19] : memref<10112x16xf32, #tpu.memory_space<vmem_shared>> -> memref<632x16xf32, #tpu.memory_space<vmem_shared>>
      tpu.wait_dma2 semaphore(%run_scoped3A : memref<!tpu.dma_semaphore, #tpu.memory_space<semaphore_mem>>) src(%dma_wait3A_20 : memref<632x16xf32, #tpu.memory_space<vmem_shared>>) dst(%dma_wait3A_18 : memref<632x16xf32, #tpu.memory_space<hbm>>)
      tpu.yield
    }) : () -> ()
    return
  }
}

#map = affine_map<(d0, d1) -> (0, 0)>
#map1 = affine_map<(d0, d1) -> (0, 0, 0)>
module attributes {stable_mosaic.version = 14 : i64} {
  func.func @_sc_agg_body(%arg0: i32, %arg1: i32, %arg2: memref<2560x128xi32, #tpu.memory_space<hbm>>, %arg3: memref<2560x128xi32, #tpu.memory_space<hbm>>, %arg4: memref<10112x32xf32, #tpu.memory_space<hbm>>, %arg5: memref<632x32xf32, #tpu.memory_space<hbm>>, %arg6: memref<2x10112x32xf32, #tpu.memory_space<hbm>>, %arg7: memref<144x128xi32, #tpu.memory_space<vmem>>, %arg8: memref<144x128xi32, #tpu.memory_space<vmem>>, %arg9: memref<4x128x32xf32, #tpu.memory_space<vmem>>, %arg10: memref<10112x32xf32, #tpu.memory_space<vmem_shared>>, %arg11: memref<!tpu.dma_semaphore, #tpu.memory_space<semaphore_mem>>, %arg12: memref<!tpu.dma_semaphore, #tpu.memory_space<semaphore_mem>>, %arg13: memref<!tpu.dma_semaphore, #tpu.memory_space<semaphore_mem>>, %arg14: memref<!tpu.dma_semaphore, #tpu.memory_space<semaphore_mem>>) attributes {dimension_semantics = [#tpu.dimension_semantics<core_parallel>, #tpu.dimension_semantics<subcore_parallel>], iteration_bounds = array<i64: 2, 16>, scalar_prefetch = 0 : i64, scratch_operands = 8 : i64, tpu.core_type = #tpu.core_type<sc_vector_subcore>, window_params = [{transform_indices = #map}, {transform_indices = #map}, {transform_indices = #map}, {transform_indices = #map}, {transform_indices = #map1}]} {
    %mul3A = arith.constant 632 : i32
    %mul3A_0 = arith.muli %arg1, %mul3A : i32
    "tpu.region"() ({
      %run_scoped3A = tpu.sem_alloc : memref<!tpu.dma_semaphore, #tpu.memory_space<semaphore_mem>>
      %dma_start3A = arith.constant 0 : i32
      %dma_start3A_13 = tpu.memref_slice %arg10[%mul3A_0, %dma_start3A] : memref<10112x32xf32, #tpu.memory_space<vmem_shared>> -> memref<632x32xf32, #tpu.memory_space<vmem_shared>>
      tpu.enqueue_dma source(%arg5 : memref<632x32xf32, #tpu.memory_space<hbm>>) target(%dma_start3A_13 : memref<632x32xf32, #tpu.memory_space<vmem_shared>>) target_semaphore(%run_scoped3A : memref<!tpu.dma_semaphore, #tpu.memory_space<semaphore_mem>>)
      %dma_wait3A = arith.constant 0 : i32
      %dma_wait3A_14 = tpu.memref_slice %arg10[%mul3A_0, %dma_wait3A] : memref<10112x32xf32, #tpu.memory_space<vmem_shared>> -> memref<632x32xf32, #tpu.memory_space<vmem_shared>>
      tpu.wait_dma2 semaphore(%run_scoped3A : memref<!tpu.dma_semaphore, #tpu.memory_space<semaphore_mem>>) src(%arg5 : memref<632x32xf32, #tpu.memory_space<hbm>>) dst(%dma_wait3A_14 : memref<632x32xf32, #tpu.memory_space<vmem_shared>>)
      tpu.yield
    }) : () -> ()
    %barrier3A = arith.constant 0 : index
    tpu.barrier barrier_id(%barrier3A)
    %eq3A = arith.constant 0 : i32
    %eq3A_1 = arith.cmpi eq, %arg0, %eq3A : i32
    %convert_element_type3A = arith.extui %eq3A_1 : i1 to i32
    %cond3A = arith.constant 0 : i32
    %cond3A_2 = arith.cmpi ne, %convert_element_type3A, %cond3A : i32
    scf.if %cond3A_2 {
      %mul3A_13 = arith.constant 144 : i32
      %mul3A_14 = arith.muli %arg1, %mul3A_13 : i32
      "tpu.region"() ({
        %run_scoped3A = tpu.sem_alloc : memref<!tpu.dma_semaphore, #tpu.memory_space<semaphore_mem>>
        %dma_start3A = arith.constant 0 : i32
        %dma_start3A_20 = arith.constant 0 : i32
        %dma_start3A_21 = tpu.memref_slice %arg7[%dma_start3A, %dma_start3A_20] : memref<144x128xi32, #tpu.memory_space<vmem>> -> memref<144x128xi32, #tpu.memory_space<vmem>>
        %dma_start3A_22 = arith.constant 0 : i32
        %dma_start3A_23 = tpu.memref_slice %arg2[%mul3A_14, %dma_start3A_22] : memref<2560x128xi32, #tpu.memory_space<hbm>> -> memref<144x128xi32, #tpu.memory_space<hbm>>
        %dma_start3A_24 = arith.constant 0 : i32
        %dma_start3A_25 = arith.constant 0 : i32
        %dma_start3A_26 = tpu.memref_slice %arg7[%dma_start3A_24, %dma_start3A_25] : memref<144x128xi32, #tpu.memory_space<vmem>> -> memref<144x128xi32, #tpu.memory_space<vmem>>
        %dma_start3A_27 = arith.constant 0 : i32
        %dma_start3A_28 = tpu.memref_slice %arg2[%mul3A_14, %dma_start3A_27] : memref<2560x128xi32, #tpu.memory_space<hbm>> -> memref<144x128xi32, #tpu.memory_space<hbm>>
        tpu.enqueue_dma source(%dma_start3A_28 : memref<144x128xi32, #tpu.memory_space<hbm>>) target(%dma_start3A_26 : memref<144x128xi32, #tpu.memory_space<vmem>>) target_semaphore(%run_scoped3A : memref<!tpu.dma_semaphore, #tpu.memory_space<semaphore_mem>>)
        %dma_wait3A = arith.constant 0 : i32
        %dma_wait3A_29 = arith.constant 0 : i32
        %dma_wait3A_30 = tpu.memref_slice %arg7[%dma_wait3A, %dma_wait3A_29] : memref<144x128xi32, #tpu.memory_space<vmem>> -> memref<144x128xi32, #tpu.memory_space<vmem>>
        %dma_wait3A_31 = arith.constant 0 : i32
        %dma_wait3A_32 = tpu.memref_slice %arg2[%mul3A_14, %dma_wait3A_31] : memref<2560x128xi32, #tpu.memory_space<hbm>> -> memref<144x128xi32, #tpu.memory_space<hbm>>
        %dma_wait3A_33 = arith.constant 0 : i32
        %dma_wait3A_34 = arith.constant 0 : i32
        %dma_wait3A_35 = tpu.memref_slice %arg7[%dma_wait3A_33, %dma_wait3A_34] : memref<144x128xi32, #tpu.memory_space<vmem>> -> memref<144x128xi32, #tpu.memory_space<vmem>>
        %dma_wait3A_36 = arith.constant 0 : i32
        %dma_wait3A_37 = tpu.memref_slice %arg2[%mul3A_14, %dma_wait3A_36] : memref<2560x128xi32, #tpu.memory_space<hbm>> -> memref<144x128xi32, #tpu.memory_space<hbm>>
        tpu.wait_dma2 semaphore(%run_scoped3A : memref<!tpu.dma_semaphore, #tpu.memory_space<semaphore_mem>>) src(%dma_wait3A_37 : memref<144x128xi32, #tpu.memory_space<hbm>>) dst(%dma_wait3A_35 : memref<144x128xi32, #tpu.memory_space<vmem>>)
        tpu.yield
      }) : () -> ()
      "tpu.region"() ({
        %run_scoped3A = tpu.sem_alloc : memref<!tpu.dma_semaphore, #tpu.memory_space<semaphore_mem>>
        %dma_start3A = arith.constant 0 : i32
        %dma_start3A_20 = arith.constant 0 : i32
        %dma_start3A_21 = tpu.memref_slice %arg8[%dma_start3A, %dma_start3A_20] : memref<144x128xi32, #tpu.memory_space<vmem>> -> memref<144x128xi32, #tpu.memory_space<vmem>>
        %dma_start3A_22 = arith.constant 0 : i32
        %dma_start3A_23 = tpu.memref_slice %arg3[%mul3A_14, %dma_start3A_22] : memref<2560x128xi32, #tpu.memory_space<hbm>> -> memref<144x128xi32, #tpu.memory_space<hbm>>
        %dma_start3A_24 = arith.constant 0 : i32
        %dma_start3A_25 = arith.constant 0 : i32
        %dma_start3A_26 = tpu.memref_slice %arg8[%dma_start3A_24, %dma_start3A_25] : memref<144x128xi32, #tpu.memory_space<vmem>> -> memref<144x128xi32, #tpu.memory_space<vmem>>
        %dma_start3A_27 = arith.constant 0 : i32
        %dma_start3A_28 = tpu.memref_slice %arg3[%mul3A_14, %dma_start3A_27] : memref<2560x128xi32, #tpu.memory_space<hbm>> -> memref<144x128xi32, #tpu.memory_space<hbm>>
        tpu.enqueue_dma source(%dma_start3A_28 : memref<144x128xi32, #tpu.memory_space<hbm>>) target(%dma_start3A_26 : memref<144x128xi32, #tpu.memory_space<vmem>>) target_semaphore(%run_scoped3A : memref<!tpu.dma_semaphore, #tpu.memory_space<semaphore_mem>>)
        %dma_wait3A = arith.constant 0 : i32
        %dma_wait3A_29 = arith.constant 0 : i32
        %dma_wait3A_30 = tpu.memref_slice %arg8[%dma_wait3A, %dma_wait3A_29] : memref<144x128xi32, #tpu.memory_space<vmem>> -> memref<144x128xi32, #tpu.memory_space<vmem>>
        %dma_wait3A_31 = arith.constant 0 : i32
        %dma_wait3A_32 = tpu.memref_slice %arg3[%mul3A_14, %dma_wait3A_31] : memref<2560x128xi32, #tpu.memory_space<hbm>> -> memref<144x128xi32, #tpu.memory_space<hbm>>
        %dma_wait3A_33 = arith.constant 0 : i32
        %dma_wait3A_34 = arith.constant 0 : i32
        %dma_wait3A_35 = tpu.memref_slice %arg8[%dma_wait3A_33, %dma_wait3A_34] : memref<144x128xi32, #tpu.memory_space<vmem>> -> memref<144x128xi32, #tpu.memory_space<vmem>>
        %dma_wait3A_36 = arith.constant 0 : i32
        %dma_wait3A_37 = tpu.memref_slice %arg3[%mul3A_14, %dma_wait3A_36] : memref<2560x128xi32, #tpu.memory_space<hbm>> -> memref<144x128xi32, #tpu.memory_space<hbm>>
        tpu.wait_dma2 semaphore(%run_scoped3A : memref<!tpu.dma_semaphore, #tpu.memory_space<semaphore_mem>>) src(%dma_wait3A_37 : memref<144x128xi32, #tpu.memory_space<hbm>>) dst(%dma_wait3A_35 : memref<144x128xi32, #tpu.memory_space<vmem>>)
        tpu.yield
      }) : () -> ()
      %scan3A = arith.constant 0 : i32
      %scan3A_15 = arith.constant 0 : i32
      %scan3A_16 = arith.constant 36 : i32
      %scan3A_17 = arith.addi %scan3A_15, %scan3A_16 : i32
      %scan3A_18 = arith.constant 1 : i32
      scf.for %scan3A_20 = %scan3A_15 to %scan3A_17 step %scan3A_18  : i32 {
        %mul3A_21 = arith.constant 4 : i32
        %mul3A_22 = arith.muli %scan3A_20, %mul3A_21 : i32
        %add3A = arith.constant 0 : i32
        %add3A_23 = arith.addi %mul3A_22, %add3A : i32
        %dma_start3A = arith.constant 0 : i32
        %dma_start3A_24 = arith.constant 0 : i32
        %dma_start3A_25 = arith.constant 0 : i32
        %dma_start3A_26 = tpu.memref_slice %arg9[%dma_start3A, %dma_start3A_24, %dma_start3A_25] : memref<4x128x32xf32, #tpu.memory_space<vmem>> -> memref<1x128x32xf32, #tpu.memory_space<vmem>>
        %dma_start3A_27 = tpu.memref_squeeze %dma_start3A_26 : memref<1x128x32xf32, #tpu.memory_space<vmem>> -> memref<128x32xf32, #tpu.memory_space<vmem>>
        %dma_start3A_28 = arith.constant 0 : i32
        %dma_start3A_29 = tpu.memref_slice %arg7[%add3A_23, %dma_start3A_28] : memref<144x128xi32, #tpu.memory_space<vmem>> -> memref<1x128xi32, #tpu.memory_space<vmem>>
        %dma_start3A_30 = tpu.memref_squeeze %dma_start3A_29 : memref<1x128xi32, #tpu.memory_space<vmem>> -> memref<128xi32, #tpu.memory_space<vmem>>
        %dma_start3A_31 = arith.constant 0 : i32
        %dma_start3A_32 = arith.constant 0 : i32
        %dma_start3A_33 = tpu.memref_slice %arg4[%dma_start3A_31, %dma_start3A_32] : memref<10112x32xf32, #tpu.memory_space<hbm>> -> memref<10112x32xf32, #tpu.memory_space<hbm>>
        tpu.enqueue_indirect_dma source(%dma_start3A_33 : memref<10112x32xf32, #tpu.memory_space<hbm>>) target(%dma_start3A_27 : memref<128x32xf32, #tpu.memory_space<vmem>>) offsets(%dma_start3A_30 : memref<128xi32, #tpu.memory_space<vmem>>) semaphore(%arg11 : memref<!tpu.dma_semaphore, #tpu.memory_space<semaphore_mem>>)
        %mul3A_34 = arith.constant 4 : i32
        %mul3A_35 = arith.muli %scan3A_20, %mul3A_34 : i32
        %add3A_36 = arith.constant 1 : i32
        %add3A_37 = arith.addi %mul3A_35, %add3A_36 : i32
        %dma_start3A_38 = arith.constant 1 : i32
        %dma_start3A_39 = arith.constant 0 : i32
        %dma_start3A_40 = arith.constant 0 : i32
        %dma_start3A_41 = tpu.memref_slice %arg9[%dma_start3A_38, %dma_start3A_39, %dma_start3A_40] : memref<4x128x32xf32, #tpu.memory_space<vmem>> -> memref<1x128x32xf32, #tpu.memory_space<vmem>>
        %dma_start3A_42 = tpu.memref_squeeze %dma_start3A_41 : memref<1x128x32xf32, #tpu.memory_space<vmem>> -> memref<128x32xf32, #tpu.memory_space<vmem>>
        %dma_start3A_43 = arith.constant 0 : i32
        %dma_start3A_44 = tpu.memref_slice %arg7[%add3A_37, %dma_start3A_43] : memref<144x128xi32, #tpu.memory_space<vmem>> -> memref<1x128xi32, #tpu.memory_space<vmem>>
        %dma_start3A_45 = tpu.memref_squeeze %dma_start3A_44 : memref<1x128xi32, #tpu.memory_space<vmem>> -> memref<128xi32, #tpu.memory_space<vmem>>
        %dma_start3A_46 = arith.constant 0 : i32
        %dma_start3A_47 = arith.constant 0 : i32
        %dma_start3A_48 = tpu.memref_slice %arg4[%dma_start3A_46, %dma_start3A_47] : memref<10112x32xf32, #tpu.memory_space<hbm>> -> memref<10112x32xf32, #tpu.memory_space<hbm>>
        tpu.enqueue_indirect_dma source(%dma_start3A_48 : memref<10112x32xf32, #tpu.memory_space<hbm>>) target(%dma_start3A_42 : memref<128x32xf32, #tpu.memory_space<vmem>>) offsets(%dma_start3A_45 : memref<128xi32, #tpu.memory_space<vmem>>) semaphore(%arg12 : memref<!tpu.dma_semaphore, #tpu.memory_space<semaphore_mem>>)
        %mul3A_49 = arith.constant 4 : i32
        %mul3A_50 = arith.muli %scan3A_20, %mul3A_49 : i32
        %add3A_51 = arith.constant 2 : i32
        %add3A_52 = arith.addi %mul3A_50, %add3A_51 : i32
        %dma_start3A_53 = arith.constant 2 : i32
        %dma_start3A_54 = arith.constant 0 : i32
        %dma_start3A_55 = arith.constant 0 : i32
        %dma_start3A_56 = tpu.memref_slice %arg9[%dma_start3A_53, %dma_start3A_54, %dma_start3A_55] : memref<4x128x32xf32, #tpu.memory_space<vmem>> -> memref<1x128x32xf32, #tpu.memory_space<vmem>>
        %dma_start3A_57 = tpu.memref_squeeze %dma_start3A_56 : memref<1x128x32xf32, #tpu.memory_space<vmem>> -> memref<128x32xf32, #tpu.memory_space<vmem>>
        %dma_start3A_58 = arith.constant 0 : i32
        %dma_start3A_59 = tpu.memref_slice %arg7[%add3A_52, %dma_start3A_58] : memref<144x128xi32, #tpu.memory_space<vmem>> -> memref<1x128xi32, #tpu.memory_space<vmem>>
        %dma_start3A_60 = tpu.memref_squeeze %dma_start3A_59 : memref<1x128xi32, #tpu.memory_space<vmem>> -> memref<128xi32, #tpu.memory_space<vmem>>
        %dma_start3A_61 = arith.constant 0 : i32
        %dma_start3A_62 = arith.constant 0 : i32
        %dma_start3A_63 = tpu.memref_slice %arg4[%dma_start3A_61, %dma_start3A_62] : memref<10112x32xf32, #tpu.memory_space<hbm>> -> memref<10112x32xf32, #tpu.memory_space<hbm>>
        tpu.enqueue_indirect_dma source(%dma_start3A_63 : memref<10112x32xf32, #tpu.memory_space<hbm>>) target(%dma_start3A_57 : memref<128x32xf32, #tpu.memory_space<vmem>>) offsets(%dma_start3A_60 : memref<128xi32, #tpu.memory_space<vmem>>) semaphore(%arg13 : memref<!tpu.dma_semaphore, #tpu.memory_space<semaphore_mem>>)
        %mul3A_64 = arith.constant 4 : i32
        %mul3A_65 = arith.muli %scan3A_20, %mul3A_64 : i32
        %add3A_66 = arith.constant 3 : i32
        %add3A_67 = arith.addi %mul3A_65, %add3A_66 : i32
        %dma_start3A_68 = arith.constant 3 : i32
        %dma_start3A_69 = arith.constant 0 : i32
        %dma_start3A_70 = arith.constant 0 : i32
        %dma_start3A_71 = tpu.memref_slice %arg9[%dma_start3A_68, %dma_start3A_69, %dma_start3A_70] : memref<4x128x32xf32, #tpu.memory_space<vmem>> -> memref<1x128x32xf32, #tpu.memory_space<vmem>>
        %dma_start3A_72 = tpu.memref_squeeze %dma_start3A_71 : memref<1x128x32xf32, #tpu.memory_space<vmem>> -> memref<128x32xf32, #tpu.memory_space<vmem>>
        %dma_start3A_73 = arith.constant 0 : i32
        %dma_start3A_74 = tpu.memref_slice %arg7[%add3A_67, %dma_start3A_73] : memref<144x128xi32, #tpu.memory_space<vmem>> -> memref<1x128xi32, #tpu.memory_space<vmem>>
        %dma_start3A_75 = tpu.memref_squeeze %dma_start3A_74 : memref<1x128xi32, #tpu.memory_space<vmem>> -> memref<128xi32, #tpu.memory_space<vmem>>
        %dma_start3A_76 = arith.constant 0 : i32
        %dma_start3A_77 = arith.constant 0 : i32
        %dma_start3A_78 = tpu.memref_slice %arg4[%dma_start3A_76, %dma_start3A_77] : memref<10112x32xf32, #tpu.memory_space<hbm>> -> memref<10112x32xf32, #tpu.memory_space<hbm>>
        tpu.enqueue_indirect_dma source(%dma_start3A_78 : memref<10112x32xf32, #tpu.memory_space<hbm>>) target(%dma_start3A_72 : memref<128x32xf32, #tpu.memory_space<vmem>>) offsets(%dma_start3A_75 : memref<128xi32, #tpu.memory_space<vmem>>) semaphore(%arg14 : memref<!tpu.dma_semaphore, #tpu.memory_space<semaphore_mem>>)
        %mul3A_79 = arith.constant 4 : i32
        %mul3A_80 = arith.muli %scan3A_20, %mul3A_79 : i32
        %add3A_81 = arith.constant 0 : i32
        %add3A_82 = arith.addi %mul3A_80, %add3A_81 : i32
        %dma_wait3A = arith.constant 0 : i32
        %dma_wait3A_83 = arith.constant 0 : i32
        %dma_wait3A_84 = arith.constant 0 : i32
        %dma_wait3A_85 = tpu.memref_slice %arg9[%dma_wait3A, %dma_wait3A_83, %dma_wait3A_84] : memref<4x128x32xf32, #tpu.memory_space<vmem>> -> memref<1x128x32xf32, #tpu.memory_space<vmem>>
        %dma_wait3A_86 = tpu.memref_squeeze %dma_wait3A_85 : memref<1x128x32xf32, #tpu.memory_space<vmem>> -> memref<128x32xf32, #tpu.memory_space<vmem>>
        %dma_wait3A_87 = arith.constant 0 : i32
        %dma_wait3A_88 = tpu.memref_slice %arg7[%add3A_23, %dma_wait3A_87] : memref<144x128xi32, #tpu.memory_space<vmem>> -> memref<1x128xi32, #tpu.memory_space<vmem>>
        %dma_wait3A_89 = tpu.memref_squeeze %dma_wait3A_88 : memref<1x128xi32, #tpu.memory_space<vmem>> -> memref<128xi32, #tpu.memory_space<vmem>>
        %dma_wait3A_90 = arith.constant 0 : i32
        %dma_wait3A_91 = arith.constant 0 : i32
        %dma_wait3A_92 = tpu.memref_slice %arg4[%dma_wait3A_90, %dma_wait3A_91] : memref<10112x32xf32, #tpu.memory_space<hbm>> -> memref<10112x32xf32, #tpu.memory_space<hbm>>
        tpu.wait_indirect_dma semaphore(%arg11 : memref<!tpu.dma_semaphore, #tpu.memory_space<semaphore_mem>>) src(%dma_wait3A_92 : memref<10112x32xf32, #tpu.memory_space<hbm>>) dst(%dma_wait3A_86 : memref<128x32xf32, #tpu.memory_space<vmem>>)
        %run_scoped3A = arith.constant 0 : i32
        "tpu.region"() ({
          %run_scoped3A_141 = tpu.sem_alloc : memref<!tpu.dma_semaphore, #tpu.memory_space<semaphore_mem>>
          %dma_start3A_142 = arith.constant 0 : i32
          %dma_start3A_143 = arith.constant 0 : i32
          %dma_start3A_144 = tpu.memref_slice %arg9[%run_scoped3A, %dma_start3A_142, %dma_start3A_143] : memref<4x128x32xf32, #tpu.memory_space<vmem>> -> memref<1x128x32xf32, #tpu.memory_space<vmem>>
          %dma_start3A_145 = tpu.memref_squeeze %dma_start3A_144 : memref<1x128x32xf32, #tpu.memory_space<vmem>> -> memref<128x32xf32, #tpu.memory_space<vmem>>
          %dma_start3A_146 = arith.constant 0 : i32
          %dma_start3A_147 = tpu.memref_slice %arg8[%add3A_82, %dma_start3A_146] : memref<144x128xi32, #tpu.memory_space<vmem>> -> memref<1x128xi32, #tpu.memory_space<vmem>>
          %dma_start3A_148 = tpu.memref_squeeze %dma_start3A_147 : memref<1x128xi32, #tpu.memory_space<vmem>> -> memref<128xi32, #tpu.memory_space<vmem>>
          %dma_start3A_149 = arith.constant 0 : i32
          %dma_start3A_150 = arith.constant 0 : i32
          %dma_start3A_151 = tpu.memref_slice %arg10[%dma_start3A_149, %dma_start3A_150] : memref<10112x32xf32, #tpu.memory_space<vmem_shared>> -> memref<10112x32xf32, #tpu.memory_space<vmem_shared>>
          tpu.enqueue_indirect_dma source(%dma_start3A_145 : memref<128x32xf32, #tpu.memory_space<vmem>>) target(%dma_start3A_151 : memref<10112x32xf32, #tpu.memory_space<vmem_shared>>) offsets(%dma_start3A_148 : memref<128xi32, #tpu.memory_space<vmem>>) semaphore(%run_scoped3A_141 : memref<!tpu.dma_semaphore, #tpu.memory_space<semaphore_mem>>) {add = true}
          %dma_wait3A_152 = arith.constant 0 : i32
          %dma_wait3A_153 = arith.constant 0 : i32
          %dma_wait3A_154 = tpu.memref_slice %arg9[%run_scoped3A, %dma_wait3A_152, %dma_wait3A_153] : memref<4x128x32xf32, #tpu.memory_space<vmem>> -> memref<1x128x32xf32, #tpu.memory_space<vmem>>
          %dma_wait3A_155 = tpu.memref_squeeze %dma_wait3A_154 : memref<1x128x32xf32, #tpu.memory_space<vmem>> -> memref<128x32xf32, #tpu.memory_space<vmem>>
          %dma_wait3A_156 = arith.constant 0 : i32
          %dma_wait3A_157 = tpu.memref_slice %arg8[%add3A_82, %dma_wait3A_156] : memref<144x128xi32, #tpu.memory_space<vmem>> -> memref<1x128xi32, #tpu.memory_space<vmem>>
          %dma_wait3A_158 = tpu.memref_squeeze %dma_wait3A_157 : memref<1x128xi32, #tpu.memory_space<vmem>> -> memref<128xi32, #tpu.memory_space<vmem>>
          %dma_wait3A_159 = arith.constant 0 : i32
          %dma_wait3A_160 = arith.constant 0 : i32
          %dma_wait3A_161 = tpu.memref_slice %arg10[%dma_wait3A_159, %dma_wait3A_160] : memref<10112x32xf32, #tpu.memory_space<vmem_shared>> -> memref<10112x32xf32, #tpu.memory_space<vmem_shared>>
          tpu.wait_indirect_dma semaphore(%run_scoped3A_141 : memref<!tpu.dma_semaphore, #tpu.memory_space<semaphore_mem>>) src(%dma_wait3A_155 : memref<128x32xf32, #tpu.memory_space<vmem>>) dst(%dma_wait3A_161 : memref<10112x32xf32, #tpu.memory_space<vmem_shared>>)
          tpu.yield
        }) : () -> ()
        %mul3A_93 = arith.constant 4 : i32
        %mul3A_94 = arith.muli %scan3A_20, %mul3A_93 : i32
        %add3A_95 = arith.constant 1 : i32
        %add3A_96 = arith.addi %mul3A_94, %add3A_95 : i32
        %dma_wait3A_97 = arith.constant 1 : i32
        %dma_wait3A_98 = arith.constant 0 : i32
        %dma_wait3A_99 = arith.constant 0 : i32
        %dma_wait3A_100 = tpu.memref_slice %arg9[%dma_wait3A_97, %dma_wait3A_98, %dma_wait3A_99] : memref<4x128x32xf32, #tpu.memory_space<vmem>> -> memref<1x128x32xf32, #tpu.memory_space<vmem>>
        %dma_wait3A_101 = tpu.memref_squeeze %dma_wait3A_100 : memref<1x128x32xf32, #tpu.memory_space<vmem>> -> memref<128x32xf32, #tpu.memory_space<vmem>>
        %dma_wait3A_102 = arith.constant 0 : i32
        %dma_wait3A_103 = tpu.memref_slice %arg7[%add3A_37, %dma_wait3A_102] : memref<144x128xi32, #tpu.memory_space<vmem>> -> memref<1x128xi32, #tpu.memory_space<vmem>>
        %dma_wait3A_104 = tpu.memref_squeeze %dma_wait3A_103 : memref<1x128xi32, #tpu.memory_space<vmem>> -> memref<128xi32, #tpu.memory_space<vmem>>
        %dma_wait3A_105 = arith.constant 0 : i32
        %dma_wait3A_106 = arith.constant 0 : i32
        %dma_wait3A_107 = tpu.memref_slice %arg4[%dma_wait3A_105, %dma_wait3A_106] : memref<10112x32xf32, #tpu.memory_space<hbm>> -> memref<10112x32xf32, #tpu.memory_space<hbm>>
        tpu.wait_indirect_dma semaphore(%arg12 : memref<!tpu.dma_semaphore, #tpu.memory_space<semaphore_mem>>) src(%dma_wait3A_107 : memref<10112x32xf32, #tpu.memory_space<hbm>>) dst(%dma_wait3A_101 : memref<128x32xf32, #tpu.memory_space<vmem>>)
        %run_scoped3A_108 = arith.constant 1 : i32
        "tpu.region"() ({
          %run_scoped3A_141 = tpu.sem_alloc : memref<!tpu.dma_semaphore, #tpu.memory_space<semaphore_mem>>
          %dma_start3A_142 = arith.constant 0 : i32
          %dma_start3A_143 = arith.constant 0 : i32
          %dma_start3A_144 = tpu.memref_slice %arg9[%run_scoped3A_108, %dma_start3A_142, %dma_start3A_143] : memref<4x128x32xf32, #tpu.memory_space<vmem>> -> memref<1x128x32xf32, #tpu.memory_space<vmem>>
          %dma_start3A_145 = tpu.memref_squeeze %dma_start3A_144 : memref<1x128x32xf32, #tpu.memory_space<vmem>> -> memref<128x32xf32, #tpu.memory_space<vmem>>
          %dma_start3A_146 = arith.constant 0 : i32
          %dma_start3A_147 = tpu.memref_slice %arg8[%add3A_96, %dma_start3A_146] : memref<144x128xi32, #tpu.memory_space<vmem>> -> memref<1x128xi32, #tpu.memory_space<vmem>>
          %dma_start3A_148 = tpu.memref_squeeze %dma_start3A_147 : memref<1x128xi32, #tpu.memory_space<vmem>> -> memref<128xi32, #tpu.memory_space<vmem>>
          %dma_start3A_149 = arith.constant 0 : i32
          %dma_start3A_150 = arith.constant 0 : i32
          %dma_start3A_151 = tpu.memref_slice %arg10[%dma_start3A_149, %dma_start3A_150] : memref<10112x32xf32, #tpu.memory_space<vmem_shared>> -> memref<10112x32xf32, #tpu.memory_space<vmem_shared>>
          tpu.enqueue_indirect_dma source(%dma_start3A_145 : memref<128x32xf32, #tpu.memory_space<vmem>>) target(%dma_start3A_151 : memref<10112x32xf32, #tpu.memory_space<vmem_shared>>) offsets(%dma_start3A_148 : memref<128xi32, #tpu.memory_space<vmem>>) semaphore(%run_scoped3A_141 : memref<!tpu.dma_semaphore, #tpu.memory_space<semaphore_mem>>) {add = true}
          %dma_wait3A_152 = arith.constant 0 : i32
          %dma_wait3A_153 = arith.constant 0 : i32
          %dma_wait3A_154 = tpu.memref_slice %arg9[%run_scoped3A_108, %dma_wait3A_152, %dma_wait3A_153] : memref<4x128x32xf32, #tpu.memory_space<vmem>> -> memref<1x128x32xf32, #tpu.memory_space<vmem>>
          %dma_wait3A_155 = tpu.memref_squeeze %dma_wait3A_154 : memref<1x128x32xf32, #tpu.memory_space<vmem>> -> memref<128x32xf32, #tpu.memory_space<vmem>>
          %dma_wait3A_156 = arith.constant 0 : i32
          %dma_wait3A_157 = tpu.memref_slice %arg8[%add3A_96, %dma_wait3A_156] : memref<144x128xi32, #tpu.memory_space<vmem>> -> memref<1x128xi32, #tpu.memory_space<vmem>>
          %dma_wait3A_158 = tpu.memref_squeeze %dma_wait3A_157 : memref<1x128xi32, #tpu.memory_space<vmem>> -> memref<128xi32, #tpu.memory_space<vmem>>
          %dma_wait3A_159 = arith.constant 0 : i32
          %dma_wait3A_160 = arith.constant 0 : i32
          %dma_wait3A_161 = tpu.memref_slice %arg10[%dma_wait3A_159, %dma_wait3A_160] : memref<10112x32xf32, #tpu.memory_space<vmem_shared>> -> memref<10112x32xf32, #tpu.memory_space<vmem_shared>>
          tpu.wait_indirect_dma semaphore(%run_scoped3A_141 : memref<!tpu.dma_semaphore, #tpu.memory_space<semaphore_mem>>) src(%dma_wait3A_155 : memref<128x32xf32, #tpu.memory_space<vmem>>) dst(%dma_wait3A_161 : memref<10112x32xf32, #tpu.memory_space<vmem_shared>>)
          tpu.yield
        }) : () -> ()
        %mul3A_109 = arith.constant 4 : i32
        %mul3A_110 = arith.muli %scan3A_20, %mul3A_109 : i32
        %add3A_111 = arith.constant 2 : i32
        %add3A_112 = arith.addi %mul3A_110, %add3A_111 : i32
        %dma_wait3A_113 = arith.constant 2 : i32
        %dma_wait3A_114 = arith.constant 0 : i32
        %dma_wait3A_115 = arith.constant 0 : i32
        %dma_wait3A_116 = tpu.memref_slice %arg9[%dma_wait3A_113, %dma_wait3A_114, %dma_wait3A_115] : memref<4x128x32xf32, #tpu.memory_space<vmem>> -> memref<1x128x32xf32, #tpu.memory_space<vmem>>
        %dma_wait3A_117 = tpu.memref_squeeze %dma_wait3A_116 : memref<1x128x32xf32, #tpu.memory_space<vmem>> -> memref<128x32xf32, #tpu.memory_space<vmem>>
        %dma_wait3A_118 = arith.constant 0 : i32
        %dma_wait3A_119 = tpu.memref_slice %arg7[%add3A_52, %dma_wait3A_118] : memref<144x128xi32, #tpu.memory_space<vmem>> -> memref<1x128xi32, #tpu.memory_space<vmem>>
        %dma_wait3A_120 = tpu.memref_squeeze %dma_wait3A_119 : memref<1x128xi32, #tpu.memory_space<vmem>> -> memref<128xi32, #tpu.memory_space<vmem>>
        %dma_wait3A_121 = arith.constant 0 : i32
        %dma_wait3A_122 = arith.constant 0 : i32
        %dma_wait3A_123 = tpu.memref_slice %arg4[%dma_wait3A_121, %dma_wait3A_122] : memref<10112x32xf32, #tpu.memory_space<hbm>> -> memref<10112x32xf32, #tpu.memory_space<hbm>>
        tpu.wait_indirect_dma semaphore(%arg13 : memref<!tpu.dma_semaphore, #tpu.memory_space<semaphore_mem>>) src(%dma_wait3A_123 : memref<10112x32xf32, #tpu.memory_space<hbm>>) dst(%dma_wait3A_117 : memref<128x32xf32, #tpu.memory_space<vmem>>)
        %run_scoped3A_124 = arith.constant 2 : i32
        "tpu.region"() ({
          %run_scoped3A_141 = tpu.sem_alloc : memref<!tpu.dma_semaphore, #tpu.memory_space<semaphore_mem>>
          %dma_start3A_142 = arith.constant 0 : i32
          %dma_start3A_143 = arith.constant 0 : i32
          %dma_start3A_144 = tpu.memref_slice %arg9[%run_scoped3A_124, %dma_start3A_142, %dma_start3A_143] : memref<4x128x32xf32, #tpu.memory_space<vmem>> -> memref<1x128x32xf32, #tpu.memory_space<vmem>>
          %dma_start3A_145 = tpu.memref_squeeze %dma_start3A_144 : memref<1x128x32xf32, #tpu.memory_space<vmem>> -> memref<128x32xf32, #tpu.memory_space<vmem>>
          %dma_start3A_146 = arith.constant 0 : i32
          %dma_start3A_147 = tpu.memref_slice %arg8[%add3A_112, %dma_start3A_146] : memref<144x128xi32, #tpu.memory_space<vmem>> -> memref<1x128xi32, #tpu.memory_space<vmem>>
          %dma_start3A_148 = tpu.memref_squeeze %dma_start3A_147 : memref<1x128xi32, #tpu.memory_space<vmem>> -> memref<128xi32, #tpu.memory_space<vmem>>
          %dma_start3A_149 = arith.constant 0 : i32
          %dma_start3A_150 = arith.constant 0 : i32
          %dma_start3A_151 = tpu.memref_slice %arg10[%dma_start3A_149, %dma_start3A_150] : memref<10112x32xf32, #tpu.memory_space<vmem_shared>> -> memref<10112x32xf32, #tpu.memory_space<vmem_shared>>
          tpu.enqueue_indirect_dma source(%dma_start3A_145 : memref<128x32xf32, #tpu.memory_space<vmem>>) target(%dma_start3A_151 : memref<10112x32xf32, #tpu.memory_space<vmem_shared>>) offsets(%dma_start3A_148 : memref<128xi32, #tpu.memory_space<vmem>>) semaphore(%run_scoped3A_141 : memref<!tpu.dma_semaphore, #tpu.memory_space<semaphore_mem>>) {add = true}
          %dma_wait3A_152 = arith.constant 0 : i32
          %dma_wait3A_153 = arith.constant 0 : i32
          %dma_wait3A_154 = tpu.memref_slice %arg9[%run_scoped3A_124, %dma_wait3A_152, %dma_wait3A_153] : memref<4x128x32xf32, #tpu.memory_space<vmem>> -> memref<1x128x32xf32, #tpu.memory_space<vmem>>
          %dma_wait3A_155 = tpu.memref_squeeze %dma_wait3A_154 : memref<1x128x32xf32, #tpu.memory_space<vmem>> -> memref<128x32xf32, #tpu.memory_space<vmem>>
          %dma_wait3A_156 = arith.constant 0 : i32
          %dma_wait3A_157 = tpu.memref_slice %arg8[%add3A_112, %dma_wait3A_156] : memref<144x128xi32, #tpu.memory_space<vmem>> -> memref<1x128xi32, #tpu.memory_space<vmem>>
          %dma_wait3A_158 = tpu.memref_squeeze %dma_wait3A_157 : memref<1x128xi32, #tpu.memory_space<vmem>> -> memref<128xi32, #tpu.memory_space<vmem>>
          %dma_wait3A_159 = arith.constant 0 : i32
          %dma_wait3A_160 = arith.constant 0 : i32
          %dma_wait3A_161 = tpu.memref_slice %arg10[%dma_wait3A_159, %dma_wait3A_160] : memref<10112x32xf32, #tpu.memory_space<vmem_shared>> -> memref<10112x32xf32, #tpu.memory_space<vmem_shared>>
          tpu.wait_indirect_dma semaphore(%run_scoped3A_141 : memref<!tpu.dma_semaphore, #tpu.memory_space<semaphore_mem>>) src(%dma_wait3A_155 : memref<128x32xf32, #tpu.memory_space<vmem>>) dst(%dma_wait3A_161 : memref<10112x32xf32, #tpu.memory_space<vmem_shared>>)
          tpu.yield
        }) : () -> ()
        %mul3A_125 = arith.constant 4 : i32
        %mul3A_126 = arith.muli %scan3A_20, %mul3A_125 : i32
        %add3A_127 = arith.constant 3 : i32
        %add3A_128 = arith.addi %mul3A_126, %add3A_127 : i32
        %dma_wait3A_129 = arith.constant 3 : i32
        %dma_wait3A_130 = arith.constant 0 : i32
        %dma_wait3A_131 = arith.constant 0 : i32
        %dma_wait3A_132 = tpu.memref_slice %arg9[%dma_wait3A_129, %dma_wait3A_130, %dma_wait3A_131] : memref<4x128x32xf32, #tpu.memory_space<vmem>> -> memref<1x128x32xf32, #tpu.memory_space<vmem>>
        %dma_wait3A_133 = tpu.memref_squeeze %dma_wait3A_132 : memref<1x128x32xf32, #tpu.memory_space<vmem>> -> memref<128x32xf32, #tpu.memory_space<vmem>>
        %dma_wait3A_134 = arith.constant 0 : i32
        %dma_wait3A_135 = tpu.memref_slice %arg7[%add3A_67, %dma_wait3A_134] : memref<144x128xi32, #tpu.memory_space<vmem>> -> memref<1x128xi32, #tpu.memory_space<vmem>>
        %dma_wait3A_136 = tpu.memref_squeeze %dma_wait3A_135 : memref<1x128xi32, #tpu.memory_space<vmem>> -> memref<128xi32, #tpu.memory_space<vmem>>
        %dma_wait3A_137 = arith.constant 0 : i32
        %dma_wait3A_138 = arith.constant 0 : i32
        %dma_wait3A_139 = tpu.memref_slice %arg4[%dma_wait3A_137, %dma_wait3A_138] : memref<10112x32xf32, #tpu.memory_space<hbm>> -> memref<10112x32xf32, #tpu.memory_space<hbm>>
        tpu.wait_indirect_dma semaphore(%arg14 : memref<!tpu.dma_semaphore, #tpu.memory_space<semaphore_mem>>) src(%dma_wait3A_139 : memref<10112x32xf32, #tpu.memory_space<hbm>>) dst(%dma_wait3A_133 : memref<128x32xf32, #tpu.memory_space<vmem>>)
        %run_scoped3A_140 = arith.constant 3 : i32
        "tpu.region"() ({
          %run_scoped3A_141 = tpu.sem_alloc : memref<!tpu.dma_semaphore, #tpu.memory_space<semaphore_mem>>
          %dma_start3A_142 = arith.constant 0 : i32
          %dma_start3A_143 = arith.constant 0 : i32
          %dma_start3A_144 = tpu.memref_slice %arg9[%run_scoped3A_140, %dma_start3A_142, %dma_start3A_143] : memref<4x128x32xf32, #tpu.memory_space<vmem>> -> memref<1x128x32xf32, #tpu.memory_space<vmem>>
          %dma_start3A_145 = tpu.memref_squeeze %dma_start3A_144 : memref<1x128x32xf32, #tpu.memory_space<vmem>> -> memref<128x32xf32, #tpu.memory_space<vmem>>
          %dma_start3A_146 = arith.constant 0 : i32
          %dma_start3A_147 = tpu.memref_slice %arg8[%add3A_128, %dma_start3A_146] : memref<144x128xi32, #tpu.memory_space<vmem>> -> memref<1x128xi32, #tpu.memory_space<vmem>>
          %dma_start3A_148 = tpu.memref_squeeze %dma_start3A_147 : memref<1x128xi32, #tpu.memory_space<vmem>> -> memref<128xi32, #tpu.memory_space<vmem>>
          %dma_start3A_149 = arith.constant 0 : i32
          %dma_start3A_150 = arith.constant 0 : i32
          %dma_start3A_151 = tpu.memref_slice %arg10[%dma_start3A_149, %dma_start3A_150] : memref<10112x32xf32, #tpu.memory_space<vmem_shared>> -> memref<10112x32xf32, #tpu.memory_space<vmem_shared>>
          tpu.enqueue_indirect_dma source(%dma_start3A_145 : memref<128x32xf32, #tpu.memory_space<vmem>>) target(%dma_start3A_151 : memref<10112x32xf32, #tpu.memory_space<vmem_shared>>) offsets(%dma_start3A_148 : memref<128xi32, #tpu.memory_space<vmem>>) semaphore(%run_scoped3A_141 : memref<!tpu.dma_semaphore, #tpu.memory_space<semaphore_mem>>) {add = true}
          %dma_wait3A_152 = arith.constant 0 : i32
          %dma_wait3A_153 = arith.constant 0 : i32
          %dma_wait3A_154 = tpu.memref_slice %arg9[%run_scoped3A_140, %dma_wait3A_152, %dma_wait3A_153] : memref<4x128x32xf32, #tpu.memory_space<vmem>> -> memref<1x128x32xf32, #tpu.memory_space<vmem>>
          %dma_wait3A_155 = tpu.memref_squeeze %dma_wait3A_154 : memref<1x128x32xf32, #tpu.memory_space<vmem>> -> memref<128x32xf32, #tpu.memory_space<vmem>>
          %dma_wait3A_156 = arith.constant 0 : i32
          %dma_wait3A_157 = tpu.memref_slice %arg8[%add3A_128, %dma_wait3A_156] : memref<144x128xi32, #tpu.memory_space<vmem>> -> memref<1x128xi32, #tpu.memory_space<vmem>>
          %dma_wait3A_158 = tpu.memref_squeeze %dma_wait3A_157 : memref<1x128xi32, #tpu.memory_space<vmem>> -> memref<128xi32, #tpu.memory_space<vmem>>
          %dma_wait3A_159 = arith.constant 0 : i32
          %dma_wait3A_160 = arith.constant 0 : i32
          %dma_wait3A_161 = tpu.memref_slice %arg10[%dma_wait3A_159, %dma_wait3A_160] : memref<10112x32xf32, #tpu.memory_space<vmem_shared>> -> memref<10112x32xf32, #tpu.memory_space<vmem_shared>>
          tpu.wait_indirect_dma semaphore(%run_scoped3A_141 : memref<!tpu.dma_semaphore, #tpu.memory_space<semaphore_mem>>) src(%dma_wait3A_155 : memref<128x32xf32, #tpu.memory_space<vmem>>) dst(%dma_wait3A_161 : memref<10112x32xf32, #tpu.memory_space<vmem_shared>>)
          tpu.yield
        }) : () -> ()
      }
      %scan3A_19 = arith.constant 36 : i32
    } else {
    }
    %eq3A_3 = arith.constant 1 : i32
    %eq3A_4 = arith.cmpi eq, %arg0, %eq3A_3 : i32
    %convert_element_type3A_5 = arith.extui %eq3A_4 : i1 to i32
    %cond3A_6 = arith.constant 0 : i32
    %cond3A_7 = arith.cmpi ne, %convert_element_type3A_5, %cond3A_6 : i32
    scf.if %cond3A_7 {
      %mul3A_13 = arith.constant 16 : i32
      %mul3A_14 = arith.muli %arg1, %mul3A_13 : i32
      %add3A = arith.constant 2304 : i32
      %add3A_15 = arith.addi %add3A, %mul3A_14 : i32
      "tpu.region"() ({
        %run_scoped3A = tpu.sem_alloc : memref<!tpu.dma_semaphore, #tpu.memory_space<semaphore_mem>>
        %dma_start3A = arith.constant 0 : i32
        %dma_start3A_21 = arith.constant 0 : i32
        %dma_start3A_22 = tpu.memref_slice %arg7[%dma_start3A, %dma_start3A_21] : memref<144x128xi32, #tpu.memory_space<vmem>> -> memref<16x128xi32, #tpu.memory_space<vmem>>
        %dma_start3A_23 = arith.constant 0 : i32
        %dma_start3A_24 = tpu.memref_slice %arg2[%add3A_15, %dma_start3A_23] : memref<2560x128xi32, #tpu.memory_space<hbm>> -> memref<16x128xi32, #tpu.memory_space<hbm>>
        %dma_start3A_25 = arith.constant 0 : i32
        %dma_start3A_26 = arith.constant 0 : i32
        %dma_start3A_27 = tpu.memref_slice %arg7[%dma_start3A_25, %dma_start3A_26] : memref<144x128xi32, #tpu.memory_space<vmem>> -> memref<16x128xi32, #tpu.memory_space<vmem>>
        %dma_start3A_28 = arith.constant 0 : i32
        %dma_start3A_29 = tpu.memref_slice %arg2[%add3A_15, %dma_start3A_28] : memref<2560x128xi32, #tpu.memory_space<hbm>> -> memref<16x128xi32, #tpu.memory_space<hbm>>
        tpu.enqueue_dma source(%dma_start3A_29 : memref<16x128xi32, #tpu.memory_space<hbm>>) target(%dma_start3A_27 : memref<16x128xi32, #tpu.memory_space<vmem>>) target_semaphore(%run_scoped3A : memref<!tpu.dma_semaphore, #tpu.memory_space<semaphore_mem>>)
        %dma_wait3A = arith.constant 0 : i32
        %dma_wait3A_30 = arith.constant 0 : i32
        %dma_wait3A_31 = tpu.memref_slice %arg7[%dma_wait3A, %dma_wait3A_30] : memref<144x128xi32, #tpu.memory_space<vmem>> -> memref<16x128xi32, #tpu.memory_space<vmem>>
        %dma_wait3A_32 = arith.constant 0 : i32
        %dma_wait3A_33 = tpu.memref_slice %arg2[%add3A_15, %dma_wait3A_32] : memref<2560x128xi32, #tpu.memory_space<hbm>> -> memref<16x128xi32, #tpu.memory_space<hbm>>
        %dma_wait3A_34 = arith.constant 0 : i32
        %dma_wait3A_35 = arith.constant 0 : i32
        %dma_wait3A_36 = tpu.memref_slice %arg7[%dma_wait3A_34, %dma_wait3A_35] : memref<144x128xi32, #tpu.memory_space<vmem>> -> memref<16x128xi32, #tpu.memory_space<vmem>>
        %dma_wait3A_37 = arith.constant 0 : i32
        %dma_wait3A_38 = tpu.memref_slice %arg2[%add3A_15, %dma_wait3A_37] : memref<2560x128xi32, #tpu.memory_space<hbm>> -> memref<16x128xi32, #tpu.memory_space<hbm>>
        tpu.wait_dma2 semaphore(%run_scoped3A : memref<!tpu.dma_semaphore, #tpu.memory_space<semaphore_mem>>) src(%dma_wait3A_38 : memref<16x128xi32, #tpu.memory_space<hbm>>) dst(%dma_wait3A_36 : memref<16x128xi32, #tpu.memory_space<vmem>>)
        tpu.yield
      }) : () -> ()
      "tpu.region"() ({
        %run_scoped3A = tpu.sem_alloc : memref<!tpu.dma_semaphore, #tpu.memory_space<semaphore_mem>>
        %dma_start3A = arith.constant 0 : i32
        %dma_start3A_21 = arith.constant 0 : i32
        %dma_start3A_22 = tpu.memref_slice %arg8[%dma_start3A, %dma_start3A_21] : memref<144x128xi32, #tpu.memory_space<vmem>> -> memref<16x128xi32, #tpu.memory_space<vmem>>
        %dma_start3A_23 = arith.constant 0 : i32
        %dma_start3A_24 = tpu.memref_slice %arg3[%add3A_15, %dma_start3A_23] : memref<2560x128xi32, #tpu.memory_space<hbm>> -> memref<16x128xi32, #tpu.memory_space<hbm>>
        %dma_start3A_25 = arith.constant 0 : i32
        %dma_start3A_26 = arith.constant 0 : i32
        %dma_start3A_27 = tpu.memref_slice %arg8[%dma_start3A_25, %dma_start3A_26] : memref<144x128xi32, #tpu.memory_space<vmem>> -> memref<16x128xi32, #tpu.memory_space<vmem>>
        %dma_start3A_28 = arith.constant 0 : i32
        %dma_start3A_29 = tpu.memref_slice %arg3[%add3A_15, %dma_start3A_28] : memref<2560x128xi32, #tpu.memory_space<hbm>> -> memref<16x128xi32, #tpu.memory_space<hbm>>
        tpu.enqueue_dma source(%dma_start3A_29 : memref<16x128xi32, #tpu.memory_space<hbm>>) target(%dma_start3A_27 : memref<16x128xi32, #tpu.memory_space<vmem>>) target_semaphore(%run_scoped3A : memref<!tpu.dma_semaphore, #tpu.memory_space<semaphore_mem>>)
        %dma_wait3A = arith.constant 0 : i32
        %dma_wait3A_30 = arith.constant 0 : i32
        %dma_wait3A_31 = tpu.memref_slice %arg8[%dma_wait3A, %dma_wait3A_30] : memref<144x128xi32, #tpu.memory_space<vmem>> -> memref<16x128xi32, #tpu.memory_space<vmem>>
        %dma_wait3A_32 = arith.constant 0 : i32
        %dma_wait3A_33 = tpu.memref_slice %arg3[%add3A_15, %dma_wait3A_32] : memref<2560x128xi32, #tpu.memory_space<hbm>> -> memref<16x128xi32, #tpu.memory_space<hbm>>
        %dma_wait3A_34 = arith.constant 0 : i32
        %dma_wait3A_35 = arith.constant 0 : i32
        %dma_wait3A_36 = tpu.memref_slice %arg8[%dma_wait3A_34, %dma_wait3A_35] : memref<144x128xi32, #tpu.memory_space<vmem>> -> memref<16x128xi32, #tpu.memory_space<vmem>>
        %dma_wait3A_37 = arith.constant 0 : i32
        %dma_wait3A_38 = tpu.memref_slice %arg3[%add3A_15, %dma_wait3A_37] : memref<2560x128xi32, #tpu.memory_space<hbm>> -> memref<16x128xi32, #tpu.memory_space<hbm>>
        tpu.wait_dma2 semaphore(%run_scoped3A : memref<!tpu.dma_semaphore, #tpu.memory_space<semaphore_mem>>) src(%dma_wait3A_38 : memref<16x128xi32, #tpu.memory_space<hbm>>) dst(%dma_wait3A_36 : memref<16x128xi32, #tpu.memory_space<vmem>>)
        tpu.yield
      }) : () -> ()
      %scan3A = arith.constant 0 : i32
      %scan3A_16 = arith.constant 0 : i32
      %scan3A_17 = arith.constant 4 : i32
      %scan3A_18 = arith.addi %scan3A_16, %scan3A_17 : i32
      %scan3A_19 = arith.constant 1 : i32
      scf.for %scan3A_21 = %scan3A_16 to %scan3A_18 step %scan3A_19  : i32 {
        %mul3A_22 = arith.constant 4 : i32
        %mul3A_23 = arith.muli %scan3A_21, %mul3A_22 : i32
        %add3A_24 = arith.constant 0 : i32
        %add3A_25 = arith.addi %mul3A_23, %add3A_24 : i32
        %dma_start3A = arith.constant 0 : i32
        %dma_start3A_26 = arith.constant 0 : i32
        %dma_start3A_27 = arith.constant 0 : i32
        %dma_start3A_28 = tpu.memref_slice %arg9[%dma_start3A, %dma_start3A_26, %dma_start3A_27] : memref<4x128x32xf32, #tpu.memory_space<vmem>> -> memref<1x128x32xf32, #tpu.memory_space<vmem>>
        %dma_start3A_29 = tpu.memref_squeeze %dma_start3A_28 : memref<1x128x32xf32, #tpu.memory_space<vmem>> -> memref<128x32xf32, #tpu.memory_space<vmem>>
        %dma_start3A_30 = arith.constant 0 : i32
        %dma_start3A_31 = tpu.memref_slice %arg7[%add3A_25, %dma_start3A_30] : memref<144x128xi32, #tpu.memory_space<vmem>> -> memref<1x128xi32, #tpu.memory_space<vmem>>
        %dma_start3A_32 = tpu.memref_squeeze %dma_start3A_31 : memref<1x128xi32, #tpu.memory_space<vmem>> -> memref<128xi32, #tpu.memory_space<vmem>>
        %dma_start3A_33 = arith.constant 0 : i32
        %dma_start3A_34 = arith.constant 0 : i32
        %dma_start3A_35 = tpu.memref_slice %arg4[%dma_start3A_33, %dma_start3A_34] : memref<10112x32xf32, #tpu.memory_space<hbm>> -> memref<10112x32xf32, #tpu.memory_space<hbm>>
        tpu.enqueue_indirect_dma source(%dma_start3A_35 : memref<10112x32xf32, #tpu.memory_space<hbm>>) target(%dma_start3A_29 : memref<128x32xf32, #tpu.memory_space<vmem>>) offsets(%dma_start3A_32 : memref<128xi32, #tpu.memory_space<vmem>>) semaphore(%arg11 : memref<!tpu.dma_semaphore, #tpu.memory_space<semaphore_mem>>)
        %mul3A_36 = arith.constant 4 : i32
        %mul3A_37 = arith.muli %scan3A_21, %mul3A_36 : i32
        %add3A_38 = arith.constant 1 : i32
        %add3A_39 = arith.addi %mul3A_37, %add3A_38 : i32
        %dma_start3A_40 = arith.constant 1 : i32
        %dma_start3A_41 = arith.constant 0 : i32
        %dma_start3A_42 = arith.constant 0 : i32
        %dma_start3A_43 = tpu.memref_slice %arg9[%dma_start3A_40, %dma_start3A_41, %dma_start3A_42] : memref<4x128x32xf32, #tpu.memory_space<vmem>> -> memref<1x128x32xf32, #tpu.memory_space<vmem>>
        %dma_start3A_44 = tpu.memref_squeeze %dma_start3A_43 : memref<1x128x32xf32, #tpu.memory_space<vmem>> -> memref<128x32xf32, #tpu.memory_space<vmem>>
        %dma_start3A_45 = arith.constant 0 : i32
        %dma_start3A_46 = tpu.memref_slice %arg7[%add3A_39, %dma_start3A_45] : memref<144x128xi32, #tpu.memory_space<vmem>> -> memref<1x128xi32, #tpu.memory_space<vmem>>
        %dma_start3A_47 = tpu.memref_squeeze %dma_start3A_46 : memref<1x128xi32, #tpu.memory_space<vmem>> -> memref<128xi32, #tpu.memory_space<vmem>>
        %dma_start3A_48 = arith.constant 0 : i32
        %dma_start3A_49 = arith.constant 0 : i32
        %dma_start3A_50 = tpu.memref_slice %arg4[%dma_start3A_48, %dma_start3A_49] : memref<10112x32xf32, #tpu.memory_space<hbm>> -> memref<10112x32xf32, #tpu.memory_space<hbm>>
        tpu.enqueue_indirect_dma source(%dma_start3A_50 : memref<10112x32xf32, #tpu.memory_space<hbm>>) target(%dma_start3A_44 : memref<128x32xf32, #tpu.memory_space<vmem>>) offsets(%dma_start3A_47 : memref<128xi32, #tpu.memory_space<vmem>>) semaphore(%arg12 : memref<!tpu.dma_semaphore, #tpu.memory_space<semaphore_mem>>)
        %mul3A_51 = arith.constant 4 : i32
        %mul3A_52 = arith.muli %scan3A_21, %mul3A_51 : i32
        %add3A_53 = arith.constant 2 : i32
        %add3A_54 = arith.addi %mul3A_52, %add3A_53 : i32
        %dma_start3A_55 = arith.constant 2 : i32
        %dma_start3A_56 = arith.constant 0 : i32
        %dma_start3A_57 = arith.constant 0 : i32
        %dma_start3A_58 = tpu.memref_slice %arg9[%dma_start3A_55, %dma_start3A_56, %dma_start3A_57] : memref<4x128x32xf32, #tpu.memory_space<vmem>> -> memref<1x128x32xf32, #tpu.memory_space<vmem>>
        %dma_start3A_59 = tpu.memref_squeeze %dma_start3A_58 : memref<1x128x32xf32, #tpu.memory_space<vmem>> -> memref<128x32xf32, #tpu.memory_space<vmem>>
        %dma_start3A_60 = arith.constant 0 : i32
        %dma_start3A_61 = tpu.memref_slice %arg7[%add3A_54, %dma_start3A_60] : memref<144x128xi32, #tpu.memory_space<vmem>> -> memref<1x128xi32, #tpu.memory_space<vmem>>
        %dma_start3A_62 = tpu.memref_squeeze %dma_start3A_61 : memref<1x128xi32, #tpu.memory_space<vmem>> -> memref<128xi32, #tpu.memory_space<vmem>>
        %dma_start3A_63 = arith.constant 0 : i32
        %dma_start3A_64 = arith.constant 0 : i32
        %dma_start3A_65 = tpu.memref_slice %arg4[%dma_start3A_63, %dma_start3A_64] : memref<10112x32xf32, #tpu.memory_space<hbm>> -> memref<10112x32xf32, #tpu.memory_space<hbm>>
        tpu.enqueue_indirect_dma source(%dma_start3A_65 : memref<10112x32xf32, #tpu.memory_space<hbm>>) target(%dma_start3A_59 : memref<128x32xf32, #tpu.memory_space<vmem>>) offsets(%dma_start3A_62 : memref<128xi32, #tpu.memory_space<vmem>>) semaphore(%arg13 : memref<!tpu.dma_semaphore, #tpu.memory_space<semaphore_mem>>)
        %mul3A_66 = arith.constant 4 : i32
        %mul3A_67 = arith.muli %scan3A_21, %mul3A_66 : i32
        %add3A_68 = arith.constant 3 : i32
        %add3A_69 = arith.addi %mul3A_67, %add3A_68 : i32
        %dma_start3A_70 = arith.constant 3 : i32
        %dma_start3A_71 = arith.constant 0 : i32
        %dma_start3A_72 = arith.constant 0 : i32
        %dma_start3A_73 = tpu.memref_slice %arg9[%dma_start3A_70, %dma_start3A_71, %dma_start3A_72] : memref<4x128x32xf32, #tpu.memory_space<vmem>> -> memref<1x128x32xf32, #tpu.memory_space<vmem>>
        %dma_start3A_74 = tpu.memref_squeeze %dma_start3A_73 : memref<1x128x32xf32, #tpu.memory_space<vmem>> -> memref<128x32xf32, #tpu.memory_space<vmem>>
        %dma_start3A_75 = arith.constant 0 : i32
        %dma_start3A_76 = tpu.memref_slice %arg7[%add3A_69, %dma_start3A_75] : memref<144x128xi32, #tpu.memory_space<vmem>> -> memref<1x128xi32, #tpu.memory_space<vmem>>
        %dma_start3A_77 = tpu.memref_squeeze %dma_start3A_76 : memref<1x128xi32, #tpu.memory_space<vmem>> -> memref<128xi32, #tpu.memory_space<vmem>>
        %dma_start3A_78 = arith.constant 0 : i32
        %dma_start3A_79 = arith.constant 0 : i32
        %dma_start3A_80 = tpu.memref_slice %arg4[%dma_start3A_78, %dma_start3A_79] : memref<10112x32xf32, #tpu.memory_space<hbm>> -> memref<10112x32xf32, #tpu.memory_space<hbm>>
        tpu.enqueue_indirect_dma source(%dma_start3A_80 : memref<10112x32xf32, #tpu.memory_space<hbm>>) target(%dma_start3A_74 : memref<128x32xf32, #tpu.memory_space<vmem>>) offsets(%dma_start3A_77 : memref<128xi32, #tpu.memory_space<vmem>>) semaphore(%arg14 : memref<!tpu.dma_semaphore, #tpu.memory_space<semaphore_mem>>)
        %mul3A_81 = arith.constant 4 : i32
        %mul3A_82 = arith.muli %scan3A_21, %mul3A_81 : i32
        %add3A_83 = arith.constant 0 : i32
        %add3A_84 = arith.addi %mul3A_82, %add3A_83 : i32
        %dma_wait3A = arith.constant 0 : i32
        %dma_wait3A_85 = arith.constant 0 : i32
        %dma_wait3A_86 = arith.constant 0 : i32
        %dma_wait3A_87 = tpu.memref_slice %arg9[%dma_wait3A, %dma_wait3A_85, %dma_wait3A_86] : memref<4x128x32xf32, #tpu.memory_space<vmem>> -> memref<1x128x32xf32, #tpu.memory_space<vmem>>
        %dma_wait3A_88 = tpu.memref_squeeze %dma_wait3A_87 : memref<1x128x32xf32, #tpu.memory_space<vmem>> -> memref<128x32xf32, #tpu.memory_space<vmem>>
        %dma_wait3A_89 = arith.constant 0 : i32
        %dma_wait3A_90 = tpu.memref_slice %arg7[%add3A_25, %dma_wait3A_89] : memref<144x128xi32, #tpu.memory_space<vmem>> -> memref<1x128xi32, #tpu.memory_space<vmem>>
        %dma_wait3A_91 = tpu.memref_squeeze %dma_wait3A_90 : memref<1x128xi32, #tpu.memory_space<vmem>> -> memref<128xi32, #tpu.memory_space<vmem>>
        %dma_wait3A_92 = arith.constant 0 : i32
        %dma_wait3A_93 = arith.constant 0 : i32
        %dma_wait3A_94 = tpu.memref_slice %arg4[%dma_wait3A_92, %dma_wait3A_93] : memref<10112x32xf32, #tpu.memory_space<hbm>> -> memref<10112x32xf32, #tpu.memory_space<hbm>>
        tpu.wait_indirect_dma semaphore(%arg11 : memref<!tpu.dma_semaphore, #tpu.memory_space<semaphore_mem>>) src(%dma_wait3A_94 : memref<10112x32xf32, #tpu.memory_space<hbm>>) dst(%dma_wait3A_88 : memref<128x32xf32, #tpu.memory_space<vmem>>)
        %run_scoped3A = arith.constant 0 : i32
        "tpu.region"() ({
          %run_scoped3A_143 = tpu.sem_alloc : memref<!tpu.dma_semaphore, #tpu.memory_space<semaphore_mem>>
          %dma_start3A_144 = arith.constant 0 : i32
          %dma_start3A_145 = arith.constant 0 : i32
          %dma_start3A_146 = tpu.memref_slice %arg9[%run_scoped3A, %dma_start3A_144, %dma_start3A_145] : memref<4x128x32xf32, #tpu.memory_space<vmem>> -> memref<1x128x32xf32, #tpu.memory_space<vmem>>
          %dma_start3A_147 = tpu.memref_squeeze %dma_start3A_146 : memref<1x128x32xf32, #tpu.memory_space<vmem>> -> memref<128x32xf32, #tpu.memory_space<vmem>>
          %dma_start3A_148 = arith.constant 0 : i32
          %dma_start3A_149 = tpu.memref_slice %arg8[%add3A_84, %dma_start3A_148] : memref<144x128xi32, #tpu.memory_space<vmem>> -> memref<1x128xi32, #tpu.memory_space<vmem>>
          %dma_start3A_150 = tpu.memref_squeeze %dma_start3A_149 : memref<1x128xi32, #tpu.memory_space<vmem>> -> memref<128xi32, #tpu.memory_space<vmem>>
          %dma_start3A_151 = arith.constant 0 : i32
          %dma_start3A_152 = arith.constant 0 : i32
          %dma_start3A_153 = tpu.memref_slice %arg10[%dma_start3A_151, %dma_start3A_152] : memref<10112x32xf32, #tpu.memory_space<vmem_shared>> -> memref<10112x32xf32, #tpu.memory_space<vmem_shared>>
          tpu.enqueue_indirect_dma source(%dma_start3A_147 : memref<128x32xf32, #tpu.memory_space<vmem>>) target(%dma_start3A_153 : memref<10112x32xf32, #tpu.memory_space<vmem_shared>>) offsets(%dma_start3A_150 : memref<128xi32, #tpu.memory_space<vmem>>) semaphore(%run_scoped3A_143 : memref<!tpu.dma_semaphore, #tpu.memory_space<semaphore_mem>>) {add = true}
          %dma_wait3A_154 = arith.constant 0 : i32
          %dma_wait3A_155 = arith.constant 0 : i32
          %dma_wait3A_156 = tpu.memref_slice %arg9[%run_scoped3A, %dma_wait3A_154, %dma_wait3A_155] : memref<4x128x32xf32, #tpu.memory_space<vmem>> -> memref<1x128x32xf32, #tpu.memory_space<vmem>>
          %dma_wait3A_157 = tpu.memref_squeeze %dma_wait3A_156 : memref<1x128x32xf32, #tpu.memory_space<vmem>> -> memref<128x32xf32, #tpu.memory_space<vmem>>
          %dma_wait3A_158 = arith.constant 0 : i32
          %dma_wait3A_159 = tpu.memref_slice %arg8[%add3A_84, %dma_wait3A_158] : memref<144x128xi32, #tpu.memory_space<vmem>> -> memref<1x128xi32, #tpu.memory_space<vmem>>
          %dma_wait3A_160 = tpu.memref_squeeze %dma_wait3A_159 : memref<1x128xi32, #tpu.memory_space<vmem>> -> memref<128xi32, #tpu.memory_space<vmem>>
          %dma_wait3A_161 = arith.constant 0 : i32
          %dma_wait3A_162 = arith.constant 0 : i32
          %dma_wait3A_163 = tpu.memref_slice %arg10[%dma_wait3A_161, %dma_wait3A_162] : memref<10112x32xf32, #tpu.memory_space<vmem_shared>> -> memref<10112x32xf32, #tpu.memory_space<vmem_shared>>
          tpu.wait_indirect_dma semaphore(%run_scoped3A_143 : memref<!tpu.dma_semaphore, #tpu.memory_space<semaphore_mem>>) src(%dma_wait3A_157 : memref<128x32xf32, #tpu.memory_space<vmem>>) dst(%dma_wait3A_163 : memref<10112x32xf32, #tpu.memory_space<vmem_shared>>)
          tpu.yield
        }) : () -> ()
        %mul3A_95 = arith.constant 4 : i32
        %mul3A_96 = arith.muli %scan3A_21, %mul3A_95 : i32
        %add3A_97 = arith.constant 1 : i32
        %add3A_98 = arith.addi %mul3A_96, %add3A_97 : i32
        %dma_wait3A_99 = arith.constant 1 : i32
        %dma_wait3A_100 = arith.constant 0 : i32
        %dma_wait3A_101 = arith.constant 0 : i32
        %dma_wait3A_102 = tpu.memref_slice %arg9[%dma_wait3A_99, %dma_wait3A_100, %dma_wait3A_101] : memref<4x128x32xf32, #tpu.memory_space<vmem>> -> memref<1x128x32xf32, #tpu.memory_space<vmem>>
        %dma_wait3A_103 = tpu.memref_squeeze %dma_wait3A_102 : memref<1x128x32xf32, #tpu.memory_space<vmem>> -> memref<128x32xf32, #tpu.memory_space<vmem>>
        %dma_wait3A_104 = arith.constant 0 : i32
        %dma_wait3A_105 = tpu.memref_slice %arg7[%add3A_39, %dma_wait3A_104] : memref<144x128xi32, #tpu.memory_space<vmem>> -> memref<1x128xi32, #tpu.memory_space<vmem>>
        %dma_wait3A_106 = tpu.memref_squeeze %dma_wait3A_105 : memref<1x128xi32, #tpu.memory_space<vmem>> -> memref<128xi32, #tpu.memory_space<vmem>>
        %dma_wait3A_107 = arith.constant 0 : i32
        %dma_wait3A_108 = arith.constant 0 : i32
        %dma_wait3A_109 = tpu.memref_slice %arg4[%dma_wait3A_107, %dma_wait3A_108] : memref<10112x32xf32, #tpu.memory_space<hbm>> -> memref<10112x32xf32, #tpu.memory_space<hbm>>
        tpu.wait_indirect_dma semaphore(%arg12 : memref<!tpu.dma_semaphore, #tpu.memory_space<semaphore_mem>>) src(%dma_wait3A_109 : memref<10112x32xf32, #tpu.memory_space<hbm>>) dst(%dma_wait3A_103 : memref<128x32xf32, #tpu.memory_space<vmem>>)
        %run_scoped3A_110 = arith.constant 1 : i32
        "tpu.region"() ({
          %run_scoped3A_143 = tpu.sem_alloc : memref<!tpu.dma_semaphore, #tpu.memory_space<semaphore_mem>>
          %dma_start3A_144 = arith.constant 0 : i32
          %dma_start3A_145 = arith.constant 0 : i32
          %dma_start3A_146 = tpu.memref_slice %arg9[%run_scoped3A_110, %dma_start3A_144, %dma_start3A_145] : memref<4x128x32xf32, #tpu.memory_space<vmem>> -> memref<1x128x32xf32, #tpu.memory_space<vmem>>
          %dma_start3A_147 = tpu.memref_squeeze %dma_start3A_146 : memref<1x128x32xf32, #tpu.memory_space<vmem>> -> memref<128x32xf32, #tpu.memory_space<vmem>>
          %dma_start3A_148 = arith.constant 0 : i32
          %dma_start3A_149 = tpu.memref_slice %arg8[%add3A_98, %dma_start3A_148] : memref<144x128xi32, #tpu.memory_space<vmem>> -> memref<1x128xi32, #tpu.memory_space<vmem>>
          %dma_start3A_150 = tpu.memref_squeeze %dma_start3A_149 : memref<1x128xi32, #tpu.memory_space<vmem>> -> memref<128xi32, #tpu.memory_space<vmem>>
          %dma_start3A_151 = arith.constant 0 : i32
          %dma_start3A_152 = arith.constant 0 : i32
          %dma_start3A_153 = tpu.memref_slice %arg10[%dma_start3A_151, %dma_start3A_152] : memref<10112x32xf32, #tpu.memory_space<vmem_shared>> -> memref<10112x32xf32, #tpu.memory_space<vmem_shared>>
          tpu.enqueue_indirect_dma source(%dma_start3A_147 : memref<128x32xf32, #tpu.memory_space<vmem>>) target(%dma_start3A_153 : memref<10112x32xf32, #tpu.memory_space<vmem_shared>>) offsets(%dma_start3A_150 : memref<128xi32, #tpu.memory_space<vmem>>) semaphore(%run_scoped3A_143 : memref<!tpu.dma_semaphore, #tpu.memory_space<semaphore_mem>>) {add = true}
          %dma_wait3A_154 = arith.constant 0 : i32
          %dma_wait3A_155 = arith.constant 0 : i32
          %dma_wait3A_156 = tpu.memref_slice %arg9[%run_scoped3A_110, %dma_wait3A_154, %dma_wait3A_155] : memref<4x128x32xf32, #tpu.memory_space<vmem>> -> memref<1x128x32xf32, #tpu.memory_space<vmem>>
          %dma_wait3A_157 = tpu.memref_squeeze %dma_wait3A_156 : memref<1x128x32xf32, #tpu.memory_space<vmem>> -> memref<128x32xf32, #tpu.memory_space<vmem>>
          %dma_wait3A_158 = arith.constant 0 : i32
          %dma_wait3A_159 = tpu.memref_slice %arg8[%add3A_98, %dma_wait3A_158] : memref<144x128xi32, #tpu.memory_space<vmem>> -> memref<1x128xi32, #tpu.memory_space<vmem>>
          %dma_wait3A_160 = tpu.memref_squeeze %dma_wait3A_159 : memref<1x128xi32, #tpu.memory_space<vmem>> -> memref<128xi32, #tpu.memory_space<vmem>>
          %dma_wait3A_161 = arith.constant 0 : i32
          %dma_wait3A_162 = arith.constant 0 : i32
          %dma_wait3A_163 = tpu.memref_slice %arg10[%dma_wait3A_161, %dma_wait3A_162] : memref<10112x32xf32, #tpu.memory_space<vmem_shared>> -> memref<10112x32xf32, #tpu.memory_space<vmem_shared>>
          tpu.wait_indirect_dma semaphore(%run_scoped3A_143 : memref<!tpu.dma_semaphore, #tpu.memory_space<semaphore_mem>>) src(%dma_wait3A_157 : memref<128x32xf32, #tpu.memory_space<vmem>>) dst(%dma_wait3A_163 : memref<10112x32xf32, #tpu.memory_space<vmem_shared>>)
          tpu.yield
        }) : () -> ()
        %mul3A_111 = arith.constant 4 : i32
        %mul3A_112 = arith.muli %scan3A_21, %mul3A_111 : i32
        %add3A_113 = arith.constant 2 : i32
        %add3A_114 = arith.addi %mul3A_112, %add3A_113 : i32
        %dma_wait3A_115 = arith.constant 2 : i32
        %dma_wait3A_116 = arith.constant 0 : i32
        %dma_wait3A_117 = arith.constant 0 : i32
        %dma_wait3A_118 = tpu.memref_slice %arg9[%dma_wait3A_115, %dma_wait3A_116, %dma_wait3A_117] : memref<4x128x32xf32, #tpu.memory_space<vmem>> -> memref<1x128x32xf32, #tpu.memory_space<vmem>>
        %dma_wait3A_119 = tpu.memref_squeeze %dma_wait3A_118 : memref<1x128x32xf32, #tpu.memory_space<vmem>> -> memref<128x32xf32, #tpu.memory_space<vmem>>
        %dma_wait3A_120 = arith.constant 0 : i32
        %dma_wait3A_121 = tpu.memref_slice %arg7[%add3A_54, %dma_wait3A_120] : memref<144x128xi32, #tpu.memory_space<vmem>> -> memref<1x128xi32, #tpu.memory_space<vmem>>
        %dma_wait3A_122 = tpu.memref_squeeze %dma_wait3A_121 : memref<1x128xi32, #tpu.memory_space<vmem>> -> memref<128xi32, #tpu.memory_space<vmem>>
        %dma_wait3A_123 = arith.constant 0 : i32
        %dma_wait3A_124 = arith.constant 0 : i32
        %dma_wait3A_125 = tpu.memref_slice %arg4[%dma_wait3A_123, %dma_wait3A_124] : memref<10112x32xf32, #tpu.memory_space<hbm>> -> memref<10112x32xf32, #tpu.memory_space<hbm>>
        tpu.wait_indirect_dma semaphore(%arg13 : memref<!tpu.dma_semaphore, #tpu.memory_space<semaphore_mem>>) src(%dma_wait3A_125 : memref<10112x32xf32, #tpu.memory_space<hbm>>) dst(%dma_wait3A_119 : memref<128x32xf32, #tpu.memory_space<vmem>>)
        %run_scoped3A_126 = arith.constant 2 : i32
        "tpu.region"() ({
          %run_scoped3A_143 = tpu.sem_alloc : memref<!tpu.dma_semaphore, #tpu.memory_space<semaphore_mem>>
          %dma_start3A_144 = arith.constant 0 : i32
          %dma_start3A_145 = arith.constant 0 : i32
          %dma_start3A_146 = tpu.memref_slice %arg9[%run_scoped3A_126, %dma_start3A_144, %dma_start3A_145] : memref<4x128x32xf32, #tpu.memory_space<vmem>> -> memref<1x128x32xf32, #tpu.memory_space<vmem>>
          %dma_start3A_147 = tpu.memref_squeeze %dma_start3A_146 : memref<1x128x32xf32, #tpu.memory_space<vmem>> -> memref<128x32xf32, #tpu.memory_space<vmem>>
          %dma_start3A_148 = arith.constant 0 : i32
          %dma_start3A_149 = tpu.memref_slice %arg8[%add3A_114, %dma_start3A_148] : memref<144x128xi32, #tpu.memory_space<vmem>> -> memref<1x128xi32, #tpu.memory_space<vmem>>
          %dma_start3A_150 = tpu.memref_squeeze %dma_start3A_149 : memref<1x128xi32, #tpu.memory_space<vmem>> -> memref<128xi32, #tpu.memory_space<vmem>>
          %dma_start3A_151 = arith.constant 0 : i32
          %dma_start3A_152 = arith.constant 0 : i32
          %dma_start3A_153 = tpu.memref_slice %arg10[%dma_start3A_151, %dma_start3A_152] : memref<10112x32xf32, #tpu.memory_space<vmem_shared>> -> memref<10112x32xf32, #tpu.memory_space<vmem_shared>>
          tpu.enqueue_indirect_dma source(%dma_start3A_147 : memref<128x32xf32, #tpu.memory_space<vmem>>) target(%dma_start3A_153 : memref<10112x32xf32, #tpu.memory_space<vmem_shared>>) offsets(%dma_start3A_150 : memref<128xi32, #tpu.memory_space<vmem>>) semaphore(%run_scoped3A_143 : memref<!tpu.dma_semaphore, #tpu.memory_space<semaphore_mem>>) {add = true}
          %dma_wait3A_154 = arith.constant 0 : i32
          %dma_wait3A_155 = arith.constant 0 : i32
          %dma_wait3A_156 = tpu.memref_slice %arg9[%run_scoped3A_126, %dma_wait3A_154, %dma_wait3A_155] : memref<4x128x32xf32, #tpu.memory_space<vmem>> -> memref<1x128x32xf32, #tpu.memory_space<vmem>>
          %dma_wait3A_157 = tpu.memref_squeeze %dma_wait3A_156 : memref<1x128x32xf32, #tpu.memory_space<vmem>> -> memref<128x32xf32, #tpu.memory_space<vmem>>
          %dma_wait3A_158 = arith.constant 0 : i32
          %dma_wait3A_159 = tpu.memref_slice %arg8[%add3A_114, %dma_wait3A_158] : memref<144x128xi32, #tpu.memory_space<vmem>> -> memref<1x128xi32, #tpu.memory_space<vmem>>
          %dma_wait3A_160 = tpu.memref_squeeze %dma_wait3A_159 : memref<1x128xi32, #tpu.memory_space<vmem>> -> memref<128xi32, #tpu.memory_space<vmem>>
          %dma_wait3A_161 = arith.constant 0 : i32
          %dma_wait3A_162 = arith.constant 0 : i32
          %dma_wait3A_163 = tpu.memref_slice %arg10[%dma_wait3A_161, %dma_wait3A_162] : memref<10112x32xf32, #tpu.memory_space<vmem_shared>> -> memref<10112x32xf32, #tpu.memory_space<vmem_shared>>
          tpu.wait_indirect_dma semaphore(%run_scoped3A_143 : memref<!tpu.dma_semaphore, #tpu.memory_space<semaphore_mem>>) src(%dma_wait3A_157 : memref<128x32xf32, #tpu.memory_space<vmem>>) dst(%dma_wait3A_163 : memref<10112x32xf32, #tpu.memory_space<vmem_shared>>)
          tpu.yield
        }) : () -> ()
        %mul3A_127 = arith.constant 4 : i32
        %mul3A_128 = arith.muli %scan3A_21, %mul3A_127 : i32
        %add3A_129 = arith.constant 3 : i32
        %add3A_130 = arith.addi %mul3A_128, %add3A_129 : i32
        %dma_wait3A_131 = arith.constant 3 : i32
        %dma_wait3A_132 = arith.constant 0 : i32
        %dma_wait3A_133 = arith.constant 0 : i32
        %dma_wait3A_134 = tpu.memref_slice %arg9[%dma_wait3A_131, %dma_wait3A_132, %dma_wait3A_133] : memref<4x128x32xf32, #tpu.memory_space<vmem>> -> memref<1x128x32xf32, #tpu.memory_space<vmem>>
        %dma_wait3A_135 = tpu.memref_squeeze %dma_wait3A_134 : memref<1x128x32xf32, #tpu.memory_space<vmem>> -> memref<128x32xf32, #tpu.memory_space<vmem>>
        %dma_wait3A_136 = arith.constant 0 : i32
        %dma_wait3A_137 = tpu.memref_slice %arg7[%add3A_69, %dma_wait3A_136] : memref<144x128xi32, #tpu.memory_space<vmem>> -> memref<1x128xi32, #tpu.memory_space<vmem>>
        %dma_wait3A_138 = tpu.memref_squeeze %dma_wait3A_137 : memref<1x128xi32, #tpu.memory_space<vmem>> -> memref<128xi32, #tpu.memory_space<vmem>>
        %dma_wait3A_139 = arith.constant 0 : i32
        %dma_wait3A_140 = arith.constant 0 : i32
        %dma_wait3A_141 = tpu.memref_slice %arg4[%dma_wait3A_139, %dma_wait3A_140] : memref<10112x32xf32, #tpu.memory_space<hbm>> -> memref<10112x32xf32, #tpu.memory_space<hbm>>
        tpu.wait_indirect_dma semaphore(%arg14 : memref<!tpu.dma_semaphore, #tpu.memory_space<semaphore_mem>>) src(%dma_wait3A_141 : memref<10112x32xf32, #tpu.memory_space<hbm>>) dst(%dma_wait3A_135 : memref<128x32xf32, #tpu.memory_space<vmem>>)
        %run_scoped3A_142 = arith.constant 3 : i32
        "tpu.region"() ({
          %run_scoped3A_143 = tpu.sem_alloc : memref<!tpu.dma_semaphore, #tpu.memory_space<semaphore_mem>>
          %dma_start3A_144 = arith.constant 0 : i32
          %dma_start3A_145 = arith.constant 0 : i32
          %dma_start3A_146 = tpu.memref_slice %arg9[%run_scoped3A_142, %dma_start3A_144, %dma_start3A_145] : memref<4x128x32xf32, #tpu.memory_space<vmem>> -> memref<1x128x32xf32, #tpu.memory_space<vmem>>
          %dma_start3A_147 = tpu.memref_squeeze %dma_start3A_146 : memref<1x128x32xf32, #tpu.memory_space<vmem>> -> memref<128x32xf32, #tpu.memory_space<vmem>>
          %dma_start3A_148 = arith.constant 0 : i32
          %dma_start3A_149 = tpu.memref_slice %arg8[%add3A_130, %dma_start3A_148] : memref<144x128xi32, #tpu.memory_space<vmem>> -> memref<1x128xi32, #tpu.memory_space<vmem>>
          %dma_start3A_150 = tpu.memref_squeeze %dma_start3A_149 : memref<1x128xi32, #tpu.memory_space<vmem>> -> memref<128xi32, #tpu.memory_space<vmem>>
          %dma_start3A_151 = arith.constant 0 : i32
          %dma_start3A_152 = arith.constant 0 : i32
          %dma_start3A_153 = tpu.memref_slice %arg10[%dma_start3A_151, %dma_start3A_152] : memref<10112x32xf32, #tpu.memory_space<vmem_shared>> -> memref<10112x32xf32, #tpu.memory_space<vmem_shared>>
          tpu.enqueue_indirect_dma source(%dma_start3A_147 : memref<128x32xf32, #tpu.memory_space<vmem>>) target(%dma_start3A_153 : memref<10112x32xf32, #tpu.memory_space<vmem_shared>>) offsets(%dma_start3A_150 : memref<128xi32, #tpu.memory_space<vmem>>) semaphore(%run_scoped3A_143 : memref<!tpu.dma_semaphore, #tpu.memory_space<semaphore_mem>>) {add = true}
          %dma_wait3A_154 = arith.constant 0 : i32
          %dma_wait3A_155 = arith.constant 0 : i32
          %dma_wait3A_156 = tpu.memref_slice %arg9[%run_scoped3A_142, %dma_wait3A_154, %dma_wait3A_155] : memref<4x128x32xf32, #tpu.memory_space<vmem>> -> memref<1x128x32xf32, #tpu.memory_space<vmem>>
          %dma_wait3A_157 = tpu.memref_squeeze %dma_wait3A_156 : memref<1x128x32xf32, #tpu.memory_space<vmem>> -> memref<128x32xf32, #tpu.memory_space<vmem>>
          %dma_wait3A_158 = arith.constant 0 : i32
          %dma_wait3A_159 = tpu.memref_slice %arg8[%add3A_130, %dma_wait3A_158] : memref<144x128xi32, #tpu.memory_space<vmem>> -> memref<1x128xi32, #tpu.memory_space<vmem>>
          %dma_wait3A_160 = tpu.memref_squeeze %dma_wait3A_159 : memref<1x128xi32, #tpu.memory_space<vmem>> -> memref<128xi32, #tpu.memory_space<vmem>>
          %dma_wait3A_161 = arith.constant 0 : i32
          %dma_wait3A_162 = arith.constant 0 : i32
          %dma_wait3A_163 = tpu.memref_slice %arg10[%dma_wait3A_161, %dma_wait3A_162] : memref<10112x32xf32, #tpu.memory_space<vmem_shared>> -> memref<10112x32xf32, #tpu.memory_space<vmem_shared>>
          tpu.wait_indirect_dma semaphore(%run_scoped3A_143 : memref<!tpu.dma_semaphore, #tpu.memory_space<semaphore_mem>>) src(%dma_wait3A_157 : memref<128x32xf32, #tpu.memory_space<vmem>>) dst(%dma_wait3A_163 : memref<10112x32xf32, #tpu.memory_space<vmem_shared>>)
          tpu.yield
        }) : () -> ()
      }
      %scan3A_20 = arith.constant 4 : i32
    } else {
    }
    %barrier3A_8 = arith.constant 0 : index
    tpu.barrier barrier_id(%barrier3A_8)
    %mul3A_9 = arith.constant 632 : i32
    %mul3A_10 = arith.muli %arg1, %mul3A_9 : i32
    %mul3A_11 = arith.constant 632 : i32
    %mul3A_12 = arith.muli %arg1, %mul3A_11 : i32
    "tpu.region"() ({
      %run_scoped3A = tpu.sem_alloc : memref<!tpu.dma_semaphore, #tpu.memory_space<semaphore_mem>>
      %dma_start3A = arith.constant 0 : i32
      %dma_start3A_13 = tpu.memref_slice %arg6[%arg0, %mul3A_12, %dma_start3A] : memref<2x10112x32xf32, #tpu.memory_space<hbm>> -> memref<1x632x32xf32, #tpu.memory_space<hbm>>
      %dma_start3A_14 = tpu.memref_squeeze %dma_start3A_13 : memref<1x632x32xf32, #tpu.memory_space<hbm>> -> memref<632x32xf32, #tpu.memory_space<hbm>>
      %dma_start3A_15 = arith.constant 0 : i32
      %dma_start3A_16 = tpu.memref_slice %arg10[%mul3A_10, %dma_start3A_15] : memref<10112x32xf32, #tpu.memory_space<vmem_shared>> -> memref<632x32xf32, #tpu.memory_space<vmem_shared>>
      tpu.enqueue_dma source(%dma_start3A_16 : memref<632x32xf32, #tpu.memory_space<vmem_shared>>) target(%dma_start3A_14 : memref<632x32xf32, #tpu.memory_space<hbm>>) target_semaphore(%run_scoped3A : memref<!tpu.dma_semaphore, #tpu.memory_space<semaphore_mem>>)
      %dma_wait3A = arith.constant 0 : i32
      %dma_wait3A_17 = tpu.memref_slice %arg6[%arg0, %mul3A_12, %dma_wait3A] : memref<2x10112x32xf32, #tpu.memory_space<hbm>> -> memref<1x632x32xf32, #tpu.memory_space<hbm>>
      %dma_wait3A_18 = tpu.memref_squeeze %dma_wait3A_17 : memref<1x632x32xf32, #tpu.memory_space<hbm>> -> memref<632x32xf32, #tpu.memory_space<hbm>>
      %dma_wait3A_19 = arith.constant 0 : i32
      %dma_wait3A_20 = tpu.memref_slice %arg10[%mul3A_10, %dma_wait3A_19] : memref<10112x32xf32, #tpu.memory_space<vmem_shared>> -> memref<632x32xf32, #tpu.memory_space<vmem_shared>>
      tpu.wait_dma2 semaphore(%run_scoped3A : memref<!tpu.dma_semaphore, #tpu.memory_space<semaphore_mem>>) src(%dma_wait3A_20 : memref<632x32xf32, #tpu.memory_space<vmem_shared>>) dst(%dma_wait3A_18 : memref<632x32xf32, #tpu.memory_space<hbm>>)
      tpu.yield
    }) : () -> ()
    return
  }
}

module attributes {stable_mosaic.version = 14 : i64} {
  func.func @_tc_first_body(%arg0: memref<2x10112x1xf32, #tpu.memory_space<vmem>>, %arg1: memref<10112x128xf32, #tpu.memory_space<vmem>>, %arg2: memref<128x16xf32, #tpu.memory_space<vmem>>, %arg3: memref<10112x1xf32, #tpu.memory_space<vmem>>, %arg4: memref<10112x16xf32, #tpu.memory_space<vmem>>) attributes {dimension_semantics = [], scalar_prefetch = 0 : i64, scratch_operands = 0 : i64, tpu.core_type = #tpu.core_type<tc>} {
    %get3A = arith.constant 0 : index
    %get3A_0 = arith.constant 0 : index
    %get3A_1 = arith.constant 0 : index
    %get3A_2 = vector.load %arg0[%get3A, %get3A_0, %get3A_1] : memref<2x10112x1xf32, #tpu.memory_space<vmem>>, vector<1x10112x1xf32>
    %get3A_3 = vector.shape_cast %get3A_2 : vector<1x10112x1xf32> to vector<10112x1xf32>
    %get3A_4 = arith.constant 1 : index
    %get3A_5 = arith.constant 0 : index
    %get3A_6 = arith.constant 0 : index
    %get3A_7 = vector.load %arg0[%get3A_4, %get3A_5, %get3A_6] : memref<2x10112x1xf32, #tpu.memory_space<vmem>>, vector<1x10112x1xf32>
    %get3A_8 = vector.shape_cast %get3A_7 : vector<1x10112x1xf32> to vector<10112x1xf32>
    %add3A = arith.addf %get3A_3, %get3A_8 : vector<10112x1xf32>
    %add3A_9 = arith.constant 1.000000e+00 : f32
    %add3A_10 = vector.broadcast %add3A_9 : f32 to vector<10112x1xf32>
    %add3A_11 = arith.addf %add3A, %add3A_10 : vector<10112x1xf32>
    %rsqrt3A = math.rsqrt %add3A_11 : vector<10112x1xf32>
    %iota3A = tpu.iota {dimensions = array<i32: 0>} : vector<10112x1xi32>
    %lt3A = arith.constant 10000 : i32
    %lt3A_12 = vector.broadcast %lt3A : i32 to vector<10112x1xi32>
    %lt3A_13 = arith.cmpi slt, %iota3A, %lt3A_12 : vector<10112x1xi32>
    %jit3A = arith.constant 0.000000e+00 : f32
    %broadcast_in_dim3A = vector.broadcast %jit3A : f32 to vector<10112x1xf32>
    %select_n3A = arith.select %lt3A_13, %rsqrt3A, %broadcast_in_dim3A : vector<10112x1xi1>, vector<10112x1xf32>
    %swap3A = arith.constant 0 : index
    %swap3A_14 = arith.constant 0 : index
    %swap3A_15 = vector.load %arg3[%swap3A, %swap3A_14] : memref<10112x1xf32, #tpu.memory_space<vmem>>, vector<10112x1xf32>
    tpu.vector_store %arg3[%swap3A, %swap3A_14], %select_n3A {strides = array<i32>} : memref<10112x1xf32, #tpu.memory_space<vmem>>, vector<10112x1xf32>,
    %get3A_16 = arith.constant 0 : index
    %get3A_17 = arith.constant 0 : index
    %get3A_18 = vector.load %arg1[%get3A_16, %get3A_17] : memref<10112x128xf32, #tpu.memory_space<vmem>>, vector<10112x128xf32>
    %get3A_19 = arith.constant 0 : index
    %get3A_20 = arith.constant 0 : index
    %get3A_21 = vector.load %arg2[%get3A_19, %get3A_20] : memref<128x16xf32, #tpu.memory_space<vmem>>, vector<128x16xf32>
    %dot_general3A = arith.constant dense<0.000000e+00> : vector<10112x16xf32>
    %dot_general3A_22 = tpu.matmul %get3A_18, %get3A_21, %dot_general3A {dimension_numbers = #tpu.dot_dimension_numbers<[1], [0], [0], [1], [0, 0, 1, 1], [], []>, transpose_lhs_hint = false} : vector<10112x128xf32>, vector<128x16xf32>, vector<10112x16xf32> -> vector<10112x16xf32>
    %mul3A = vector.broadcast %select_n3A : vector<10112x1xf32> to vector<10112x16xf32>
    %mul3A_23 = arith.mulf %mul3A, %dot_general3A_22 : vector<10112x16xf32>
    %swap3A_24 = arith.constant 0 : index
    %swap3A_25 = arith.constant 0 : index
    %swap3A_26 = vector.load %arg4[%swap3A_24, %swap3A_25] : memref<10112x16xf32, #tpu.memory_space<vmem>>, vector<10112x16xf32>
    tpu.vector_store %arg4[%swap3A_24, %swap3A_25], %mul3A_23 {strides = array<i32>} : memref<10112x16xf32, #tpu.memory_space<vmem>>, vector<10112x16xf32>,
    return
  }
}

module attributes {stable_mosaic.version = 14 : i64} {
  func.func @_tc_mid_body(%arg0: memref<2x10112x16xf32, #tpu.memory_space<vmem>>, %arg1: memref<10112x16xf32, #tpu.memory_space<vmem>>, %arg2: memref<10112x1xf32, #tpu.memory_space<vmem>>, %arg3: memref<1x16xf32, #tpu.memory_space<vmem>>, %arg4: memref<16x32xf32, #tpu.memory_space<vmem>>, %arg5: memref<10112x32xf32, #tpu.memory_space<vmem>>) attributes {dimension_semantics = [], scalar_prefetch = 0 : i64, scratch_operands = 0 : i64, tpu.core_type = #tpu.core_type<tc>} {
    %get3A = arith.constant 0 : index
    %get3A_0 = arith.constant 0 : index
    %get3A_1 = vector.load %arg2[%get3A, %get3A_0] : memref<10112x1xf32, #tpu.memory_space<vmem>>, vector<10112x1xf32>
    %get3A_2 = arith.constant 0 : index
    %get3A_3 = arith.constant 0 : index
    %get3A_4 = arith.constant 0 : index
    %get3A_5 = vector.load %arg0[%get3A_2, %get3A_3, %get3A_4] : memref<2x10112x16xf32, #tpu.memory_space<vmem>>, vector<1x10112x16xf32>
    %get3A_6 = vector.shape_cast %get3A_5 : vector<1x10112x16xf32> to vector<10112x16xf32>
    %get3A_7 = arith.constant 1 : index
    %get3A_8 = arith.constant 0 : index
    %get3A_9 = arith.constant 0 : index
    %get3A_10 = vector.load %arg0[%get3A_7, %get3A_8, %get3A_9] : memref<2x10112x16xf32, #tpu.memory_space<vmem>>, vector<1x10112x16xf32>
    %get3A_11 = vector.shape_cast %get3A_10 : vector<1x10112x16xf32> to vector<10112x16xf32>
    %add3A = arith.addf %get3A_6, %get3A_11 : vector<10112x16xf32>
    %get3A_12 = arith.constant 0 : index
    %get3A_13 = arith.constant 0 : index
    %get3A_14 = vector.load %arg1[%get3A_12, %get3A_13] : memref<10112x16xf32, #tpu.memory_space<vmem>>, vector<10112x16xf32>
    %add3A_15 = arith.addf %add3A, %get3A_14 : vector<10112x16xf32>
    %mul3A = vector.broadcast %get3A_1 : vector<10112x1xf32> to vector<10112x16xf32>
    %mul3A_16 = arith.mulf %mul3A, %add3A_15 : vector<10112x16xf32>
    %get3A_17 = arith.constant 0 : index
    %get3A_18 = arith.constant 0 : index
    %get3A_19 = vector.load %arg3[%get3A_17, %get3A_18] : memref<1x16xf32, #tpu.memory_space<vmem>>, vector<1x16xf32>
    %add3A_20 = vector.broadcast %get3A_19 : vector<1x16xf32> to vector<10112x16xf32>
    %add3A_21 = arith.addf %mul3A_16, %add3A_20 : vector<10112x16xf32>
    %max3A = arith.constant 0.000000e+00 : f32
    %max3A_22 = vector.broadcast %max3A : f32 to vector<10112x16xf32>
    %max3A_23 = arith.maximumf %add3A_21, %max3A_22 : vector<10112x16xf32>
    %get3A_24 = arith.constant 0 : index
    %get3A_25 = arith.constant 0 : index
    %get3A_26 = vector.load %arg4[%get3A_24, %get3A_25] : memref<16x32xf32, #tpu.memory_space<vmem>>, vector<16x32xf32>
    %dot_general3A = arith.constant dense<0.000000e+00> : vector<10112x32xf32>
    %dot_general3A_27 = tpu.matmul %max3A_23, %get3A_26, %dot_general3A {dimension_numbers = #tpu.dot_dimension_numbers<[1], [0], [0], [1], [0, 0, 1, 1], [], []>, transpose_lhs_hint = false} : vector<10112x16xf32>, vector<16x32xf32>, vector<10112x32xf32> -> vector<10112x32xf32>
    %mul3A_28 = vector.broadcast %get3A_1 : vector<10112x1xf32> to vector<10112x32xf32>
    %mul3A_29 = arith.mulf %mul3A_28, %dot_general3A_27 : vector<10112x32xf32>
    %swap3A = arith.constant 0 : index
    %swap3A_30 = arith.constant 0 : index
    %swap3A_31 = vector.load %arg5[%swap3A, %swap3A_30] : memref<10112x32xf32, #tpu.memory_space<vmem>>, vector<10112x32xf32>
    tpu.vector_store %arg5[%swap3A, %swap3A_30], %mul3A_29 {strides = array<i32>} : memref<10112x32xf32, #tpu.memory_space<vmem>>, vector<10112x32xf32>,
    return
  }
}

module attributes {stable_mosaic.version = 14 : i64} {
  func.func @_tc_mid_body(%arg0: memref<2x10112x32xf32, #tpu.memory_space<vmem>>, %arg1: memref<10112x32xf32, #tpu.memory_space<vmem>>, %arg2: memref<10112x1xf32, #tpu.memory_space<vmem>>, %arg3: memref<1x32xf32, #tpu.memory_space<vmem>>, %arg4: memref<32x32xf32, #tpu.memory_space<vmem>>, %arg5: memref<10112x32xf32, #tpu.memory_space<vmem>>) attributes {dimension_semantics = [], scalar_prefetch = 0 : i64, scratch_operands = 0 : i64, tpu.core_type = #tpu.core_type<tc>} {
    %get3A = arith.constant 0 : index
    %get3A_0 = arith.constant 0 : index
    %get3A_1 = vector.load %arg2[%get3A, %get3A_0] : memref<10112x1xf32, #tpu.memory_space<vmem>>, vector<10112x1xf32>
    %get3A_2 = arith.constant 0 : index
    %get3A_3 = arith.constant 0 : index
    %get3A_4 = arith.constant 0 : index
    %get3A_5 = vector.load %arg0[%get3A_2, %get3A_3, %get3A_4] : memref<2x10112x32xf32, #tpu.memory_space<vmem>>, vector<1x10112x32xf32>
    %get3A_6 = vector.shape_cast %get3A_5 : vector<1x10112x32xf32> to vector<10112x32xf32>
    %get3A_7 = arith.constant 1 : index
    %get3A_8 = arith.constant 0 : index
    %get3A_9 = arith.constant 0 : index
    %get3A_10 = vector.load %arg0[%get3A_7, %get3A_8, %get3A_9] : memref<2x10112x32xf32, #tpu.memory_space<vmem>>, vector<1x10112x32xf32>
    %get3A_11 = vector.shape_cast %get3A_10 : vector<1x10112x32xf32> to vector<10112x32xf32>
    %add3A = arith.addf %get3A_6, %get3A_11 : vector<10112x32xf32>
    %get3A_12 = arith.constant 0 : index
    %get3A_13 = arith.constant 0 : index
    %get3A_14 = vector.load %arg1[%get3A_12, %get3A_13] : memref<10112x32xf32, #tpu.memory_space<vmem>>, vector<10112x32xf32>
    %add3A_15 = arith.addf %add3A, %get3A_14 : vector<10112x32xf32>
    %mul3A = vector.broadcast %get3A_1 : vector<10112x1xf32> to vector<10112x32xf32>
    %mul3A_16 = arith.mulf %mul3A, %add3A_15 : vector<10112x32xf32>
    %get3A_17 = arith.constant 0 : index
    %get3A_18 = arith.constant 0 : index
    %get3A_19 = vector.load %arg3[%get3A_17, %get3A_18] : memref<1x32xf32, #tpu.memory_space<vmem>>, vector<1x32xf32>
    %add3A_20 = vector.broadcast %get3A_19 : vector<1x32xf32> to vector<10112x32xf32>
    %add3A_21 = arith.addf %mul3A_16, %add3A_20 : vector<10112x32xf32>
    %max3A = arith.constant 0.000000e+00 : f32
    %max3A_22 = vector.broadcast %max3A : f32 to vector<10112x32xf32>
    %max3A_23 = arith.maximumf %add3A_21, %max3A_22 : vector<10112x32xf32>
    %get3A_24 = arith.constant 0 : index
    %get3A_25 = arith.constant 0 : index
    %get3A_26 = vector.load %arg4[%get3A_24, %get3A_25] : memref<32x32xf32, #tpu.memory_space<vmem>>, vector<32x32xf32>
    %dot_general3A = arith.constant dense<0.000000e+00> : vector<10112x32xf32>
    %dot_general3A_27 = tpu.matmul %max3A_23, %get3A_26, %dot_general3A {dimension_numbers = #tpu.dot_dimension_numbers<[1], [0], [0], [1], [0, 0, 1, 1], [], []>, transpose_lhs_hint = false} : vector<10112x32xf32>, vector<32x32xf32>, vector<10112x32xf32> -> vector<10112x32xf32>
    %mul3A_28 = vector.broadcast %get3A_1 : vector<10112x1xf32> to vector<10112x32xf32>
    %mul3A_29 = arith.mulf %mul3A_28, %dot_general3A_27 : vector<10112x32xf32>
    %swap3A = arith.constant 0 : index
    %swap3A_30 = arith.constant 0 : index
    %swap3A_31 = vector.load %arg5[%swap3A, %swap3A_30] : memref<10112x32xf32, #tpu.memory_space<vmem>>, vector<10112x32xf32>
    tpu.vector_store %arg5[%swap3A, %swap3A_30], %mul3A_29 {strides = array<i32>} : memref<10112x32xf32, #tpu.memory_space<vmem>>, vector<10112x32xf32>,
    return
  }
}

module attributes {stable_mosaic.version = 14 : i64} {
  func.func @_tc_last_body(%arg0: memref<2x10112x32xf32, #tpu.memory_space<vmem>>, %arg1: memref<10112x32xf32, #tpu.memory_space<vmem>>, %arg2: memref<10112x1xf32, #tpu.memory_space<vmem>>, %arg3: memref<1x32xf32, #tpu.memory_space<vmem>>, %arg4: memref<10112x1xi32, #tpu.memory_space<vmem>>, %arg5: memref<32x10xf32, #tpu.memory_space<vmem>>, %arg6: memref<1x10xf32, #tpu.memory_space<vmem>>, %arg7: memref<64x10xf32, #tpu.memory_space<vmem>>) attributes {dimension_semantics = [], scalar_prefetch = 0 : i64, scratch_operands = 0 : i64, tpu.core_type = #tpu.core_type<tc>} {
    %get3A = arith.constant 0 : index
    %get3A_0 = arith.constant 0 : index
    %get3A_1 = vector.load %arg2[%get3A, %get3A_0] : memref<10112x1xf32, #tpu.memory_space<vmem>>, vector<10112x1xf32>
    %get3A_2 = arith.constant 0 : index
    %get3A_3 = arith.constant 0 : index
    %get3A_4 = arith.constant 0 : index
    %get3A_5 = vector.load %arg0[%get3A_2, %get3A_3, %get3A_4] : memref<2x10112x32xf32, #tpu.memory_space<vmem>>, vector<1x10112x32xf32>
    %get3A_6 = vector.shape_cast %get3A_5 : vector<1x10112x32xf32> to vector<10112x32xf32>
    %get3A_7 = arith.constant 1 : index
    %get3A_8 = arith.constant 0 : index
    %get3A_9 = arith.constant 0 : index
    %get3A_10 = vector.load %arg0[%get3A_7, %get3A_8, %get3A_9] : memref<2x10112x32xf32, #tpu.memory_space<vmem>>, vector<1x10112x32xf32>
    %get3A_11 = vector.shape_cast %get3A_10 : vector<1x10112x32xf32> to vector<10112x32xf32>
    %add3A = arith.addf %get3A_6, %get3A_11 : vector<10112x32xf32>
    %get3A_12 = arith.constant 0 : index
    %get3A_13 = arith.constant 0 : index
    %get3A_14 = vector.load %arg1[%get3A_12, %get3A_13] : memref<10112x32xf32, #tpu.memory_space<vmem>>, vector<10112x32xf32>
    %add3A_15 = arith.addf %add3A, %get3A_14 : vector<10112x32xf32>
    %mul3A = vector.broadcast %get3A_1 : vector<10112x1xf32> to vector<10112x32xf32>
    %mul3A_16 = arith.mulf %mul3A, %add3A_15 : vector<10112x32xf32>
    %get3A_17 = arith.constant 0 : index
    %get3A_18 = arith.constant 0 : index
    %get3A_19 = vector.load %arg3[%get3A_17, %get3A_18] : memref<1x32xf32, #tpu.memory_space<vmem>>, vector<1x32xf32>
    %add3A_20 = vector.broadcast %get3A_19 : vector<1x32xf32> to vector<10112x32xf32>
    %add3A_21 = arith.addf %mul3A_16, %add3A_20 : vector<10112x32xf32>
    %max3A = arith.constant 0.000000e+00 : f32
    %max3A_22 = vector.broadcast %max3A : f32 to vector<10112x32xf32>
    %max3A_23 = arith.maximumf %add3A_21, %max3A_22 : vector<10112x32xf32>
    %iota3A = tpu.iota {dimensions = array<i32: 1>} : vector<10112x64xi32>
    %get3A_24 = arith.constant 0 : index
    %get3A_25 = arith.constant 0 : index
    %get3A_26 = vector.load %arg4[%get3A_24, %get3A_25] : memref<10112x1xi32, #tpu.memory_space<vmem>>, vector<10112x1xi32>
    %eq3A = vector.broadcast %get3A_26 : vector<10112x1xi32> to vector<10112x64xi32>
    %eq3A_27 = arith.cmpi eq, %eq3A, %iota3A : vector<10112x64xi32>
    %convert_element_type3A = arith.extui %eq3A_27 : vector<10112x64xi1> to vector<10112x64xi32>
    %convert_element_type3A_28 = arith.sitofp %convert_element_type3A : vector<10112x64xi32> to vector<10112x64xf32>
    %dot_general3A = arith.constant dense<0.000000e+00> : vector<64x32xf32>
    %dot_general3A_29 = tpu.matmul %convert_element_type3A_28, %max3A_23, %dot_general3A {dimension_numbers = #tpu.dot_dimension_numbers<[0], [0], [1], [1], [0, 1, 1, 1], [], []>, transpose_lhs_hint = false} : vector<10112x64xf32>, vector<10112x32xf32>, vector<64x32xf32> -> vector<64x32xf32>
    %get3A_30 = arith.constant 0 : index
    %get3A_31 = arith.constant 0 : index
    %get3A_32 = vector.load %arg5[%get3A_30, %get3A_31] : memref<32x10xf32, #tpu.memory_space<vmem>>, vector<32x10xf32>
    %dot_general3A_33 = arith.constant dense<0.000000e+00> : vector<64x10xf32>
    %dot_general3A_34 = tpu.matmul %dot_general3A_29, %get3A_32, %dot_general3A_33 {dimension_numbers = #tpu.dot_dimension_numbers<[1], [0], [0], [1], [0, 0, 1, 1], [], []>, transpose_lhs_hint = false} : vector<64x32xf32>, vector<32x10xf32>, vector<64x10xf32> -> vector<64x10xf32>
    %get3A_35 = arith.constant 0 : index
    %get3A_36 = arith.constant 0 : index
    %get3A_37 = vector.load %arg6[%get3A_35, %get3A_36] : memref<1x10xf32, #tpu.memory_space<vmem>>, vector<1x10xf32>
    %add3A_38 = vector.broadcast %get3A_37 : vector<1x10xf32> to vector<64x10xf32>
    %add3A_39 = arith.addf %dot_general3A_34, %add3A_38 : vector<64x10xf32>
    %swap3A = arith.constant 0 : index
    %swap3A_40 = arith.constant 0 : index
    %swap3A_41 = vector.load %arg7[%swap3A, %swap3A_40] : memref<64x10xf32, #tpu.memory_space<vmem>>, vector<64x10xf32>
    tpu.vector_store %arg7[%swap3A, %swap3A_40], %add3A_39 {strides = array<i32>} : memref<64x10xf32, #tpu.memory_space<vmem>>, vector<64x10xf32>,
    return
  }
}

</mosaic_0001>

<sc_bundles>
// kernel: kernel.10.cloned.1.call-start
scs
__scs_entry_jumppad:
0x0: {  	(pc) =	sbr.rel $0x88, $3  }
0x1: {  	(tag) =	ssettag $0x0;
	lr =	simm.s32 $0x1  }
0x2: {  	[smem:$0x3F96] =	sst lr;
	_ =	strace $0xD0000000  }
0x3: {  	_ = 	snop  }
0x4: {  	_ = 	snop  }
0x5: {  	_ = 	snop  }
0x6: {  	_ = 	snop  }
0x7: {  	_ = 	snop  }
__scs_overlays_trampoline_lowered:
0x8: {  	[smem:$0x3FA5] =	sst s0  }
0x9: {  	[smem:$0x3FA6] =	sst s1  }
0xa: {  	[smem:$0x3FA7] =	sst s2  }
0xb: {  	[smem:$0x3FA8] =	sst s3  }
0xc: {  	[smem:$0x3FA9] =	sst s4  }
0xd: {  	[smem:$0x3FAA] =	sst s5  }
0xe: {  	[smem:$0x3FAB] =	sst s6  }
0xf: {  	[smem:$0x3FAC] =	sst s7  }
0x10: {  	[smem:$0x3FAD] =	sst s8  }
0x11: {  	[smem:$0x3FAE] =	sst s9;
	s0 =	simm.s32 @!p0 $0x0  }
0x12: {  	s1 =	sld [smem:$0x3F94];
	s0 =	simm.s32 @p0 $0x1  }
0x13: {  	[smem:$0x3FAF] =	sst s0;
	s0 =	simm.s32 @!p1 $0x0  }
0x14: {  	s2 =	sld [smem:$0x3F93];
	s0 =	simm.s32 @p1 $0x1  }
0x15: {  	[smem:$0x3FB0] =	sst s0;
	s0 =	simm.s32 @!p2 $0x0  }
0x16: {  	s3 =	sld [smem:$0x3FDB];
	s0 =	simm.s32 @p2 $0x1  }
0x17: {  	s4 =	simm.s32 $0x1BF5;
	[smem:$0x3FB2] =	sst s0  }
0x18: {  	s0 =	sld [smem:$0x3F95];
	_ =	swait.ge [sflag:s4], $0x0  }
0x19: {  	s7 =	sld [smem:$0x3F96]  }
0x1a: {  	s8 =	sadd.s32 $0xFFFFE003, lr  }
0x1b: {  	s9 =	sadd.s32 $0xFFFFFEF7, lr;
	s5 =	simm.s32 $0xFFFFFFFF;
	p2 =	slt.u32 s8, $0xFFFFF086  }
0x1c: {  	p1 =	slt.u32 s9, $0xF7A;
	s5 =	simm.s32 @!p2 $0x0  }
0x1d: {  	s5 =	simm.s32 @p1 $0x1;
	p0 =	seq.s32 s7, s2  }
0x1e: {  	s7 =	smul.u32 @!p0 $0xF7A, s2;
	p2 =	seq.s32 @!p0 s5, $0x0  }
0x1f: {  	s9 =	smul.u32 $0xF7A, s1;
	s8 =	simm.s32 @!p0 $0x1BF5;
	p2 =	por !p2, p0  }
0x20: {  	[sflag:s8] =	ssyncset.s32 @!p0 $0xFFFFF086;
	s6 =	sadd.s32 @!p0 s3, s7;
	s7 =	simm.s32 @!p0 $0x108  }
0x21: {  	s3 =	sadd.s32 s3, s9;
	s6 =	sadd.s32 @!p0 $0x88, s6;
	s7 =	simm.s32 @p2 $0x1082  }
0x22: {  	[simem:s7], [sflag:s8] =	dma.local @!p0 [hbm:s6], $0xF7A  }
0x23: {  	s9 =	sor.u32 $0xD0000000, s2;
	s6 =	simm.s32 $0x108;
	_ =	swait.ge @!p0 [sflag:s8], $0x0  }
0x24: {  	s3 =	sadd.s32 $0x88, s3;
	s6 =	simm.s32 @!p1 $0x1082;
	[sflag:s4] =	ssyncset.s32 $0xFFFFF086  }
0x25: {  	[simem:s6], [sflag:s4] =	dma.local [hbm:s3], $0xF7A  }
0x26: {  	[smem:$0x3F96] =	sst s1;
	(tag) =	ssettag s2;
	_ =	strace s9  }
0x27: {  	s1 =	sld [smem:$0x3FA6]  }
0x28: {  	s2 =	sld [smem:$0x3FA7]  }
0x29: {  	s4 =	sld [smem:$0x3FA9]  }
0x2a: {  	p0 =	seq.s32 s5, $0x0;
	s5 =	sld [smem:$0x3FAA]  }
0x2b: {  	s6 =	sld [smem:$0x3FAB]  }
0x2c: {  	s7 =	sld [smem:$0x3FAC]  }
0x2d: {  	s3 =	simm.s32 $0x108;
	s8 =	sld [smem:$0x3FAD]  }
0x2e: {  	s3 =	simm.s32 @!p0 $0x1082;
	s9 =	sld [smem:$0x3FAE]  }
0x2f: {  	lr =	sadd.s32 s0, s3;
	s0 =	sld [smem:$0x3FA5]  }
0x30: {  	s3 =	sld [smem:$0x3FA8]  }
0x31: {  	[smem:$0x3FB1] =	sst s10  }
0x32: {  	s10 =	sld [smem:$0x3FAF];
	_ =	sdelay $0x3  }
0x33: {  	p0 =	seq.s32 s10, $0x1;
	s10 =	sld [smem:$0x3FB1];
	_ =	sdelay $0x3  }
0x34: {  	[smem:$0x3FB1] =	sst s10  }
0x35: {  	s10 =	sld [smem:$0x3FB0];
	_ =	sdelay $0x3  }
0x36: {  	p1 =	seq.s32 s10, $0x1;
	s10 =	sld [smem:$0x3FB1];
	_ =	sdelay $0x3  }
0x37: {  	[smem:$0x3FB1] =	sst s10  }
0x38: {  	s10 =	sld [smem:$0x3FB2]  }
0x39: {  	_ = 	snop;
	(pc) =	sbr.ind lr, $3  }
0x3a: {  	_ = 	snop  }
0x3b: {  	_ = 	snop  }
0x3c: {  	p2 =	seq.s32 s10, $0x1;
	s10 =	sld [smem:$0x3FB1]  }
0x3d: {  	_ =	shalt  }
0x3e: {  	_ =	shalt  }
0x3f: {  	_ =	shalt  }
0x40: {  	_ =	shalt  }
0x41: {  	_ =	shalt  }
0x42: {  	_ =	shalt  }
0x43: {  	_ =	shalt  }
0x44: {  	_ =	shalt  }
0x45: {  	_ =	shalt  }
0x46: {  	_ =	shalt  }
0x47: {  	_ =	shalt  }
0x48: {  	_ =	shalt  }
0x49: {  	_ =	shalt  }
0x4a: {  	_ =	shalt  }
0x4b: {  	_ =	shalt  }
0x4c: {  	_ =	shalt  }
0x4d: {  	_ =	shalt  }
0x4e: {  	_ =	shalt  }
0x4f: {  	_ =	shalt  }
0x50: {  	_ =	shalt  }
0x51: {  	_ =	shalt  }
0x52: {  	_ =	shalt  }
0x53: {  	_ =	shalt  }
0x54: {  	_ =	shalt  }
0x55: {  	_ =	shalt  }
0x56: {  	_ =	shalt  }
0x57: {  	_ =	shalt  }
0x58: {  	_ =	shalt  }
0x59: {  	_ =	shalt  }
0x5a: {  	_ =	shalt  }
0x5b: {  	_ =	shalt  }
0x5c: {  	_ =	shalt  }
0x5d: {  	_ =	shalt  }
0x5e: {  	_ =	shalt  }
0x5f: {  	_ =	shalt  }
0x60: {  	_ =	shalt  }
0x61: {  	_ =	shalt  }
0x62: {  	_ =	shalt  }
0x63: {  	_ =	shalt  }
0x64: {  	_ =	shalt  }
0x65: {  	_ =	shalt  }
0x66: {  	_ =	shalt  }
0x67: {  	_ =	shalt  }
0x68: {  	_ =	shalt  }
0x69: {  	_ =	shalt  }
0x6a: {  	_ =	shalt  }
0x6b: {  	_ =	shalt  }
0x6c: {  	_ =	shalt  }
0x6d: {  	_ =	shalt  }
0x6e: {  	_ =	shalt  }
0x6f: {  	_ =	shalt  }
0x70: {  	_ =	shalt  }
0x71: {  	_ =	shalt  }
0x72: {  	_ =	shalt  }
0x73: {  	_ =	shalt  }
0x74: {  	_ =	shalt  }
0x75: {  	_ =	shalt  }
0x76: {  	_ =	shalt  }
0x77: {  	_ =	shalt  }
0x78: {  	_ =	shalt  }
0x79: {  	_ =	shalt  }
0x7a: {  	_ =	shalt  }
0x7b: {  	_ =	shalt  }
0x7c: {  	_ =	shalt  }
0x7d: {  	_ =	shalt  }
0x7e: {  	_ =	shalt  }
0x7f: {  	_ =	shalt  }
0x80: {  	_ =	shalt  }
0x81: {  	_ =	shalt  }
0x82: {  	_ =	shalt  }
0x83: {  	_ =	shalt  }
0x84: {  	_ =	shalt  }
0x85: {  	_ =	shalt  }
0x86: {  	_ =	shalt  }
0x87: {  	_ =	shalt  }
.Lfunc_end0:
.L_simem_size_0:
called_computation_lowered:
.L_overlay_start_0:
0x88: {  	s2 =	sld [smem:$0x3FD9]  }
0x89: {  	s3 =	sld [smem:$0x3FFE];
	_ =	sdelay $0x1  }
0x8a: {  	s1 =	srdreg.scid  }
0x8b: {  	s0 =	sand.u32 $0x1, s1  }
0x8c: {  	s17 =	sshll.u32 s0, $0xA;
	s2 =	sadd.s32 s3, s2  }
0x8d: {  	s2 =	sadd.s32 s2, s17  }
0x8e: {  	[smem:$0x3FBD] =	sst s2  }
0x8f: {  	_ = 	snop  }
0x90: {  	s2 =	sld [smem:$0x3FD0];
	(tm) =	ssettm $0x1  }
0x91: {  	s18 =	sld [smem:$0x3FFB];
	_ =	sdelay $0x3  }
0x92: {  	_ =	strace s18  }
0x93: {  	s3 =	sld [smem:$0x3FFC];
	_ =	sdelay $0x3  }
0x94: {  	_ =	strace s3  }
0x95: {  	s3 =	sld [smem:$0x3FFD];
	_ =	sdelay $0x3  }
0x96: {  	_ =	strace s3  }
0x97: {  	_ =	strace $0x8FFFFFFF  }
0x98: {  	s19 =	sld [smem:$0x3FDB];
	_ =	sdelay $0x1  }
0x99: {  	s4 =	simm.s32 $_scs_section_size  }
0x9a: {  	s5 =	simm.s32 $_size__tile_overlayer_lowered;
	s6 =	simm.s32 $_tile_overlayer_lowered  }
0x9b: {  	s22 =	simm.s32 $0x1BFF;
	s21 =	sshll.u32 s6, $0x1;
	s3 =	sadd.s32 s4, s19  }
0x9c: {  	s7 =	simm.s32 $0x0;
	s20 =	sshll.u32 s5, $0x1;
	s5 =	sadd.s32 s21, s3  }
0x9d: {  	[timem:s7], [sflag:s22] =	dma.local [hbm:s5], s20  }
0x9e: {  	_ =	swait.ge [sflag:s22], s20  }
0x9f: {  	s4 =	ssub.s32 $0x0, s20;
	[sflag:s22] =	ssyncset.done $0x0  }
0xa0: {  	[sflag:s22] =	ssyncadd.s32 s4;
	_ =	sdelay $0x1  }
0xa1: {  	s23 =	simm.s32 $0x1B8B  }
0xa2: {  	_ =	swait.ge [sflag:s23], $0x1  }
0xa3: {  	[sflag:s23] =	ssyncset.done $0x0  }
0xa4: {  	s25 =	simm.s32 $0x1B8E;
	s24 =	sld [smem:$0x3FFE];
	[sflag:s23] =	ssyncadd.s32 $0xFFFFFFFF  }
0xa5: {  	s26 =	simm.s32 $execute0_lowered;
	[smem:$0x3FD2] =	sst s25  }
0xa6: {  	s5 =	sshll.u32 s26, $0x1;
	_ =	strace $0x80000046;
	[dreg:$0x1] =	wrdreg $0xFFFFFFFF  }
0xa7: {  	s28 =	simm.s32 $_size_execute0_lowered;
	s3 =	sadd.s32 s3, s5;
	[dreg:$0x0] =	wrdreg $0x0  }
0xa8: {  	s5 =	sshll.u32 s28, $0x1;
	[dreg:$0x2] =	wrdreg s3  }
0xa9: {  	[dreg:$0x3] =	wrdreg s5  }
0xaa: {  	[dreg:$0x4] =	wrdreg $0xC0  }
0xab: {  	_ =	task [dreg:s7], $0x5FFFF  }
0xac: {  	[dreg:$0x1] =	wrdreg $0xFFFFFFFF  }
0xad: {  	[dreg:$0x0] =	wrdreg $0x60  }
0xae: {  	[dreg:$0x2] =	wrdreg s24  }
0xaf: {  	[dreg:$0x3] =	wrdreg s2  }
0xb0: {  	[dreg:$0x4] =	wrdreg $0x2C000  }
0xb1: {  	[dreg:$0x5] =	wrdreg $0x9  }
0xb2: {  	_ =	task.clear_ibuf [dreg:s7], $0x6FFFF;
	_ =	strace $0x90000046  }
0xb3: {  	s29 =	simm.s32 $0x9;
	_ =	strace $0x80000048  }
0xb4: {  	_ =	swait.ge [sflag:s29], $0x1  }
0xb5: {  	[sflag:s29] =	ssyncadd.s32 $0xFFFFFFFF  }
0xb6: {  	_ =	strace $0x90000048  }
0xb7: {  	_ =	sfence  }
0xb8: {  	s30 =	sld [smem:$0x0];
	_ =	sdelay $0x2  }
0xb9: {  	s31 =	sshll.u32 s1, $0xD;
	s1 =	sshrl.u32 s1, $0x2  }
0xba: {  	s3 =	sand.u32 $0x4000, s31;
	s1 =	sadd.s32 s1, s30  }
0xbb: {  	s0 =	sor.u32 s3, s0;
	s1 =	sshll.u32 s1, $0x11  }
0xbc: {  	s0 =	sor.u32 s1, s0  }
0xbd: {  	s0 =	sadd.s32 $0x8F2B, s0  }
0xbe: {  	[sflag:s0] =	ssyncadd.remote.s32 $0x1  }
0xbf: {  	_ =	sfence.sel $0xFFFF  }
0xc0: {  	[dreg:$0x0] =	wrdreg $0xFFFFFFFF;
	(pc) =	sbr.abs _section_cstart, $3  }
0xc1: {  	[dreg:$0x1] =	wrdreg $0xFFFFFFFF  }
0xc2: {  	_ =	task.clear_ibuf [dreg:s7], $0x2FFFF;
	_ =	strace $0x9FFFFFFF  }
0xc3: {  	(tm) =	ssettm $0x7FFFFFFF  }
tec
execute0_lowered:
.L_overlay_start_1:
0x0: {  	(tag) =	ssettag $0x1  }
0x1: {  	s6 =	rddreg [dreg:$0x0]  }
0x2: {  	s2 =	rddreg [dreg:$0x1]  }
0x3: {  	s3 =	rddreg [dreg:$0x2]  }
0x4: {  	s0 =	rddreg [dreg:$0x3]  }
0x5: {  	s4 =	srdreg.scid;
	s1 =	stileid.u32;
	s13 =	simm.s32 $0x80  }
0x6: {  	s14 =	simm.s32 $0x0;
	s5 =	sand.u32 $0x1, s4;
	s7 =	sshll.u32 s1, $0x1  }
0x7: {  	s8 =	smul.u32 $0x13C0, s1;
	s4 =	simm.s32 $0x0;
	s11 =	sshll.u32 s1, $0x6  }
0x8: {  	s7 =	sor.u32 s5, s7;
	s9 =	smul.u32 $0x13C00, s5;
	[smem:$0x7FF] =	sst s4  }
0x9: {  	s10 =	ssub.s32 $0x2, s5;
	s5 =	sadd.s32 $0x2400, s6;
	s11 =	sor.u32 $0x1C01, s11  }
0xa: {  	s7 =	smul.u32 $0x500, s7;
	_ =	strace $0x80000047;
	s31 =	sshrl.u32 s10, $0x1  }
0xb: {  	s12 =	sadd.s32 s8, s3;
	s9 =	sadd.s32 s8, s9;
	s10 =	ssub.s32 s10, s31  }
0xc: {  	s12 =	sshrl.u32 s12, $0x3;
	s7 =	sadd.s32 s7, s6;
	s9 =	sshrl.u32 s9, $0x3  }
0xd: {  	s8 =	smax.u32 s10, $0x1;
	s10 =	simm.s32 $0x2800;
	s9 =	sadd.s32 s9, s6  }
0xe: {  	s6 =	sadd.s32 $0x2800, s7;
	s7 =	sadd.s32 $0xC800, s9;
	s9 =	simm.s32 $0x1  }
.LBB2_1:
0xf: {  	[tilespmem:s4], [sflag:$0x1] =	stream.linear.gather [hbm4b:s6+s4], $0x2800, $0x38;
	[tilespmem:$0x2E78] =	vst v63  }
0x10: {  	_ =	swait.ge [sflag:s9], $0x2800  }
0x11: {  	[sflag:s9] =	ssyncset.done $0x0  }
0x12: {  	[sflag:s9] =	ssyncadd.s32 $0xFFFFD800  }
0x13: {  	[tilespmem:s10], [sflag:$0x1] =	stream.linear.gather [hbm4b:s2+s4], $0x400, $0x38;
	[tilespmem:$0x2E78] =	vst v63  }
0x14: {  	_ =	swait.ge [sflag:s9], $0x400  }
0x15: {  	[sflag:s9] =	ssyncset.done $0x0  }
0x16: {  	[sflag:s9] =	ssyncadd.s32 $0xFFFFFC00  }
0x17: {  	[spmem:s12], [sflag:s11] =	dma.local [hbm:s5], $0x278  }
0x18: {  	_ =	swait.ge [sflag:s9], $0x278  }
0x19: {  	[sflag:s9] =	ssyncset.done $0x0  }
0x1a: {  	[sflag:s9] =	ssyncadd.s32 $0xFFFFFD88  }
0x1b: {  	s15 =	simm.s32 $0x0;
	[bflag:$0x0] =	sbarrier.arrive $0xFFFF  }
0x1c: {  	[spmem:s3] =	stream.indirect.scatter.add.f32 [tilespmem:s10], [sflag:$0x1], $0x1, s15, s13, $0xb8;
	[tilespmem:$0x2E78] =	vst v63  }
0x1d: {  	_ =	swait.ge [sflag:s9], $0x80  }
0x1e: {  	s15 =	simm.s32 $0x200;
	[sflag:s9] =	ssyncset.done $0x0  }
.LBB2_2:
0x1f: {  	s16 =	sshra.s32 s15, $0x2;
	[sflag:s9] =	ssyncadd.s32 $0xFFFFFF80;
	p0 =	sne.s32 s15, $0x9E00  }
0x20: {  	[spmem:s3] =	stream.indirect.scatter.add.f32 [tilespmem:s10], [sflag:$0x1], $0x1, s16, s13, $0xb8;
	[tilespmem:$0x2E78] =	vst v63  }
.Ltmp0:
0x21: {  	_ = 	snop;
	(pc) =	sbr.rel @p0 .LBB2_2-.Ltmp0, $4  }
0x22: {  	_ = 	snop  }
0x23: {  	s15 =	sadd.s32 $0x200, s15  }
0x24: {  	_ =	swait.ge [sflag:s9], $0x80  }
0x25: {  	[sflag:s9] =	ssyncset.done $0x0  }
0x26: {  	s14 =	sadd.s32 $0x1, s14  }
0x27: {  	[sflag:s9] =	ssyncadd.s32 $0xFFFFFF80;
	p0 =	sne.s32 s14, s8  }
.Ltmp1:
0x28: {  	[bflag:$0x0] =	sbarrier.arrive $0xFFFF;
	(pc) =	sbr.rel @p0 .LBB2_1-.Ltmp1, $4  }
0x29: {  	[hbm:s7], [sflag:s11] =	dma.local [spmem:s12], $0x278  }
0x2a: {  	_ =	swait.ge [sflag:s9], $0x278  }
0x2b: {  	[sflag:s9] =	ssyncset.done $0x0  }
0x2c: {  	[sflag:s9] =	ssyncadd.s32 $0xFFFFFD88  }
0x2d: {  	_ =	sfence.sel $0x180000  }
0x2e: {  	[bflag:$0x0] =	sbarrier.arrive $0xFFFF  }
0x2f: {  	p0 =	sne.s32 s1, $0x0;
	_ =	strace $0x90000047  }
0x30: {  	s0 =	sadd.s32 @!p0 $0x100000, s0;
	[bflag:$0x2] =	sbarrier.arrive $0xFFFF  }
0x31: {  	[sflag:s0] =	ssyncadd.tile.s32 @!p0 $0x1;
	_ =	shalt  }
.Lfunc_end2:
_tile_overlayer_lowered:
.L_overlay_start_2:
0x32: {  	(tag) =	ssettag $0x2  }
0x33: {  	s0 =	rddreg [dreg:$0x0];
	s2 =	stileid.u32  }
0x34: {  	s1 =	rddreg [dreg:$0x1];
	p0 =	sne.s32 s2, $0x0  }
0x35: {  	s3 =	rddreg [dreg:$0x2];
	[bflag:$0x3] =	sbarrier.arrive $0xFFFF;
	s2 =	simm.s32 @!p0 $0x1C01  }
0x36: {  	[timem:s3], [sflag:s2] =	dma.local @!p0 [hbm:s0], s1  }
0x37: {  	s0 =	simm.s32 @!p0 $0x1  }
0x38: {  	_ =	swait.ge @!p0 [sflag:s0], s1  }
0x39: {  	s1 =	ssub.s32 @!p0 $0x0, s1;
	[sflag:s0] =	ssyncset.done @!p0 $0x0  }
0x3a: {  	[sflag:s0] =	ssyncadd.s32 @!p0 s1  }
0x3b: {  	[bflag:$0x3] =	sbarrier.arrive $0xFFFF  }
0x3c: {  	_ =	shalt  }

// kernel: kernel.13.cloned.1.call-start
scs
__scs_entry_jumppad:
0x0: {  	(pc) =	sbr.rel $0x88, $3  }
0x1: {  	(tag) =	ssettag $0x0;
	lr =	simm.s32 $0x1  }
0x2: {  	[smem:$0x3F96] =	sst lr;
	_ =	strace $0xD0000000  }
0x3: {  	_ = 	snop  }
0x4: {  	_ = 	snop  }
0x5: {  	_ = 	snop  }
0x6: {  	_ = 	snop  }
0x7: {  	_ = 	snop  }
__scs_overlays_trampoline_lowered:
0x8: {  	[smem:$0x3FA5] =	sst s0  }
0x9: {  	[smem:$0x3FA6] =	sst s1  }
0xa: {  	[smem:$0x3FA7] =	sst s2  }
0xb: {  	[smem:$0x3FA8] =	sst s3  }
0xc: {  	[smem:$0x3FA9] =	sst s4  }
0xd: {  	[smem:$0x3FAA] =	sst s5  }
0xe: {  	[smem:$0x3FAB] =	sst s6  }
0xf: {  	[smem:$0x3FAC] =	sst s7  }
0x10: {  	[smem:$0x3FAD] =	sst s8  }
0x11: {  	[smem:$0x3FAE] =	sst s9;
	s0 =	simm.s32 @!p0 $0x0  }
0x12: {  	s1 =	sld [smem:$0x3F94];
	s0 =	simm.s32 @p0 $0x1  }
0x13: {  	[smem:$0x3FAF] =	sst s0;
	s0 =	simm.s32 @!p1 $0x0  }
0x14: {  	s2 =	sld [smem:$0x3F93];
	s0 =	simm.s32 @p1 $0x1  }
0x15: {  	[smem:$0x3FB0] =	sst s0;
	s0 =	simm.s32 @!p2 $0x0  }
0x16: {  	s3 =	sld [smem:$0x3FDB];
	s0 =	simm.s32 @p2 $0x1  }
0x17: {  	s4 =	simm.s32 $0x1BF5;
	[smem:$0x3FB2] =	sst s0  }
0x18: {  	s0 =	sld [smem:$0x3F95];
	_ =	swait.ge [sflag:s4], $0x0  }
0x19: {  	s7 =	sld [smem:$0x3F96]  }
0x1a: {  	s8 =	sadd.s32 $0xFFFFE003, lr  }
0x1b: {  	s9 =	sadd.s32 $0xFFFFFEF7, lr;
	s5 =	simm.s32 $0xFFFFFFFF;
	p2 =	slt.u32 s8, $0xFFFFF086  }
0x1c: {  	p1 =	slt.u32 s9, $0xF7A;
	s5 =	simm.s32 @!p2 $0x0  }
0x1d: {  	s5 =	simm.s32 @p1 $0x1;
	p0 =	seq.s32 s7, s2  }
0x1e: {  	s7 =	smul.u32 @!p0 $0xF7A, s2;
	p2 =	seq.s32 @!p0 s5, $0x0  }
0x1f: {  	s9 =	smul.u32 $0xF7A, s1;
	s8 =	simm.s32 @!p0 $0x1BF5;
	p2 =	por !p2, p0  }
0x20: {  	[sflag:s8] =	ssyncset.s32 @!p0 $0xFFFFF086;
	s6 =	sadd.s32 @!p0 s3, s7;
	s7 =	simm.s32 @!p0 $0x108  }
0x21: {  	s3 =	sadd.s32 s3, s9;
	s6 =	sadd.s32 @!p0 $0x88, s6;
	s7 =	simm.s32 @p2 $0x1082  }
0x22: {  	[simem:s7], [sflag:s8] =	dma.local @!p0 [hbm:s6], $0xF7A  }
0x23: {  	s9 =	sor.u32 $0xD0000000, s2;
	s6 =	simm.s32 $0x108;
	_ =	swait.ge @!p0 [sflag:s8], $0x0  }
0x24: {  	s3 =	sadd.s32 $0x88, s3;
	s6 =	simm.s32 @!p1 $0x1082;
	[sflag:s4] =	ssyncset.s32 $0xFFFFF086  }
0x25: {  	[simem:s6], [sflag:s4] =	dma.local [hbm:s3], $0xF7A  }
0x26: {  	[smem:$0x3F96] =	sst s1;
	(tag) =	ssettag s2;
	_ =	strace s9  }
0x27: {  	s1 =	sld [smem:$0x3FA6]  }
0x28: {  	s2 =	sld [smem:$0x3FA7]  }
0x29: {  	s4 =	sld [smem:$0x3FA9]  }
0x2a: {  	p0 =	seq.s32 s5, $0x0;
	s5 =	sld [smem:$0x3FAA]  }
0x2b: {  	s6 =	sld [smem:$0x3FAB]  }
0x2c: {  	s7 =	sld [smem:$0x3FAC]  }
0x2d: {  	s3 =	simm.s32 $0x108;
	s8 =	sld [smem:$0x3FAD]  }
0x2e: {  	s3 =	simm.s32 @!p0 $0x1082;
	s9 =	sld [smem:$0x3FAE]  }
0x2f: {  	lr =	sadd.s32 s0, s3;
	s0 =	sld [smem:$0x3FA5]  }
0x30: {  	s3 =	sld [smem:$0x3FA8]  }
0x31: {  	[smem:$0x3FB1] =	sst s10  }
0x32: {  	s10 =	sld [smem:$0x3FAF];
	_ =	sdelay $0x3  }
0x33: {  	p0 =	seq.s32 s10, $0x1;
	s10 =	sld [smem:$0x3FB1];
	_ =	sdelay $0x3  }
0x34: {  	[smem:$0x3FB1] =	sst s10  }
0x35: {  	s10 =	sld [smem:$0x3FB0];
	_ =	sdelay $0x3  }
0x36: {  	p1 =	seq.s32 s10, $0x1;
	s10 =	sld [smem:$0x3FB1];
	_ =	sdelay $0x3  }
0x37: {  	[smem:$0x3FB1] =	sst s10  }
0x38: {  	s10 =	sld [smem:$0x3FB2]  }
0x39: {  	_ = 	snop;
	(pc) =	sbr.ind lr, $3  }
0x3a: {  	_ = 	snop  }
0x3b: {  	_ = 	snop  }
0x3c: {  	p2 =	seq.s32 s10, $0x1;
	s10 =	sld [smem:$0x3FB1]  }
0x3d: {  	_ =	shalt  }
0x3e: {  	_ =	shalt  }
0x3f: {  	_ =	shalt  }
0x40: {  	_ =	shalt  }
0x41: {  	_ =	shalt  }
0x42: {  	_ =	shalt  }
0x43: {  	_ =	shalt  }
0x44: {  	_ =	shalt  }
0x45: {  	_ =	shalt  }
0x46: {  	_ =	shalt  }
0x47: {  	_ =	shalt  }
0x48: {  	_ =	shalt  }
0x49: {  	_ =	shalt  }
0x4a: {  	_ =	shalt  }
0x4b: {  	_ =	shalt  }
0x4c: {  	_ =	shalt  }
0x4d: {  	_ =	shalt  }
0x4e: {  	_ =	shalt  }
0x4f: {  	_ =	shalt  }
0x50: {  	_ =	shalt  }
0x51: {  	_ =	shalt  }
0x52: {  	_ =	shalt  }
0x53: {  	_ =	shalt  }
0x54: {  	_ =	shalt  }
0x55: {  	_ =	shalt  }
0x56: {  	_ =	shalt  }
0x57: {  	_ =	shalt  }
0x58: {  	_ =	shalt  }
0x59: {  	_ =	shalt  }
0x5a: {  	_ =	shalt  }
0x5b: {  	_ =	shalt  }
0x5c: {  	_ =	shalt  }
0x5d: {  	_ =	shalt  }
0x5e: {  	_ =	shalt  }
0x5f: {  	_ =	shalt  }
0x60: {  	_ =	shalt  }
0x61: {  	_ =	shalt  }
0x62: {  	_ =	shalt  }
0x63: {  	_ =	shalt  }
0x64: {  	_ =	shalt  }
0x65: {  	_ =	shalt  }
0x66: {  	_ =	shalt  }
0x67: {  	_ =	shalt  }
0x68: {  	_ =	shalt  }
0x69: {  	_ =	shalt  }
0x6a: {  	_ =	shalt  }
0x6b: {  	_ =	shalt  }
0x6c: {  	_ =	shalt  }
0x6d: {  	_ =	shalt  }
0x6e: {  	_ =	shalt  }
0x6f: {  	_ =	shalt  }
0x70: {  	_ =	shalt  }
0x71: {  	_ =	shalt  }
0x72: {  	_ =	shalt  }
0x73: {  	_ =	shalt  }
0x74: {  	_ =	shalt  }
0x75: {  	_ =	shalt  }
0x76: {  	_ =	shalt  }
0x77: {  	_ =	shalt  }
0x78: {  	_ =	shalt  }
0x79: {  	_ =	shalt  }
0x7a: {  	_ =	shalt  }
0x7b: {  	_ =	shalt  }
0x7c: {  	_ =	shalt  }
0x7d: {  	_ =	shalt  }
0x7e: {  	_ =	shalt  }
0x7f: {  	_ =	shalt  }
0x80: {  	_ =	shalt  }
0x81: {  	_ =	shalt  }
0x82: {  	_ =	shalt  }
0x83: {  	_ =	shalt  }
0x84: {  	_ =	shalt  }
0x85: {  	_ =	shalt  }
0x86: {  	_ =	shalt  }
0x87: {  	_ =	shalt  }
.Lfunc_end0:
.L_simem_size_0:
called_computation.1_lowered:
.L_overlay_start_0:
0x88: {  	s2 =	sld [smem:$0x3FD9]  }
0x89: {  	s3 =	sld [smem:$0x3FFE];
	_ =	sdelay $0x1  }
0x8a: {  	s1 =	srdreg.scid  }
0x8b: {  	s0 =	sand.u32 $0x1, s1  }
0x8c: {  	s16 =	sshll.u32 s0, $0xA;
	s2 =	sadd.s32 s3, s2  }
0x8d: {  	s2 =	sadd.s32 s2, s16  }
0x8e: {  	[smem:$0x3FBD] =	sst s2  }
0x8f: {  	_ = 	snop  }
0x90: {  	(tm) =	ssettm $0x1  }
0x91: {  	s17 =	sld [smem:$0x3FFB];
	_ =	sdelay $0x3  }
0x92: {  	_ =	strace s17  }
0x93: {  	s2 =	sld [smem:$0x3FFC];
	_ =	sdelay $0x3  }
0x94: {  	_ =	strace s2  }
0x95: {  	s2 =	sld [smem:$0x3FFD];
	_ =	sdelay $0x3  }
0x96: {  	_ =	strace s2  }
0x97: {  	_ =	strace $0x8FFFFFFF  }
0x98: {  	s18 =	sld [smem:$0x3FDB];
	_ =	sdelay $0x1  }
0x99: {  	s19 =	simm.s32 $_scs_section_size  }
0x9a: {  	s4 =	simm.s32 $_size__tile_overlayer_lowered;
	s5 =	simm.s32 $_tile_overlayer_lowered  }
0x9b: {  	s22 =	simm.s32 $0x1BFF;
	s21 =	sshll.u32 s5, $0x1;
	s2 =	sadd.s32 s19, s18  }
0x9c: {  	s6 =	simm.s32 $0x0;
	s20 =	sshll.u32 s4, $0x1;
	s4 =	sadd.s32 s21, s2  }
0x9d: {  	[timem:s6], [sflag:s22] =	dma.local [hbm:s4], s20  }
0x9e: {  	_ =	swait.ge [sflag:s22], s20  }
0x9f: {  	s3 =	ssub.s32 $0x0, s20;
	[sflag:s22] =	ssyncset.done $0x0  }
0xa0: {  	[sflag:s22] =	ssyncadd.s32 s3;
	_ =	sdelay $0x1  }
0xa1: {  	s23 =	simm.s32 $0x1B8B  }
0xa2: {  	_ =	swait.ge [sflag:s23], $0x1  }
0xa3: {  	[sflag:s23] =	ssyncset.done $0x0  }
0xa4: {  	s25 =	simm.s32 $0x1B8E;
	s24 =	sld [smem:$0x3FFE];
	[sflag:s23] =	ssyncadd.s32 $0xFFFFFFFF  }
0xa5: {  	s26 =	simm.s32 $execute0_lowered;
	[smem:$0x3FD2] =	sst s25  }
0xa6: {  	s4 =	sshll.u32 s26, $0x1;
	_ =	strace $0x80000049;
	[dreg:$0x1] =	wrdreg $0xFFFFFFFF  }
0xa7: {  	s28 =	simm.s32 $_size_execute0_lowered;
	s2 =	sadd.s32 s2, s4;
	[dreg:$0x0] =	wrdreg $0x0  }
0xa8: {  	s4 =	sshll.u32 s28, $0x1;
	[dreg:$0x2] =	wrdreg s2  }
0xa9: {  	[dreg:$0x3] =	wrdreg s4  }
0xaa: {  	[dreg:$0x4] =	wrdreg $0xC0  }
0xab: {  	_ =	task [dreg:s6], $0x5FFFF  }
0xac: {  	[dreg:$0x1] =	wrdreg $0xFFFFFFFF  }
0xad: {  	[dreg:$0x0] =	wrdreg $0x60  }
0xae: {  	[dreg:$0x2] =	wrdreg s24  }
0xaf: {  	[dreg:$0x3] =	wrdreg $0xB0000  }
0xb0: {  	[dreg:$0x4] =	wrdreg $0x9  }
0xb1: {  	_ =	task.clear_ibuf [dreg:s6], $0x5FFFF;
	_ =	strace $0x90000049  }
0xb2: {  	s29 =	simm.s32 $0x9;
	_ =	strace $0x8000004B  }
0xb3: {  	_ =	swait.ge [sflag:s29], $0x1  }
0xb4: {  	[sflag:s29] =	ssyncadd.s32 $0xFFFFFFFF  }
0xb5: {  	_ =	strace $0x9000004B  }
0xb6: {  	_ =	sfence  }
0xb7: {  	s30 =	sld [smem:$0x0];
	_ =	sdelay $0x2  }
0xb8: {  	s31 =	sshll.u32 s1, $0xD;
	s1 =	sshrl.u32 s1, $0x2  }
0xb9: {  	s3 =	sand.u32 $0x4000, s31;
	s1 =	sadd.s32 s1, s30  }
0xba: {  	s0 =	sor.u32 s3, s0;
	s1 =	sshll.u32 s1, $0x11  }
0xbb: {  	s0 =	sor.u32 s1, s0  }
0xbc: {  	s0 =	sadd.s32 $0x8F2B, s0  }
0xbd: {  	[sflag:s0] =	ssyncadd.remote.s32 $0x1  }
0xbe: {  	_ =	sfence.sel $0xFFFF  }
0xbf: {  	[dreg:$0x0] =	wrdreg $0xFFFFFFFF;
	(pc) =	sbr.abs _section_cstart, $3  }
0xc0: {  	[dreg:$0x1] =	wrdreg $0xFFFFFFFF  }
0xc1: {  	_ =	task.clear_ibuf [dreg:s6], $0x2FFFF;
	_ =	strace $0x9FFFFFFF  }
0xc2: {  	(tm) =	ssettm $0x7FFFFFFF  }
0xc3: {  	_ =	shalt  }
tec
execute0_lowered:
.L_overlay_start_1:
0x0: {  	(tag) =	ssettag $0x1  }
0x1: {  	s0 =	rddreg [dreg:$0x0]  }
0x2: {  	s2 =	rddreg [dreg:$0x1]  }
0x3: {  	s1 =	srdreg.scid;
	s14 =	stileid.u32;
	s3 =	simm.s32 $0x0  }
0x4: {  	s15 =	simm.s32 $0x4800;
	s16 =	simm.s32 $0x80;
	s17 =	simm.s32 $0x9000  }
0x5: {  	s18 =	simm.s32 $0x9800;
	s20 =	simm.s32 $0xA000;
	s22 =	simm.s32 $0xA800  }
0x6: {  	s29 =	simm.s32 $0x4;
	s28 =	simm.s32 $0x4F00;
	s30 =	simm.s32 $0x4F80  }
0x7: {  	s31 =	simm.s32 $0x0;
	s1 =	sand.u32 $0x1, s1;
	s6 =	smul.u32 $0x2780, s14  }
0x8: {  	[smem:$0x7FF] =	sst s3;
	s9 =	sadd.s32 $0x11800, s0;
	s10 =	sadd.s32 $0x2800, s0  }
0x9: {  	s4 =	sadd.s32 $0xC800, s0;
	s23 =	sshll.u32 s14, $0x6;
	s24 =	smul.u32 $0x900, s14  }
0xa: {  	s25 =	sshll.u32 s14, $0x8;
	s14 =	simm.s32 $0x5;
	s5 =	smul.u32 $0x27800, s1  }
0xb: {  	_ =	strace $0x8000004A;
	s8 =	ssub.s32 $0x2, s1;
	p0 =	seq.s32 s1, $0x1  }
0xc: {  	s26 =	sor.u32 $0x9000, s25;
	s25 =	simm.s32 $0x4E80;
	s11 =	sshrl.u32 s8, $0x1  }
0xd: {  	s13 =	sadd.s32 s6, s2;
	s7 =	sadd.s32 s6, s5;
	s5 =	sadd.s32 $0x1B800, s0  }
.Ltmp0:
0xe: {  	s12 =	ssub.s32 s8, s11;
	s6 =	sor.u32 $0x1C05, s23;
	(pc) =	sbr.rel .LBB2_1-.Ltmp0, $4  }
0xf: {  	s8 =	sadd.s32 s10, s24;
	s10 =	sadd.s32 s10, s26;
	s13 =	sshrl.u32 s13, $0x3  }
0x10: {  	s23 =	simm.s32 $0x1;
	s7 =	sshrl.u32 s7, $0x3;
	s12 =	smax.u32 s12, $0x1  }
0x11: {  	s0 =	sadd.s32 s7, s0;
	s7 =	sadd.s32 s9, s24;
	s9 =	sadd.s32 s9, s26  }
0x12: {  	s24 =	simm.s32 $0x2;
	s26 =	simm.s32 $0x3;
	s11 =	sadd.s32 $0x1BE00, s0  }
.LBB2_5:
0x13: {  	[tilespmem:s3], [sflag:$0x5] =	stream.linear.gather [hbm4b:s9+s3], $0x800, $0x38;
	[tilespmem:$0xD780] =	vst v63  }
0x14: {  	_ =	swait.ge [sflag:s14], $0x800  }
0x15: {  	[sflag:s14] =	ssyncset.done $0x0  }
0x16: {  	[sflag:s14] =	ssyncadd.s32 $0xFFFFF800  }
0x17: {  	[tilespmem:s15], [sflag:$0x5] =	stream.linear.gather [hbm4b:s10+s3], $0x800, $0x38;
	[tilespmem:$0xD780] =	vst v63  }
0x18: {  	_ =	swait.ge [sflag:s14], $0x800  }
0x19: {  	[sflag:s14] =	ssyncset.done $0x0  }
0x1a: {  	[sflag:s14] =	ssyncadd.s32 $0xFFFFF800  }
0x1b: {  	[tilespmem:s17], [sflag:$0x1] =	stream.indirect.gather [hbm4b:s4+s16], $0x10, s3, s16, $0xb8;
	[tilespmem:$0xD780] =	vst v63  }
0x1c: {  	_ = 	snop  }
0x1d: {  	[tilespmem:s18], [sflag:$0x2] =	stream.indirect.gather [hbm4b:s4+s16], $0x10, s16, s16, $0xb8;
	[tilespmem:$0xD780] =	vst v63  }
0x1e: {  	s0 =	simm.s32 $0x100  }
0x1f: {  	[tilespmem:s20], [sflag:$0x3] =	stream.indirect.gather [hbm4b:s4+s16], $0x10, s0, s16, $0xb8;
	[tilespmem:$0xD780] =	vst v63  }
0x20: {  	s21 =	simm.s32 $0x180  }
0x21: {  	[tilespmem:s22], [sflag:$0x4] =	stream.indirect.gather [hbm4b:s4+s16], $0x10, s21, s16, $0xb8;
	[tilespmem:$0xD780] =	vst v63  }
0x22: {  	_ =	swait.ge [sflag:s23], $0x800  }
0x23: {  	[sflag:s23] =	ssyncset.done $0x0  }
0x24: {  	[sflag:s23] =	ssyncadd.s32 $0xFFFFF800  }
0x25: {  	[spmem:s2] =	stream.indirect.scatter.add.f32 [tilespmem:s17], [sflag:$0x5], $0x10, s15, s16, $0xb8;
	[tilespmem:$0xD780] =	vst v63  }
0x26: {  	_ =	swait.ge [sflag:s14], $0x800  }
0x27: {  	[sflag:s14] =	ssyncset.done $0x0  }
0x28: {  	[sflag:s14] =	ssyncadd.s32 $0xFFFFF800  }
0x29: {  	_ =	swait.ge [sflag:s24], $0x800  }
0x2a: {  	[sflag:s24] =	ssyncset.done $0x0  }
0x2b: {  	s1 =	simm.s32 $0x4880;
	[sflag:s24] =	ssyncadd.s32 $0xFFFFF800  }
0x2c: {  	[spmem:s2] =	stream.indirect.scatter.add.f32 [tilespmem:s18], [sflag:$0x5], $0x10, s1, s16, $0xb8;
	[tilespmem:$0xD780] =	vst v63  }
0x2d: {  	_ =	swait.ge [sflag:s14], $0x800  }
0x2e: {  	[sflag:s14] =	ssyncset.done $0x0  }
0x2f: {  	[sflag:s14] =	ssyncadd.s32 $0xFFFFF800  }
0x30: {  	_ =	swait.ge [sflag:s26], $0x800  }
0x31: {  	[sflag:s26] =	ssyncset.done $0x0  }
0x32: {  	s19 =	simm.s32 $0x4900;
	[sflag:s26] =	ssyncadd.s32 $0xFFFFF800  }
0x33: {  	[spmem:s2] =	stream.indirect.scatter.add.f32 [tilespmem:s20], [sflag:$0x5], $0x10, s19, s16, $0xb8;
	[tilespmem:$0xD780] =	vst v63  }
0x34: {  	_ =	swait.ge [sflag:s14], $0x800  }
0x35: {  	[sflag:s14] =	ssyncset.done $0x0  }
0x36: {  	[sflag:s14] =	ssyncadd.s32 $0xFFFFF800  }
0x37: {  	_ =	swait.ge [sflag:s29], $0x800  }
0x38: {  	[sflag:s29] =	ssyncset.done $0x0  }
0x39: {  	s21 =	simm.s32 $0x4980;
	[sflag:s29] =	ssyncadd.s32 $0xFFFFF800  }
0x3a: {  	[spmem:s2] =	stream.indirect.scatter.add.f32 [tilespmem:s22], [sflag:$0x5], $0x10, s21, s16, $0xb8;
	[tilespmem:$0xD780] =	vst v63  }
0x3b: {  	_ =	swait.ge [sflag:s14], $0x800  }
0x3c: {  	[sflag:s14] =	ssyncset.done $0x0  }
0x3d: {  	s1 =	simm.s32 $0x200;
	[sflag:s14] =	ssyncadd.s32 $0xFFFFF800  }
0x3e: {  	[tilespmem:s17], [sflag:$0x1] =	stream.indirect.gather [hbm4b:s4+s16], $0x10, s1, s16, $0xb8;
	[tilespmem:$0xD780] =	vst v63  }
0x3f: {  	s19 =	simm.s32 $0x280  }
0x40: {  	[tilespmem:s18], [sflag:$0x2] =	stream.indirect.gather [hbm4b:s4+s16], $0x10, s19, s16, $0xb8;
	[tilespmem:$0xD780] =	vst v63  }
0x41: {  	s21 =	simm.s32 $0x300  }
0x42: {  	[tilespmem:s20], [sflag:$0x3] =	stream.indirect.gather [hbm4b:s4+s16], $0x10, s21, s16, $0xb8;
	[tilespmem:$0xD780] =	vst v63  }
0x43: {  	s1 =	simm.s32 $0x380  }
0x44: {  	[tilespmem:s22], [sflag:$0x4] =	stream.indirect.gather [hbm4b:s4+s16], $0x10, s1, s16, $0xb8;
	[tilespmem:$0xD780] =	vst v63  }
0x45: {  	_ =	swait.ge [sflag:s23], $0x800  }
0x46: {  	[sflag:s23] =	ssyncset.done $0x0  }
0x47: {  	s19 =	simm.s32 $0x4A00;
	[sflag:s23] =	ssyncadd.s32 $0xFFFFF800  }
0x48: {  	[spmem:s2] =	stream.indirect.scatter.add.f32 [tilespmem:s17], [sflag:$0x5], $0x10, s19, s16, $0xb8;
	[tilespmem:$0xD780] =	vst v63  }
0x49: {  	_ =	swait.ge [sflag:s14], $0x800  }
0x4a: {  	[sflag:s14] =	ssyncset.done $0x0  }
0x4b: {  	[sflag:s14] =	ssyncadd.s32 $0xFFFFF800  }
0x4c: {  	_ =	swait.ge [sflag:s24], $0x800  }
0x4d: {  	[sflag:s24] =	ssyncset.done $0x0  }
0x4e: {  	s21 =	simm.s32 $0x4A80;
	[sflag:s24] =	ssyncadd.s32 $0xFFFFF800  }
0x4f: {  	[spmem:s2] =	stream.indirect.scatter.add.f32 [tilespmem:s18], [sflag:$0x5], $0x10, s21, s16, $0xb8;
	[tilespmem:$0xD780] =	vst v63  }
0x50: {  	_ =	swait.ge [sflag:s14], $0x800  }
0x51: {  	[sflag:s14] =	ssyncset.done $0x0  }
0x52: {  	[sflag:s14] =	ssyncadd.s32 $0xFFFFF800  }
0x53: {  	_ =	swait.ge [sflag:s26], $0x800  }
0x54: {  	[sflag:s26] =	ssyncset.done $0x0  }
0x55: {  	s1 =	simm.s32 $0x4B00;
	[sflag:s26] =	ssyncadd.s32 $0xFFFFF800  }
0x56: {  	[spmem:s2] =	stream.indirect.scatter.add.f32 [tilespmem:s20], [sflag:$0x5], $0x10, s1, s16, $0xb8;
	[tilespmem:$0xD780] =	vst v63  }
0x57: {  	_ =	swait.ge [sflag:s14], $0x800  }
0x58: {  	[sflag:s14] =	ssyncset.done $0x0  }
0x59: {  	[sflag:s14] =	ssyncadd.s32 $0xFFFFF800  }
0x5a: {  	_ =	swait.ge [sflag:s29], $0x800  }
0x5b: {  	[sflag:s29] =	ssyncset.done $0x0  }
0x5c: {  	s19 =	simm.s32 $0x4B80;
	[sflag:s29] =	ssyncadd.s32 $0xFFFFF800  }
0x5d: {  	[spmem:s2] =	stream.indirect.scatter.add.f32 [tilespmem:s22], [sflag:$0x5], $0x10, s19, s16, $0xb8;
	[tilespmem:$0xD780] =	vst v63  }
0x5e: {  	_ =	swait.ge [sflag:s14], $0x800  }
0x5f: {  	[sflag:s14] =	ssyncset.done $0x0  }
0x60: {  	s21 =	simm.s32 $0x400;
	[sflag:s14] =	ssyncadd.s32 $0xFFFFF800  }
0x61: {  	[tilespmem:s17], [sflag:$0x1] =	stream.indirect.gather [hbm4b:s4+s16], $0x10, s21, s16, $0xb8;
	[tilespmem:$0xD780] =	vst v63  }
0x62: {  	s1 =	simm.s32 $0x480  }
0x63: {  	[tilespmem:s18], [sflag:$0x2] =	stream.indirect.gather [hbm4b:s4+s16], $0x10, s1, s16, $0xb8;
	[tilespmem:$0xD780] =	vst v63  }
0x64: {  	s19 =	simm.s32 $0x500  }
0x65: {  	[tilespmem:s20], [sflag:$0x3] =	stream.indirect.gather [hbm4b:s4+s16], $0x10, s19, s16, $0xb8;
	[tilespmem:$0xD780] =	vst v63  }
0x66: {  	s21 =	simm.s32 $0x580  }
0x67: {  	[tilespmem:s22], [sflag:$0x4] =	stream.indirect.gather [hbm4b:s4+s16], $0x10, s21, s16, $0xb8;
	[tilespmem:$0xD780] =	vst v63  }
0x68: {  	_ =	swait.ge [sflag:s23], $0x800  }
0x69: {  	[sflag:s23] =	ssyncset.done $0x0  }
0x6a: {  	s1 =	simm.s32 $0x4C00;
	[sflag:s23] =	ssyncadd.s32 $0xFFFFF800  }
0x6b: {  	[spmem:s2] =	stream.indirect.scatter.add.f32 [tilespmem:s17], [sflag:$0x5], $0x10, s1, s16, $0xb8;
	[tilespmem:$0xD780] =	vst v63  }
0x6c: {  	_ =	swait.ge [sflag:s14], $0x800  }
0x6d: {  	[sflag:s14] =	ssyncset.done $0x0  }
0x6e: {  	[sflag:s14] =	ssyncadd.s32 $0xFFFFF800  }
0x6f: {  	_ =	swait.ge [sflag:s24], $0x800  }
0x70: {  	[sflag:s24] =	ssyncset.done $0x0  }
0x71: {  	s19 =	simm.s32 $0x4C80;
	[sflag:s24] =	ssyncadd.s32 $0xFFFFF800  }
0x72: {  	[spmem:s2] =	stream.indirect.scatter.add.f32 [tilespmem:s18], [sflag:$0x5], $0x10, s19, s16, $0xb8;
	[tilespmem:$0xD780] =	vst v63  }
0x73: {  	_ =	swait.ge [sflag:s14], $0x800  }
0x74: {  	[sflag:s14] =	ssyncset.done $0x0  }
0x75: {  	[sflag:s14] =	ssyncadd.s32 $0xFFFFF800  }
0x76: {  	_ =	swait.ge [sflag:s26], $0x800  }
0x77: {  	[sflag:s26] =	ssyncset.done $0x0  }
0x78: {  	s21 =	simm.s32 $0x4D00;
	[sflag:s26] =	ssyncadd.s32 $0xFFFFF800  }
0x79: {  	[spmem:s2] =	stream.indirect.scatter.add.f32 [tilespmem:s20], [sflag:$0x5], $0x10, s21, s16, $0xb8;
	[tilespmem:$0xD780] =	vst v63  }
0x7a: {  	_ =	swait.ge [sflag:s14], $0x800  }
0x7b: {  	[sflag:s14] =	ssyncset.done $0x0  }
0x7c: {  	[sflag:s14] =	ssyncadd.s32 $0xFFFFF800  }
0x7d: {  	_ =	swait.ge [sflag:s29], $0x800  }
0x7e: {  	[sflag:s29] =	ssyncset.done $0x0  }
0x7f: {  	s1 =	simm.s32 $0x4D80;
	[sflag:s29] =	ssyncadd.s32 $0xFFFFF800  }
0x80: {  	[spmem:s2] =	stream.indirect.scatter.add.f32 [tilespmem:s22], [sflag:$0x5], $0x10, s1, s16, $0xb8;
	[tilespmem:$0xD780] =	vst v63  }
0x81: {  	_ =	swait.ge [sflag:s14], $0x800  }
0x82: {  	[sflag:s14] =	ssyncset.done $0x0  }
0x83: {  	s19 =	simm.s32 $0x600;
	[sflag:s14] =	ssyncadd.s32 $0xFFFFF800  }
0x84: {  	[tilespmem:s17], [sflag:$0x1] =	stream.indirect.gather [hbm4b:s4+s16], $0x10, s19, s16, $0xb8;
	[tilespmem:$0xD780] =	vst v63  }
0x85: {  	s21 =	simm.s32 $0x680  }
0x86: {  	[tilespmem:s18], [sflag:$0x2] =	stream.indirect.gather [hbm4b:s4+s16], $0x10, s21, s16, $0xb8;
	[tilespmem:$0xD780] =	vst v63  }
0x87: {  	s1 =	simm.s32 $0x700  }
0x88: {  	[tilespmem:s20], [sflag:$0x3] =	stream.indirect.gather [hbm4b:s4+s16], $0x10, s1, s16, $0xb8;
	[tilespmem:$0xD780] =	vst v63  }
0x89: {  	s19 =	simm.s32 $0x780  }
0x8a: {  	[tilespmem:s22], [sflag:$0x4] =	stream.indirect.gather [hbm4b:s4+s16], $0x10, s19, s16, $0xb8;
	[tilespmem:$0xD780] =	vst v63  }
0x8b: {  	_ =	swait.ge [sflag:s23], $0x800  }
0x8c: {  	[sflag:s23] =	ssyncset.done $0x0  }
0x8d: {  	s21 =	simm.s32 $0x4E00;
	[sflag:s23] =	ssyncadd.s32 $0xFFFFF800  }
0x8e: {  	[spmem:s2] =	stream.indirect.scatter.add.f32 [tilespmem:s17], [sflag:$0x5], $0x10, s21, s16, $0xb8;
	[tilespmem:$0xD780] =	vst v63  }
0x8f: {  	_ =	swait.ge [sflag:s14], $0x800  }
0x90: {  	[sflag:s14] =	ssyncset.done $0x0  }
0x91: {  	[sflag:s14] =	ssyncadd.s32 $0xFFFFF800  }
0x92: {  	_ =	swait.ge [sflag:s24], $0x800  }
0x93: {  	[sflag:s24] =	ssyncset.done $0x0  }
0x94: {  	[sflag:s24] =	ssyncadd.s32 $0xFFFFF800  }
0x95: {  	[spmem:s2] =	stream.indirect.scatter.add.f32 [tilespmem:s18], [sflag:$0x5], $0x10, s25, s16, $0xb8;
	[tilespmem:$0xD780] =	vst v63  }
0x96: {  	_ =	swait.ge [sflag:s14], $0x800  }
0x97: {  	[sflag:s14] =	ssyncset.done $0x0  }
0x98: {  	[sflag:s14] =	ssyncadd.s32 $0xFFFFF800  }
0x99: {  	_ =	swait.ge [sflag:s26], $0x800  }
0x9a: {  	[sflag:s26] =	ssyncset.done $0x0  }
0x9b: {  	[sflag:s26] =	ssyncadd.s32 $0xFFFFF800  }
0x9c: {  	[spmem:s2] =	stream.indirect.scatter.add.f32 [tilespmem:s20], [sflag:$0x5], $0x10, s28, s16, $0xb8;
	[tilespmem:$0xD780] =	vst v63  }
0x9d: {  	_ =	swait.ge [sflag:s14], $0x800  }
0x9e: {  	[sflag:s14] =	ssyncset.done $0x0  }
0x9f: {  	[sflag:s14] =	ssyncadd.s32 $0xFFFFF800  }
0xa0: {  	_ =	swait.ge [sflag:s29], $0x800  }
0xa1: {  	[sflag:s29] =	ssyncset.done $0x0  }
0xa2: {  	[sflag:s29] =	ssyncadd.s32 $0xFFFFF800  }
0xa3: {  	[spmem:s2] =	stream.indirect.scatter.add.f32 [tilespmem:s22], [sflag:$0x5], $0x10, s30, s16, $0xb8;
	[tilespmem:$0xD780] =	vst v63  }
0xa4: {  	_ =	swait.ge [sflag:s14], $0x800  }
0xa5: {  	[sflag:s14] =	ssyncset.done $0x0  }
0xa6: {  	[sflag:s14] =	ssyncadd.s32 $0xFFFFF800  }
.LBB2_6:
0xa7: {  	s31 =	sadd.s32 $0x1, s31  }
0xa8: {  	p1 =	sne.s32 s31, s12  }
.Ltmp1:
0xa9: {  	[bflag:$0x0] =	sbarrier.arrive $0xFFFF;
	(pc) =	sbr.rel @!p1 .LBB2_7-.Ltmp1, $4  }
0xaa: {  	[hbm:s11], [sflag:s6] =	dma.local [spmem:s13], $0x4F0  }
0xab: {  	_ =	swait.ge [sflag:s14], $0x4F0  }
0xac: {  	[sflag:s14] =	ssyncset.done $0x0  }
0xad: {  	[sflag:s14] =	ssyncadd.s32 $0xFFFFFB10  }
.LBB2_1:
0xae: {  	[spmem:s13], [sflag:s6] =	dma.local [hbm:s5], $0x4F0  }
.Ltmp2:
0xaf: {  	_ =	swait.ge [sflag:s14], $0x4F0;
	(pc) =	sbr.rel @p0 .LBB2_5-.Ltmp2, $3  }
0xb0: {  	[sflag:s14] =	ssyncset.done $0x0  }
0xb1: {  	[sflag:s14] =	ssyncadd.s32 $0xFFFFFB10  }
0xb2: {  	[bflag:$0x0] =	sbarrier.arrive $0xFFFF;
	_ =	sdelay $0x1  }
0xb3: {  	s0 =	simm.s32 $0x0  }
0xb4: {  	[tilespmem:s0], [sflag:$0x5] =	stream.linear.gather [hbm4b:s7+s0], $0x4800, $0x38;
	[tilespmem:$0xD780] =	vst v63  }
0xb5: {  	_ =	swait.ge [sflag:s14], $0x4800  }
0xb6: {  	[sflag:s14] =	ssyncset.done $0x0  }
0xb7: {  	[sflag:s14] =	ssyncadd.s32 $0xFFFFB800  }
0xb8: {  	[tilespmem:s15], [sflag:$0x5] =	stream.linear.gather [hbm4b:s8+s0], $0x4800, $0x38;
	[tilespmem:$0xD780] =	vst v63  }
0xb9: {  	_ =	swait.ge [sflag:s14], $0x4800  }
0xba: {  	[sflag:s14] =	ssyncset.done $0x0  }
0xbb: {  	s19 =	simm.s32 $0x0;
	[sflag:s14] =	ssyncadd.s32 $0xFFFFB800  }
0xbc: {  	[tilespmem:s17], [sflag:$0x1] =	stream.indirect.gather [hbm4b:s4+s16], $0x10, s19, s16, $0xb8;
	[tilespmem:$0xD780] =	vst v63  }
0xbd: {  	s21 =	simm.s32 $0x80  }
0xbe: {  	[tilespmem:s18], [sflag:$0x2] =	stream.indirect.gather [hbm4b:s4+s16], $0x10, s21, s16, $0xb8;
	[tilespmem:$0xD780] =	vst v63  }
0xbf: {  	s1 =	simm.s32 $0x100  }
0xc0: {  	[tilespmem:s20], [sflag:$0x3] =	stream.indirect.gather [hbm4b:s4+s16], $0x10, s1, s16, $0xb8;
	[tilespmem:$0xD780] =	vst v63  }
0xc1: {  	s19 =	simm.s32 $0x180  }
0xc2: {  	[tilespmem:s22], [sflag:$0x4] =	stream.indirect.gather [hbm4b:s4+s16], $0x10, s19, s16, $0xb8;
	[tilespmem:$0xD780] =	vst v63  }
0xc3: {  	_ =	swait.ge [sflag:s23], $0x800  }
0xc4: {  	[sflag:s23] =	ssyncset.done $0x0  }
0xc5: {  	s21 =	simm.s32 $0x4800;
	[sflag:s23] =	ssyncadd.s32 $0xFFFFF800  }
0xc6: {  	[spmem:s2] =	stream.indirect.scatter.add.f32 [tilespmem:s17], [sflag:$0x5], $0x10, s21, s16, $0xb8;
	[tilespmem:$0xD780] =	vst v63  }
0xc7: {  	_ =	swait.ge [sflag:s14], $0x800  }
0xc8: {  	[sflag:s14] =	ssyncset.done $0x0  }
0xc9: {  	[sflag:s14] =	ssyncadd.s32 $0xFFFFF800  }
0xca: {  	_ =	swait.ge [sflag:s24], $0x800  }
0xcb: {  	[sflag:s24] =	ssyncset.done $0x0  }
0xcc: {  	s1 =	simm.s32 $0x4880;
	[sflag:s24] =	ssyncadd.s32 $0xFFFFF800  }
0xcd: {  	[spmem:s2] =	stream.indirect.scatter.add.f32 [tilespmem:s18], [sflag:$0x5], $0x10, s1, s16, $0xb8;
	[tilespmem:$0xD780] =	vst v63  }
0xce: {  	_ =	swait.ge [sflag:s14], $0x800  }
0xcf: {  	[sflag:s14] =	ssyncset.done $0x0  }
0xd0: {  	[sflag:s14] =	ssyncadd.s32 $0xFFFFF800  }
0xd1: {  	_ =	swait.ge [sflag:s26], $0x800  }
0xd2: {  	[sflag:s26] =	ssyncset.done $0x0  }
0xd3: {  	s19 =	simm.s32 $0x4900;
	[sflag:s26] =	ssyncadd.s32 $0xFFFFF800  }
0xd4: {  	[spmem:s2] =	stream.indirect.scatter.add.f32 [tilespmem:s20], [sflag:$0x5], $0x10, s19, s16, $0xb8;
	[tilespmem:$0xD780] =	vst v63  }
0xd5: {  	_ =	swait.ge [sflag:s14], $0x800  }
0xd6: {  	[sflag:s14] =	ssyncset.done $0x0  }
0xd7: {  	[sflag:s14] =	ssyncadd.s32 $0xFFFFF800  }
0xd8: {  	_ =	swait.ge [sflag:s29], $0x800  }
0xd9: {  	[sflag:s29] =	ssyncset.done $0x0  }
0xda: {  	s21 =	simm.s32 $0x4980;
	[sflag:s29] =	ssyncadd.s32 $0xFFFFF800  }
0xdb: {  	[spmem:s2] =	stream.indirect.scatter.add.f32 [tilespmem:s22], [sflag:$0x5], $0x10, s21, s16, $0xb8;
	[tilespmem:$0xD780] =	vst v63  }
0xdc: {  	_ =	swait.ge [sflag:s14], $0x800  }
0xdd: {  	s0 =	simm.s32 $0x800;
	s1 =	simm.s32 $0x1000;
	[sflag:s14] =	ssyncset.done $0x0  }
.LBB2_3:
0xde: {  	s19 =	sshra.s32 s0, $0x2  }
0xdf: {  	[sflag:s14] =	ssyncadd.s32 $0xFFFFF800;
	s0 =	smov.u32 s1;
	s21 =	sadd.s32 $0x800, s1  }
0xe0: {  	[tilespmem:s17], [sflag:$0x1] =	stream.indirect.gather [hbm4b:s4+s16], $0x10, s19, s16, $0xb8;
	[tilespmem:$0xD780] =	vst v63  }
0xe1: {  	p1 =	seq.s32 s1, $0x11800;
	s1 =	sadd.s32 $0x80, s19  }
0xe2: {  	[tilespmem:s18], [sflag:$0x2] =	stream.indirect.gather [hbm4b:s4+s16], $0x10, s1, s16, $0xb8;
	[tilespmem:$0xD780] =	vst v63  }
0xe3: {  	s1 =	sadd.s32 $0x100, s19  }
0xe4: {  	[tilespmem:s20], [sflag:$0x3] =	stream.indirect.gather [hbm4b:s4+s16], $0x10, s1, s16, $0xb8;
	[tilespmem:$0xD780] =	vst v63  }
0xe5: {  	s1 =	sadd.s32 $0x180, s19  }
0xe6: {  	[tilespmem:s22], [sflag:$0x4] =	stream.indirect.gather [hbm4b:s4+s16], $0x10, s1, s16, $0xb8;
	[tilespmem:$0xD780] =	vst v63  }
0xe7: {  	_ =	swait.ge [sflag:s23], $0x800  }
0xe8: {  	[sflag:s23] =	ssyncset.done $0x0  }
0xe9: {  	s1 =	sadd.s32 $0x4800, s19;
	[sflag:s23] =	ssyncadd.s32 $0xFFFFF800  }
0xea: {  	[spmem:s2] =	stream.indirect.scatter.add.f32 [tilespmem:s17], [sflag:$0x5], $0x10, s1, s16, $0xb8;
	[tilespmem:$0xD780] =	vst v63  }
0xeb: {  	_ =	swait.ge [sflag:s14], $0x800  }
0xec: {  	[sflag:s14] =	ssyncset.done $0x0  }
0xed: {  	[sflag:s14] =	ssyncadd.s32 $0xFFFFF800  }
0xee: {  	_ =	swait.ge [sflag:s24], $0x800  }
0xef: {  	[sflag:s24] =	ssyncset.done $0x0  }
0xf0: {  	s1 =	sadd.s32 $0x4880, s19;
	[sflag:s24] =	ssyncadd.s32 $0xFFFFF800  }
0xf1: {  	[spmem:s2] =	stream.indirect.scatter.add.f32 [tilespmem:s18], [sflag:$0x5], $0x10, s1, s16, $0xb8;
	[tilespmem:$0xD780] =	vst v63  }
0xf2: {  	_ =	swait.ge [sflag:s14], $0x800  }
0xf3: {  	[sflag:s14] =	ssyncset.done $0x0  }
0xf4: {  	[sflag:s14] =	ssyncadd.s32 $0xFFFFF800  }
0xf5: {  	_ =	swait.ge [sflag:s26], $0x800  }
0xf6: {  	[sflag:s26] =	ssyncset.done $0x0  }
0xf7: {  	s1 =	sadd.s32 $0x4900, s19;
	[sflag:s26] =	ssyncadd.s32 $0xFFFFF800  }
0xf8: {  	[spmem:s2] =	stream.indirect.scatter.add.f32 [tilespmem:s20], [sflag:$0x5], $0x10, s1, s16, $0xb8;
	[tilespmem:$0xD780] =	vst v63  }
0xf9: {  	_ =	swait.ge [sflag:s14], $0x800  }
0xfa: {  	[sflag:s14] =	ssyncset.done $0x0  }
0xfb: {  	[sflag:s14] =	ssyncadd.s32 $0xFFFFF800  }
0xfc: {  	_ =	swait.ge [sflag:s29], $0x800  }
.Ltmp3:
0xfd: {  	[sflag:s29] =	ssyncset.done $0x0;
	(pc) =	sbr.rel @!p1 .LBB2_3-.Ltmp3, $4  }
0xfe: {  	s1 =	sadd.s32 $0x4980, s19;
	[sflag:s29] =	ssyncadd.s32 $0xFFFFF800  }
0xff: {  	[spmem:s2] =	stream.indirect.scatter.add.f32 [tilespmem:s22], [sflag:$0x5], $0x10, s1, s16, $0xb8;
	[tilespmem:$0xD780] =	vst v63  }
0x100: {  	_ =	swait.ge [sflag:s14], $0x800  }
0x101: {  	s1 =	smov.u32 s21;
	[sflag:s14] =	ssyncset.done $0x0  }
0x102: {  	s0 =	sshra.s32 s0, $0x2;
	[sflag:s14] =	ssyncadd.s32 $0xFFFFF800  }
0x103: {  	[tilespmem:s17], [sflag:$0x1] =	stream.indirect.gather [hbm4b:s4+s16], $0x10, s0, s16, $0xb8;
	[tilespmem:$0xD780] =	vst v63  }
0x104: {  	s1 =	sadd.s32 $0x80, s0  }
0x105: {  	[tilespmem:s18], [sflag:$0x2] =	stream.indirect.gather [hbm4b:s4+s16], $0x10, s1, s16, $0xb8;
	[tilespmem:$0xD780] =	vst v63  }
0x106: {  	s21 =	sadd.s32 $0x100, s0  }
0x107: {  	[tilespmem:s20], [sflag:$0x3] =	stream.indirect.gather [hbm4b:s4+s16], $0x10, s21, s16, $0xb8;
	[tilespmem:$0xD780] =	vst v63  }
0x108: {  	s19 =	sadd.s32 $0x180, s0  }
0x109: {  	[tilespmem:s22], [sflag:$0x4] =	stream.indirect.gather [hbm4b:s4+s16], $0x10, s19, s16, $0xb8;
	[tilespmem:$0xD780] =	vst v63  }
0x10a: {  	_ =	swait.ge [sflag:s23], $0x800  }
0x10b: {  	[sflag:s23] =	ssyncset.done $0x0  }
0x10c: {  	s21 =	sadd.s32 $0x4800, s0;
	[sflag:s23] =	ssyncadd.s32 $0xFFFFF800  }
0x10d: {  	[spmem:s2] =	stream.indirect.scatter.add.f32 [tilespmem:s17], [sflag:$0x5], $0x10, s21, s16, $0xb8;
	[tilespmem:$0xD780] =	vst v63  }
0x10e: {  	_ =	swait.ge [sflag:s14], $0x800  }
0x10f: {  	[sflag:s14] =	ssyncset.done $0x0  }
0x110: {  	[sflag:s14] =	ssyncadd.s32 $0xFFFFF800  }
0x111: {  	_ =	swait.ge [sflag:s24], $0x800  }
0x112: {  	[sflag:s24] =	ssyncset.done $0x0  }
0x113: {  	s19 =	sadd.s32 $0x4880, s0;
	[sflag:s24] =	ssyncadd.s32 $0xFFFFF800  }
0x114: {  	[spmem:s2] =	stream.indirect.scatter.add.f32 [tilespmem:s18], [sflag:$0x5], $0x10, s19, s16, $0xb8;
	[tilespmem:$0xD780] =	vst v63  }
0x115: {  	_ =	swait.ge [sflag:s14], $0x800  }
0x116: {  	[sflag:s14] =	ssyncset.done $0x0  }
0x117: {  	[sflag:s14] =	ssyncadd.s32 $0xFFFFF800  }
0x118: {  	_ =	swait.ge [sflag:s26], $0x800  }
0x119: {  	[sflag:s26] =	ssyncset.done $0x0  }
0x11a: {  	s21 =	sadd.s32 $0x4900, s0;
	[sflag:s26] =	ssyncadd.s32 $0xFFFFF800  }
0x11b: {  	[spmem:s2] =	stream.indirect.scatter.add.f32 [tilespmem:s20], [sflag:$0x5], $0x10, s21, s16, $0xb8;
	[tilespmem:$0xD780] =	vst v63  }
0x11c: {  	_ =	swait.ge [sflag:s14], $0x800  }
0x11d: {  	[sflag:s14] =	ssyncset.done $0x0  }
0x11e: {  	[sflag:s14] =	ssyncadd.s32 $0xFFFFF800  }
0x11f: {  	_ =	swait.ge [sflag:s29], $0x800  }
0x120: {  	[sflag:s29] =	ssyncset.done $0x0  }
.Ltmp4:
0x121: {  	s0 =	sadd.s32 $0x4980, s0;
	[sflag:s29] =	ssyncadd.s32 $0xFFFFF800;
	(pc) =	sbr.rel .LBB2_6-.Ltmp4, $4  }
0x122: {  	[spmem:s2] =	stream.indirect.scatter.add.f32 [tilespmem:s22], [sflag:$0x5], $0x10, s0, s16, $0xb8;
	[tilespmem:$0xD780] =	vst v63  }
0x123: {  	_ =	swait.ge [sflag:s14], $0x800  }
0x124: {  	[sflag:s14] =	ssyncset.done $0x0  }
0x125: {  	[sflag:s14] =	ssyncadd.s32 $0xFFFFF800  }
.LBB2_7:
0x126: {  	_ =	sfence.sel $0x180000  }
0x127: {  	[bflag:$0x0] =	sbarrier.arrive $0xFFFF  }
0x128: {  	_ =	strace $0x9000004A  }
0x129: {  	s0 =	stileid.u32;
	[bflag:$0x2] =	sbarrier.arrive $0xFFFF  }
0x12a: {  	p0 =	sne.s32 s0, $0x0;
	s0 =	rddreg [dreg:$0x2]  }
0x12b: {  	s0 =	sadd.s32 @!p0 $0x100000, s0  }
0x12c: {  	[sflag:s0] =	ssyncadd.tile.s32 @!p0 $0x1;
	_ =	shalt  }
.Lfunc_end2:
_tile_overlayer_lowered:
.L_overlay_start_2:
0x12d: {  	(tag) =	ssettag $0x2  }
0x12e: {  	s0 =	rddreg [dreg:$0x0];
	s2 =	stileid.u32  }
0x12f: {  	s1 =	rddreg [dreg:$0x1];
	p0 =	sne.s32 s2, $0x0  }
0x130: {  	s3 =	rddreg [dreg:$0x2];
	[bflag:$0x3] =	sbarrier.arrive $0xFFFF;
	s2 =	simm.s32 @!p0 $0x1C05  }
0x131: {  	[timem:s3], [sflag:s2] =	dma.local @!p0 [hbm:s0], s1  }
0x132: {  	s0 =	simm.s32 @!p0 $0x5  }
0x133: {  	_ =	swait.ge @!p0 [sflag:s0], s1  }
0x134: {  	s1 =	ssub.s32 @!p0 $0x0, s1;
	[sflag:s0] =	ssyncset.done @!p0 $0x0  }
0x135: {  	[sflag:s0] =	ssyncadd.s32 @!p0 s1  }
0x136: {  	[bflag:$0x3] =	sbarrier.arrive $0xFFFF  }
0x137: {  	_ =	shalt  }

// kernel: kernel.16.cloned.1.call-start
scs
__scs_entry_jumppad:
0x0: {  	(pc) =	sbr.rel $0x88, $3  }
0x1: {  	(tag) =	ssettag $0x0;
	lr =	simm.s32 $0x1  }
0x2: {  	[smem:$0x3F96] =	sst lr;
	_ =	strace $0xD0000000  }
0x3: {  	_ = 	snop  }
0x4: {  	_ = 	snop  }
0x5: {  	_ = 	snop  }
0x6: {  	_ = 	snop  }
0x7: {  	_ = 	snop  }
__scs_overlays_trampoline_lowered:
0x8: {  	[smem:$0x3FA5] =	sst s0  }
0x9: {  	[smem:$0x3FA6] =	sst s1  }
0xa: {  	[smem:$0x3FA7] =	sst s2  }
0xb: {  	[smem:$0x3FA8] =	sst s3  }
0xc: {  	[smem:$0x3FA9] =	sst s4  }
0xd: {  	[smem:$0x3FAA] =	sst s5  }
0xe: {  	[smem:$0x3FAB] =	sst s6  }
0xf: {  	[smem:$0x3FAC] =	sst s7  }
0x10: {  	[smem:$0x3FAD] =	sst s8  }
0x11: {  	[smem:$0x3FAE] =	sst s9;
	s0 =	simm.s32 @!p0 $0x0  }
0x12: {  	s1 =	sld [smem:$0x3F94];
	s0 =	simm.s32 @p0 $0x1  }
0x13: {  	[smem:$0x3FAF] =	sst s0;
	s0 =	simm.s32 @!p1 $0x0  }
0x14: {  	s2 =	sld [smem:$0x3F93];
	s0 =	simm.s32 @p1 $0x1  }
0x15: {  	[smem:$0x3FB0] =	sst s0;
	s0 =	simm.s32 @!p2 $0x0  }
0x16: {  	s3 =	sld [smem:$0x3FDB];
	s0 =	simm.s32 @p2 $0x1  }
0x17: {  	s4 =	simm.s32 $0x1BF5;
	[smem:$0x3FB2] =	sst s0  }
0x18: {  	s0 =	sld [smem:$0x3F95];
	_ =	swait.ge [sflag:s4], $0x0  }
0x19: {  	s7 =	sld [smem:$0x3F96]  }
0x1a: {  	s8 =	sadd.s32 $0xFFFFE003, lr  }
0x1b: {  	s9 =	sadd.s32 $0xFFFFFEF7, lr;
	s5 =	simm.s32 $0xFFFFFFFF;
	p2 =	slt.u32 s8, $0xFFFFF086  }
0x1c: {  	p1 =	slt.u32 s9, $0xF7A;
	s5 =	simm.s32 @!p2 $0x0  }
0x1d: {  	s5 =	simm.s32 @p1 $0x1;
	p0 =	seq.s32 s7, s2  }
0x1e: {  	s7 =	smul.u32 @!p0 $0xF7A, s2;
	p2 =	seq.s32 @!p0 s5, $0x0  }
0x1f: {  	s9 =	smul.u32 $0xF7A, s1;
	s8 =	simm.s32 @!p0 $0x1BF5;
	p2 =	por !p2, p0  }
0x20: {  	[sflag:s8] =	ssyncset.s32 @!p0 $0xFFFFF086;
	s6 =	sadd.s32 @!p0 s3, s7;
	s7 =	simm.s32 @!p0 $0x108  }
0x21: {  	s3 =	sadd.s32 s3, s9;
	s6 =	sadd.s32 @!p0 $0x88, s6;
	s7 =	simm.s32 @p2 $0x1082  }
0x22: {  	[simem:s7], [sflag:s8] =	dma.local @!p0 [hbm:s6], $0xF7A  }
0x23: {  	s9 =	sor.u32 $0xD0000000, s2;
	s6 =	simm.s32 $0x108;
	_ =	swait.ge @!p0 [sflag:s8], $0x0  }
0x24: {  	s3 =	sadd.s32 $0x88, s3;
	s6 =	simm.s32 @!p1 $0x1082;
	[sflag:s4] =	ssyncset.s32 $0xFFFFF086  }
0x25: {  	[simem:s6], [sflag:s4] =	dma.local [hbm:s3], $0xF7A  }
0x26: {  	[smem:$0x3F96] =	sst s1;
	(tag) =	ssettag s2;
	_ =	strace s9  }
0x27: {  	s1 =	sld [smem:$0x3FA6]  }
0x28: {  	s2 =	sld [smem:$0x3FA7]  }
0x29: {  	s4 =	sld [smem:$0x3FA9]  }
0x2a: {  	p0 =	seq.s32 s5, $0x0;
	s5 =	sld [smem:$0x3FAA]  }
0x2b: {  	s6 =	sld [smem:$0x3FAB]  }
0x2c: {  	s7 =	sld [smem:$0x3FAC]  }
0x2d: {  	s3 =	simm.s32 $0x108;
	s8 =	sld [smem:$0x3FAD]  }
0x2e: {  	s3 =	simm.s32 @!p0 $0x1082;
	s9 =	sld [smem:$0x3FAE]  }
0x2f: {  	lr =	sadd.s32 s0, s3;
	s0 =	sld [smem:$0x3FA5]  }
0x30: {  	s3 =	sld [smem:$0x3FA8]  }
0x31: {  	[smem:$0x3FB1] =	sst s10  }
0x32: {  	s10 =	sld [smem:$0x3FAF];
	_ =	sdelay $0x3  }
0x33: {  	p0 =	seq.s32 s10, $0x1;
	s10 =	sld [smem:$0x3FB1];
	_ =	sdelay $0x3  }
0x34: {  	[smem:$0x3FB1] =	sst s10  }
0x35: {  	s10 =	sld [smem:$0x3FB0];
	_ =	sdelay $0x3  }
0x36: {  	p1 =	seq.s32 s10, $0x1;
	s10 =	sld [smem:$0x3FB1];
	_ =	sdelay $0x3  }
0x37: {  	[smem:$0x3FB1] =	sst s10  }
0x38: {  	s10 =	sld [smem:$0x3FB2]  }
0x39: {  	_ = 	snop;
	(pc) =	sbr.ind lr, $3  }
0x3a: {  	_ = 	snop  }
0x3b: {  	_ = 	snop  }
0x3c: {  	p2 =	seq.s32 s10, $0x1;
	s10 =	sld [smem:$0x3FB1]  }
0x3d: {  	_ =	shalt  }
0x3e: {  	_ =	shalt  }
0x3f: {  	_ =	shalt  }
0x40: {  	_ =	shalt  }
0x41: {  	_ =	shalt  }
0x42: {  	_ =	shalt  }
0x43: {  	_ =	shalt  }
0x44: {  	_ =	shalt  }
0x45: {  	_ =	shalt  }
0x46: {  	_ =	shalt  }
0x47: {  	_ =	shalt  }
0x48: {  	_ =	shalt  }
0x49: {  	_ =	shalt  }
0x4a: {  	_ =	shalt  }
0x4b: {  	_ =	shalt  }
0x4c: {  	_ =	shalt  }
0x4d: {  	_ =	shalt  }
0x4e: {  	_ =	shalt  }
0x4f: {  	_ =	shalt  }
0x50: {  	_ =	shalt  }
0x51: {  	_ =	shalt  }
0x52: {  	_ =	shalt  }
0x53: {  	_ =	shalt  }
0x54: {  	_ =	shalt  }
0x55: {  	_ =	shalt  }
0x56: {  	_ =	shalt  }
0x57: {  	_ =	shalt  }
0x58: {  	_ =	shalt  }
0x59: {  	_ =	shalt  }
0x5a: {  	_ =	shalt  }
0x5b: {  	_ =	shalt  }
0x5c: {  	_ =	shalt  }
0x5d: {  	_ =	shalt  }
0x5e: {  	_ =	shalt  }
0x5f: {  	_ =	shalt  }
0x60: {  	_ =	shalt  }
0x61: {  	_ =	shalt  }
0x62: {  	_ =	shalt  }
0x63: {  	_ =	shalt  }
0x64: {  	_ =	shalt  }
0x65: {  	_ =	shalt  }
0x66: {  	_ =	shalt  }
0x67: {  	_ =	shalt  }
0x68: {  	_ =	shalt  }
0x69: {  	_ =	shalt  }
0x6a: {  	_ =	shalt  }
0x6b: {  	_ =	shalt  }
0x6c: {  	_ =	shalt  }
0x6d: {  	_ =	shalt  }
0x6e: {  	_ =	shalt  }
0x6f: {  	_ =	shalt  }
0x70: {  	_ =	shalt  }
0x71: {  	_ =	shalt  }
0x72: {  	_ =	shalt  }
0x73: {  	_ =	shalt  }
0x74: {  	_ =	shalt  }
0x75: {  	_ =	shalt  }
0x76: {  	_ =	shalt  }
0x77: {  	_ =	shalt  }
0x78: {  	_ =	shalt  }
0x79: {  	_ =	shalt  }
0x7a: {  	_ =	shalt  }
0x7b: {  	_ =	shalt  }
0x7c: {  	_ =	shalt  }
0x7d: {  	_ =	shalt  }
0x7e: {  	_ =	shalt  }
0x7f: {  	_ =	shalt  }
0x80: {  	_ =	shalt  }
0x81: {  	_ =	shalt  }
0x82: {  	_ =	shalt  }
0x83: {  	_ =	shalt  }
0x84: {  	_ =	shalt  }
0x85: {  	_ =	shalt  }
0x86: {  	_ =	shalt  }
0x87: {  	_ =	shalt  }
.Lfunc_end0:
.L_simem_size_0:
called_computation.2_lowered:
.L_overlay_start_0:
0x88: {  	s2 =	sld [smem:$0x3FD9]  }
0x89: {  	s3 =	sld [smem:$0x3FFE];
	_ =	sdelay $0x1  }
0x8a: {  	s1 =	srdreg.scid  }
0x8b: {  	s0 =	sand.u32 $0x1, s1  }
0x8c: {  	s16 =	sshll.u32 s0, $0xA;
	s2 =	sadd.s32 s3, s2  }
0x8d: {  	s2 =	sadd.s32 s2, s16  }
0x8e: {  	[smem:$0x3FBD] =	sst s2  }
0x8f: {  	_ = 	snop  }
0x90: {  	(tm) =	ssettm $0x1  }
0x91: {  	s17 =	sld [smem:$0x3FFB];
	_ =	sdelay $0x3  }
0x92: {  	_ =	strace s17  }
0x93: {  	s2 =	sld [smem:$0x3FFC];
	_ =	sdelay $0x3  }
0x94: {  	_ =	strace s2  }
0x95: {  	s2 =	sld [smem:$0x3FFD];
	_ =	sdelay $0x3  }
0x96: {  	_ =	strace s2  }
0x97: {  	_ =	strace $0x8FFFFFFF  }
0x98: {  	s18 =	sld [smem:$0x3FDB];
	_ =	sdelay $0x1  }
0x99: {  	s19 =	simm.s32 $_scs_section_size  }
0x9a: {  	s4 =	simm.s32 $_size__tile_overlayer_lowered;
	s5 =	simm.s32 $_tile_overlayer_lowered  }
0x9b: {  	s22 =	simm.s32 $0x1BFF;
	s21 =	sshll.u32 s5, $0x1;
	s2 =	sadd.s32 s19, s18  }
0x9c: {  	s6 =	simm.s32 $0x0;
	s20 =	sshll.u32 s4, $0x1;
	s4 =	sadd.s32 s21, s2  }
0x9d: {  	[timem:s6], [sflag:s22] =	dma.local [hbm:s4], s20  }
0x9e: {  	_ =	swait.ge [sflag:s22], s20  }
0x9f: {  	s3 =	ssub.s32 $0x0, s20;
	[sflag:s22] =	ssyncset.done $0x0  }
0xa0: {  	[sflag:s22] =	ssyncadd.s32 s3;
	_ =	sdelay $0x1  }
0xa1: {  	s23 =	simm.s32 $0x1B8B  }
0xa2: {  	_ =	swait.ge [sflag:s23], $0x1  }
0xa3: {  	[sflag:s23] =	ssyncset.done $0x0  }
0xa4: {  	s25 =	simm.s32 $0x1B8E;
	s24 =	sld [smem:$0x3FFE];
	[sflag:s23] =	ssyncadd.s32 $0xFFFFFFFF  }
0xa5: {  	s26 =	simm.s32 $execute0_lowered;
	[smem:$0x3FD2] =	sst s25  }
0xa6: {  	s4 =	sshll.u32 s26, $0x1;
	_ =	strace $0x8000004C;
	[dreg:$0x1] =	wrdreg $0xFFFFFFFF  }
0xa7: {  	s28 =	simm.s32 $_size_execute0_lowered;
	s2 =	sadd.s32 s2, s4;
	[dreg:$0x0] =	wrdreg $0x0  }
0xa8: {  	s4 =	sshll.u32 s28, $0x1;
	[dreg:$0x2] =	wrdreg s2  }
0xa9: {  	[dreg:$0x3] =	wrdreg s4  }
0xaa: {  	[dreg:$0x4] =	wrdreg $0xC0  }
0xab: {  	_ =	task [dreg:s6], $0x5FFFF  }
0xac: {  	[dreg:$0x1] =	wrdreg $0xFFFFFFFF  }
0xad: {  	[dreg:$0x0] =	wrdreg $0x60  }
0xae: {  	[dreg:$0x2] =	wrdreg s24  }
0xaf: {  	[dreg:$0x3] =	wrdreg $0xD0000  }
0xb0: {  	[dreg:$0x4] =	wrdreg $0x9  }
0xb1: {  	_ =	task.clear_ibuf [dreg:s6], $0x5FFFF;
	_ =	strace $0x9000004C  }
0xb2: {  	s29 =	simm.s32 $0x9;
	_ =	strace $0x8000004E  }
0xb3: {  	_ =	swait.ge [sflag:s29], $0x1  }
0xb4: {  	[sflag:s29] =	ssyncadd.s32 $0xFFFFFFFF  }
0xb5: {  	_ =	strace $0x9000004E  }
0xb6: {  	_ =	sfence  }
0xb7: {  	s30 =	sld [smem:$0x0];
	_ =	sdelay $0x2  }
0xb8: {  	s31 =	sshll.u32 s1, $0xD;
	s1 =	sshrl.u32 s1, $0x2  }
0xb9: {  	s3 =	sand.u32 $0x4000, s31;
	s1 =	sadd.s32 s1, s30  }
0xba: {  	s0 =	sor.u32 s3, s0;
	s1 =	sshll.u32 s1, $0x11  }
0xbb: {  	s0 =	sor.u32 s1, s0  }
0xbc: {  	s0 =	sadd.s32 $0x8F2B, s0  }
0xbd: {  	[sflag:s0] =	ssyncadd.remote.s32 $0x1  }
0xbe: {  	_ =	sfence.sel $0xFFFF  }
0xbf: {  	[dreg:$0x0] =	wrdreg $0xFFFFFFFF;
	(pc) =	sbr.abs _section_cstart, $3  }
0xc0: {  	[dreg:$0x1] =	wrdreg $0xFFFFFFFF  }
0xc1: {  	_ =	task.clear_ibuf [dreg:s6], $0x2FFFF;
	_ =	strace $0x9FFFFFFF  }
0xc2: {  	(tm) =	ssettm $0x7FFFFFFF  }
0xc3: {  	_ =	shalt  }
tec
execute0_lowered:
.L_overlay_start_1:
0x0: {  	(tag) =	ssettag $0x1  }
0x1: {  	s0 =	rddreg [dreg:$0x0]  }
0x2: {  	s2 =	rddreg [dreg:$0x1]  }
0x3: {  	s1 =	srdreg.scid;
	s14 =	stileid.u32;
	s3 =	simm.s32 $0x0  }
0x4: {  	s15 =	simm.s32 $0x4800;
	s16 =	simm.s32 $0x80;
	s17 =	simm.s32 $0x9000  }
0x5: {  	s18 =	simm.s32 $0xA000;
	s20 =	simm.s32 $0xB000;
	s22 =	simm.s32 $0xC000  }
0x6: {  	s29 =	simm.s32 $0x4;
	s28 =	simm.s32 $0x4F00;
	s30 =	simm.s32 $0x4F80  }
0x7: {  	s31 =	simm.s32 $0x0;
	s1 =	sand.u32 $0x1, s1;
	s6 =	smul.u32 $0x4F00, s14  }
0x8: {  	[smem:$0x7FF] =	sst s3;
	s9 =	sadd.s32 $0x11800, s0;
	s10 =	sadd.s32 $0x2800, s0  }
0x9: {  	s4 =	sadd.s32 $0x1B800, s0;
	s23 =	sshll.u32 s14, $0x6;
	s24 =	smul.u32 $0x900, s14  }
0xa: {  	s25 =	sshll.u32 s14, $0x8;
	s14 =	simm.s32 $0x5;
	s5 =	smul.u32 $0x4F000, s1  }
0xb: {  	_ =	strace $0x8000004D;
	s8 =	ssub.s32 $0x2, s1;
	p0 =	seq.s32 s1, $0x1  }
0xc: {  	s26 =	sor.u32 $0x9000, s25;
	s25 =	simm.s32 $0x4E80;
	s11 =	sshrl.u32 s8, $0x1  }
0xd: {  	s13 =	sadd.s32 s6, s2;
	s7 =	sadd.s32 s6, s5;
	s5 =	sadd.s32 $0xC800, s0  }
.Ltmp0:
0xe: {  	s12 =	ssub.s32 s8, s11;
	s6 =	sor.u32 $0x1C05, s23;
	(pc) =	sbr.rel .LBB2_1-.Ltmp0, $4  }
0xf: {  	s8 =	sadd.s32 s10, s24;
	s10 =	sadd.s32 s10, s26;
	s13 =	sshrl.u32 s13, $0x3  }
0x10: {  	s23 =	simm.s32 $0x1;
	s7 =	sshrl.u32 s7, $0x3;
	s12 =	smax.u32 s12, $0x1  }
0x11: {  	s0 =	sadd.s32 s7, s0;
	s7 =	sadd.s32 s9, s24;
	s9 =	sadd.s32 s9, s26  }
0x12: {  	s24 =	simm.s32 $0x2;
	s26 =	simm.s32 $0x3;
	s11 =	sadd.s32 $0x25600, s0  }
.LBB2_5:
0x13: {  	[tilespmem:s3], [sflag:$0x5] =	stream.linear.gather [hbm4b:s9+s3], $0x800, $0x38;
	[tilespmem:$0x11F00] =	vst v63  }
0x14: {  	_ =	swait.ge [sflag:s14], $0x800  }
0x15: {  	[sflag:s14] =	ssyncset.done $0x0  }
0x16: {  	[sflag:s14] =	ssyncadd.s32 $0xFFFFF800  }
0x17: {  	[tilespmem:s15], [sflag:$0x5] =	stream.linear.gather [hbm4b:s10+s3], $0x800, $0x38;
	[tilespmem:$0x11F00] =	vst v63  }
0x18: {  	_ =	swait.ge [sflag:s14], $0x800  }
0x19: {  	[sflag:s14] =	ssyncset.done $0x0  }
0x1a: {  	[sflag:s14] =	ssyncadd.s32 $0xFFFFF800  }
0x1b: {  	[tilespmem:s17], [sflag:$0x1] =	stream.indirect.gather [hbm4b:s4+s16], $0x20, s3, s16, $0xb8;
	[tilespmem:$0x11F00] =	vst v63  }
0x1c: {  	_ = 	snop  }
0x1d: {  	[tilespmem:s18], [sflag:$0x2] =	stream.indirect.gather [hbm4b:s4+s16], $0x20, s16, s16, $0xb8;
	[tilespmem:$0x11F00] =	vst v63  }
0x1e: {  	s0 =	simm.s32 $0x100  }
0x1f: {  	[tilespmem:s20], [sflag:$0x3] =	stream.indirect.gather [hbm4b:s4+s16], $0x20, s0, s16, $0xb8;
	[tilespmem:$0x11F00] =	vst v63  }
0x20: {  	s21 =	simm.s32 $0x180  }
0x21: {  	[tilespmem:s22], [sflag:$0x4] =	stream.indirect.gather [hbm4b:s4+s16], $0x20, s21, s16, $0xb8;
	[tilespmem:$0x11F00] =	vst v63  }
0x22: {  	_ =	swait.ge [sflag:s23], $0x1000  }
0x23: {  	[sflag:s23] =	ssyncset.done $0x0  }
0x24: {  	[sflag:s23] =	ssyncadd.s32 $0xFFFFF000  }
0x25: {  	[spmem:s2] =	stream.indirect.scatter.add.f32 [tilespmem:s17], [sflag:$0x5], $0x20, s15, s16, $0xb8;
	[tilespmem:$0x11F00] =	vst v63  }
0x26: {  	_ =	swait.ge [sflag:s14], $0x1000  }
0x27: {  	[sflag:s14] =	ssyncset.done $0x0  }
0x28: {  	[sflag:s14] =	ssyncadd.s32 $0xFFFFF000  }
0x29: {  	_ =	swait.ge [sflag:s24], $0x1000  }
0x2a: {  	[sflag:s24] =	ssyncset.done $0x0  }
0x2b: {  	s1 =	simm.s32 $0x4880;
	[sflag:s24] =	ssyncadd.s32 $0xFFFFF000  }
0x2c: {  	[spmem:s2] =	stream.indirect.scatter.add.f32 [tilespmem:s18], [sflag:$0x5], $0x20, s1, s16, $0xb8;
	[tilespmem:$0x11F00] =	vst v63  }
0x2d: {  	_ =	swait.ge [sflag:s14], $0x1000  }
0x2e: {  	[sflag:s14] =	ssyncset.done $0x0  }
0x2f: {  	[sflag:s14] =	ssyncadd.s32 $0xFFFFF000  }
0x30: {  	_ =	swait.ge [sflag:s26], $0x1000  }
0x31: {  	[sflag:s26] =	ssyncset.done $0x0  }
0x32: {  	s19 =	simm.s32 $0x4900;
	[sflag:s26] =	ssyncadd.s32 $0xFFFFF000  }
0x33: {  	[spmem:s2] =	stream.indirect.scatter.add.f32 [tilespmem:s20], [sflag:$0x5], $0x20, s19, s16, $0xb8;
	[tilespmem:$0x11F00] =	vst v63  }
0x34: {  	_ =	swait.ge [sflag:s14], $0x1000  }
0x35: {  	[sflag:s14] =	ssyncset.done $0x0  }
0x36: {  	[sflag:s14] =	ssyncadd.s32 $0xFFFFF000  }
0x37: {  	_ =	swait.ge [sflag:s29], $0x1000  }
0x38: {  	[sflag:s29] =	ssyncset.done $0x0  }
0x39: {  	s21 =	simm.s32 $0x4980;
	[sflag:s29] =	ssyncadd.s32 $0xFFFFF000  }
0x3a: {  	[spmem:s2] =	stream.indirect.scatter.add.f32 [tilespmem:s22], [sflag:$0x5], $0x20, s21, s16, $0xb8;
	[tilespmem:$0x11F00] =	vst v63  }
0x3b: {  	_ =	swait.ge [sflag:s14], $0x1000  }
0x3c: {  	[sflag:s14] =	ssyncset.done $0x0  }
0x3d: {  	s1 =	simm.s32 $0x200;
	[sflag:s14] =	ssyncadd.s32 $0xFFFFF000  }
0x3e: {  	[tilespmem:s17], [sflag:$0x1] =	stream.indirect.gather [hbm4b:s4+s16], $0x20, s1, s16, $0xb8;
	[tilespmem:$0x11F00] =	vst v63  }
0x3f: {  	s19 =	simm.s32 $0x280  }
0x40: {  	[tilespmem:s18], [sflag:$0x2] =	stream.indirect.gather [hbm4b:s4+s16], $0x20, s19, s16, $0xb8;
	[tilespmem:$0x11F00] =	vst v63  }
0x41: {  	s21 =	simm.s32 $0x300  }
0x42: {  	[tilespmem:s20], [sflag:$0x3] =	stream.indirect.gather [hbm4b:s4+s16], $0x20, s21, s16, $0xb8;
	[tilespmem:$0x11F00] =	vst v63  }
0x43: {  	s1 =	simm.s32 $0x380  }
0x44: {  	[tilespmem:s22], [sflag:$0x4] =	stream.indirect.gather [hbm4b:s4+s16], $0x20, s1, s16, $0xb8;
	[tilespmem:$0x11F00] =	vst v63  }
0x45: {  	_ =	swait.ge [sflag:s23], $0x1000  }
0x46: {  	[sflag:s23] =	ssyncset.done $0x0  }
0x47: {  	s19 =	simm.s32 $0x4A00;
	[sflag:s23] =	ssyncadd.s32 $0xFFFFF000  }
0x48: {  	[spmem:s2] =	stream.indirect.scatter.add.f32 [tilespmem:s17], [sflag:$0x5], $0x20, s19, s16, $0xb8;
	[tilespmem:$0x11F00] =	vst v63  }
0x49: {  	_ =	swait.ge [sflag:s14], $0x1000  }
0x4a: {  	[sflag:s14] =	ssyncset.done $0x0  }
0x4b: {  	[sflag:s14] =	ssyncadd.s32 $0xFFFFF000  }
0x4c: {  	_ =	swait.ge [sflag:s24], $0x1000  }
0x4d: {  	[sflag:s24] =	ssyncset.done $0x0  }
0x4e: {  	s21 =	simm.s32 $0x4A80;
	[sflag:s24] =	ssyncadd.s32 $0xFFFFF000  }
0x4f: {  	[spmem:s2] =	stream.indirect.scatter.add.f32 [tilespmem:s18], [sflag:$0x5], $0x20, s21, s16, $0xb8;
	[tilespmem:$0x11F00] =	vst v63  }
0x50: {  	_ =	swait.ge [sflag:s14], $0x1000  }
0x51: {  	[sflag:s14] =	ssyncset.done $0x0  }
0x52: {  	[sflag:s14] =	ssyncadd.s32 $0xFFFFF000  }
0x53: {  	_ =	swait.ge [sflag:s26], $0x1000  }
0x54: {  	[sflag:s26] =	ssyncset.done $0x0  }
0x55: {  	s1 =	simm.s32 $0x4B00;
	[sflag:s26] =	ssyncadd.s32 $0xFFFFF000  }
0x56: {  	[spmem:s2] =	stream.indirect.scatter.add.f32 [tilespmem:s20], [sflag:$0x5], $0x20, s1, s16, $0xb8;
	[tilespmem:$0x11F00] =	vst v63  }
0x57: {  	_ =	swait.ge [sflag:s14], $0x1000  }
0x58: {  	[sflag:s14] =	ssyncset.done $0x0  }
0x59: {  	[sflag:s14] =	ssyncadd.s32 $0xFFFFF000  }
0x5a: {  	_ =	swait.ge [sflag:s29], $0x1000  }
0x5b: {  	[sflag:s29] =	ssyncset.done $0x0  }
0x5c: {  	s19 =	simm.s32 $0x4B80;
	[sflag:s29] =	ssyncadd.s32 $0xFFFFF000  }
0x5d: {  	[spmem:s2] =	stream.indirect.scatter.add.f32 [tilespmem:s22], [sflag:$0x5], $0x20, s19, s16, $0xb8;
	[tilespmem:$0x11F00] =	vst v63  }
0x5e: {  	_ =	swait.ge [sflag:s14], $0x1000  }
0x5f: {  	[sflag:s14] =	ssyncset.done $0x0  }
0x60: {  	s21 =	simm.s32 $0x400;
	[sflag:s14] =	ssyncadd.s32 $0xFFFFF000  }
0x61: {  	[tilespmem:s17], [sflag:$0x1] =	stream.indirect.gather [hbm4b:s4+s16], $0x20, s21, s16, $0xb8;
	[tilespmem:$0x11F00] =	vst v63  }
0x62: {  	s1 =	simm.s32 $0x480  }
0x63: {  	[tilespmem:s18], [sflag:$0x2] =	stream.indirect.gather [hbm4b:s4+s16], $0x20, s1, s16, $0xb8;
	[tilespmem:$0x11F00] =	vst v63  }
0x64: {  	s19 =	simm.s32 $0x500  }
0x65: {  	[tilespmem:s20], [sflag:$0x3] =	stream.indirect.gather [hbm4b:s4+s16], $0x20, s19, s16, $0xb8;
	[tilespmem:$0x11F00] =	vst v63  }
0x66: {  	s21 =	simm.s32 $0x580  }
0x67: {  	[tilespmem:s22], [sflag:$0x4] =	stream.indirect.gather [hbm4b:s4+s16], $0x20, s21, s16, $0xb8;
	[tilespmem:$0x11F00] =	vst v63  }
0x68: {  	_ =	swait.ge [sflag:s23], $0x1000  }
0x69: {  	[sflag:s23] =	ssyncset.done $0x0  }
0x6a: {  	s1 =	simm.s32 $0x4C00;
	[sflag:s23] =	ssyncadd.s32 $0xFFFFF000  }
0x6b: {  	[spmem:s2] =	stream.indirect.scatter.add.f32 [tilespmem:s17], [sflag:$0x5], $0x20, s1, s16, $0xb8;
	[tilespmem:$0x11F00] =	vst v63  }
0x6c: {  	_ =	swait.ge [sflag:s14], $0x1000  }
0x6d: {  	[sflag:s14] =	ssyncset.done $0x0  }
0x6e: {  	[sflag:s14] =	ssyncadd.s32 $0xFFFFF000  }
0x6f: {  	_ =	swait.ge [sflag:s24], $0x1000  }
0x70: {  	[sflag:s24] =	ssyncset.done $0x0  }
0x71: {  	s19 =	simm.s32 $0x4C80;
	[sflag:s24] =	ssyncadd.s32 $0xFFFFF000  }
0x72: {  	[spmem:s2] =	stream.indirect.scatter.add.f32 [tilespmem:s18], [sflag:$0x5], $0x20, s19, s16, $0xb8;
	[tilespmem:$0x11F00] =	vst v63  }
0x73: {  	_ =	swait.ge [sflag:s14], $0x1000  }
0x74: {  	[sflag:s14] =	ssyncset.done $0x0  }
0x75: {  	[sflag:s14] =	ssyncadd.s32 $0xFFFFF000  }
0x76: {  	_ =	swait.ge [sflag:s26], $0x1000  }
0x77: {  	[sflag:s26] =	ssyncset.done $0x0  }
0x78: {  	s21 =	simm.s32 $0x4D00;
	[sflag:s26] =	ssyncadd.s32 $0xFFFFF000  }
0x79: {  	[spmem:s2] =	stream.indirect.scatter.add.f32 [tilespmem:s20], [sflag:$0x5], $0x20, s21, s16, $0xb8;
	[tilespmem:$0x11F00] =	vst v63  }
0x7a: {  	_ =	swait.ge [sflag:s14], $0x1000  }
0x7b: {  	[sflag:s14] =	ssyncset.done $0x0  }
0x7c: {  	[sflag:s14] =	ssyncadd.s32 $0xFFFFF000  }
0x7d: {  	_ =	swait.ge [sflag:s29], $0x1000  }
0x7e: {  	[sflag:s29] =	ssyncset.done $0x0  }
0x7f: {  	s1 =	simm.s32 $0x4D80;
	[sflag:s29] =	ssyncadd.s32 $0xFFFFF000  }
0x80: {  	[spmem:s2] =	stream.indirect.scatter.add.f32 [tilespmem:s22], [sflag:$0x5], $0x20, s1, s16, $0xb8;
	[tilespmem:$0x11F00] =	vst v63  }
0x81: {  	_ =	swait.ge [sflag:s14], $0x1000  }
0x82: {  	[sflag:s14] =	ssyncset.done $0x0  }
0x83: {  	s19 =	simm.s32 $0x600;
	[sflag:s14] =	ssyncadd.s32 $0xFFFFF000  }
0x84: {  	[tilespmem:s17], [sflag:$0x1] =	stream.indirect.gather [hbm4b:s4+s16], $0x20, s19, s16, $0xb8;
	[tilespmem:$0x11F00] =	vst v63  }
0x85: {  	s21 =	simm.s32 $0x680  }
0x86: {  	[tilespmem:s18], [sflag:$0x2] =	stream.indirect.gather [hbm4b:s4+s16], $0x20, s21, s16, $0xb8;
	[tilespmem:$0x11F00] =	vst v63  }
0x87: {  	s1 =	simm.s32 $0x700  }
0x88: {  	[tilespmem:s20], [sflag:$0x3] =	stream.indirect.gather [hbm4b:s4+s16], $0x20, s1, s16, $0xb8;
	[tilespmem:$0x11F00] =	vst v63  }
0x89: {  	s19 =	simm.s32 $0x780  }
0x8a: {  	[tilespmem:s22], [sflag:$0x4] =	stream.indirect.gather [hbm4b:s4+s16], $0x20, s19, s16, $0xb8;
	[tilespmem:$0x11F00] =	vst v63  }
0x8b: {  	_ =	swait.ge [sflag:s23], $0x1000  }
0x8c: {  	[sflag:s23] =	ssyncset.done $0x0  }
0x8d: {  	s21 =	simm.s32 $0x4E00;
	[sflag:s23] =	ssyncadd.s32 $0xFFFFF000  }
0x8e: {  	[spmem:s2] =	stream.indirect.scatter.add.f32 [tilespmem:s17], [sflag:$0x5], $0x20, s21, s16, $0xb8;
	[tilespmem:$0x11F00] =	vst v63  }
0x8f: {  	_ =	swait.ge [sflag:s14], $0x1000  }
0x90: {  	[sflag:s14] =	ssyncset.done $0x0  }
0x91: {  	[sflag:s14] =	ssyncadd.s32 $0xFFFFF000  }
0x92: {  	_ =	swait.ge [sflag:s24], $0x1000  }
0x93: {  	[sflag:s24] =	ssyncset.done $0x0  }
0x94: {  	[sflag:s24] =	ssyncadd.s32 $0xFFFFF000  }
0x95: {  	[spmem:s2] =	stream.indirect.scatter.add.f32 [tilespmem:s18], [sflag:$0x5], $0x20, s25, s16, $0xb8;
	[tilespmem:$0x11F00] =	vst v63  }
0x96: {  	_ =	swait.ge [sflag:s14], $0x1000  }
0x97: {  	[sflag:s14] =	ssyncset.done $0x0  }
0x98: {  	[sflag:s14] =	ssyncadd.s32 $0xFFFFF000  }
0x99: {  	_ =	swait.ge [sflag:s26], $0x1000  }
0x9a: {  	[sflag:s26] =	ssyncset.done $0x0  }
0x9b: {  	[sflag:s26] =	ssyncadd.s32 $0xFFFFF000  }
0x9c: {  	[spmem:s2] =	stream.indirect.scatter.add.f32 [tilespmem:s20], [sflag:$0x5], $0x20, s28, s16, $0xb8;
	[tilespmem:$0x11F00] =	vst v63  }
0x9d: {  	_ =	swait.ge [sflag:s14], $0x1000  }
0x9e: {  	[sflag:s14] =	ssyncset.done $0x0  }
0x9f: {  	[sflag:s14] =	ssyncadd.s32 $0xFFFFF000  }
0xa0: {  	_ =	swait.ge [sflag:s29], $0x1000  }
0xa1: {  	[sflag:s29] =	ssyncset.done $0x0  }
0xa2: {  	[sflag:s29] =	ssyncadd.s32 $0xFFFFF000  }
0xa3: {  	[spmem:s2] =	stream.indirect.scatter.add.f32 [tilespmem:s22], [sflag:$0x5], $0x20, s30, s16, $0xb8;
	[tilespmem:$0x11F00] =	vst v63  }
0xa4: {  	_ =	swait.ge [sflag:s14], $0x1000  }
0xa5: {  	[sflag:s14] =	ssyncset.done $0x0  }
0xa6: {  	[sflag:s14] =	ssyncadd.s32 $0xFFFFF000  }
.LBB2_6:
0xa7: {  	s31 =	sadd.s32 $0x1, s31  }
0xa8: {  	p1 =	sne.s32 s31, s12  }
.Ltmp1:
0xa9: {  	[bflag:$0x0] =	sbarrier.arrive $0xFFFF;
	(pc) =	sbr.rel @!p1 .LBB2_7-.Ltmp1, $4  }
0xaa: {  	[hbm:s11], [sflag:s6] =	dma.local [spmem:s13], $0x9E0  }
0xab: {  	_ =	swait.ge [sflag:s14], $0x9E0  }
0xac: {  	[sflag:s14] =	ssyncset.done $0x0  }
0xad: {  	[sflag:s14] =	ssyncadd.s32 $0xFFFFF620  }
.LBB2_1:
0xae: {  	[spmem:s13], [sflag:s6] =	dma.local [hbm:s5], $0x9E0  }
.Ltmp2:
0xaf: {  	_ =	swait.ge [sflag:s14], $0x9E0;
	(pc) =	sbr.rel @p0 .LBB2_5-.Ltmp2, $3  }
0xb0: {  	[sflag:s14] =	ssyncset.done $0x0  }
0xb1: {  	[sflag:s14] =	ssyncadd.s32 $0xFFFFF620  }
0xb2: {  	[bflag:$0x0] =	sbarrier.arrive $0xFFFF;
	_ =	sdelay $0x1  }
0xb3: {  	s0 =	simm.s32 $0x0  }
0xb4: {  	[tilespmem:s0], [sflag:$0x5] =	stream.linear.gather [hbm4b:s7+s0], $0x4800, $0x38;
	[tilespmem:$0x11F00] =	vst v63  }
0xb5: {  	_ =	swait.ge [sflag:s14], $0x4800  }
0xb6: {  	[sflag:s14] =	ssyncset.done $0x0  }
0xb7: {  	[sflag:s14] =	ssyncadd.s32 $0xFFFFB800  }
0xb8: {  	[tilespmem:s15], [sflag:$0x5] =	stream.linear.gather [hbm4b:s8+s0], $0x4800, $0x38;
	[tilespmem:$0x11F00] =	vst v63  }
0xb9: {  	_ =	swait.ge [sflag:s14], $0x4800  }
0xba: {  	[sflag:s14] =	ssyncset.done $0x0  }
0xbb: {  	s19 =	simm.s32 $0x0;
	[sflag:s14] =	ssyncadd.s32 $0xFFFFB800  }
0xbc: {  	[tilespmem:s17], [sflag:$0x1] =	stream.indirect.gather [hbm4b:s4+s16], $0x20, s19, s16, $0xb8;
	[tilespmem:$0x11F00] =	vst v63  }
0xbd: {  	s21 =	simm.s32 $0x80  }
0xbe: {  	[tilespmem:s18], [sflag:$0x2] =	stream.indirect.gather [hbm4b:s4+s16], $0x20, s21, s16, $0xb8;
	[tilespmem:$0x11F00] =	vst v63  }
0xbf: {  	s1 =	simm.s32 $0x100  }
0xc0: {  	[tilespmem:s20], [sflag:$0x3] =	stream.indirect.gather [hbm4b:s4+s16], $0x20, s1, s16, $0xb8;
	[tilespmem:$0x11F00] =	vst v63  }
0xc1: {  	s19 =	simm.s32 $0x180  }
0xc2: {  	[tilespmem:s22], [sflag:$0x4] =	stream.indirect.gather [hbm4b:s4+s16], $0x20, s19, s16, $0xb8;
	[tilespmem:$0x11F00] =	vst v63  }
0xc3: {  	_ =	swait.ge [sflag:s23], $0x1000  }
0xc4: {  	[sflag:s23] =	ssyncset.done $0x0  }
0xc5: {  	s21 =	simm.s32 $0x4800;
	[sflag:s23] =	ssyncadd.s32 $0xFFFFF000  }
0xc6: {  	[spmem:s2] =	stream.indirect.scatter.add.f32 [tilespmem:s17], [sflag:$0x5], $0x20, s21, s16, $0xb8;
	[tilespmem:$0x11F00] =	vst v63  }
0xc7: {  	_ =	swait.ge [sflag:s14], $0x1000  }
0xc8: {  	[sflag:s14] =	ssyncset.done $0x0  }
0xc9: {  	[sflag:s14] =	ssyncadd.s32 $0xFFFFF000  }
0xca: {  	_ =	swait.ge [sflag:s24], $0x1000  }
0xcb: {  	[sflag:s24] =	ssyncset.done $0x0  }
0xcc: {  	s1 =	simm.s32 $0x4880;
	[sflag:s24] =	ssyncadd.s32 $0xFFFFF000  }
0xcd: {  	[spmem:s2] =	stream.indirect.scatter.add.f32 [tilespmem:s18], [sflag:$0x5], $0x20, s1, s16, $0xb8;
	[tilespmem:$0x11F00] =	vst v63  }
0xce: {  	_ =	swait.ge [sflag:s14], $0x1000  }
0xcf: {  	[sflag:s14] =	ssyncset.done $0x0  }
0xd0: {  	[sflag:s14] =	ssyncadd.s32 $0xFFFFF000  }
0xd1: {  	_ =	swait.ge [sflag:s26], $0x1000  }
0xd2: {  	[sflag:s26] =	ssyncset.done $0x0  }
0xd3: {  	s19 =	simm.s32 $0x4900;
	[sflag:s26] =	ssyncadd.s32 $0xFFFFF000  }
0xd4: {  	[spmem:s2] =	stream.indirect.scatter.add.f32 [tilespmem:s20], [sflag:$0x5], $0x20, s19, s16, $0xb8;
	[tilespmem:$0x11F00] =	vst v63  }
0xd5: {  	_ =	swait.ge [sflag:s14], $0x1000  }
0xd6: {  	[sflag:s14] =	ssyncset.done $0x0  }
0xd7: {  	[sflag:s14] =	ssyncadd.s32 $0xFFFFF000  }
0xd8: {  	_ =	swait.ge [sflag:s29], $0x1000  }
0xd9: {  	[sflag:s29] =	ssyncset.done $0x0  }
0xda: {  	s21 =	simm.s32 $0x4980;
	[sflag:s29] =	ssyncadd.s32 $0xFFFFF000  }
0xdb: {  	[spmem:s2] =	stream.indirect.scatter.add.f32 [tilespmem:s22], [sflag:$0x5], $0x20, s21, s16, $0xb8;
	[tilespmem:$0x11F00] =	vst v63  }
0xdc: {  	_ =	swait.ge [sflag:s14], $0x1000  }
0xdd: {  	s0 =	simm.s32 $0x800;
	s1 =	simm.s32 $0x1000;
	[sflag:s14] =	ssyncset.done $0x0  }
.LBB2_3:
0xde: {  	s19 =	sshra.s32 s0, $0x2  }
0xdf: {  	[sflag:s14] =	ssyncadd.s32 $0xFFFFF000;
	s0 =	smov.u32 s1;
	s21 =	sadd.s32 $0x800, s1  }
0xe0: {  	[tilespmem:s17], [sflag:$0x1] =	stream.indirect.gather [hbm4b:s4+s16], $0x20, s19, s16, $0xb8;
	[tilespmem:$0x11F00] =	vst v63  }
0xe1: {  	p1 =	seq.s32 s1, $0x11800;
	s1 =	sadd.s32 $0x80, s19  }
0xe2: {  	[tilespmem:s18], [sflag:$0x2] =	stream.indirect.gather [hbm4b:s4+s16], $0x20, s1, s16, $0xb8;
	[tilespmem:$0x11F00] =	vst v63  }
0xe3: {  	s1 =	sadd.s32 $0x100, s19  }
0xe4: {  	[tilespmem:s20], [sflag:$0x3] =	stream.indirect.gather [hbm4b:s4+s16], $0x20, s1, s16, $0xb8;
	[tilespmem:$0x11F00] =	vst v63  }
0xe5: {  	s1 =	sadd.s32 $0x180, s19  }
0xe6: {  	[tilespmem:s22], [sflag:$0x4] =	stream.indirect.gather [hbm4b:s4+s16], $0x20, s1, s16, $0xb8;
	[tilespmem:$0x11F00] =	vst v63  }
0xe7: {  	_ =	swait.ge [sflag:s23], $0x1000  }
0xe8: {  	[sflag:s23] =	ssyncset.done $0x0  }
0xe9: {  	s1 =	sadd.s32 $0x4800, s19;
	[sflag:s23] =	ssyncadd.s32 $0xFFFFF000  }
0xea: {  	[spmem:s2] =	stream.indirect.scatter.add.f32 [tilespmem:s17], [sflag:$0x5], $0x20, s1, s16, $0xb8;
	[tilespmem:$0x11F00] =	vst v63  }
0xeb: {  	_ =	swait.ge [sflag:s14], $0x1000  }
0xec: {  	[sflag:s14] =	ssyncset.done $0x0  }
0xed: {  	[sflag:s14] =	ssyncadd.s32 $0xFFFFF000  }
0xee: {  	_ =	swait.ge [sflag:s24], $0x1000  }
0xef: {  	[sflag:s24] =	ssyncset.done $0x0  }
0xf0: {  	s1 =	sadd.s32 $0x4880, s19;
	[sflag:s24] =	ssyncadd.s32 $0xFFFFF000  }
0xf1: {  	[spmem:s2] =	stream.indirect.scatter.add.f32 [tilespmem:s18], [sflag:$0x5], $0x20, s1, s16, $0xb8;
	[tilespmem:$0x11F00] =	vst v63  }
0xf2: {  	_ =	swait.ge [sflag:s14], $0x1000  }
0xf3: {  	[sflag:s14] =	ssyncset.done $0x0  }
0xf4: {  	[sflag:s14] =	ssyncadd.s32 $0xFFFFF000  }
0xf5: {  	_ =	swait.ge [sflag:s26], $0x1000  }
0xf6: {  	[sflag:s26] =	ssyncset.done $0x0  }
0xf7: {  	s1 =	sadd.s32 $0x4900, s19;
	[sflag:s26] =	ssyncadd.s32 $0xFFFFF000  }
0xf8: {  	[spmem:s2] =	stream.indirect.scatter.add.f32 [tilespmem:s20], [sflag:$0x5], $0x20, s1, s16, $0xb8;
	[tilespmem:$0x11F00] =	vst v63  }
0xf9: {  	_ =	swait.ge [sflag:s14], $0x1000  }
0xfa: {  	[sflag:s14] =	ssyncset.done $0x0  }
0xfb: {  	[sflag:s14] =	ssyncadd.s32 $0xFFFFF000  }
0xfc: {  	_ =	swait.ge [sflag:s29], $0x1000  }
.Ltmp3:
0xfd: {  	[sflag:s29] =	ssyncset.done $0x0;
	(pc) =	sbr.rel @!p1 .LBB2_3-.Ltmp3, $4  }
0xfe: {  	s1 =	sadd.s32 $0x4980, s19;
	[sflag:s29] =	ssyncadd.s32 $0xFFFFF000  }
0xff: {  	[spmem:s2] =	stream.indirect.scatter.add.f32 [tilespmem:s22], [sflag:$0x5], $0x20, s1, s16, $0xb8;
	[tilespmem:$0x11F00] =	vst v63  }
0x100: {  	_ =	swait.ge [sflag:s14], $0x1000  }
0x101: {  	s1 =	smov.u32 s21;
	[sflag:s14] =	ssyncset.done $0x0  }
0x102: {  	s0 =	sshra.s32 s0, $0x2;
	[sflag:s14] =	ssyncadd.s32 $0xFFFFF000  }
0x103: {  	[tilespmem:s17], [sflag:$0x1] =	stream.indirect.gather [hbm4b:s4+s16], $0x20, s0, s16, $0xb8;
	[tilespmem:$0x11F00] =	vst v63  }
0x104: {  	s1 =	sadd.s32 $0x80, s0  }
0x105: {  	[tilespmem:s18], [sflag:$0x2] =	stream.indirect.gather [hbm4b:s4+s16], $0x20, s1, s16, $0xb8;
	[tilespmem:$0x11F00] =	vst v63  }
0x106: {  	s21 =	sadd.s32 $0x100, s0  }
0x107: {  	[tilespmem:s20], [sflag:$0x3] =	stream.indirect.gather [hbm4b:s4+s16], $0x20, s21, s16, $0xb8;
	[tilespmem:$0x11F00] =	vst v63  }
0x108: {  	s19 =	sadd.s32 $0x180, s0  }
0x109: {  	[tilespmem:s22], [sflag:$0x4] =	stream.indirect.gather [hbm4b:s4+s16], $0x20, s19, s16, $0xb8;
	[tilespmem:$0x11F00] =	vst v63  }
0x10a: {  	_ =	swait.ge [sflag:s23], $0x1000  }
0x10b: {  	[sflag:s23] =	ssyncset.done $0x0  }
0x10c: {  	s21 =	sadd.s32 $0x4800, s0;
	[sflag:s23] =	ssyncadd.s32 $0xFFFFF000  }
0x10d: {  	[spmem:s2] =	stream.indirect.scatter.add.f32 [tilespmem:s17], [sflag:$0x5], $0x20, s21, s16, $0xb8;
	[tilespmem:$0x11F00] =	vst v63  }
0x10e: {  	_ =	swait.ge [sflag:s14], $0x1000  }
0x10f: {  	[sflag:s14] =	ssyncset.done $0x0  }
0x110: {  	[sflag:s14] =	ssyncadd.s32 $0xFFFFF000  }
0x111: {  	_ =	swait.ge [sflag:s24], $0x1000  }
0x112: {  	[sflag:s24] =	ssyncset.done $0x0  }
0x113: {  	s19 =	sadd.s32 $0x4880, s0;
	[sflag:s24] =	ssyncadd.s32 $0xFFFFF000  }
0x114: {  	[spmem:s2] =	stream.indirect.scatter.add.f32 [tilespmem:s18], [sflag:$0x5], $0x20, s19, s16, $0xb8;
	[tilespmem:$0x11F00] =	vst v63  }
0x115: {  	_ =	swait.ge [sflag:s14], $0x1000  }
0x116: {  	[sflag:s14] =	ssyncset.done $0x0  }
0x117: {  	[sflag:s14] =	ssyncadd.s32 $0xFFFFF000  }
0x118: {  	_ =	swait.ge [sflag:s26], $0x1000  }
0x119: {  	[sflag:s26] =	ssyncset.done $0x0  }
0x11a: {  	s21 =	sadd.s32 $0x4900, s0;
	[sflag:s26] =	ssyncadd.s32 $0xFFFFF000  }
0x11b: {  	[spmem:s2] =	stream.indirect.scatter.add.f32 [tilespmem:s20], [sflag:$0x5], $0x20, s21, s16, $0xb8;
	[tilespmem:$0x11F00] =	vst v63  }
0x11c: {  	_ =	swait.ge [sflag:s14], $0x1000  }
0x11d: {  	[sflag:s14] =	ssyncset.done $0x0  }
0x11e: {  	[sflag:s14] =	ssyncadd.s32 $0xFFFFF000  }
0x11f: {  	_ =	swait.ge [sflag:s29], $0x1000  }
0x120: {  	[sflag:s29] =	ssyncset.done $0x0  }
.Ltmp4:
0x121: {  	s0 =	sadd.s32 $0x4980, s0;
	[sflag:s29] =	ssyncadd.s32 $0xFFFFF000;
	(pc) =	sbr.rel .LBB2_6-.Ltmp4, $4  }
0x122: {  	[spmem:s2] =	stream.indirect.scatter.add.f32 [tilespmem:s22], [sflag:$0x5], $0x20, s0, s16, $0xb8;
	[tilespmem:$0x11F00] =	vst v63  }
0x123: {  	_ =	swait.ge [sflag:s14], $0x1000  }
0x124: {  	[sflag:s14] =	ssyncset.done $0x0  }
0x125: {  	[sflag:s14] =	ssyncadd.s32 $0xFFFFF000  }
.LBB2_7:
0x126: {  	_ =	sfence.sel $0x180000  }
0x127: {  	[bflag:$0x0] =	sbarrier.arrive $0xFFFF  }
0x128: {  	_ =	strace $0x9000004D  }
0x129: {  	s0 =	stileid.u32;
	[bflag:$0x2] =	sbarrier.arrive $0xFFFF  }
0x12a: {  	p0 =	sne.s32 s0, $0x0;
	s0 =	rddreg [dreg:$0x2]  }
0x12b: {  	s0 =	sadd.s32 @!p0 $0x100000, s0  }
0x12c: {  	[sflag:s0] =	ssyncadd.tile.s32 @!p0 $0x1;
	_ =	shalt  }
.Lfunc_end2:
_tile_overlayer_lowered:
.L_overlay_start_2:
0x12d: {  	(tag) =	ssettag $0x2  }
0x12e: {  	s0 =	rddreg [dreg:$0x0];
	s2 =	stileid.u32  }
0x12f: {  	s1 =	rddreg [dreg:$0x1];
	p0 =	sne.s32 s2, $0x0  }
0x130: {  	s3 =	rddreg [dreg:$0x2];
	[bflag:$0x3] =	sbarrier.arrive $0xFFFF;
	s2 =	simm.s32 @!p0 $0x1C05  }
0x131: {  	[timem:s3], [sflag:s2] =	dma.local @!p0 [hbm:s0], s1  }
0x132: {  	s0 =	simm.s32 @!p0 $0x5  }
0x133: {  	_ =	swait.ge @!p0 [sflag:s0], s1  }
0x134: {  	s1 =	ssub.s32 @!p0 $0x0, s1;
	[sflag:s0] =	ssyncset.done @!p0 $0x0  }
0x135: {  	[sflag:s0] =	ssyncadd.s32 @!p0 s1  }
0x136: {  	[bflag:$0x3] =	sbarrier.arrive $0xFFFF  }
0x137: {  	_ =	shalt  }

// kernel: kernel.19.cloned.1.call-start
scs
__scs_entry_jumppad:
0x0: {  	(pc) =	sbr.rel $0x88, $3  }
0x1: {  	(tag) =	ssettag $0x0;
	lr =	simm.s32 $0x1  }
0x2: {  	[smem:$0x3F96] =	sst lr;
	_ =	strace $0xD0000000  }
0x3: {  	_ = 	snop  }
0x4: {  	_ = 	snop  }
0x5: {  	_ = 	snop  }
0x6: {  	_ = 	snop  }
0x7: {  	_ = 	snop  }
__scs_overlays_trampoline_lowered:
0x8: {  	[smem:$0x3FA5] =	sst s0  }
0x9: {  	[smem:$0x3FA6] =	sst s1  }
0xa: {  	[smem:$0x3FA7] =	sst s2  }
0xb: {  	[smem:$0x3FA8] =	sst s3  }
0xc: {  	[smem:$0x3FA9] =	sst s4  }
0xd: {  	[smem:$0x3FAA] =	sst s5  }
0xe: {  	[smem:$0x3FAB] =	sst s6  }
0xf: {  	[smem:$0x3FAC] =	sst s7  }
0x10: {  	[smem:$0x3FAD] =	sst s8  }
0x11: {  	[smem:$0x3FAE] =	sst s9;
	s0 =	simm.s32 @!p0 $0x0  }
0x12: {  	s1 =	sld [smem:$0x3F94];
	s0 =	simm.s32 @p0 $0x1  }
0x13: {  	[smem:$0x3FAF] =	sst s0;
	s0 =	simm.s32 @!p1 $0x0  }
0x14: {  	s2 =	sld [smem:$0x3F93];
	s0 =	simm.s32 @p1 $0x1  }
0x15: {  	[smem:$0x3FB0] =	sst s0;
	s0 =	simm.s32 @!p2 $0x0  }
0x16: {  	s3 =	sld [smem:$0x3FDB];
	s0 =	simm.s32 @p2 $0x1  }
0x17: {  	s4 =	simm.s32 $0x1BF5;
	[smem:$0x3FB2] =	sst s0  }
0x18: {  	s0 =	sld [smem:$0x3F95];
	_ =	swait.ge [sflag:s4], $0x0  }
0x19: {  	s7 =	sld [smem:$0x3F96]  }
0x1a: {  	s8 =	sadd.s32 $0xFFFFE003, lr  }
0x1b: {  	s9 =	sadd.s32 $0xFFFFFEF7, lr;
	s5 =	simm.s32 $0xFFFFFFFF;
	p2 =	slt.u32 s8, $0xFFFFF086  }
0x1c: {  	p1 =	slt.u32 s9, $0xF7A;
	s5 =	simm.s32 @!p2 $0x0  }
0x1d: {  	s5 =	simm.s32 @p1 $0x1;
	p0 =	seq.s32 s7, s2  }
0x1e: {  	s7 =	smul.u32 @!p0 $0xF7A, s2;
	p2 =	seq.s32 @!p0 s5, $0x0  }
0x1f: {  	s9 =	smul.u32 $0xF7A, s1;
	s8 =	simm.s32 @!p0 $0x1BF5;
	p2 =	por !p2, p0  }
0x20: {  	[sflag:s8] =	ssyncset.s32 @!p0 $0xFFFFF086;
	s6 =	sadd.s32 @!p0 s3, s7;
	s7 =	simm.s32 @!p0 $0x108  }
0x21: {  	s3 =	sadd.s32 s3, s9;
	s6 =	sadd.s32 @!p0 $0x88, s6;
	s7 =	simm.s32 @p2 $0x1082  }
0x22: {  	[simem:s7], [sflag:s8] =	dma.local @!p0 [hbm:s6], $0xF7A  }
0x23: {  	s9 =	sor.u32 $0xD0000000, s2;
	s6 =	simm.s32 $0x108;
	_ =	swait.ge @!p0 [sflag:s8], $0x0  }
0x24: {  	s3 =	sadd.s32 $0x88, s3;
	s6 =	simm.s32 @!p1 $0x1082;
	[sflag:s4] =	ssyncset.s32 $0xFFFFF086  }
0x25: {  	[simem:s6], [sflag:s4] =	dma.local [hbm:s3], $0xF7A  }
0x26: {  	[smem:$0x3F96] =	sst s1;
	(tag) =	ssettag s2;
	_ =	strace s9  }
0x27: {  	s1 =	sld [smem:$0x3FA6]  }
0x28: {  	s2 =	sld [smem:$0x3FA7]  }
0x29: {  	s4 =	sld [smem:$0x3FA9]  }
0x2a: {  	p0 =	seq.s32 s5, $0x0;
	s5 =	sld [smem:$0x3FAA]  }
0x2b: {  	s6 =	sld [smem:$0x3FAB]  }
0x2c: {  	s7 =	sld [smem:$0x3FAC]  }
0x2d: {  	s3 =	simm.s32 $0x108;
	s8 =	sld [smem:$0x3FAD]  }
0x2e: {  	s3 =	simm.s32 @!p0 $0x1082;
	s9 =	sld [smem:$0x3FAE]  }
0x2f: {  	lr =	sadd.s32 s0, s3;
	s0 =	sld [smem:$0x3FA5]  }
0x30: {  	s3 =	sld [smem:$0x3FA8]  }
0x31: {  	[smem:$0x3FB1] =	sst s10  }
0x32: {  	s10 =	sld [smem:$0x3FAF];
	_ =	sdelay $0x3  }
0x33: {  	p0 =	seq.s32 s10, $0x1;
	s10 =	sld [smem:$0x3FB1];
	_ =	sdelay $0x3  }
0x34: {  	[smem:$0x3FB1] =	sst s10  }
0x35: {  	s10 =	sld [smem:$0x3FB0];
	_ =	sdelay $0x3  }
0x36: {  	p1 =	seq.s32 s10, $0x1;
	s10 =	sld [smem:$0x3FB1];
	_ =	sdelay $0x3  }
0x37: {  	[smem:$0x3FB1] =	sst s10  }
0x38: {  	s10 =	sld [smem:$0x3FB2]  }
0x39: {  	_ = 	snop;
	(pc) =	sbr.ind lr, $3  }
0x3a: {  	_ = 	snop  }
0x3b: {  	_ = 	snop  }
0x3c: {  	p2 =	seq.s32 s10, $0x1;
	s10 =	sld [smem:$0x3FB1]  }
0x3d: {  	_ =	shalt  }
0x3e: {  	_ =	shalt  }
0x3f: {  	_ =	shalt  }
0x40: {  	_ =	shalt  }
0x41: {  	_ =	shalt  }
0x42: {  	_ =	shalt  }
0x43: {  	_ =	shalt  }
0x44: {  	_ =	shalt  }
0x45: {  	_ =	shalt  }
0x46: {  	_ =	shalt  }
0x47: {  	_ =	shalt  }
0x48: {  	_ =	shalt  }
0x49: {  	_ =	shalt  }
0x4a: {  	_ =	shalt  }
0x4b: {  	_ =	shalt  }
0x4c: {  	_ =	shalt  }
0x4d: {  	_ =	shalt  }
0x4e: {  	_ =	shalt  }
0x4f: {  	_ =	shalt  }
0x50: {  	_ =	shalt  }
0x51: {  	_ =	shalt  }
0x52: {  	_ =	shalt  }
0x53: {  	_ =	shalt  }
0x54: {  	_ =	shalt  }
0x55: {  	_ =	shalt  }
0x56: {  	_ =	shalt  }
0x57: {  	_ =	shalt  }
0x58: {  	_ =	shalt  }
0x59: {  	_ =	shalt  }
0x5a: {  	_ =	shalt  }
0x5b: {  	_ =	shalt  }
0x5c: {  	_ =	shalt  }
0x5d: {  	_ =	shalt  }
0x5e: {  	_ =	shalt  }
0x5f: {  	_ =	shalt  }
0x60: {  	_ =	shalt  }
0x61: {  	_ =	shalt  }
0x62: {  	_ =	shalt  }
0x63: {  	_ =	shalt  }
0x64: {  	_ =	shalt  }
0x65: {  	_ =	shalt  }
0x66: {  	_ =	shalt  }
0x67: {  	_ =	shalt  }
0x68: {  	_ =	shalt  }
0x69: {  	_ =	shalt  }
0x6a: {  	_ =	shalt  }
0x6b: {  	_ =	shalt  }
0x6c: {  	_ =	shalt  }
0x6d: {  	_ =	shalt  }
0x6e: {  	_ =	shalt  }
0x6f: {  	_ =	shalt  }
0x70: {  	_ =	shalt  }
0x71: {  	_ =	shalt  }
0x72: {  	_ =	shalt  }
0x73: {  	_ =	shalt  }
0x74: {  	_ =	shalt  }
0x75: {  	_ =	shalt  }
0x76: {  	_ =	shalt  }
0x77: {  	_ =	shalt  }
0x78: {  	_ =	shalt  }
0x79: {  	_ =	shalt  }
0x7a: {  	_ =	shalt  }
0x7b: {  	_ =	shalt  }
0x7c: {  	_ =	shalt  }
0x7d: {  	_ =	shalt  }
0x7e: {  	_ =	shalt  }
0x7f: {  	_ =	shalt  }
0x80: {  	_ =	shalt  }
0x81: {  	_ =	shalt  }
0x82: {  	_ =	shalt  }
0x83: {  	_ =	shalt  }
0x84: {  	_ =	shalt  }
0x85: {  	_ =	shalt  }
0x86: {  	_ =	shalt  }
0x87: {  	_ =	shalt  }
.Lfunc_end0:
.L_simem_size_0:
called_computation.3_lowered:
.L_overlay_start_0:
0x88: {  	s2 =	sld [smem:$0x3FD9]  }
0x89: {  	s3 =	sld [smem:$0x3FFE];
	_ =	sdelay $0x1  }
0x8a: {  	s1 =	srdreg.scid  }
0x8b: {  	s0 =	sand.u32 $0x1, s1  }
0x8c: {  	s16 =	sshll.u32 s0, $0xA;
	s2 =	sadd.s32 s3, s2  }
0x8d: {  	s2 =	sadd.s32 s2, s16  }
0x8e: {  	[smem:$0x3FBD] =	sst s2  }
0x8f: {  	_ = 	snop  }
0x90: {  	(tm) =	ssettm $0x1  }
0x91: {  	s17 =	sld [smem:$0x3FFB];
	_ =	sdelay $0x3  }
0x92: {  	_ =	strace s17  }
0x93: {  	s2 =	sld [smem:$0x3FFC];
	_ =	sdelay $0x3  }
0x94: {  	_ =	strace s2  }
0x95: {  	s2 =	sld [smem:$0x3FFD];
	_ =	sdelay $0x3  }
0x96: {  	_ =	strace s2  }
0x97: {  	_ =	strace $0x8FFFFFFF  }
0x98: {  	s18 =	sld [smem:$0x3FDB];
	_ =	sdelay $0x1  }
0x99: {  	s19 =	simm.s32 $_scs_section_size  }
0x9a: {  	s4 =	simm.s32 $_size__tile_overlayer_lowered;
	s5 =	simm.s32 $_tile_overlayer_lowered  }
0x9b: {  	s22 =	simm.s32 $0x1BFF;
	s21 =	sshll.u32 s5, $0x1;
	s2 =	sadd.s32 s19, s18  }
0x9c: {  	s6 =	simm.s32 $0x0;
	s20 =	sshll.u32 s4, $0x1;
	s4 =	sadd.s32 s21, s2  }
0x9d: {  	[timem:s6], [sflag:s22] =	dma.local [hbm:s4], s20  }
0x9e: {  	_ =	swait.ge [sflag:s22], s20  }
0x9f: {  	s3 =	ssub.s32 $0x0, s20;
	[sflag:s22] =	ssyncset.done $0x0  }
0xa0: {  	[sflag:s22] =	ssyncadd.s32 s3;
	_ =	sdelay $0x1  }
0xa1: {  	s23 =	simm.s32 $0x1B8B  }
0xa2: {  	_ =	swait.ge [sflag:s23], $0x1  }
0xa3: {  	[sflag:s23] =	ssyncset.done $0x0  }
0xa4: {  	s25 =	simm.s32 $0x1B8E;
	s24 =	sld [smem:$0x3FFE];
	[sflag:s23] =	ssyncadd.s32 $0xFFFFFFFF  }
0xa5: {  	s26 =	simm.s32 $execute0_lowered;
	[smem:$0x3FD2] =	sst s25  }
0xa6: {  	s4 =	sshll.u32 s26, $0x1;
	_ =	strace $0x8000004F;
	[dreg:$0x1] =	wrdreg $0xFFFFFFFF  }
0xa7: {  	s28 =	simm.s32 $_size_execute0_lowered;
	s2 =	sadd.s32 s2, s4;
	[dreg:$0x0] =	wrdreg $0x0  }
0xa8: {  	s4 =	sshll.u32 s28, $0x1;
	[dreg:$0x2] =	wrdreg s2  }
0xa9: {  	[dreg:$0x3] =	wrdreg s4  }
0xaa: {  	[dreg:$0x4] =	wrdreg $0xC0  }
0xab: {  	_ =	task [dreg:s6], $0x5FFFF  }
0xac: {  	[dreg:$0x1] =	wrdreg $0xFFFFFFFF  }
0xad: {  	[dreg:$0x0] =	wrdreg $0x60  }
0xae: {  	[dreg:$0x2] =	wrdreg s24  }
0xaf: {  	[dreg:$0x3] =	wrdreg $0xD0000  }
0xb0: {  	[dreg:$0x4] =	wrdreg $0x9  }
0xb1: {  	_ =	task.clear_ibuf [dreg:s6], $0x5FFFF;
	_ =	strace $0x9000004F  }
0xb2: {  	s29 =	simm.s32 $0x9;
	_ =	strace $0x80000051  }
0xb3: {  	_ =	swait.ge [sflag:s29], $0x1  }
0xb4: {  	[sflag:s29] =	ssyncadd.s32 $0xFFFFFFFF  }
0xb5: {  	_ =	strace $0x90000051  }
0xb6: {  	_ =	sfence  }
0xb7: {  	s30 =	sld [smem:$0x0];
	_ =	sdelay $0x2  }
0xb8: {  	s31 =	sshll.u32 s1, $0xD;
	s1 =	sshrl.u32 s1, $0x2  }
0xb9: {  	s3 =	sand.u32 $0x4000, s31;
	s1 =	sadd.s32 s1, s30  }
0xba: {  	s0 =	sor.u32 s3, s0;
	s1 =	sshll.u32 s1, $0x11  }
0xbb: {  	s0 =	sor.u32 s1, s0  }
0xbc: {  	s0 =	sadd.s32 $0x8F2B, s0  }
0xbd: {  	[sflag:s0] =	ssyncadd.remote.s32 $0x1  }
0xbe: {  	_ =	sfence.sel $0xFFFF  }
0xbf: {  	[dreg:$0x0] =	wrdreg $0xFFFFFFFF;
	(pc) =	sbr.abs _section_cstart, $3  }
0xc0: {  	[dreg:$0x1] =	wrdreg $0xFFFFFFFF  }
0xc1: {  	_ =	task.clear_ibuf [dreg:s6], $0x2FFFF;
	_ =	strace $0x9FFFFFFF  }
0xc2: {  	(tm) =	ssettm $0x7FFFFFFF  }
0xc3: {  	_ =	shalt  }
tec
execute0_lowered:
.L_overlay_start_1:
0x0: {  	(tag) =	ssettag $0x1  }
0x1: {  	s0 =	rddreg [dreg:$0x0]  }
0x2: {  	s2 =	rddreg [dreg:$0x1]  }
0x3: {  	s1 =	srdreg.scid;
	s14 =	stileid.u32;
	s3 =	simm.s32 $0x0  }
0x4: {  	s15 =	simm.s32 $0x4800;
	s16 =	simm.s32 $0x80;
	s17 =	simm.s32 $0x9000  }
0x5: {  	s18 =	simm.s32 $0xA000;
	s20 =	simm.s32 $0xB000;
	s22 =	simm.s32 $0xC000  }
0x6: {  	s29 =	simm.s32 $0x4;
	s28 =	simm.s32 $0x4F00;
	s30 =	simm.s32 $0x4F80  }
0x7: {  	s31 =	simm.s32 $0x0;
	s1 =	sand.u32 $0x1, s1;
	s6 =	smul.u32 $0x4F00, s14  }
0x8: {  	[smem:$0x7FF] =	sst s3;
	s9 =	sadd.s32 $0x11800, s0;
	s10 =	sadd.s32 $0x2800, s0  }
0x9: {  	s4 =	sadd.s32 $0x1B800, s0;
	s23 =	sshll.u32 s14, $0x6;
	s24 =	smul.u32 $0x900, s14  }
0xa: {  	s25 =	sshll.u32 s14, $0x8;
	s14 =	simm.s32 $0x5;
	s5 =	smul.u32 $0x4F000, s1  }
0xb: {  	_ =	strace $0x80000050;
	s8 =	ssub.s32 $0x2, s1;
	p0 =	seq.s32 s1, $0x1  }
0xc: {  	s26 =	sor.u32 $0x9000, s25;
	s25 =	simm.s32 $0x4E80;
	s11 =	sshrl.u32 s8, $0x1  }
0xd: {  	s13 =	sadd.s32 s6, s2;
	s7 =	sadd.s32 s6, s5;
	s5 =	sadd.s32 $0xC800, s0  }
.Ltmp0:
0xe: {  	s12 =	ssub.s32 s8, s11;
	s6 =	sor.u32 $0x1C05, s23;
	(pc) =	sbr.rel .LBB2_1-.Ltmp0, $4  }
0xf: {  	s8 =	sadd.s32 s10, s24;
	s10 =	sadd.s32 s10, s26;
	s13 =	sshrl.u32 s13, $0x3  }
0x10: {  	s23 =	simm.s32 $0x1;
	s7 =	sshrl.u32 s7, $0x3;
	s12 =	smax.u32 s12, $0x1  }
0x11: {  	s0 =	sadd.s32 s7, s0;
	s7 =	sadd.s32 s9, s24;
	s9 =	sadd.s32 s9, s26  }
0x12: {  	s24 =	simm.s32 $0x2;
	s26 =	simm.s32 $0x3;
	s11 =	sadd.s32 $0x25600, s0  }
.LBB2_5:
0x13: {  	[tilespmem:s3], [sflag:$0x5] =	stream.linear.gather [hbm4b:s9+s3], $0x800, $0x38;
	[tilespmem:$0x11F00] =	vst v63  }
0x14: {  	_ =	swait.ge [sflag:s14], $0x800  }
0x15: {  	[sflag:s14] =	ssyncset.done $0x0  }
0x16: {  	[sflag:s14] =	ssyncadd.s32 $0xFFFFF800  }
0x17: {  	[tilespmem:s15], [sflag:$0x5] =	stream.linear.gather [hbm4b:s10+s3], $0x800, $0x38;
	[tilespmem:$0x11F00] =	vst v63  }
0x18: {  	_ =	swait.ge [sflag:s14], $0x800  }
0x19: {  	[sflag:s14] =	ssyncset.done $0x0  }
0x1a: {  	[sflag:s14] =	ssyncadd.s32 $0xFFFFF800  }
0x1b: {  	[tilespmem:s17], [sflag:$0x1] =	stream.indirect.gather [hbm4b:s4+s16], $0x20, s3, s16, $0xb8;
	[tilespmem:$0x11F00] =	vst v63  }
0x1c: {  	_ = 	snop  }
0x1d: {  	[tilespmem:s18], [sflag:$0x2] =	stream.indirect.gather [hbm4b:s4+s16], $0x20, s16, s16, $0xb8;
	[tilespmem:$0x11F00] =	vst v63  }
0x1e: {  	s0 =	simm.s32 $0x100  }
0x1f: {  	[tilespmem:s20], [sflag:$0x3] =	stream.indirect.gather [hbm4b:s4+s16], $0x20, s0, s16, $0xb8;
	[tilespmem:$0x11F00] =	vst v63  }
0x20: {  	s21 =	simm.s32 $0x180  }
0x21: {  	[tilespmem:s22], [sflag:$0x4] =	stream.indirect.gather [hbm4b:s4+s16], $0x20, s21, s16, $0xb8;
	[tilespmem:$0x11F00] =	vst v63  }
0x22: {  	_ =	swait.ge [sflag:s23], $0x1000  }
0x23: {  	[sflag:s23] =	ssyncset.done $0x0  }
0x24: {  	[sflag:s23] =	ssyncadd.s32 $0xFFFFF000  }
0x25: {  	[spmem:s2] =	stream.indirect.scatter.add.f32 [tilespmem:s17], [sflag:$0x5], $0x20, s15, s16, $0xb8;
	[tilespmem:$0x11F00] =	vst v63  }
0x26: {  	_ =	swait.ge [sflag:s14], $0x1000  }
0x27: {  	[sflag:s14] =	ssyncset.done $0x0  }
0x28: {  	[sflag:s14] =	ssyncadd.s32 $0xFFFFF000  }
0x29: {  	_ =	swait.ge [sflag:s24], $0x1000  }
0x2a: {  	[sflag:s24] =	ssyncset.done $0x0  }
0x2b: {  	s1 =	simm.s32 $0x4880;
	[sflag:s24] =	ssyncadd.s32 $0xFFFFF000  }
0x2c: {  	[spmem:s2] =	stream.indirect.scatter.add.f32 [tilespmem:s18], [sflag:$0x5], $0x20, s1, s16, $0xb8;
	[tilespmem:$0x11F00] =	vst v63  }
0x2d: {  	_ =	swait.ge [sflag:s14], $0x1000  }
0x2e: {  	[sflag:s14] =	ssyncset.done $0x0  }
0x2f: {  	[sflag:s14] =	ssyncadd.s32 $0xFFFFF000  }
0x30: {  	_ =	swait.ge [sflag:s26], $0x1000  }
0x31: {  	[sflag:s26] =	ssyncset.done $0x0  }
0x32: {  	s19 =	simm.s32 $0x4900;
	[sflag:s26] =	ssyncadd.s32 $0xFFFFF000  }
0x33: {  	[spmem:s2] =	stream.indirect.scatter.add.f32 [tilespmem:s20], [sflag:$0x5], $0x20, s19, s16, $0xb8;
	[tilespmem:$0x11F00] =	vst v63  }
0x34: {  	_ =	swait.ge [sflag:s14], $0x1000  }
0x35: {  	[sflag:s14] =	ssyncset.done $0x0  }
0x36: {  	[sflag:s14] =	ssyncadd.s32 $0xFFFFF000  }
0x37: {  	_ =	swait.ge [sflag:s29], $0x1000  }
0x38: {  	[sflag:s29] =	ssyncset.done $0x0  }
0x39: {  	s21 =	simm.s32 $0x4980;
	[sflag:s29] =	ssyncadd.s32 $0xFFFFF000  }
0x3a: {  	[spmem:s2] =	stream.indirect.scatter.add.f32 [tilespmem:s22], [sflag:$0x5], $0x20, s21, s16, $0xb8;
	[tilespmem:$0x11F00] =	vst v63  }
0x3b: {  	_ =	swait.ge [sflag:s14], $0x1000  }
0x3c: {  	[sflag:s14] =	ssyncset.done $0x0  }
0x3d: {  	s1 =	simm.s32 $0x200;
	[sflag:s14] =	ssyncadd.s32 $0xFFFFF000  }
0x3e: {  	[tilespmem:s17], [sflag:$0x1] =	stream.indirect.gather [hbm4b:s4+s16], $0x20, s1, s16, $0xb8;
	[tilespmem:$0x11F00] =	vst v63  }
0x3f: {  	s19 =	simm.s32 $0x280  }
0x40: {  	[tilespmem:s18], [sflag:$0x2] =	stream.indirect.gather [hbm4b:s4+s16], $0x20, s19, s16, $0xb8;
	[tilespmem:$0x11F00] =	vst v63  }
0x41: {  	s21 =	simm.s32 $0x300  }
0x42: {  	[tilespmem:s20], [sflag:$0x3] =	stream.indirect.gather [hbm4b:s4+s16], $0x20, s21, s16, $0xb8;
	[tilespmem:$0x11F00] =	vst v63  }
0x43: {  	s1 =	simm.s32 $0x380  }
0x44: {  	[tilespmem:s22], [sflag:$0x4] =	stream.indirect.gather [hbm4b:s4+s16], $0x20, s1, s16, $0xb8;
	[tilespmem:$0x11F00] =	vst v63  }
0x45: {  	_ =	swait.ge [sflag:s23], $0x1000  }
0x46: {  	[sflag:s23] =	ssyncset.done $0x0  }
0x47: {  	s19 =	simm.s32 $0x4A00;
	[sflag:s23] =	ssyncadd.s32 $0xFFFFF000  }
0x48: {  	[spmem:s2] =	stream.indirect.scatter.add.f32 [tilespmem:s17], [sflag:$0x5], $0x20, s19, s16, $0xb8;
	[tilespmem:$0x11F00] =	vst v63  }
0x49: {  	_ =	swait.ge [sflag:s14], $0x1000  }
0x4a: {  	[sflag:s14] =	ssyncset.done $0x0  }
0x4b: {  	[sflag:s14] =	ssyncadd.s32 $0xFFFFF000  }
0x4c: {  	_ =	swait.ge [sflag:s24], $0x1000  }
0x4d: {  	[sflag:s24] =	ssyncset.done $0x0  }
0x4e: {  	s21 =	simm.s32 $0x4A80;
	[sflag:s24] =	ssyncadd.s32 $0xFFFFF000  }
0x4f: {  	[spmem:s2] =	stream.indirect.scatter.add.f32 [tilespmem:s18], [sflag:$0x5], $0x20, s21, s16, $0xb8;
	[tilespmem:$0x11F00] =	vst v63  }
0x50: {  	_ =	swait.ge [sflag:s14], $0x1000  }
0x51: {  	[sflag:s14] =	ssyncset.done $0x0  }
0x52: {  	[sflag:s14] =	ssyncadd.s32 $0xFFFFF000  }
0x53: {  	_ =	swait.ge [sflag:s26], $0x1000  }
0x54: {  	[sflag:s26] =	ssyncset.done $0x0  }
0x55: {  	s1 =	simm.s32 $0x4B00;
	[sflag:s26] =	ssyncadd.s32 $0xFFFFF000  }
0x56: {  	[spmem:s2] =	stream.indirect.scatter.add.f32 [tilespmem:s20], [sflag:$0x5], $0x20, s1, s16, $0xb8;
	[tilespmem:$0x11F00] =	vst v63  }
0x57: {  	_ =	swait.ge [sflag:s14], $0x1000  }
0x58: {  	[sflag:s14] =	ssyncset.done $0x0  }
0x59: {  	[sflag:s14] =	ssyncadd.s32 $0xFFFFF000  }
0x5a: {  	_ =	swait.ge [sflag:s29], $0x1000  }
0x5b: {  	[sflag:s29] =	ssyncset.done $0x0  }
0x5c: {  	s19 =	simm.s32 $0x4B80;
	[sflag:s29] =	ssyncadd.s32 $0xFFFFF000  }
0x5d: {  	[spmem:s2] =	stream.indirect.scatter.add.f32 [tilespmem:s22], [sflag:$0x5], $0x20, s19, s16, $0xb8;
	[tilespmem:$0x11F00] =	vst v63  }
0x5e: {  	_ =	swait.ge [sflag:s14], $0x1000  }
0x5f: {  	[sflag:s14] =	ssyncset.done $0x0  }
0x60: {  	s21 =	simm.s32 $0x400;
	[sflag:s14] =	ssyncadd.s32 $0xFFFFF000  }
0x61: {  	[tilespmem:s17], [sflag:$0x1] =	stream.indirect.gather [hbm4b:s4+s16], $0x20, s21, s16, $0xb8;
	[tilespmem:$0x11F00] =	vst v63  }
0x62: {  	s1 =	simm.s32 $0x480  }
0x63: {  	[tilespmem:s18], [sflag:$0x2] =	stream.indirect.gather [hbm4b:s4+s16], $0x20, s1, s16, $0xb8;
	[tilespmem:$0x11F00] =	vst v63  }
0x64: {  	s19 =	simm.s32 $0x500  }
0x65: {  	[tilespmem:s20], [sflag:$0x3] =	stream.indirect.gather [hbm4b:s4+s16], $0x20, s19, s16, $0xb8;
	[tilespmem:$0x11F00] =	vst v63  }
0x66: {  	s21 =	simm.s32 $0x580  }
0x67: {  	[tilespmem:s22], [sflag:$0x4] =	stream.indirect.gather [hbm4b:s4+s16], $0x20, s21, s16, $0xb8;
	[tilespmem:$0x11F00] =	vst v63  }
0x68: {  	_ =	swait.ge [sflag:s23], $0x1000  }
0x69: {  	[sflag:s23] =	ssyncset.done $0x0  }
0x6a: {  	s1 =	simm.s32 $0x4C00;
	[sflag:s23] =	ssyncadd.s32 $0xFFFFF000  }
0x6b: {  	[spmem:s2] =	stream.indirect.scatter.add.f32 [tilespmem:s17], [sflag:$0x5], $0x20, s1, s16, $0xb8;
	[tilespmem:$0x11F00] =	vst v63  }
0x6c: {  	_ =	swait.ge [sflag:s14], $0x1000  }
0x6d: {  	[sflag:s14] =	ssyncset.done $0x0  }
0x6e: {  	[sflag:s14] =	ssyncadd.s32 $0xFFFFF000  }
0x6f: {  	_ =	swait.ge [sflag:s24], $0x1000  }
0x70: {  	[sflag:s24] =	ssyncset.done $0x0  }
0x71: {  	s19 =	simm.s32 $0x4C80;
	[sflag:s24] =	ssyncadd.s32 $0xFFFFF000  }
0x72: {  	[spmem:s2] =	stream.indirect.scatter.add.f32 [tilespmem:s18], [sflag:$0x5], $0x20, s19, s16, $0xb8;
	[tilespmem:$0x11F00] =	vst v63  }
0x73: {  	_ =	swait.ge [sflag:s14], $0x1000  }
0x74: {  	[sflag:s14] =	ssyncset.done $0x0  }
0x75: {  	[sflag:s14] =	ssyncadd.s32 $0xFFFFF000  }
0x76: {  	_ =	swait.ge [sflag:s26], $0x1000  }
0x77: {  	[sflag:s26] =	ssyncset.done $0x0  }
0x78: {  	s21 =	simm.s32 $0x4D00;
	[sflag:s26] =	ssyncadd.s32 $0xFFFFF000  }
0x79: {  	[spmem:s2] =	stream.indirect.scatter.add.f32 [tilespmem:s20], [sflag:$0x5], $0x20, s21, s16, $0xb8;
	[tilespmem:$0x11F00] =	vst v63  }
0x7a: {  	_ =	swait.ge [sflag:s14], $0x1000  }
0x7b: {  	[sflag:s14] =	ssyncset.done $0x0  }
0x7c: {  	[sflag:s14] =	ssyncadd.s32 $0xFFFFF000  }
0x7d: {  	_ =	swait.ge [sflag:s29], $0x1000  }
0x7e: {  	[sflag:s29] =	ssyncset.done $0x0  }
0x7f: {  	s1 =	simm.s32 $0x4D80;
	[sflag:s29] =	ssyncadd.s32 $0xFFFFF000  }
0x80: {  	[spmem:s2] =	stream.indirect.scatter.add.f32 [tilespmem:s22], [sflag:$0x5], $0x20, s1, s16, $0xb8;
	[tilespmem:$0x11F00] =	vst v63  }
0x81: {  	_ =	swait.ge [sflag:s14], $0x1000  }
0x82: {  	[sflag:s14] =	ssyncset.done $0x0  }
0x83: {  	s19 =	simm.s32 $0x600;
	[sflag:s14] =	ssyncadd.s32 $0xFFFFF000  }
0x84: {  	[tilespmem:s17], [sflag:$0x1] =	stream.indirect.gather [hbm4b:s4+s16], $0x20, s19, s16, $0xb8;
	[tilespmem:$0x11F00] =	vst v63  }
0x85: {  	s21 =	simm.s32 $0x680  }
0x86: {  	[tilespmem:s18], [sflag:$0x2] =	stream.indirect.gather [hbm4b:s4+s16], $0x20, s21, s16, $0xb8;
	[tilespmem:$0x11F00] =	vst v63  }
0x87: {  	s1 =	simm.s32 $0x700  }
0x88: {  	[tilespmem:s20], [sflag:$0x3] =	stream.indirect.gather [hbm4b:s4+s16], $0x20, s1, s16, $0xb8;
	[tilespmem:$0x11F00] =	vst v63  }
0x89: {  	s19 =	simm.s32 $0x780  }
0x8a: {  	[tilespmem:s22], [sflag:$0x4] =	stream.indirect.gather [hbm4b:s4+s16], $0x20, s19, s16, $0xb8;
	[tilespmem:$0x11F00] =	vst v63  }
0x8b: {  	_ =	swait.ge [sflag:s23], $0x1000  }
0x8c: {  	[sflag:s23] =	ssyncset.done $0x0  }
0x8d: {  	s21 =	simm.s32 $0x4E00;
	[sflag:s23] =	ssyncadd.s32 $0xFFFFF000  }
0x8e: {  	[spmem:s2] =	stream.indirect.scatter.add.f32 [tilespmem:s17], [sflag:$0x5], $0x20, s21, s16, $0xb8;
	[tilespmem:$0x11F00] =	vst v63  }
0x8f: {  	_ =	swait.ge [sflag:s14], $0x1000  }
0x90: {  	[sflag:s14] =	ssyncset.done $0x0  }
0x91: {  	[sflag:s14] =	ssyncadd.s32 $0xFFFFF000  }
0x92: {  	_ =	swait.ge [sflag:s24], $0x1000  }
0x93: {  	[sflag:s24] =	ssyncset.done $0x0  }
0x94: {  	[sflag:s24] =	ssyncadd.s32 $0xFFFFF000  }
0x95: {  	[spmem:s2] =	stream.indirect.scatter.add.f32 [tilespmem:s18], [sflag:$0x5], $0x20, s25, s16, $0xb8;
	[tilespmem:$0x11F00] =	vst v63  }
0x96: {  	_ =	swait.ge [sflag:s14], $0x1000  }
0x97: {  	[sflag:s14] =	ssyncset.done $0x0  }
0x98: {  	[sflag:s14] =	ssyncadd.s32 $0xFFFFF000  }
0x99: {  	_ =	swait.ge [sflag:s26], $0x1000  }
0x9a: {  	[sflag:s26] =	ssyncset.done $0x0  }
0x9b: {  	[sflag:s26] =	ssyncadd.s32 $0xFFFFF000  }
0x9c: {  	[spmem:s2] =	stream.indirect.scatter.add.f32 [tilespmem:s20], [sflag:$0x5], $0x20, s28, s16, $0xb8;
	[tilespmem:$0x11F00] =	vst v63  }
0x9d: {  	_ =	swait.ge [sflag:s14], $0x1000  }
0x9e: {  	[sflag:s14] =	ssyncset.done $0x0  }
0x9f: {  	[sflag:s14] =	ssyncadd.s32 $0xFFFFF000  }
0xa0: {  	_ =	swait.ge [sflag:s29], $0x1000  }
0xa1: {  	[sflag:s29] =	ssyncset.done $0x0  }
0xa2: {  	[sflag:s29] =	ssyncadd.s32 $0xFFFFF000  }
0xa3: {  	[spmem:s2] =	stream.indirect.scatter.add.f32 [tilespmem:s22], [sflag:$0x5], $0x20, s30, s16, $0xb8;
	[tilespmem:$0x11F00] =	vst v63  }
0xa4: {  	_ =	swait.ge [sflag:s14], $0x1000  }
0xa5: {  	[sflag:s14] =	ssyncset.done $0x0  }
0xa6: {  	[sflag:s14] =	ssyncadd.s32 $0xFFFFF000  }
.LBB2_6:
0xa7: {  	s31 =	sadd.s32 $0x1, s31  }
0xa8: {  	p1 =	sne.s32 s31, s12  }
.Ltmp1:
0xa9: {  	[bflag:$0x0] =	sbarrier.arrive $0xFFFF;
	(pc) =	sbr.rel @!p1 .LBB2_7-.Ltmp1, $4  }
0xaa: {  	[hbm:s11], [sflag:s6] =	dma.local [spmem:s13], $0x9E0  }
0xab: {  	_ =	swait.ge [sflag:s14], $0x9E0  }
0xac: {  	[sflag:s14] =	ssyncset.done $0x0  }
0xad: {  	[sflag:s14] =	ssyncadd.s32 $0xFFFFF620  }
.LBB2_1:
0xae: {  	[spmem:s13], [sflag:s6] =	dma.local [hbm:s5], $0x9E0  }
.Ltmp2:
0xaf: {  	_ =	swait.ge [sflag:s14], $0x9E0;
	(pc) =	sbr.rel @p0 .LBB2_5-.Ltmp2, $3  }
0xb0: {  	[sflag:s14] =	ssyncset.done $0x0  }
0xb1: {  	[sflag:s14] =	ssyncadd.s32 $0xFFFFF620  }
0xb2: {  	[bflag:$0x0] =	sbarrier.arrive $0xFFFF;
	_ =	sdelay $0x1  }
0xb3: {  	s0 =	simm.s32 $0x0  }
0xb4: {  	[tilespmem:s0], [sflag:$0x5] =	stream.linear.gather [hbm4b:s7+s0], $0x4800, $0x38;
	[tilespmem:$0x11F00] =	vst v63  }
0xb5: {  	_ =	swait.ge [sflag:s14], $0x4800  }
0xb6: {  	[sflag:s14] =	ssyncset.done $0x0  }
0xb7: {  	[sflag:s14] =	ssyncadd.s32 $0xFFFFB800  }
0xb8: {  	[tilespmem:s15], [sflag:$0x5] =	stream.linear.gather [hbm4b:s8+s0], $0x4800, $0x38;
	[tilespmem:$0x11F00] =	vst v63  }
0xb9: {  	_ =	swait.ge [sflag:s14], $0x4800  }
0xba: {  	[sflag:s14] =	ssyncset.done $0x0  }
0xbb: {  	s19 =	simm.s32 $0x0;
	[sflag:s14] =	ssyncadd.s32 $0xFFFFB800  }
0xbc: {  	[tilespmem:s17], [sflag:$0x1] =	stream.indirect.gather [hbm4b:s4+s16], $0x20, s19, s16, $0xb8;
	[tilespmem:$0x11F00] =	vst v63  }
0xbd: {  	s21 =	simm.s32 $0x80  }
0xbe: {  	[tilespmem:s18], [sflag:$0x2] =	stream.indirect.gather [hbm4b:s4+s16], $0x20, s21, s16, $0xb8;
	[tilespmem:$0x11F00] =	vst v63  }
0xbf: {  	s1 =	simm.s32 $0x100  }
0xc0: {  	[tilespmem:s20], [sflag:$0x3] =	stream.indirect.gather [hbm4b:s4+s16], $0x20, s1, s16, $0xb8;
	[tilespmem:$0x11F00] =	vst v63  }
0xc1: {  	s19 =	simm.s32 $0x180  }
0xc2: {  	[tilespmem:s22], [sflag:$0x4] =	stream.indirect.gather [hbm4b:s4+s16], $0x20, s19, s16, $0xb8;
	[tilespmem:$0x11F00] =	vst v63  }
0xc3: {  	_ =	swait.ge [sflag:s23], $0x1000  }
0xc4: {  	[sflag:s23] =	ssyncset.done $0x0  }
0xc5: {  	s21 =	simm.s32 $0x4800;
	[sflag:s23] =	ssyncadd.s32 $0xFFFFF000  }
0xc6: {  	[spmem:s2] =	stream.indirect.scatter.add.f32 [tilespmem:s17], [sflag:$0x5], $0x20, s21, s16, $0xb8;
	[tilespmem:$0x11F00] =	vst v63  }
0xc7: {  	_ =	swait.ge [sflag:s14], $0x1000  }
0xc8: {  	[sflag:s14] =	ssyncset.done $0x0  }
0xc9: {  	[sflag:s14] =	ssyncadd.s32 $0xFFFFF000  }
0xca: {  	_ =	swait.ge [sflag:s24], $0x1000  }
0xcb: {  	[sflag:s24] =	ssyncset.done $0x0  }
0xcc: {  	s1 =	simm.s32 $0x4880;
	[sflag:s24] =	ssyncadd.s32 $0xFFFFF000  }
0xcd: {  	[spmem:s2] =	stream.indirect.scatter.add.f32 [tilespmem:s18], [sflag:$0x5], $0x20, s1, s16, $0xb8;
	[tilespmem:$0x11F00] =	vst v63  }
0xce: {  	_ =	swait.ge [sflag:s14], $0x1000  }
0xcf: {  	[sflag:s14] =	ssyncset.done $0x0  }
0xd0: {  	[sflag:s14] =	ssyncadd.s32 $0xFFFFF000  }
0xd1: {  	_ =	swait.ge [sflag:s26], $0x1000  }
0xd2: {  	[sflag:s26] =	ssyncset.done $0x0  }
0xd3: {  	s19 =	simm.s32 $0x4900;
	[sflag:s26] =	ssyncadd.s32 $0xFFFFF000  }
0xd4: {  	[spmem:s2] =	stream.indirect.scatter.add.f32 [tilespmem:s20], [sflag:$0x5], $0x20, s19, s16, $0xb8;
	[tilespmem:$0x11F00] =	vst v63  }
0xd5: {  	_ =	swait.ge [sflag:s14], $0x1000  }
0xd6: {  	[sflag:s14] =	ssyncset.done $0x0  }
0xd7: {  	[sflag:s14] =	ssyncadd.s32 $0xFFFFF000  }
0xd8: {  	_ =	swait.ge [sflag:s29], $0x1000  }
0xd9: {  	[sflag:s29] =	ssyncset.done $0x0  }
0xda: {  	s21 =	simm.s32 $0x4980;
	[sflag:s29] =	ssyncadd.s32 $0xFFFFF000  }
0xdb: {  	[spmem:s2] =	stream.indirect.scatter.add.f32 [tilespmem:s22], [sflag:$0x5], $0x20, s21, s16, $0xb8;
	[tilespmem:$0x11F00] =	vst v63  }
0xdc: {  	_ =	swait.ge [sflag:s14], $0x1000  }
0xdd: {  	s0 =	simm.s32 $0x800;
	s1 =	simm.s32 $0x1000;
	[sflag:s14] =	ssyncset.done $0x0  }
.LBB2_3:
0xde: {  	s19 =	sshra.s32 s0, $0x2  }
0xdf: {  	[sflag:s14] =	ssyncadd.s32 $0xFFFFF000;
	s0 =	smov.u32 s1;
	s21 =	sadd.s32 $0x800, s1  }
0xe0: {  	[tilespmem:s17], [sflag:$0x1] =	stream.indirect.gather [hbm4b:s4+s16], $0x20, s19, s16, $0xb8;
	[tilespmem:$0x11F00] =	vst v63  }
0xe1: {  	p1 =	seq.s32 s1, $0x11800;
	s1 =	sadd.s32 $0x80, s19  }
0xe2: {  	[tilespmem:s18], [sflag:$0x2] =	stream.indirect.gather [hbm4b:s4+s16], $0x20, s1, s16, $0xb8;
	[tilespmem:$0x11F00] =	vst v63  }
0xe3: {  	s1 =	sadd.s32 $0x100, s19  }
0xe4: {  	[tilespmem:s20], [sflag:$0x3] =	stream.indirect.gather [hbm4b:s4+s16], $0x20, s1, s16, $0xb8;
	[tilespmem:$0x11F00] =	vst v63  }
0xe5: {  	s1 =	sadd.s32 $0x180, s19  }
0xe6: {  	[tilespmem:s22], [sflag:$0x4] =	stream.indirect.gather [hbm4b:s4+s16], $0x20, s1, s16, $0xb8;
	[tilespmem:$0x11F00] =	vst v63  }
0xe7: {  	_ =	swait.ge [sflag:s23], $0x1000  }
0xe8: {  	[sflag:s23] =	ssyncset.done $0x0  }
0xe9: {  	s1 =	sadd.s32 $0x4800, s19;
	[sflag:s23] =	ssyncadd.s32 $0xFFFFF000  }
0xea: {  	[spmem:s2] =	stream.indirect.scatter.add.f32 [tilespmem:s17], [sflag:$0x5], $0x20, s1, s16, $0xb8;
	[tilespmem:$0x11F00] =	vst v63  }
0xeb: {  	_ =	swait.ge [sflag:s14], $0x1000  }
0xec: {  	[sflag:s14] =	ssyncset.done $0x0  }
0xed: {  	[sflag:s14] =	ssyncadd.s32 $0xFFFFF000  }
0xee: {  	_ =	swait.ge [sflag:s24], $0x1000  }
0xef: {  	[sflag:s24] =	ssyncset.done $0x0  }
0xf0: {  	s1 =	sadd.s32 $0x4880, s19;
	[sflag:s24] =	ssyncadd.s32 $0xFFFFF000  }
0xf1: {  	[spmem:s2] =	stream.indirect.scatter.add.f32 [tilespmem:s18], [sflag:$0x5], $0x20, s1, s16, $0xb8;
	[tilespmem:$0x11F00] =	vst v63  }
0xf2: {  	_ =	swait.ge [sflag:s14], $0x1000  }
0xf3: {  	[sflag:s14] =	ssyncset.done $0x0  }
0xf4: {  	[sflag:s14] =	ssyncadd.s32 $0xFFFFF000  }
0xf5: {  	_ =	swait.ge [sflag:s26], $0x1000  }
0xf6: {  	[sflag:s26] =	ssyncset.done $0x0  }
0xf7: {  	s1 =	sadd.s32 $0x4900, s19;
	[sflag:s26] =	ssyncadd.s32 $0xFFFFF000  }
0xf8: {  	[spmem:s2] =	stream.indirect.scatter.add.f32 [tilespmem:s20], [sflag:$0x5], $0x20, s1, s16, $0xb8;
	[tilespmem:$0x11F00] =	vst v63  }
0xf9: {  	_ =	swait.ge [sflag:s14], $0x1000  }
0xfa: {  	[sflag:s14] =	ssyncset.done $0x0  }
0xfb: {  	[sflag:s14] =	ssyncadd.s32 $0xFFFFF000  }
0xfc: {  	_ =	swait.ge [sflag:s29], $0x1000  }
.Ltmp3:
0xfd: {  	[sflag:s29] =	ssyncset.done $0x0;
	(pc) =	sbr.rel @!p1 .LBB2_3-.Ltmp3, $4  }
0xfe: {  	s1 =	sadd.s32 $0x4980, s19;
	[sflag:s29] =	ssyncadd.s32 $0xFFFFF000  }
0xff: {  	[spmem:s2] =	stream.indirect.scatter.add.f32 [tilespmem:s22], [sflag:$0x5], $0x20, s1, s16, $0xb8;
	[tilespmem:$0x11F00] =	vst v63  }
0x100: {  	_ =	swait.ge [sflag:s14], $0x1000  }
0x101: {  	s1 =	smov.u32 s21;
	[sflag:s14] =	ssyncset.done $0x0  }
0x102: {  	s0 =	sshra.s32 s0, $0x2;
	[sflag:s14] =	ssyncadd.s32 $0xFFFFF000  }
0x103: {  	[tilespmem:s17], [sflag:$0x1] =	stream.indirect.gather [hbm4b:s4+s16], $0x20, s0, s16, $0xb8;
	[tilespmem:$0x11F00] =	vst v63  }
0x104: {  	s1 =	sadd.s32 $0x80, s0  }
0x105: {  	[tilespmem:s18], [sflag:$0x2] =	stream.indirect.gather [hbm4b:s4+s16], $0x20, s1, s16, $0xb8;
	[tilespmem:$0x11F00] =	vst v63  }
0x106: {  	s21 =	sadd.s32 $0x100, s0  }
0x107: {  	[tilespmem:s20], [sflag:$0x3] =	stream.indirect.gather [hbm4b:s4+s16], $0x20, s21, s16, $0xb8;
	[tilespmem:$0x11F00] =	vst v63  }
0x108: {  	s19 =	sadd.s32 $0x180, s0  }
0x109: {  	[tilespmem:s22], [sflag:$0x4] =	stream.indirect.gather [hbm4b:s4+s16], $0x20, s19, s16, $0xb8;
	[tilespmem:$0x11F00] =	vst v63  }
0x10a: {  	_ =	swait.ge [sflag:s23], $0x1000  }
0x10b: {  	[sflag:s23] =	ssyncset.done $0x0  }
0x10c: {  	s21 =	sadd.s32 $0x4800, s0;
	[sflag:s23] =	ssyncadd.s32 $0xFFFFF000  }
0x10d: {  	[spmem:s2] =	stream.indirect.scatter.add.f32 [tilespmem:s17], [sflag:$0x5], $0x20, s21, s16, $0xb8;
	[tilespmem:$0x11F00] =	vst v63  }
0x10e: {  	_ =	swait.ge [sflag:s14], $0x1000  }
0x10f: {  	[sflag:s14] =	ssyncset.done $0x0  }
0x110: {  	[sflag:s14] =	ssyncadd.s32 $0xFFFFF000  }
0x111: {  	_ =	swait.ge [sflag:s24], $0x1000  }
0x112: {  	[sflag:s24] =	ssyncset.done $0x0  }
0x113: {  	s19 =	sadd.s32 $0x4880, s0;
	[sflag:s24] =	ssyncadd.s32 $0xFFFFF000  }
0x114: {  	[spmem:s2] =	stream.indirect.scatter.add.f32 [tilespmem:s18], [sflag:$0x5], $0x20, s19, s16, $0xb8;
	[tilespmem:$0x11F00] =	vst v63  }
0x115: {  	_ =	swait.ge [sflag:s14], $0x1000  }
0x116: {  	[sflag:s14] =	ssyncset.done $0x0  }
0x117: {  	[sflag:s14] =	ssyncadd.s32 $0xFFFFF000  }
0x118: {  	_ =	swait.ge [sflag:s26], $0x1000  }
0x119: {  	[sflag:s26] =	ssyncset.done $0x0  }
0x11a: {  	s21 =	sadd.s32 $0x4900, s0;
	[sflag:s26] =	ssyncadd.s32 $0xFFFFF000  }
0x11b: {  	[spmem:s2] =	stream.indirect.scatter.add.f32 [tilespmem:s20], [sflag:$0x5], $0x20, s21, s16, $0xb8;
	[tilespmem:$0x11F00] =	vst v63  }
0x11c: {  	_ =	swait.ge [sflag:s14], $0x1000  }
0x11d: {  	[sflag:s14] =	ssyncset.done $0x0  }
0x11e: {  	[sflag:s14] =	ssyncadd.s32 $0xFFFFF000  }
0x11f: {  	_ =	swait.ge [sflag:s29], $0x1000  }
0x120: {  	[sflag:s29] =	ssyncset.done $0x0  }
.Ltmp4:
0x121: {  	s0 =	sadd.s32 $0x4980, s0;
	[sflag:s29] =	ssyncadd.s32 $0xFFFFF000;
	(pc) =	sbr.rel .LBB2_6-.Ltmp4, $4  }
0x122: {  	[spmem:s2] =	stream.indirect.scatter.add.f32 [tilespmem:s22], [sflag:$0x5], $0x20, s0, s16, $0xb8;
	[tilespmem:$0x11F00] =	vst v63  }
0x123: {  	_ =	swait.ge [sflag:s14], $0x1000  }
0x124: {  	[sflag:s14] =	ssyncset.done $0x0  }
0x125: {  	[sflag:s14] =	ssyncadd.s32 $0xFFFFF000  }
.LBB2_7:
0x126: {  	_ =	sfence.sel $0x180000  }
0x127: {  	[bflag:$0x0] =	sbarrier.arrive $0xFFFF  }
0x128: {  	_ =	strace $0x90000050  }
0x129: {  	s0 =	stileid.u32;
	[bflag:$0x2] =	sbarrier.arrive $0xFFFF  }
0x12a: {  	p0 =	sne.s32 s0, $0x0;
	s0 =	rddreg [dreg:$0x2]  }
0x12b: {  	s0 =	sadd.s32 @!p0 $0x100000, s0  }
0x12c: {  	[sflag:s0] =	ssyncadd.tile.s32 @!p0 $0x1;
	_ =	shalt  }
.Lfunc_end2:
_tile_overlayer_lowered:
.L_overlay_start_2:
0x12d: {  	(tag) =	ssettag $0x2  }
0x12e: {  	s0 =	rddreg [dreg:$0x0];
	s2 =	stileid.u32  }
0x12f: {  	s1 =	rddreg [dreg:$0x1];
	p0 =	sne.s32 s2, $0x0  }
0x130: {  	s3 =	rddreg [dreg:$0x2];
	[bflag:$0x3] =	sbarrier.arrive $0xFFFF;
	s2 =	simm.s32 @!p0 $0x1C05  }
0x131: {  	[timem:s3], [sflag:s2] =	dma.local @!p0 [hbm:s0], s1  }
0x132: {  	s0 =	simm.s32 @!p0 $0x5  }
0x133: {  	_ =	swait.ge @!p0 [sflag:s0], s1  }
0x134: {  	s1 =	ssub.s32 @!p0 $0x0, s1;
	[sflag:s0] =	ssyncset.done @!p0 $0x0  }
0x135: {  	[sflag:s0] =	ssyncadd.s32 @!p0 s1  }
0x136: {  	[bflag:$0x3] =	sbarrier.arrive $0xFFFF  }
0x137: {  	_ =	shalt  }

</sc_bundles>
